<compile_context>
chip_gen: v7x
topology: tpu7x:2x2x1
jax: 0.10.2.dev20260603
libtpu: 0.0.44.dev20260713+nightly
codegen_flags: <defaults>
</compile_context>

<pallas_src>
import functools

import jax
import jax.numpy as jnp
from jax import lax
from jax.experimental import pallas as pl
from jax.experimental.pallas import tpu as pltpu
from jax.experimental.pallas import tpu_sc as plsc

DIM = 64
CHUNK = 128
NBUF = 5
NDT = DIM // 8


def _worker_count():
    try:
        info = plsc.get_sparse_core_info()
        return info.num_cores, info.num_subcores
    except Exception:
        return 2, 16


@functools.lru_cache(maxsize=None)
def _build(b_total, l_total):
    num_cores, num_subcores = _worker_count()
    nw = num_cores * num_subcores
    nbt = b_total // CHUNK
    assert nbt == nw and nbt * CHUNK == b_total
    groups = l_total // NBUF
    assert groups * NBUF == l_total

    mesh = plsc.VectorSubcoreMesh(core_axis_name="c", subcore_axis_name="s")

    @functools.partial(
        pl.kernel,
        out_type=jax.ShapeDtypeStruct((l_total, NDT, nbt, 8, CHUNK), jnp.float32),
        mesh=mesh,
        scratch_types=(
            [pltpu.VMEM((l_total, CHUNK), jnp.int32)]
            + [pltpu.VMEM((CHUNK, DIM), jnp.float32) for _ in range(NBUF)]
            + [pltpu.VMEM((NDT, 8, CHUNK), jnp.float32) for _ in range(NBUF)]
            + [pltpu.SemaphoreType.DMA for _ in range(2 * NBUF)]
        ),
        compiler_params=pltpu.CompilerParams(
            use_tc_tiling_on_sc=False, needs_layout_passes=False
        ),
    )
    def gather_kernel(xr_hbm, pe_hbm, out_hbm, idx_v, *rest):
        rows = rest[:NBUF]
        tbufs = rest[NBUF : 2 * NBUF]
        gsem = rest[2 * NBUF : 3 * NBUF]
        ssem = rest[3 * NBUF :]

        wid = lax.axis_index("s") * num_cores + lax.axis_index("c")

        pltpu.sync_copy(xr_hbm.at[wid], idx_v)

        lane = lax.iota(jnp.int32, 16)
        dlane = [lane + 16 * t for t in range(4)]
        dthi = [(lane + 16 * t) >> 3 for t in range(4)]
        dslo = lane & 7

        def gather(c, b):
            return pltpu.make_async_copy(
                pe_hbm.at[idx_v.at[c]], rows[b], gsem[b]
            )

        def store(c, b):
            return pltpu.make_async_copy(
                tbufs[b], out_hbm.at[c, pl.ds(0, NDT), wid], ssem[b]
            )

        def transpose(b):
            rbuf, tbuf = rows[b], tbufs[b]

            def tb(j, carry):
                rowv = j * 16 + lane
                for t in range(0, 4, 2):
                    vs = []
                    for tt in (t, t + 1):
                        for c in range(16):
                            dv = dlane[tt] ^ c if c else dlane[tt]
                            dtv = dthi[tt] ^ (c >> 3) if c >> 3 else dthi[tt]
                            dsv = dslo ^ (c & 7) if c & 7 else dslo
                            vs.append(
                                (dtv, dsv, plsc.load_gather(rbuf, [rowv, dv]))
                            )
                    for dtv, dsv, v in vs:
                        plsc.store_scatter(tbuf, [dtv, dsv, rowv], v)
                return carry

            lax.fori_loop(0, 8, tb, 0)

        for b in range(NBUF):
            gather(b, b).start()

        def body(g, carry):
            c0 = g * NBUF
            for b in range(NBUF):
                c = c0 + b
                gather(c, b).wait()

                @pl.when(c >= NBUF)
                def _():
                    store(c - NBUF, b).wait()

                transpose(b)

                @pl.when(c + NBUF < l_total)
                def _():
                    gather(c + NBUF, b).start()

                store(c, b).start()
            return carry

        lax.fori_loop(0, groups, body, 0)
        for b in range(NBUF):
            store(l_total - NBUF + b, b).wait()

    return gather_kernel


def kernel(x, pe):
    b, l = x.shape
    xr = jnp.transpose(x.astype(jnp.int32)).reshape(l, b // CHUNK, CHUNK)
    xr = jnp.transpose(xr, (1, 0, 2))
    out5 = _build(b, l)(xr, pe)
    return out5.transpose(2, 4, 0, 1, 3).reshape(b, l, DIM)

# --- scband reference (transcript-rebuilt; emitter-appended) ---
"""Pipeline reference for scband-sinusoidal-embedding-11613591568637 (READ-ONLY COPY).

The authoritative reference and input builder live on the scoring server;
editing this copy changes nothing except your own understanding.
"""

import jax, jax.numpy as jnp
import numpy as np
import math

DIM = 64
MAX_POS = 8192
B = 4096
L = 200


def _build_pe(max_position_embeddings, dim):
    position = np.arange(0, max_position_embeddings, dtype=np.float32)[:, None]
    div_term = np.exp(np.arange(0, dim, 2, dtype=np.float32) * -(math.log(10000.0) / dim))
    pe = np.zeros((max_position_embeddings, dim), dtype=np.float32)
    pe[:, 0::2] = np.sin(position * div_term)
    pe[:, 1::2] = np.cos(position * div_term)
    return jnp.asarray(pe)


def setup_inputs(seed: int = 0) -> dict:
    key = jax.random.key(seed)
    x = jax.random.randint(key, (B, L), 0, MAX_POS, dtype=jnp.int64 if jax.config.jax_enable_x64 else jnp.int32)
    pe = _build_pe(MAX_POS, DIM)
    return {"x": x, "pe": pe}


def reference(x, pe):
    # torch: torch.stack([self.pe[_x] for _x in x]) == pe[x] (batched row gather)
    return jnp.take(pe, x, axis=0)

if __name__ == "__main__":
    import jax
    _d = setup_inputs()
    print(jax.jit(kernel)(*tuple(_d.values())))

</pallas_src>

<mosaic_0001>
#map = affine_map<(d0, d1) -> (0, 0, 0)>
#map1 = affine_map<(d0, d1) -> (0, 0)>
#map2 = affine_map<(d0, d1) -> (0, 0, 0, 0, 0)>
module attributes {stable_mosaic.version = 14 : i64} {
  func.func @gather_kernel(%arg0: i32, %arg1: i32, %arg2: memref<32x200x128xi32, #tpu.memory_space<hbm>>, %arg3: memref<8192x64xf32, #tpu.memory_space<hbm>>, %arg4: memref<200x8x32x8x128xf32, #tpu.memory_space<hbm>>, %arg5: memref<200x128xi32, #tpu.memory_space<vmem>>, %arg6: memref<128x64xf32, #tpu.memory_space<vmem>>, %arg7: memref<128x64xf32, #tpu.memory_space<vmem>>, %arg8: memref<128x64xf32, #tpu.memory_space<vmem>>, %arg9: memref<128x64xf32, #tpu.memory_space<vmem>>, %arg10: memref<128x64xf32, #tpu.memory_space<vmem>>, %arg11: memref<8x8x128xf32, #tpu.memory_space<vmem>>, %arg12: memref<8x8x128xf32, #tpu.memory_space<vmem>>, %arg13: memref<8x8x128xf32, #tpu.memory_space<vmem>>, %arg14: memref<8x8x128xf32, #tpu.memory_space<vmem>>, %arg15: memref<8x8x128xf32, #tpu.memory_space<vmem>>, %arg16: memref<!tpu.dma_semaphore, #tpu.memory_space<semaphore_mem>>, %arg17: memref<!tpu.dma_semaphore, #tpu.memory_space<semaphore_mem>>, %arg18: memref<!tpu.dma_semaphore, #tpu.memory_space<semaphore_mem>>, %arg19: memref<!tpu.dma_semaphore, #tpu.memory_space<semaphore_mem>>, %arg20: memref<!tpu.dma_semaphore, #tpu.memory_space<semaphore_mem>>, %arg21: memref<!tpu.dma_semaphore, #tpu.memory_space<semaphore_mem>>, %arg22: memref<!tpu.dma_semaphore, #tpu.memory_space<semaphore_mem>>, %arg23: memref<!tpu.dma_semaphore, #tpu.memory_space<semaphore_mem>>, %arg24: memref<!tpu.dma_semaphore, #tpu.memory_space<semaphore_mem>>, %arg25: memref<!tpu.dma_semaphore, #tpu.memory_space<semaphore_mem>>) attributes {dimension_semantics = [#tpu.dimension_semantics<core_parallel>, #tpu.dimension_semantics<subcore_parallel>], iteration_bounds = array<i64: 2, 16>, scalar_prefetch = 0 : i64, scratch_operands = 21 : i64, tpu.core_type = #tpu.core_type<sc_vector_subcore>, window_params = [{transform_indices = #map}, {transform_indices = #map1}, {transform_indices = #map2}]} {
    %mul3A = arith.constant 2 : i32
    %mul3A_0 = arith.muli %arg1, %mul3A : i32
    %add3A = arith.addi %mul3A_0, %arg0 : i32
    "tpu.region"() ({
      %run_scoped3A = tpu.sem_alloc : memref<!tpu.dma_semaphore, #tpu.memory_space<semaphore_mem>>
      %dma_start3A_131 = arith.constant 0 : i32
      %dma_start3A_132 = arith.constant 0 : i32
      %dma_start3A_133 = tpu.memref_slice %arg2[%add3A, %dma_start3A_131, %dma_start3A_132] : memref<32x200x128xi32, #tpu.memory_space<hbm>> -> memref<1x200x128xi32, #tpu.memory_space<hbm>>
      %dma_start3A_134 = tpu.memref_squeeze %dma_start3A_133 : memref<1x200x128xi32, #tpu.memory_space<hbm>> -> memref<200x128xi32, #tpu.memory_space<hbm>>
      %dma_start3A_135 = arith.constant 0 : i32
      %dma_start3A_136 = arith.constant 0 : i32
      %dma_start3A_137 = tpu.memref_slice %arg2[%add3A, %dma_start3A_135, %dma_start3A_136] : memref<32x200x128xi32, #tpu.memory_space<hbm>> -> memref<1x200x128xi32, #tpu.memory_space<hbm>>
      %dma_start3A_138 = tpu.memref_squeeze %dma_start3A_137 : memref<1x200x128xi32, #tpu.memory_space<hbm>> -> memref<200x128xi32, #tpu.memory_space<hbm>>
      tpu.enqueue_dma source(%dma_start3A_138 : memref<200x128xi32, #tpu.memory_space<hbm>>) target(%arg5 : memref<200x128xi32, #tpu.memory_space<vmem>>) target_semaphore(%run_scoped3A : memref<!tpu.dma_semaphore, #tpu.memory_space<semaphore_mem>>)
      %dma_wait3A_139 = arith.constant 0 : i32
      %dma_wait3A_140 = arith.constant 0 : i32
      %dma_wait3A_141 = tpu.memref_slice %arg2[%add3A, %dma_wait3A_139, %dma_wait3A_140] : memref<32x200x128xi32, #tpu.memory_space<hbm>> -> memref<1x200x128xi32, #tpu.memory_space<hbm>>
      %dma_wait3A_142 = tpu.memref_squeeze %dma_wait3A_141 : memref<1x200x128xi32, #tpu.memory_space<hbm>> -> memref<200x128xi32, #tpu.memory_space<hbm>>
      %dma_wait3A_143 = arith.constant 0 : i32
      %dma_wait3A_144 = arith.constant 0 : i32
      %dma_wait3A_145 = tpu.memref_slice %arg2[%add3A, %dma_wait3A_143, %dma_wait3A_144] : memref<32x200x128xi32, #tpu.memory_space<hbm>> -> memref<1x200x128xi32, #tpu.memory_space<hbm>>
      %dma_wait3A_146 = tpu.memref_squeeze %dma_wait3A_145 : memref<1x200x128xi32, #tpu.memory_space<hbm>> -> memref<200x128xi32, #tpu.memory_space<hbm>>
      tpu.wait_dma2 semaphore(%run_scoped3A : memref<!tpu.dma_semaphore, #tpu.memory_space<semaphore_mem>>) src(%dma_wait3A_146 : memref<200x128xi32, #tpu.memory_space<hbm>>) dst(%arg5 : memref<200x128xi32, #tpu.memory_space<vmem>>)
      tpu.yield
    }) : () -> ()
    %iota3A = tpu.iota {dimensions = array<i32: 0>} : vector<16xi32>
    %add3A_1 = arith.constant 0 : i32
    %add3A_2 = vector.broadcast %add3A_1 : i32 to vector<16xi32>
    %add3A_3 = arith.addi %iota3A, %add3A_2 : vector<16xi32>
    %add3A_4 = arith.constant 16 : i32
    %add3A_5 = vector.broadcast %add3A_4 : i32 to vector<16xi32>
    %add3A_6 = arith.addi %iota3A, %add3A_5 : vector<16xi32>
    %add3A_7 = arith.constant 32 : i32
    %add3A_8 = vector.broadcast %add3A_7 : i32 to vector<16xi32>
    %add3A_9 = arith.addi %iota3A, %add3A_8 : vector<16xi32>
    %add3A_10 = arith.constant 48 : i32
    %add3A_11 = vector.broadcast %add3A_10 : i32 to vector<16xi32>
    %add3A_12 = arith.addi %iota3A, %add3A_11 : vector<16xi32>
    %add3A_13 = arith.constant 0 : i32
    %add3A_14 = vector.broadcast %add3A_13 : i32 to vector<16xi32>
    %add3A_15 = arith.addi %iota3A, %add3A_14 : vector<16xi32>
    %shift_right_arithmetic3A = arith.constant 3 : i32
    %shift_right_arithmetic3A_16 = vector.broadcast %shift_right_arithmetic3A : i32 to vector<16xi32>
    %shift_right_arithmetic3A_17 = arith.shrsi %add3A_15, %shift_right_arithmetic3A_16 : vector<16xi32>
    %add3A_18 = arith.constant 16 : i32
    %add3A_19 = vector.broadcast %add3A_18 : i32 to vector<16xi32>
    %add3A_20 = arith.addi %iota3A, %add3A_19 : vector<16xi32>
    %shift_right_arithmetic3A_21 = arith.constant 3 : i32
    %shift_right_arithmetic3A_22 = vector.broadcast %shift_right_arithmetic3A_21 : i32 to vector<16xi32>
    %shift_right_arithmetic3A_23 = arith.shrsi %add3A_20, %shift_right_arithmetic3A_22 : vector<16xi32>
    %add3A_24 = arith.constant 32 : i32
    %add3A_25 = vector.broadcast %add3A_24 : i32 to vector<16xi32>
    %add3A_26 = arith.addi %iota3A, %add3A_25 : vector<16xi32>
    %shift_right_arithmetic3A_27 = arith.constant 3 : i32
    %shift_right_arithmetic3A_28 = vector.broadcast %shift_right_arithmetic3A_27 : i32 to vector<16xi32>
    %shift_right_arithmetic3A_29 = arith.shrsi %add3A_26, %shift_right_arithmetic3A_28 : vector<16xi32>
    %add3A_30 = arith.constant 48 : i32
    %add3A_31 = vector.broadcast %add3A_30 : i32 to vector<16xi32>
    %add3A_32 = arith.addi %iota3A, %add3A_31 : vector<16xi32>
    %shift_right_arithmetic3A_33 = arith.constant 3 : i32
    %shift_right_arithmetic3A_34 = vector.broadcast %shift_right_arithmetic3A_33 : i32 to vector<16xi32>
    %shift_right_arithmetic3A_35 = arith.shrsi %add3A_32, %shift_right_arithmetic3A_34 : vector<16xi32>
    %and3A = arith.constant 7 : i32
    %and3A_36 = vector.broadcast %and3A : i32 to vector<16xi32>
    %and3A_37 = arith.andi %iota3A, %and3A_36 : vector<16xi32>
    %dma_start3A = arith.constant 0 : i32
    %dma_start3A_38 = arith.constant 0 : i32
    %dma_start3A_39 = tpu.memref_slice %arg5[%dma_start3A, %dma_start3A_38] : memref<200x128xi32, #tpu.memory_space<vmem>> -> memref<1x128xi32, #tpu.memory_space<vmem>>
    %dma_start3A_40 = tpu.memref_squeeze %dma_start3A_39 : memref<1x128xi32, #tpu.memory_space<vmem>> -> memref<128xi32, #tpu.memory_space<vmem>>
    %dma_start3A_41 = arith.constant 0 : i32
    %dma_start3A_42 = arith.constant 0 : i32
    %dma_start3A_43 = tpu.memref_slice %arg3[%dma_start3A_41, %dma_start3A_42] : memref<8192x64xf32, #tpu.memory_space<hbm>> -> memref<8192x64xf32, #tpu.memory_space<hbm>>
    tpu.enqueue_indirect_dma source(%dma_start3A_43 : memref<8192x64xf32, #tpu.memory_space<hbm>>) target(%arg6 : memref<128x64xf32, #tpu.memory_space<vmem>>) offsets(%dma_start3A_40 : memref<128xi32, #tpu.memory_space<vmem>>) semaphore(%arg16 : memref<!tpu.dma_semaphore, #tpu.memory_space<semaphore_mem>>)
    %dma_start3A_44 = arith.constant 1 : i32
    %dma_start3A_45 = arith.constant 0 : i32
    %dma_start3A_46 = tpu.memref_slice %arg5[%dma_start3A_44, %dma_start3A_45] : memref<200x128xi32, #tpu.memory_space<vmem>> -> memref<1x128xi32, #tpu.memory_space<vmem>>
    %dma_start3A_47 = tpu.memref_squeeze %dma_start3A_46 : memref<1x128xi32, #tpu.memory_space<vmem>> -> memref<128xi32, #tpu.memory_space<vmem>>
    %dma_start3A_48 = arith.constant 0 : i32
    %dma_start3A_49 = arith.constant 0 : i32
    %dma_start3A_50 = tpu.memref_slice %arg3[%dma_start3A_48, %dma_start3A_49] : memref<8192x64xf32, #tpu.memory_space<hbm>> -> memref<8192x64xf32, #tpu.memory_space<hbm>>
    tpu.enqueue_indirect_dma source(%dma_start3A_50 : memref<8192x64xf32, #tpu.memory_space<hbm>>) target(%arg7 : memref<128x64xf32, #tpu.memory_space<vmem>>) offsets(%dma_start3A_47 : memref<128xi32, #tpu.memory_space<vmem>>) semaphore(%arg17 : memref<!tpu.dma_semaphore, #tpu.memory_space<semaphore_mem>>)
    %dma_start3A_51 = arith.constant 2 : i32
    %dma_start3A_52 = arith.constant 0 : i32
    %dma_start3A_53 = tpu.memref_slice %arg5[%dma_start3A_51, %dma_start3A_52] : memref<200x128xi32, #tpu.memory_space<vmem>> -> memref<1x128xi32, #tpu.memory_space<vmem>>
    %dma_start3A_54 = tpu.memref_squeeze %dma_start3A_53 : memref<1x128xi32, #tpu.memory_space<vmem>> -> memref<128xi32, #tpu.memory_space<vmem>>
    %dma_start3A_55 = arith.constant 0 : i32
    %dma_start3A_56 = arith.constant 0 : i32
    %dma_start3A_57 = tpu.memref_slice %arg3[%dma_start3A_55, %dma_start3A_56] : memref<8192x64xf32, #tpu.memory_space<hbm>> -> memref<8192x64xf32, #tpu.memory_space<hbm>>
    tpu.enqueue_indirect_dma source(%dma_start3A_57 : memref<8192x64xf32, #tpu.memory_space<hbm>>) target(%arg8 : memref<128x64xf32, #tpu.memory_space<vmem>>) offsets(%dma_start3A_54 : memref<128xi32, #tpu.memory_space<vmem>>) semaphore(%arg18 : memref<!tpu.dma_semaphore, #tpu.memory_space<semaphore_mem>>)
    %dma_start3A_58 = arith.constant 3 : i32
    %dma_start3A_59 = arith.constant 0 : i32
    %dma_start3A_60 = tpu.memref_slice %arg5[%dma_start3A_58, %dma_start3A_59] : memref<200x128xi32, #tpu.memory_space<vmem>> -> memref<1x128xi32, #tpu.memory_space<vmem>>
    %dma_start3A_61 = tpu.memref_squeeze %dma_start3A_60 : memref<1x128xi32, #tpu.memory_space<vmem>> -> memref<128xi32, #tpu.memory_space<vmem>>
    %dma_start3A_62 = arith.constant 0 : i32
    %dma_start3A_63 = arith.constant 0 : i32
    %dma_start3A_64 = tpu.memref_slice %arg3[%dma_start3A_62, %dma_start3A_63] : memref<8192x64xf32, #tpu.memory_space<hbm>> -> memref<8192x64xf32, #tpu.memory_space<hbm>>
    tpu.enqueue_indirect_dma source(%dma_start3A_64 : memref<8192x64xf32, #tpu.memory_space<hbm>>) target(%arg9 : memref<128x64xf32, #tpu.memory_space<vmem>>) offsets(%dma_start3A_61 : memref<128xi32, #tpu.memory_space<vmem>>) semaphore(%arg19 : memref<!tpu.dma_semaphore, #tpu.memory_space<semaphore_mem>>)
    %dma_start3A_65 = arith.constant 4 : i32
    %dma_start3A_66 = arith.constant 0 : i32
    %dma_start3A_67 = tpu.memref_slice %arg5[%dma_start3A_65, %dma_start3A_66] : memref<200x128xi32, #tpu.memory_space<vmem>> -> memref<1x128xi32, #tpu.memory_space<vmem>>
    %dma_start3A_68 = tpu.memref_squeeze %dma_start3A_67 : memref<1x128xi32, #tpu.memory_space<vmem>> -> memref<128xi32, #tpu.memory_space<vmem>>
    %dma_start3A_69 = arith.constant 0 : i32
    %dma_start3A_70 = arith.constant 0 : i32
    %dma_start3A_71 = tpu.memref_slice %arg3[%dma_start3A_69, %dma_start3A_70] : memref<8192x64xf32, #tpu.memory_space<hbm>> -> memref<8192x64xf32, #tpu.memory_space<hbm>>
    tpu.enqueue_indirect_dma source(%dma_start3A_71 : memref<8192x64xf32, #tpu.memory_space<hbm>>) target(%arg10 : memref<128x64xf32, #tpu.memory_space<vmem>>) offsets(%dma_start3A_68 : memref<128xi32, #tpu.memory_space<vmem>>) semaphore(%arg20 : memref<!tpu.dma_semaphore, #tpu.memory_space<semaphore_mem>>)
    %scan3A = arith.constant 0 : i32
    %scan3A_72 = arith.constant 0 : i32
    %scan3A_73 = arith.constant 40 : i32
    %scan3A_74 = arith.addi %scan3A_72, %scan3A_73 : i32
    %scan3A_75 = arith.constant 1 : i32
    scf.for %scan3A_131 = %scan3A_72 to %scan3A_74 step %scan3A_75  : i32 {
      %mul3A_132 = arith.constant 5 : i32
      %mul3A_133 = arith.muli %scan3A_131, %mul3A_132 : i32
      %add3A_134 = arith.constant 0 : i32
      %add3A_135 = arith.addi %mul3A_133, %add3A_134 : i32
      %dma_wait3A_136 = arith.constant 0 : i32
      %dma_wait3A_137 = tpu.memref_slice %arg5[%add3A_135, %dma_wait3A_136] : memref<200x128xi32, #tpu.memory_space<vmem>> -> memref<1x128xi32, #tpu.memory_space<vmem>>
      %dma_wait3A_138 = tpu.memref_squeeze %dma_wait3A_137 : memref<1x128xi32, #tpu.memory_space<vmem>> -> memref<128xi32, #tpu.memory_space<vmem>>
      %dma_wait3A_139 = arith.constant 0 : i32
      %dma_wait3A_140 = arith.constant 0 : i32
      %dma_wait3A_141 = tpu.memref_slice %arg3[%dma_wait3A_139, %dma_wait3A_140] : memref<8192x64xf32, #tpu.memory_space<hbm>> -> memref<8192x64xf32, #tpu.memory_space<hbm>>
      tpu.wait_indirect_dma semaphore(%arg16 : memref<!tpu.dma_semaphore, #tpu.memory_space<semaphore_mem>>) src(%dma_wait3A_141 : memref<8192x64xf32, #tpu.memory_space<hbm>>) dst(%arg6 : memref<128x64xf32, #tpu.memory_space<vmem>>)
      %ge3A = arith.constant 5 : i32
      %ge3A_142 = arith.cmpi sge, %add3A_135, %ge3A : i32
      %convert_element_type3A = arith.extui %ge3A_142 : i1 to i32
      %cond3A = arith.constant 0 : i32
      %cond3A_143 = arith.cmpi ne, %convert_element_type3A, %cond3A : i32
      scf.if %cond3A_143 {
        %sub3A = arith.constant 5 : i32
        %sub3A_310 = arith.subi %add3A_135, %sub3A : i32
        %dma_wait3A_311 = arith.constant 0 : i32
        %dma_wait3A_312 = arith.constant 0 : i32
        %dma_wait3A_313 = arith.constant 0 : i32
        %dma_wait3A_314 = tpu.memref_slice %arg4[%sub3A_310, %dma_wait3A_311, %add3A, %dma_wait3A_312, %dma_wait3A_313] : memref<200x8x32x8x128xf32, #tpu.memory_space<hbm>> -> memref<1x8x1x8x128xf32, #tpu.memory_space<hbm>>
        %dma_wait3A_315 = tpu.memref_squeeze %dma_wait3A_314 : memref<1x8x1x8x128xf32, #tpu.memory_space<hbm>> -> memref<8x8x128xf32, #tpu.memory_space<hbm>>
        %dma_wait3A_316 = arith.constant 0 : i32
        %dma_wait3A_317 = arith.constant 0 : i32
        %dma_wait3A_318 = arith.constant 0 : i32
        %dma_wait3A_319 = tpu.memref_slice %arg4[%sub3A_310, %dma_wait3A_316, %add3A, %dma_wait3A_317, %dma_wait3A_318] : memref<200x8x32x8x128xf32, #tpu.memory_space<hbm>> -> memref<1x8x1x8x128xf32, #tpu.memory_space<hbm>>
        %dma_wait3A_320 = tpu.memref_squeeze %dma_wait3A_319 : memref<1x8x1x8x128xf32, #tpu.memory_space<hbm>> -> memref<8x8x128xf32, #tpu.memory_space<hbm>>
        tpu.wait_dma2 semaphore(%arg21 : memref<!tpu.dma_semaphore, #tpu.memory_space<semaphore_mem>>) src(%arg11 : memref<8x8x128xf32, #tpu.memory_space<vmem>>) dst(%dma_wait3A_320 : memref<8x8x128xf32, #tpu.memory_space<hbm>>)
      } else {
      }
      %scan3A_144 = arith.constant 0 : i32
      %scan3A_145 = arith.constant 0 : i32
      %scan3A_146 = arith.constant 8 : i32
      %scan3A_147 = arith.addi %scan3A_145, %scan3A_146 : i32
      %scan3A_148 = arith.constant 1 : i32
      scf.for %scan3A_310 = %scan3A_145 to %scan3A_147 step %scan3A_148  : i32 {
        %mul3A_311 = arith.constant 16 : i32
        %mul3A_312 = arith.muli %scan3A_310, %mul3A_311 : i32
        %add3A_313 = vector.broadcast %mul3A_312 : i32 to vector<16xi32>
        %add3A_314 = arith.addi %add3A_313, %iota3A : vector<16xi32>
        %gather3A = tpu.vector_load_idx %arg6[%add3A_314, %add3A_3] : memref<128x64xf32, #tpu.memory_space<vmem>>[vector<16xi32>, vector<16xi32>], vector<16xf32>,
        %xor3A = arith.constant 1 : i32
        %xor3A_315 = vector.broadcast %xor3A : i32 to vector<16xi32>
        %xor3A_316 = arith.xori %add3A_3, %xor3A_315 : vector<16xi32>
        %xor3A_317 = arith.constant 1 : i32
        %xor3A_318 = vector.broadcast %xor3A_317 : i32 to vector<16xi32>
        %xor3A_319 = arith.xori %and3A_37, %xor3A_318 : vector<16xi32>
        %gather3A_320 = tpu.vector_load_idx %arg6[%add3A_314, %xor3A_316] : memref<128x64xf32, #tpu.memory_space<vmem>>[vector<16xi32>, vector<16xi32>], vector<16xf32>,
        %xor3A_321 = arith.constant 2 : i32
        %xor3A_322 = vector.broadcast %xor3A_321 : i32 to vector<16xi32>
        %xor3A_323 = arith.xori %add3A_3, %xor3A_322 : vector<16xi32>
        %xor3A_324 = arith.constant 2 : i32
        %xor3A_325 = vector.broadcast %xor3A_324 : i32 to vector<16xi32>
        %xor3A_326 = arith.xori %and3A_37, %xor3A_325 : vector<16xi32>
        %gather3A_327 = tpu.vector_load_idx %arg6[%add3A_314, %xor3A_323] : memref<128x64xf32, #tpu.memory_space<vmem>>[vector<16xi32>, vector<16xi32>], vector<16xf32>,
        %xor3A_328 = arith.constant 3 : i32
        %xor3A_329 = vector.broadcast %xor3A_328 : i32 to vector<16xi32>
        %xor3A_330 = arith.xori %add3A_3, %xor3A_329 : vector<16xi32>
        %xor3A_331 = arith.constant 3 : i32
        %xor3A_332 = vector.broadcast %xor3A_331 : i32 to vector<16xi32>
        %xor3A_333 = arith.xori %and3A_37, %xor3A_332 : vector<16xi32>
        %gather3A_334 = tpu.vector_load_idx %arg6[%add3A_314, %xor3A_330] : memref<128x64xf32, #tpu.memory_space<vmem>>[vector<16xi32>, vector<16xi32>], vector<16xf32>,
        %xor3A_335 = arith.constant 4 : i32
        %xor3A_336 = vector.broadcast %xor3A_335 : i32 to vector<16xi32>
        %xor3A_337 = arith.xori %add3A_3, %xor3A_336 : vector<16xi32>
        %xor3A_338 = arith.constant 4 : i32
        %xor3A_339 = vector.broadcast %xor3A_338 : i32 to vector<16xi32>
        %xor3A_340 = arith.xori %and3A_37, %xor3A_339 : vector<16xi32>
        %gather3A_341 = tpu.vector_load_idx %arg6[%add3A_314, %xor3A_337] : memref<128x64xf32, #tpu.memory_space<vmem>>[vector<16xi32>, vector<16xi32>], vector<16xf32>,
        %xor3A_342 = arith.constant 5 : i32
        %xor3A_343 = vector.broadcast %xor3A_342 : i32 to vector<16xi32>
        %xor3A_344 = arith.xori %add3A_3, %xor3A_343 : vector<16xi32>
        %xor3A_345 = arith.constant 5 : i32
        %xor3A_346 = vector.broadcast %xor3A_345 : i32 to vector<16xi32>
        %xor3A_347 = arith.xori %and3A_37, %xor3A_346 : vector<16xi32>
        %gather3A_348 = tpu.vector_load_idx %arg6[%add3A_314, %xor3A_344] : memref<128x64xf32, #tpu.memory_space<vmem>>[vector<16xi32>, vector<16xi32>], vector<16xf32>,
        %xor3A_349 = arith.constant 6 : i32
        %xor3A_350 = vector.broadcast %xor3A_349 : i32 to vector<16xi32>
        %xor3A_351 = arith.xori %add3A_3, %xor3A_350 : vector<16xi32>
        %xor3A_352 = arith.constant 6 : i32
        %xor3A_353 = vector.broadcast %xor3A_352 : i32 to vector<16xi32>
        %xor3A_354 = arith.xori %and3A_37, %xor3A_353 : vector<16xi32>
        %gather3A_355 = tpu.vector_load_idx %arg6[%add3A_314, %xor3A_351] : memref<128x64xf32, #tpu.memory_space<vmem>>[vector<16xi32>, vector<16xi32>], vector<16xf32>,
        %xor3A_356 = arith.constant 7 : i32
        %xor3A_357 = vector.broadcast %xor3A_356 : i32 to vector<16xi32>
        %xor3A_358 = arith.xori %add3A_3, %xor3A_357 : vector<16xi32>
        %xor3A_359 = arith.constant 7 : i32
        %xor3A_360 = vector.broadcast %xor3A_359 : i32 to vector<16xi32>
        %xor3A_361 = arith.xori %and3A_37, %xor3A_360 : vector<16xi32>
        %gather3A_362 = tpu.vector_load_idx %arg6[%add3A_314, %xor3A_358] : memref<128x64xf32, #tpu.memory_space<vmem>>[vector<16xi32>, vector<16xi32>], vector<16xf32>,
        %xor3A_363 = arith.constant 8 : i32
        %xor3A_364 = vector.broadcast %xor3A_363 : i32 to vector<16xi32>
        %xor3A_365 = arith.xori %add3A_3, %xor3A_364 : vector<16xi32>
        %xor3A_366 = arith.constant 1 : i32
        %xor3A_367 = vector.broadcast %xor3A_366 : i32 to vector<16xi32>
        %xor3A_368 = arith.xori %shift_right_arithmetic3A_17, %xor3A_367 : vector<16xi32>
        %gather3A_369 = tpu.vector_load_idx %arg6[%add3A_314, %xor3A_365] : memref<128x64xf32, #tpu.memory_space<vmem>>[vector<16xi32>, vector<16xi32>], vector<16xf32>,
        %xor3A_370 = arith.constant 9 : i32
        %xor3A_371 = vector.broadcast %xor3A_370 : i32 to vector<16xi32>
        %xor3A_372 = arith.xori %add3A_3, %xor3A_371 : vector<16xi32>
        %xor3A_373 = arith.constant 1 : i32
        %xor3A_374 = vector.broadcast %xor3A_373 : i32 to vector<16xi32>
        %xor3A_375 = arith.xori %shift_right_arithmetic3A_17, %xor3A_374 : vector<16xi32>
        %xor3A_376 = arith.constant 1 : i32
        %xor3A_377 = vector.broadcast %xor3A_376 : i32 to vector<16xi32>
        %xor3A_378 = arith.xori %and3A_37, %xor3A_377 : vector<16xi32>
        %gather3A_379 = tpu.vector_load_idx %arg6[%add3A_314, %xor3A_372] : memref<128x64xf32, #tpu.memory_space<vmem>>[vector<16xi32>, vector<16xi32>], vector<16xf32>,
        %xor3A_380 = arith.constant 10 : i32
        %xor3A_381 = vector.broadcast %xor3A_380 : i32 to vector<16xi32>
        %xor3A_382 = arith.xori %add3A_3, %xor3A_381 : vector<16xi32>
        %xor3A_383 = arith.constant 1 : i32
        %xor3A_384 = vector.broadcast %xor3A_383 : i32 to vector<16xi32>
        %xor3A_385 = arith.xori %shift_right_arithmetic3A_17, %xor3A_384 : vector<16xi32>
        %xor3A_386 = arith.constant 2 : i32
        %xor3A_387 = vector.broadcast %xor3A_386 : i32 to vector<16xi32>
        %xor3A_388 = arith.xori %and3A_37, %xor3A_387 : vector<16xi32>
        %gather3A_389 = tpu.vector_load_idx %arg6[%add3A_314, %xor3A_382] : memref<128x64xf32, #tpu.memory_space<vmem>>[vector<16xi32>, vector<16xi32>], vector<16xf32>,
        %xor3A_390 = arith.constant 11 : i32
        %xor3A_391 = vector.broadcast %xor3A_390 : i32 to vector<16xi32>
        %xor3A_392 = arith.xori %add3A_3, %xor3A_391 : vector<16xi32>
        %xor3A_393 = arith.constant 1 : i32
        %xor3A_394 = vector.broadcast %xor3A_393 : i32 to vector<16xi32>
        %xor3A_395 = arith.xori %shift_right_arithmetic3A_17, %xor3A_394 : vector<16xi32>
        %xor3A_396 = arith.constant 3 : i32
        %xor3A_397 = vector.broadcast %xor3A_396 : i32 to vector<16xi32>
        %xor3A_398 = arith.xori %and3A_37, %xor3A_397 : vector<16xi32>
        %gather3A_399 = tpu.vector_load_idx %arg6[%add3A_314, %xor3A_392] : memref<128x64xf32, #tpu.memory_space<vmem>>[vector<16xi32>, vector<16xi32>], vector<16xf32>,
        %xor3A_400 = arith.constant 12 : i32
        %xor3A_401 = vector.broadcast %xor3A_400 : i32 to vector<16xi32>
        %xor3A_402 = arith.xori %add3A_3, %xor3A_401 : vector<16xi32>
        %xor3A_403 = arith.constant 1 : i32
        %xor3A_404 = vector.broadcast %xor3A_403 : i32 to vector<16xi32>
        %xor3A_405 = arith.xori %shift_right_arithmetic3A_17, %xor3A_404 : vector<16xi32>
        %xor3A_406 = arith.constant 4 : i32
        %xor3A_407 = vector.broadcast %xor3A_406 : i32 to vector<16xi32>
        %xor3A_408 = arith.xori %and3A_37, %xor3A_407 : vector<16xi32>
        %gather3A_409 = tpu.vector_load_idx %arg6[%add3A_314, %xor3A_402] : memref<128x64xf32, #tpu.memory_space<vmem>>[vector<16xi32>, vector<16xi32>], vector<16xf32>,
        %xor3A_410 = arith.constant 13 : i32
        %xor3A_411 = vector.broadcast %xor3A_410 : i32 to vector<16xi32>
        %xor3A_412 = arith.xori %add3A_3, %xor3A_411 : vector<16xi32>
        %xor3A_413 = arith.constant 1 : i32
        %xor3A_414 = vector.broadcast %xor3A_413 : i32 to vector<16xi32>
        %xor3A_415 = arith.xori %shift_right_arithmetic3A_17, %xor3A_414 : vector<16xi32>
        %xor3A_416 = arith.constant 5 : i32
        %xor3A_417 = vector.broadcast %xor3A_416 : i32 to vector<16xi32>
        %xor3A_418 = arith.xori %and3A_37, %xor3A_417 : vector<16xi32>
        %gather3A_419 = tpu.vector_load_idx %arg6[%add3A_314, %xor3A_412] : memref<128x64xf32, #tpu.memory_space<vmem>>[vector<16xi32>, vector<16xi32>], vector<16xf32>,
        %xor3A_420 = arith.constant 14 : i32
        %xor3A_421 = vector.broadcast %xor3A_420 : i32 to vector<16xi32>
        %xor3A_422 = arith.xori %add3A_3, %xor3A_421 : vector<16xi32>
        %xor3A_423 = arith.constant 1 : i32
        %xor3A_424 = vector.broadcast %xor3A_423 : i32 to vector<16xi32>
        %xor3A_425 = arith.xori %shift_right_arithmetic3A_17, %xor3A_424 : vector<16xi32>
        %xor3A_426 = arith.constant 6 : i32
        %xor3A_427 = vector.broadcast %xor3A_426 : i32 to vector<16xi32>
        %xor3A_428 = arith.xori %and3A_37, %xor3A_427 : vector<16xi32>
        %gather3A_429 = tpu.vector_load_idx %arg6[%add3A_314, %xor3A_422] : memref<128x64xf32, #tpu.memory_space<vmem>>[vector<16xi32>, vector<16xi32>], vector<16xf32>,
        %xor3A_430 = arith.constant 15 : i32
        %xor3A_431 = vector.broadcast %xor3A_430 : i32 to vector<16xi32>
        %xor3A_432 = arith.xori %add3A_3, %xor3A_431 : vector<16xi32>
        %xor3A_433 = arith.constant 1 : i32
        %xor3A_434 = vector.broadcast %xor3A_433 : i32 to vector<16xi32>
        %xor3A_435 = arith.xori %shift_right_arithmetic3A_17, %xor3A_434 : vector<16xi32>
        %xor3A_436 = arith.constant 7 : i32
        %xor3A_437 = vector.broadcast %xor3A_436 : i32 to vector<16xi32>
        %xor3A_438 = arith.xori %and3A_37, %xor3A_437 : vector<16xi32>
        %gather3A_439 = tpu.vector_load_idx %arg6[%add3A_314, %xor3A_432] : memref<128x64xf32, #tpu.memory_space<vmem>>[vector<16xi32>, vector<16xi32>], vector<16xf32>,
        %gather3A_440 = tpu.vector_load_idx %arg6[%add3A_314, %add3A_6] : memref<128x64xf32, #tpu.memory_space<vmem>>[vector<16xi32>, vector<16xi32>], vector<16xf32>,
        %xor3A_441 = arith.constant 1 : i32
        %xor3A_442 = vector.broadcast %xor3A_441 : i32 to vector<16xi32>
        %xor3A_443 = arith.xori %add3A_6, %xor3A_442 : vector<16xi32>
        %xor3A_444 = arith.constant 1 : i32
        %xor3A_445 = vector.broadcast %xor3A_444 : i32 to vector<16xi32>
        %xor3A_446 = arith.xori %and3A_37, %xor3A_445 : vector<16xi32>
        %gather3A_447 = tpu.vector_load_idx %arg6[%add3A_314, %xor3A_443] : memref<128x64xf32, #tpu.memory_space<vmem>>[vector<16xi32>, vector<16xi32>], vector<16xf32>,
        %xor3A_448 = arith.constant 2 : i32
        %xor3A_449 = vector.broadcast %xor3A_448 : i32 to vector<16xi32>
        %xor3A_450 = arith.xori %add3A_6, %xor3A_449 : vector<16xi32>
        %xor3A_451 = arith.constant 2 : i32
        %xor3A_452 = vector.broadcast %xor3A_451 : i32 to vector<16xi32>
        %xor3A_453 = arith.xori %and3A_37, %xor3A_452 : vector<16xi32>
        %gather3A_454 = tpu.vector_load_idx %arg6[%add3A_314, %xor3A_450] : memref<128x64xf32, #tpu.memory_space<vmem>>[vector<16xi32>, vector<16xi32>], vector<16xf32>,
        %xor3A_455 = arith.constant 3 : i32
        %xor3A_456 = vector.broadcast %xor3A_455 : i32 to vector<16xi32>
        %xor3A_457 = arith.xori %add3A_6, %xor3A_456 : vector<16xi32>
        %xor3A_458 = arith.constant 3 : i32
        %xor3A_459 = vector.broadcast %xor3A_458 : i32 to vector<16xi32>
        %xor3A_460 = arith.xori %and3A_37, %xor3A_459 : vector<16xi32>
        %gather3A_461 = tpu.vector_load_idx %arg6[%add3A_314, %xor3A_457] : memref<128x64xf32, #tpu.memory_space<vmem>>[vector<16xi32>, vector<16xi32>], vector<16xf32>,
        %xor3A_462 = arith.constant 4 : i32
        %xor3A_463 = vector.broadcast %xor3A_462 : i32 to vector<16xi32>
        %xor3A_464 = arith.xori %add3A_6, %xor3A_463 : vector<16xi32>
        %xor3A_465 = arith.constant 4 : i32
        %xor3A_466 = vector.broadcast %xor3A_465 : i32 to vector<16xi32>
        %xor3A_467 = arith.xori %and3A_37, %xor3A_466 : vector<16xi32>
        %gather3A_468 = tpu.vector_load_idx %arg6[%add3A_314, %xor3A_464] : memref<128x64xf32, #tpu.memory_space<vmem>>[vector<16xi32>, vector<16xi32>], vector<16xf32>,
        %xor3A_469 = arith.constant 5 : i32
        %xor3A_470 = vector.broadcast %xor3A_469 : i32 to vector<16xi32>
        %xor3A_471 = arith.xori %add3A_6, %xor3A_470 : vector<16xi32>
        %xor3A_472 = arith.constant 5 : i32
        %xor3A_473 = vector.broadcast %xor3A_472 : i32 to vector<16xi32>
        %xor3A_474 = arith.xori %and3A_37, %xor3A_473 : vector<16xi32>
        %gather3A_475 = tpu.vector_load_idx %arg6[%add3A_314, %xor3A_471] : memref<128x64xf32, #tpu.memory_space<vmem>>[vector<16xi32>, vector<16xi32>], vector<16xf32>,
        %xor3A_476 = arith.constant 6 : i32
        %xor3A_477 = vector.broadcast %xor3A_476 : i32 to vector<16xi32>
        %xor3A_478 = arith.xori %add3A_6, %xor3A_477 : vector<16xi32>
        %xor3A_479 = arith.constant 6 : i32
        %xor3A_480 = vector.broadcast %xor3A_479 : i32 to vector<16xi32>
        %xor3A_481 = arith.xori %and3A_37, %xor3A_480 : vector<16xi32>
        %gather3A_482 = tpu.vector_load_idx %arg6[%add3A_314, %xor3A_478] : memref<128x64xf32, #tpu.memory_space<vmem>>[vector<16xi32>, vector<16xi32>], vector<16xf32>,
        %xor3A_483 = arith.constant 7 : i32
        %xor3A_484 = vector.broadcast %xor3A_483 : i32 to vector<16xi32>
        %xor3A_485 = arith.xori %add3A_6, %xor3A_484 : vector<16xi32>
        %xor3A_486 = arith.constant 7 : i32
        %xor3A_487 = vector.broadcast %xor3A_486 : i32 to vector<16xi32>
        %xor3A_488 = arith.xori %and3A_37, %xor3A_487 : vector<16xi32>
        %gather3A_489 = tpu.vector_load_idx %arg6[%add3A_314, %xor3A_485] : memref<128x64xf32, #tpu.memory_space<vmem>>[vector<16xi32>, vector<16xi32>], vector<16xf32>,
        %xor3A_490 = arith.constant 8 : i32
        %xor3A_491 = vector.broadcast %xor3A_490 : i32 to vector<16xi32>
        %xor3A_492 = arith.xori %add3A_6, %xor3A_491 : vector<16xi32>
        %xor3A_493 = arith.constant 1 : i32
        %xor3A_494 = vector.broadcast %xor3A_493 : i32 to vector<16xi32>
        %xor3A_495 = arith.xori %shift_right_arithmetic3A_23, %xor3A_494 : vector<16xi32>
        %gather3A_496 = tpu.vector_load_idx %arg6[%add3A_314, %xor3A_492] : memref<128x64xf32, #tpu.memory_space<vmem>>[vector<16xi32>, vector<16xi32>], vector<16xf32>,
        %xor3A_497 = arith.constant 9 : i32
        %xor3A_498 = vector.broadcast %xor3A_497 : i32 to vector<16xi32>
        %xor3A_499 = arith.xori %add3A_6, %xor3A_498 : vector<16xi32>
        %xor3A_500 = arith.constant 1 : i32
        %xor3A_501 = vector.broadcast %xor3A_500 : i32 to vector<16xi32>
        %xor3A_502 = arith.xori %shift_right_arithmetic3A_23, %xor3A_501 : vector<16xi32>
        %xor3A_503 = arith.constant 1 : i32
        %xor3A_504 = vector.broadcast %xor3A_503 : i32 to vector<16xi32>
        %xor3A_505 = arith.xori %and3A_37, %xor3A_504 : vector<16xi32>
        %gather3A_506 = tpu.vector_load_idx %arg6[%add3A_314, %xor3A_499] : memref<128x64xf32, #tpu.memory_space<vmem>>[vector<16xi32>, vector<16xi32>], vector<16xf32>,
        %xor3A_507 = arith.constant 10 : i32
        %xor3A_508 = vector.broadcast %xor3A_507 : i32 to vector<16xi32>
        %xor3A_509 = arith.xori %add3A_6, %xor3A_508 : vector<16xi32>
        %xor3A_510 = arith.constant 1 : i32
        %xor3A_511 = vector.broadcast %xor3A_510 : i32 to vector<16xi32>
        %xor3A_512 = arith.xori %shift_right_arithmetic3A_23, %xor3A_511 : vector<16xi32>
        %xor3A_513 = arith.constant 2 : i32
        %xor3A_514 = vector.broadcast %xor3A_513 : i32 to vector<16xi32>
        %xor3A_515 = arith.xori %and3A_37, %xor3A_514 : vector<16xi32>
        %gather3A_516 = tpu.vector_load_idx %arg6[%add3A_314, %xor3A_509] : memref<128x64xf32, #tpu.memory_space<vmem>>[vector<16xi32>, vector<16xi32>], vector<16xf32>,
        %xor3A_517 = arith.constant 11 : i32
        %xor3A_518 = vector.broadcast %xor3A_517 : i32 to vector<16xi32>
        %xor3A_519 = arith.xori %add3A_6, %xor3A_518 : vector<16xi32>
        %xor3A_520 = arith.constant 1 : i32
        %xor3A_521 = vector.broadcast %xor3A_520 : i32 to vector<16xi32>
        %xor3A_522 = arith.xori %shift_right_arithmetic3A_23, %xor3A_521 : vector<16xi32>
        %xor3A_523 = arith.constant 3 : i32
        %xor3A_524 = vector.broadcast %xor3A_523 : i32 to vector<16xi32>
        %xor3A_525 = arith.xori %and3A_37, %xor3A_524 : vector<16xi32>
        %gather3A_526 = tpu.vector_load_idx %arg6[%add3A_314, %xor3A_519] : memref<128x64xf32, #tpu.memory_space<vmem>>[vector<16xi32>, vector<16xi32>], vector<16xf32>,
        %xor3A_527 = arith.constant 12 : i32
        %xor3A_528 = vector.broadcast %xor3A_527 : i32 to vector<16xi32>
        %xor3A_529 = arith.xori %add3A_6, %xor3A_528 : vector<16xi32>
        %xor3A_530 = arith.constant 1 : i32
        %xor3A_531 = vector.broadcast %xor3A_530 : i32 to vector<16xi32>
        %xor3A_532 = arith.xori %shift_right_arithmetic3A_23, %xor3A_531 : vector<16xi32>
        %xor3A_533 = arith.constant 4 : i32
        %xor3A_534 = vector.broadcast %xor3A_533 : i32 to vector<16xi32>
        %xor3A_535 = arith.xori %and3A_37, %xor3A_534 : vector<16xi32>
        %gather3A_536 = tpu.vector_load_idx %arg6[%add3A_314, %xor3A_529] : memref<128x64xf32, #tpu.memory_space<vmem>>[vector<16xi32>, vector<16xi32>], vector<16xf32>,
        %xor3A_537 = arith.constant 13 : i32
        %xor3A_538 = vector.broadcast %xor3A_537 : i32 to vector<16xi32>
        %xor3A_539 = arith.xori %add3A_6, %xor3A_538 : vector<16xi32>
        %xor3A_540 = arith.constant 1 : i32
        %xor3A_541 = vector.broadcast %xor3A_540 : i32 to vector<16xi32>
        %xor3A_542 = arith.xori %shift_right_arithmetic3A_23, %xor3A_541 : vector<16xi32>
        %xor3A_543 = arith.constant 5 : i32
        %xor3A_544 = vector.broadcast %xor3A_543 : i32 to vector<16xi32>
        %xor3A_545 = arith.xori %and3A_37, %xor3A_544 : vector<16xi32>
        %gather3A_546 = tpu.vector_load_idx %arg6[%add3A_314, %xor3A_539] : memref<128x64xf32, #tpu.memory_space<vmem>>[vector<16xi32>, vector<16xi32>], vector<16xf32>,
        %xor3A_547 = arith.constant 14 : i32
        %xor3A_548 = vector.broadcast %xor3A_547 : i32 to vector<16xi32>
        %xor3A_549 = arith.xori %add3A_6, %xor3A_548 : vector<16xi32>
        %xor3A_550 = arith.constant 1 : i32
        %xor3A_551 = vector.broadcast %xor3A_550 : i32 to vector<16xi32>
        %xor3A_552 = arith.xori %shift_right_arithmetic3A_23, %xor3A_551 : vector<16xi32>
        %xor3A_553 = arith.constant 6 : i32
        %xor3A_554 = vector.broadcast %xor3A_553 : i32 to vector<16xi32>
        %xor3A_555 = arith.xori %and3A_37, %xor3A_554 : vector<16xi32>
        %gather3A_556 = tpu.vector_load_idx %arg6[%add3A_314, %xor3A_549] : memref<128x64xf32, #tpu.memory_space<vmem>>[vector<16xi32>, vector<16xi32>], vector<16xf32>,
        %xor3A_557 = arith.constant 15 : i32
        %xor3A_558 = vector.broadcast %xor3A_557 : i32 to vector<16xi32>
        %xor3A_559 = arith.xori %add3A_6, %xor3A_558 : vector<16xi32>
        %xor3A_560 = arith.constant 1 : i32
        %xor3A_561 = vector.broadcast %xor3A_560 : i32 to vector<16xi32>
        %xor3A_562 = arith.xori %shift_right_arithmetic3A_23, %xor3A_561 : vector<16xi32>
        %xor3A_563 = arith.constant 7 : i32
        %xor3A_564 = vector.broadcast %xor3A_563 : i32 to vector<16xi32>
        %xor3A_565 = arith.xori %and3A_37, %xor3A_564 : vector<16xi32>
        %gather3A_566 = tpu.vector_load_idx %arg6[%add3A_314, %xor3A_559] : memref<128x64xf32, #tpu.memory_space<vmem>>[vector<16xi32>, vector<16xi32>], vector<16xf32>,
        tpu.vector_store_idx %arg11[%shift_right_arithmetic3A_17, %and3A_37, %add3A_314], %gather3A : memref<8x8x128xf32, #tpu.memory_space<vmem>>[vector<16xi32>, vector<16xi32>, vector<16xi32>], vector<16xf32>,
        tpu.vector_store_idx %arg11[%shift_right_arithmetic3A_17, %xor3A_319, %add3A_314], %gather3A_320 : memref<8x8x128xf32, #tpu.memory_space<vmem>>[vector<16xi32>, vector<16xi32>, vector<16xi32>], vector<16xf32>,
        tpu.vector_store_idx %arg11[%shift_right_arithmetic3A_17, %xor3A_326, %add3A_314], %gather3A_327 : memref<8x8x128xf32, #tpu.memory_space<vmem>>[vector<16xi32>, vector<16xi32>, vector<16xi32>], vector<16xf32>,
        tpu.vector_store_idx %arg11[%shift_right_arithmetic3A_17, %xor3A_333, %add3A_314], %gather3A_334 : memref<8x8x128xf32, #tpu.memory_space<vmem>>[vector<16xi32>, vector<16xi32>, vector<16xi32>], vector<16xf32>,
        tpu.vector_store_idx %arg11[%shift_right_arithmetic3A_17, %xor3A_340, %add3A_314], %gather3A_341 : memref<8x8x128xf32, #tpu.memory_space<vmem>>[vector<16xi32>, vector<16xi32>, vector<16xi32>], vector<16xf32>,
        tpu.vector_store_idx %arg11[%shift_right_arithmetic3A_17, %xor3A_347, %add3A_314], %gather3A_348 : memref<8x8x128xf32, #tpu.memory_space<vmem>>[vector<16xi32>, vector<16xi32>, vector<16xi32>], vector<16xf32>,
        tpu.vector_store_idx %arg11[%shift_right_arithmetic3A_17, %xor3A_354, %add3A_314], %gather3A_355 : memref<8x8x128xf32, #tpu.memory_space<vmem>>[vector<16xi32>, vector<16xi32>, vector<16xi32>], vector<16xf32>,
        tpu.vector_store_idx %arg11[%shift_right_arithmetic3A_17, %xor3A_361, %add3A_314], %gather3A_362 : memref<8x8x128xf32, #tpu.memory_space<vmem>>[vector<16xi32>, vector<16xi32>, vector<16xi32>], vector<16xf32>,
        tpu.vector_store_idx %arg11[%xor3A_368, %and3A_37, %add3A_314], %gather3A_369 : memref<8x8x128xf32, #tpu.memory_space<vmem>>[vector<16xi32>, vector<16xi32>, vector<16xi32>], vector<16xf32>,
        tpu.vector_store_idx %arg11[%xor3A_375, %xor3A_378, %add3A_314], %gather3A_379 : memref<8x8x128xf32, #tpu.memory_space<vmem>>[vector<16xi32>, vector<16xi32>, vector<16xi32>], vector<16xf32>,
        tpu.vector_store_idx %arg11[%xor3A_385, %xor3A_388, %add3A_314], %gather3A_389 : memref<8x8x128xf32, #tpu.memory_space<vmem>>[vector<16xi32>, vector<16xi32>, vector<16xi32>], vector<16xf32>,
        tpu.vector_store_idx %arg11[%xor3A_395, %xor3A_398, %add3A_314], %gather3A_399 : memref<8x8x128xf32, #tpu.memory_space<vmem>>[vector<16xi32>, vector<16xi32>, vector<16xi32>], vector<16xf32>,
        tpu.vector_store_idx %arg11[%xor3A_405, %xor3A_408, %add3A_314], %gather3A_409 : memref<8x8x128xf32, #tpu.memory_space<vmem>>[vector<16xi32>, vector<16xi32>, vector<16xi32>], vector<16xf32>,
        tpu.vector_store_idx %arg11[%xor3A_415, %xor3A_418, %add3A_314], %gather3A_419 : memref<8x8x128xf32, #tpu.memory_space<vmem>>[vector<16xi32>, vector<16xi32>, vector<16xi32>], vector<16xf32>,
        tpu.vector_store_idx %arg11[%xor3A_425, %xor3A_428, %add3A_314], %gather3A_429 : memref<8x8x128xf32, #tpu.memory_space<vmem>>[vector<16xi32>, vector<16xi32>, vector<16xi32>], vector<16xf32>,
        tpu.vector_store_idx %arg11[%xor3A_435, %xor3A_438, %add3A_314], %gather3A_439 : memref<8x8x128xf32, #tpu.memory_space<vmem>>[vector<16xi32>, vector<16xi32>, vector<16xi32>], vector<16xf32>,
        tpu.vector_store_idx %arg11[%shift_right_arithmetic3A_23, %and3A_37, %add3A_314], %gather3A_440 : memref<8x8x128xf32, #tpu.memory_space<vmem>>[vector<16xi32>, vector<16xi32>, vector<16xi32>], vector<16xf32>,
        tpu.vector_store_idx %arg11[%shift_right_arithmetic3A_23, %xor3A_446, %add3A_314], %gather3A_447 : memref<8x8x128xf32, #tpu.memory_space<vmem>>[vector<16xi32>, vector<16xi32>, vector<16xi32>], vector<16xf32>,
        tpu.vector_store_idx %arg11[%shift_right_arithmetic3A_23, %xor3A_453, %add3A_314], %gather3A_454 : memref<8x8x128xf32, #tpu.memory_space<vmem>>[vector<16xi32>, vector<16xi32>, vector<16xi32>], vector<16xf32>,
        tpu.vector_store_idx %arg11[%shift_right_arithmetic3A_23, %xor3A_460, %add3A_314], %gather3A_461 : memref<8x8x128xf32, #tpu.memory_space<vmem>>[vector<16xi32>, vector<16xi32>, vector<16xi32>], vector<16xf32>,
        tpu.vector_store_idx %arg11[%shift_right_arithmetic3A_23, %xor3A_467, %add3A_314], %gather3A_468 : memref<8x8x128xf32, #tpu.memory_space<vmem>>[vector<16xi32>, vector<16xi32>, vector<16xi32>], vector<16xf32>,
        tpu.vector_store_idx %arg11[%shift_right_arithmetic3A_23, %xor3A_474, %add3A_314], %gather3A_475 : memref<8x8x128xf32, #tpu.memory_space<vmem>>[vector<16xi32>, vector<16xi32>, vector<16xi32>], vector<16xf32>,
        tpu.vector_store_idx %arg11[%shift_right_arithmetic3A_23, %xor3A_481, %add3A_314], %gather3A_482 : memref<8x8x128xf32, #tpu.memory_space<vmem>>[vector<16xi32>, vector<16xi32>, vector<16xi32>], vector<16xf32>,
        tpu.vector_store_idx %arg11[%shift_right_arithmetic3A_23, %xor3A_488, %add3A_314], %gather3A_489 : memref<8x8x128xf32, #tpu.memory_space<vmem>>[vector<16xi32>, vector<16xi32>, vector<16xi32>], vector<16xf32>,
        tpu.vector_store_idx %arg11[%xor3A_495, %and3A_37, %add3A_314], %gather3A_496 : memref<8x8x128xf32, #tpu.memory_space<vmem>>[vector<16xi32>, vector<16xi32>, vector<16xi32>], vector<16xf32>,
        tpu.vector_store_idx %arg11[%xor3A_502, %xor3A_505, %add3A_314], %gather3A_506 : memref<8x8x128xf32, #tpu.memory_space<vmem>>[vector<16xi32>, vector<16xi32>, vector<16xi32>], vector<16xf32>,
        tpu.vector_store_idx %arg11[%xor3A_512, %xor3A_515, %add3A_314], %gather3A_516 : memref<8x8x128xf32, #tpu.memory_space<vmem>>[vector<16xi32>, vector<16xi32>, vector<16xi32>], vector<16xf32>,
        tpu.vector_store_idx %arg11[%xor3A_522, %xor3A_525, %add3A_314], %gather3A_526 : memref<8x8x128xf32, #tpu.memory_space<vmem>>[vector<16xi32>, vector<16xi32>, vector<16xi32>], vector<16xf32>,
        tpu.vector_store_idx %arg11[%xor3A_532, %xor3A_535, %add3A_314], %gather3A_536 : memref<8x8x128xf32, #tpu.memory_space<vmem>>[vector<16xi32>, vector<16xi32>, vector<16xi32>], vector<16xf32>,
        tpu.vector_store_idx %arg11[%xor3A_542, %xor3A_545, %add3A_314], %gather3A_546 : memref<8x8x128xf32, #tpu.memory_space<vmem>>[vector<16xi32>, vector<16xi32>, vector<16xi32>], vector<16xf32>,
        tpu.vector_store_idx %arg11[%xor3A_552, %xor3A_555, %add3A_314], %gather3A_556 : memref<8x8x128xf32, #tpu.memory_space<vmem>>[vector<16xi32>, vector<16xi32>, vector<16xi32>], vector<16xf32>,
        tpu.vector_store_idx %arg11[%xor3A_562, %xor3A_565, %add3A_314], %gather3A_566 : memref<8x8x128xf32, #tpu.memory_space<vmem>>[vector<16xi32>, vector<16xi32>, vector<16xi32>], vector<16xf32>,
        %gather3A_567 = tpu.vector_load_idx %arg6[%add3A_314, %add3A_9] : memref<128x64xf32, #tpu.memory_space<vmem>>[vector<16xi32>, vector<16xi32>], vector<16xf32>,
        %xor3A_568 = arith.constant 1 : i32
        %xor3A_569 = vector.broadcast %xor3A_568 : i32 to vector<16xi32>
        %xor3A_570 = arith.xori %add3A_9, %xor3A_569 : vector<16xi32>
        %xor3A_571 = arith.constant 1 : i32
        %xor3A_572 = vector.broadcast %xor3A_571 : i32 to vector<16xi32>
        %xor3A_573 = arith.xori %and3A_37, %xor3A_572 : vector<16xi32>
        %gather3A_574 = tpu.vector_load_idx %arg6[%add3A_314, %xor3A_570] : memref<128x64xf32, #tpu.memory_space<vmem>>[vector<16xi32>, vector<16xi32>], vector<16xf32>,
        %xor3A_575 = arith.constant 2 : i32
        %xor3A_576 = vector.broadcast %xor3A_575 : i32 to vector<16xi32>
        %xor3A_577 = arith.xori %add3A_9, %xor3A_576 : vector<16xi32>
        %xor3A_578 = arith.constant 2 : i32
        %xor3A_579 = vector.broadcast %xor3A_578 : i32 to vector<16xi32>
        %xor3A_580 = arith.xori %and3A_37, %xor3A_579 : vector<16xi32>
        %gather3A_581 = tpu.vector_load_idx %arg6[%add3A_314, %xor3A_577] : memref<128x64xf32, #tpu.memory_space<vmem>>[vector<16xi32>, vector<16xi32>], vector<16xf32>,
        %xor3A_582 = arith.constant 3 : i32
        %xor3A_583 = vector.broadcast %xor3A_582 : i32 to vector<16xi32>
        %xor3A_584 = arith.xori %add3A_9, %xor3A_583 : vector<16xi32>
        %xor3A_585 = arith.constant 3 : i32
        %xor3A_586 = vector.broadcast %xor3A_585 : i32 to vector<16xi32>
        %xor3A_587 = arith.xori %and3A_37, %xor3A_586 : vector<16xi32>
        %gather3A_588 = tpu.vector_load_idx %arg6[%add3A_314, %xor3A_584] : memref<128x64xf32, #tpu.memory_space<vmem>>[vector<16xi32>, vector<16xi32>], vector<16xf32>,
        %xor3A_589 = arith.constant 4 : i32
        %xor3A_590 = vector.broadcast %xor3A_589 : i32 to vector<16xi32>
        %xor3A_591 = arith.xori %add3A_9, %xor3A_590 : vector<16xi32>
        %xor3A_592 = arith.constant 4 : i32
        %xor3A_593 = vector.broadcast %xor3A_592 : i32 to vector<16xi32>
        %xor3A_594 = arith.xori %and3A_37, %xor3A_593 : vector<16xi32>
        %gather3A_595 = tpu.vector_load_idx %arg6[%add3A_314, %xor3A_591] : memref<128x64xf32, #tpu.memory_space<vmem>>[vector<16xi32>, vector<16xi32>], vector<16xf32>,
        %xor3A_596 = arith.constant 5 : i32
        %xor3A_597 = vector.broadcast %xor3A_596 : i32 to vector<16xi32>
        %xor3A_598 = arith.xori %add3A_9, %xor3A_597 : vector<16xi32>
        %xor3A_599 = arith.constant 5 : i32
        %xor3A_600 = vector.broadcast %xor3A_599 : i32 to vector<16xi32>
        %xor3A_601 = arith.xori %and3A_37, %xor3A_600 : vector<16xi32>
        %gather3A_602 = tpu.vector_load_idx %arg6[%add3A_314, %xor3A_598] : memref<128x64xf32, #tpu.memory_space<vmem>>[vector<16xi32>, vector<16xi32>], vector<16xf32>,
        %xor3A_603 = arith.constant 6 : i32
        %xor3A_604 = vector.broadcast %xor3A_603 : i32 to vector<16xi32>
        %xor3A_605 = arith.xori %add3A_9, %xor3A_604 : vector<16xi32>
        %xor3A_606 = arith.constant 6 : i32
        %xor3A_607 = vector.broadcast %xor3A_606 : i32 to vector<16xi32>
        %xor3A_608 = arith.xori %and3A_37, %xor3A_607 : vector<16xi32>
        %gather3A_609 = tpu.vector_load_idx %arg6[%add3A_314, %xor3A_605] : memref<128x64xf32, #tpu.memory_space<vmem>>[vector<16xi32>, vector<16xi32>], vector<16xf32>,
        %xor3A_610 = arith.constant 7 : i32
        %xor3A_611 = vector.broadcast %xor3A_610 : i32 to vector<16xi32>
        %xor3A_612 = arith.xori %add3A_9, %xor3A_611 : vector<16xi32>
        %xor3A_613 = arith.constant 7 : i32
        %xor3A_614 = vector.broadcast %xor3A_613 : i32 to vector<16xi32>
        %xor3A_615 = arith.xori %and3A_37, %xor3A_614 : vector<16xi32>
        %gather3A_616 = tpu.vector_load_idx %arg6[%add3A_314, %xor3A_612] : memref<128x64xf32, #tpu.memory_space<vmem>>[vector<16xi32>, vector<16xi32>], vector<16xf32>,
        %xor3A_617 = arith.constant 8 : i32
        %xor3A_618 = vector.broadcast %xor3A_617 : i32 to vector<16xi32>
        %xor3A_619 = arith.xori %add3A_9, %xor3A_618 : vector<16xi32>
        %xor3A_620 = arith.constant 1 : i32
        %xor3A_621 = vector.broadcast %xor3A_620 : i32 to vector<16xi32>
        %xor3A_622 = arith.xori %shift_right_arithmetic3A_29, %xor3A_621 : vector<16xi32>
        %gather3A_623 = tpu.vector_load_idx %arg6[%add3A_314, %xor3A_619] : memref<128x64xf32, #tpu.memory_space<vmem>>[vector<16xi32>, vector<16xi32>], vector<16xf32>,
        %xor3A_624 = arith.constant 9 : i32
        %xor3A_625 = vector.broadcast %xor3A_624 : i32 to vector<16xi32>
        %xor3A_626 = arith.xori %add3A_9, %xor3A_625 : vector<16xi32>
        %xor3A_627 = arith.constant 1 : i32
        %xor3A_628 = vector.broadcast %xor3A_627 : i32 to vector<16xi32>
        %xor3A_629 = arith.xori %shift_right_arithmetic3A_29, %xor3A_628 : vector<16xi32>
        %xor3A_630 = arith.constant 1 : i32
        %xor3A_631 = vector.broadcast %xor3A_630 : i32 to vector<16xi32>
        %xor3A_632 = arith.xori %and3A_37, %xor3A_631 : vector<16xi32>
        %gather3A_633 = tpu.vector_load_idx %arg6[%add3A_314, %xor3A_626] : memref<128x64xf32, #tpu.memory_space<vmem>>[vector<16xi32>, vector<16xi32>], vector<16xf32>,
        %xor3A_634 = arith.constant 10 : i32
        %xor3A_635 = vector.broadcast %xor3A_634 : i32 to vector<16xi32>
        %xor3A_636 = arith.xori %add3A_9, %xor3A_635 : vector<16xi32>
        %xor3A_637 = arith.constant 1 : i32
        %xor3A_638 = vector.broadcast %xor3A_637 : i32 to vector<16xi32>
        %xor3A_639 = arith.xori %shift_right_arithmetic3A_29, %xor3A_638 : vector<16xi32>
        %xor3A_640 = arith.constant 2 : i32
        %xor3A_641 = vector.broadcast %xor3A_640 : i32 to vector<16xi32>
        %xor3A_642 = arith.xori %and3A_37, %xor3A_641 : vector<16xi32>
        %gather3A_643 = tpu.vector_load_idx %arg6[%add3A_314, %xor3A_636] : memref<128x64xf32, #tpu.memory_space<vmem>>[vector<16xi32>, vector<16xi32>], vector<16xf32>,
        %xor3A_644 = arith.constant 11 : i32
        %xor3A_645 = vector.broadcast %xor3A_644 : i32 to vector<16xi32>
        %xor3A_646 = arith.xori %add3A_9, %xor3A_645 : vector<16xi32>
        %xor3A_647 = arith.constant 1 : i32
        %xor3A_648 = vector.broadcast %xor3A_647 : i32 to vector<16xi32>
        %xor3A_649 = arith.xori %shift_right_arithmetic3A_29, %xor3A_648 : vector<16xi32>
        %xor3A_650 = arith.constant 3 : i32
        %xor3A_651 = vector.broadcast %xor3A_650 : i32 to vector<16xi32>
        %xor3A_652 = arith.xori %and3A_37, %xor3A_651 : vector<16xi32>
        %gather3A_653 = tpu.vector_load_idx %arg6[%add3A_314, %xor3A_646] : memref<128x64xf32, #tpu.memory_space<vmem>>[vector<16xi32>, vector<16xi32>], vector<16xf32>,
        %xor3A_654 = arith.constant 12 : i32
        %xor3A_655 = vector.broadcast %xor3A_654 : i32 to vector<16xi32>
        %xor3A_656 = arith.xori %add3A_9, %xor3A_655 : vector<16xi32>
        %xor3A_657 = arith.constant 1 : i32
        %xor3A_658 = vector.broadcast %xor3A_657 : i32 to vector<16xi32>
        %xor3A_659 = arith.xori %shift_right_arithmetic3A_29, %xor3A_658 : vector<16xi32>
        %xor3A_660 = arith.constant 4 : i32
        %xor3A_661 = vector.broadcast %xor3A_660 : i32 to vector<16xi32>
        %xor3A_662 = arith.xori %and3A_37, %xor3A_661 : vector<16xi32>
        %gather3A_663 = tpu.vector_load_idx %arg6[%add3A_314, %xor3A_656] : memref<128x64xf32, #tpu.memory_space<vmem>>[vector<16xi32>, vector<16xi32>], vector<16xf32>,
        %xor3A_664 = arith.constant 13 : i32
        %xor3A_665 = vector.broadcast %xor3A_664 : i32 to vector<16xi32>
        %xor3A_666 = arith.xori %add3A_9, %xor3A_665 : vector<16xi32>
        %xor3A_667 = arith.constant 1 : i32
        %xor3A_668 = vector.broadcast %xor3A_667 : i32 to vector<16xi32>
        %xor3A_669 = arith.xori %shift_right_arithmetic3A_29, %xor3A_668 : vector<16xi32>
        %xor3A_670 = arith.constant 5 : i32
        %xor3A_671 = vector.broadcast %xor3A_670 : i32 to vector<16xi32>
        %xor3A_672 = arith.xori %and3A_37, %xor3A_671 : vector<16xi32>
        %gather3A_673 = tpu.vector_load_idx %arg6[%add3A_314, %xor3A_666] : memref<128x64xf32, #tpu.memory_space<vmem>>[vector<16xi32>, vector<16xi32>], vector<16xf32>,
        %xor3A_674 = arith.constant 14 : i32
        %xor3A_675 = vector.broadcast %xor3A_674 : i32 to vector<16xi32>
        %xor3A_676 = arith.xori %add3A_9, %xor3A_675 : vector<16xi32>
        %xor3A_677 = arith.constant 1 : i32
        %xor3A_678 = vector.broadcast %xor3A_677 : i32 to vector<16xi32>
        %xor3A_679 = arith.xori %shift_right_arithmetic3A_29, %xor3A_678 : vector<16xi32>
        %xor3A_680 = arith.constant 6 : i32
        %xor3A_681 = vector.broadcast %xor3A_680 : i32 to vector<16xi32>
        %xor3A_682 = arith.xori %and3A_37, %xor3A_681 : vector<16xi32>
        %gather3A_683 = tpu.vector_load_idx %arg6[%add3A_314, %xor3A_676] : memref<128x64xf32, #tpu.memory_space<vmem>>[vector<16xi32>, vector<16xi32>], vector<16xf32>,
        %xor3A_684 = arith.constant 15 : i32
        %xor3A_685 = vector.broadcast %xor3A_684 : i32 to vector<16xi32>
        %xor3A_686 = arith.xori %add3A_9, %xor3A_685 : vector<16xi32>
        %xor3A_687 = arith.constant 1 : i32
        %xor3A_688 = vector.broadcast %xor3A_687 : i32 to vector<16xi32>
        %xor3A_689 = arith.xori %shift_right_arithmetic3A_29, %xor3A_688 : vector<16xi32>
        %xor3A_690 = arith.constant 7 : i32
        %xor3A_691 = vector.broadcast %xor3A_690 : i32 to vector<16xi32>
        %xor3A_692 = arith.xori %and3A_37, %xor3A_691 : vector<16xi32>
        %gather3A_693 = tpu.vector_load_idx %arg6[%add3A_314, %xor3A_686] : memref<128x64xf32, #tpu.memory_space<vmem>>[vector<16xi32>, vector<16xi32>], vector<16xf32>,
        %gather3A_694 = tpu.vector_load_idx %arg6[%add3A_314, %add3A_12] : memref<128x64xf32, #tpu.memory_space<vmem>>[vector<16xi32>, vector<16xi32>], vector<16xf32>,
        %xor3A_695 = arith.constant 1 : i32
        %xor3A_696 = vector.broadcast %xor3A_695 : i32 to vector<16xi32>
        %xor3A_697 = arith.xori %add3A_12, %xor3A_696 : vector<16xi32>
        %xor3A_698 = arith.constant 1 : i32
        %xor3A_699 = vector.broadcast %xor3A_698 : i32 to vector<16xi32>
        %xor3A_700 = arith.xori %and3A_37, %xor3A_699 : vector<16xi32>
        %gather3A_701 = tpu.vector_load_idx %arg6[%add3A_314, %xor3A_697] : memref<128x64xf32, #tpu.memory_space<vmem>>[vector<16xi32>, vector<16xi32>], vector<16xf32>,
        %xor3A_702 = arith.constant 2 : i32
        %xor3A_703 = vector.broadcast %xor3A_702 : i32 to vector<16xi32>
        %xor3A_704 = arith.xori %add3A_12, %xor3A_703 : vector<16xi32>
        %xor3A_705 = arith.constant 2 : i32
        %xor3A_706 = vector.broadcast %xor3A_705 : i32 to vector<16xi32>
        %xor3A_707 = arith.xori %and3A_37, %xor3A_706 : vector<16xi32>
        %gather3A_708 = tpu.vector_load_idx %arg6[%add3A_314, %xor3A_704] : memref<128x64xf32, #tpu.memory_space<vmem>>[vector<16xi32>, vector<16xi32>], vector<16xf32>,
        %xor3A_709 = arith.constant 3 : i32
        %xor3A_710 = vector.broadcast %xor3A_709 : i32 to vector<16xi32>
        %xor3A_711 = arith.xori %add3A_12, %xor3A_710 : vector<16xi32>
        %xor3A_712 = arith.constant 3 : i32
        %xor3A_713 = vector.broadcast %xor3A_712 : i32 to vector<16xi32>
        %xor3A_714 = arith.xori %and3A_37, %xor3A_713 : vector<16xi32>
        %gather3A_715 = tpu.vector_load_idx %arg6[%add3A_314, %xor3A_711] : memref<128x64xf32, #tpu.memory_space<vmem>>[vector<16xi32>, vector<16xi32>], vector<16xf32>,
        %xor3A_716 = arith.constant 4 : i32
        %xor3A_717 = vector.broadcast %xor3A_716 : i32 to vector<16xi32>
        %xor3A_718 = arith.xori %add3A_12, %xor3A_717 : vector<16xi32>
        %xor3A_719 = arith.constant 4 : i32
        %xor3A_720 = vector.broadcast %xor3A_719 : i32 to vector<16xi32>
        %xor3A_721 = arith.xori %and3A_37, %xor3A_720 : vector<16xi32>
        %gather3A_722 = tpu.vector_load_idx %arg6[%add3A_314, %xor3A_718] : memref<128x64xf32, #tpu.memory_space<vmem>>[vector<16xi32>, vector<16xi32>], vector<16xf32>,
        %xor3A_723 = arith.constant 5 : i32
        %xor3A_724 = vector.broadcast %xor3A_723 : i32 to vector<16xi32>
        %xor3A_725 = arith.xori %add3A_12, %xor3A_724 : vector<16xi32>
        %xor3A_726 = arith.constant 5 : i32
        %xor3A_727 = vector.broadcast %xor3A_726 : i32 to vector<16xi32>
        %xor3A_728 = arith.xori %and3A_37, %xor3A_727 : vector<16xi32>
        %gather3A_729 = tpu.vector_load_idx %arg6[%add3A_314, %xor3A_725] : memref<128x64xf32, #tpu.memory_space<vmem>>[vector<16xi32>, vector<16xi32>], vector<16xf32>,
        %xor3A_730 = arith.constant 6 : i32
        %xor3A_731 = vector.broadcast %xor3A_730 : i32 to vector<16xi32>
        %xor3A_732 = arith.xori %add3A_12, %xor3A_731 : vector<16xi32>
        %xor3A_733 = arith.constant 6 : i32
        %xor3A_734 = vector.broadcast %xor3A_733 : i32 to vector<16xi32>
        %xor3A_735 = arith.xori %and3A_37, %xor3A_734 : vector<16xi32>
        %gather3A_736 = tpu.vector_load_idx %arg6[%add3A_314, %xor3A_732] : memref<128x64xf32, #tpu.memory_space<vmem>>[vector<16xi32>, vector<16xi32>], vector<16xf32>,
        %xor3A_737 = arith.constant 7 : i32
        %xor3A_738 = vector.broadcast %xor3A_737 : i32 to vector<16xi32>
        %xor3A_739 = arith.xori %add3A_12, %xor3A_738 : vector<16xi32>
        %xor3A_740 = arith.constant 7 : i32
        %xor3A_741 = vector.broadcast %xor3A_740 : i32 to vector<16xi32>
        %xor3A_742 = arith.xori %and3A_37, %xor3A_741 : vector<16xi32>
        %gather3A_743 = tpu.vector_load_idx %arg6[%add3A_314, %xor3A_739] : memref<128x64xf32, #tpu.memory_space<vmem>>[vector<16xi32>, vector<16xi32>], vector<16xf32>,
        %xor3A_744 = arith.constant 8 : i32
        %xor3A_745 = vector.broadcast %xor3A_744 : i32 to vector<16xi32>
        %xor3A_746 = arith.xori %add3A_12, %xor3A_745 : vector<16xi32>
        %xor3A_747 = arith.constant 1 : i32
        %xor3A_748 = vector.broadcast %xor3A_747 : i32 to vector<16xi32>
        %xor3A_749 = arith.xori %shift_right_arithmetic3A_35, %xor3A_748 : vector<16xi32>
        %gather3A_750 = tpu.vector_load_idx %arg6[%add3A_314, %xor3A_746] : memref<128x64xf32, #tpu.memory_space<vmem>>[vector<16xi32>, vector<16xi32>], vector<16xf32>,
        %xor3A_751 = arith.constant 9 : i32
        %xor3A_752 = vector.broadcast %xor3A_751 : i32 to vector<16xi32>
        %xor3A_753 = arith.xori %add3A_12, %xor3A_752 : vector<16xi32>
        %xor3A_754 = arith.constant 1 : i32
        %xor3A_755 = vector.broadcast %xor3A_754 : i32 to vector<16xi32>
        %xor3A_756 = arith.xori %shift_right_arithmetic3A_35, %xor3A_755 : vector<16xi32>
        %xor3A_757 = arith.constant 1 : i32
        %xor3A_758 = vector.broadcast %xor3A_757 : i32 to vector<16xi32>
        %xor3A_759 = arith.xori %and3A_37, %xor3A_758 : vector<16xi32>
        %gather3A_760 = tpu.vector_load_idx %arg6[%add3A_314, %xor3A_753] : memref<128x64xf32, #tpu.memory_space<vmem>>[vector<16xi32>, vector<16xi32>], vector<16xf32>,
        %xor3A_761 = arith.constant 10 : i32
        %xor3A_762 = vector.broadcast %xor3A_761 : i32 to vector<16xi32>
        %xor3A_763 = arith.xori %add3A_12, %xor3A_762 : vector<16xi32>
        %xor3A_764 = arith.constant 1 : i32
        %xor3A_765 = vector.broadcast %xor3A_764 : i32 to vector<16xi32>
        %xor3A_766 = arith.xori %shift_right_arithmetic3A_35, %xor3A_765 : vector<16xi32>
        %xor3A_767 = arith.constant 2 : i32
        %xor3A_768 = vector.broadcast %xor3A_767 : i32 to vector<16xi32>
        %xor3A_769 = arith.xori %and3A_37, %xor3A_768 : vector<16xi32>
        %gather3A_770 = tpu.vector_load_idx %arg6[%add3A_314, %xor3A_763] : memref<128x64xf32, #tpu.memory_space<vmem>>[vector<16xi32>, vector<16xi32>], vector<16xf32>,
        %xor3A_771 = arith.constant 11 : i32
        %xor3A_772 = vector.broadcast %xor3A_771 : i32 to vector<16xi32>
        %xor3A_773 = arith.xori %add3A_12, %xor3A_772 : vector<16xi32>
        %xor3A_774 = arith.constant 1 : i32
        %xor3A_775 = vector.broadcast %xor3A_774 : i32 to vector<16xi32>
        %xor3A_776 = arith.xori %shift_right_arithmetic3A_35, %xor3A_775 : vector<16xi32>
        %xor3A_777 = arith.constant 3 : i32
        %xor3A_778 = vector.broadcast %xor3A_777 : i32 to vector<16xi32>
        %xor3A_779 = arith.xori %and3A_37, %xor3A_778 : vector<16xi32>
        %gather3A_780 = tpu.vector_load_idx %arg6[%add3A_314, %xor3A_773] : memref<128x64xf32, #tpu.memory_space<vmem>>[vector<16xi32>, vector<16xi32>], vector<16xf32>,
        %xor3A_781 = arith.constant 12 : i32
        %xor3A_782 = vector.broadcast %xor3A_781 : i32 to vector<16xi32>
        %xor3A_783 = arith.xori %add3A_12, %xor3A_782 : vector<16xi32>
        %xor3A_784 = arith.constant 1 : i32
        %xor3A_785 = vector.broadcast %xor3A_784 : i32 to vector<16xi32>
        %xor3A_786 = arith.xori %shift_right_arithmetic3A_35, %xor3A_785 : vector<16xi32>
        %xor3A_787 = arith.constant 4 : i32
        %xor3A_788 = vector.broadcast %xor3A_787 : i32 to vector<16xi32>
        %xor3A_789 = arith.xori %and3A_37, %xor3A_788 : vector<16xi32>
        %gather3A_790 = tpu.vector_load_idx %arg6[%add3A_314, %xor3A_783] : memref<128x64xf32, #tpu.memory_space<vmem>>[vector<16xi32>, vector<16xi32>], vector<16xf32>,
        %xor3A_791 = arith.constant 13 : i32
        %xor3A_792 = vector.broadcast %xor3A_791 : i32 to vector<16xi32>
        %xor3A_793 = arith.xori %add3A_12, %xor3A_792 : vector<16xi32>
        %xor3A_794 = arith.constant 1 : i32
        %xor3A_795 = vector.broadcast %xor3A_794 : i32 to vector<16xi32>
        %xor3A_796 = arith.xori %shift_right_arithmetic3A_35, %xor3A_795 : vector<16xi32>
        %xor3A_797 = arith.constant 5 : i32
        %xor3A_798 = vector.broadcast %xor3A_797 : i32 to vector<16xi32>
        %xor3A_799 = arith.xori %and3A_37, %xor3A_798 : vector<16xi32>
        %gather3A_800 = tpu.vector_load_idx %arg6[%add3A_314, %xor3A_793] : memref<128x64xf32, #tpu.memory_space<vmem>>[vector<16xi32>, vector<16xi32>], vector<16xf32>,
        %xor3A_801 = arith.constant 14 : i32
        %xor3A_802 = vector.broadcast %xor3A_801 : i32 to vector<16xi32>
        %xor3A_803 = arith.xori %add3A_12, %xor3A_802 : vector<16xi32>
        %xor3A_804 = arith.constant 1 : i32
        %xor3A_805 = vector.broadcast %xor3A_804 : i32 to vector<16xi32>
        %xor3A_806 = arith.xori %shift_right_arithmetic3A_35, %xor3A_805 : vector<16xi32>
        %xor3A_807 = arith.constant 6 : i32
        %xor3A_808 = vector.broadcast %xor3A_807 : i32 to vector<16xi32>
        %xor3A_809 = arith.xori %and3A_37, %xor3A_808 : vector<16xi32>
        %gather3A_810 = tpu.vector_load_idx %arg6[%add3A_314, %xor3A_803] : memref<128x64xf32, #tpu.memory_space<vmem>>[vector<16xi32>, vector<16xi32>], vector<16xf32>,
        %xor3A_811 = arith.constant 15 : i32
        %xor3A_812 = vector.broadcast %xor3A_811 : i32 to vector<16xi32>
        %xor3A_813 = arith.xori %add3A_12, %xor3A_812 : vector<16xi32>
        %xor3A_814 = arith.constant 1 : i32
        %xor3A_815 = vector.broadcast %xor3A_814 : i32 to vector<16xi32>
        %xor3A_816 = arith.xori %shift_right_arithmetic3A_35, %xor3A_815 : vector<16xi32>
        %xor3A_817 = arith.constant 7 : i32
        %xor3A_818 = vector.broadcast %xor3A_817 : i32 to vector<16xi32>
        %xor3A_819 = arith.xori %and3A_37, %xor3A_818 : vector<16xi32>
        %gather3A_820 = tpu.vector_load_idx %arg6[%add3A_314, %xor3A_813] : memref<128x64xf32, #tpu.memory_space<vmem>>[vector<16xi32>, vector<16xi32>], vector<16xf32>,
        tpu.vector_store_idx %arg11[%shift_right_arithmetic3A_29, %and3A_37, %add3A_314], %gather3A_567 : memref<8x8x128xf32, #tpu.memory_space<vmem>>[vector<16xi32>, vector<16xi32>, vector<16xi32>], vector<16xf32>,
        tpu.vector_store_idx %arg11[%shift_right_arithmetic3A_29, %xor3A_573, %add3A_314], %gather3A_574 : memref<8x8x128xf32, #tpu.memory_space<vmem>>[vector<16xi32>, vector<16xi32>, vector<16xi32>], vector<16xf32>,
        tpu.vector_store_idx %arg11[%shift_right_arithmetic3A_29, %xor3A_580, %add3A_314], %gather3A_581 : memref<8x8x128xf32, #tpu.memory_space<vmem>>[vector<16xi32>, vector<16xi32>, vector<16xi32>], vector<16xf32>,
        tpu.vector_store_idx %arg11[%shift_right_arithmetic3A_29, %xor3A_587, %add3A_314], %gather3A_588 : memref<8x8x128xf32, #tpu.memory_space<vmem>>[vector<16xi32>, vector<16xi32>, vector<16xi32>], vector<16xf32>,
        tpu.vector_store_idx %arg11[%shift_right_arithmetic3A_29, %xor3A_594, %add3A_314], %gather3A_595 : memref<8x8x128xf32, #tpu.memory_space<vmem>>[vector<16xi32>, vector<16xi32>, vector<16xi32>], vector<16xf32>,
        tpu.vector_store_idx %arg11[%shift_right_arithmetic3A_29, %xor3A_601, %add3A_314], %gather3A_602 : memref<8x8x128xf32, #tpu.memory_space<vmem>>[vector<16xi32>, vector<16xi32>, vector<16xi32>], vector<16xf32>,
        tpu.vector_store_idx %arg11[%shift_right_arithmetic3A_29, %xor3A_608, %add3A_314], %gather3A_609 : memref<8x8x128xf32, #tpu.memory_space<vmem>>[vector<16xi32>, vector<16xi32>, vector<16xi32>], vector<16xf32>,
        tpu.vector_store_idx %arg11[%shift_right_arithmetic3A_29, %xor3A_615, %add3A_314], %gather3A_616 : memref<8x8x128xf32, #tpu.memory_space<vmem>>[vector<16xi32>, vector<16xi32>, vector<16xi32>], vector<16xf32>,
        tpu.vector_store_idx %arg11[%xor3A_622, %and3A_37, %add3A_314], %gather3A_623 : memref<8x8x128xf32, #tpu.memory_space<vmem>>[vector<16xi32>, vector<16xi32>, vector<16xi32>], vector<16xf32>,
        tpu.vector_store_idx %arg11[%xor3A_629, %xor3A_632, %add3A_314], %gather3A_633 : memref<8x8x128xf32, #tpu.memory_space<vmem>>[vector<16xi32>, vector<16xi32>, vector<16xi32>], vector<16xf32>,
        tpu.vector_store_idx %arg11[%xor3A_639, %xor3A_642, %add3A_314], %gather3A_643 : memref<8x8x128xf32, #tpu.memory_space<vmem>>[vector<16xi32>, vector<16xi32>, vector<16xi32>], vector<16xf32>,
        tpu.vector_store_idx %arg11[%xor3A_649, %xor3A_652, %add3A_314], %gather3A_653 : memref<8x8x128xf32, #tpu.memory_space<vmem>>[vector<16xi32>, vector<16xi32>, vector<16xi32>], vector<16xf32>,
        tpu.vector_store_idx %arg11[%xor3A_659, %xor3A_662, %add3A_314], %gather3A_663 : memref<8x8x128xf32, #tpu.memory_space<vmem>>[vector<16xi32>, vector<16xi32>, vector<16xi32>], vector<16xf32>,
        tpu.vector_store_idx %arg11[%xor3A_669, %xor3A_672, %add3A_314], %gather3A_673 : memref<8x8x128xf32, #tpu.memory_space<vmem>>[vector<16xi32>, vector<16xi32>, vector<16xi32>], vector<16xf32>,
        tpu.vector_store_idx %arg11[%xor3A_679, %xor3A_682, %add3A_314], %gather3A_683 : memref<8x8x128xf32, #tpu.memory_space<vmem>>[vector<16xi32>, vector<16xi32>, vector<16xi32>], vector<16xf32>,
        tpu.vector_store_idx %arg11[%xor3A_689, %xor3A_692, %add3A_314], %gather3A_693 : memref<8x8x128xf32, #tpu.memory_space<vmem>>[vector<16xi32>, vector<16xi32>, vector<16xi32>], vector<16xf32>,
        tpu.vector_store_idx %arg11[%shift_right_arithmetic3A_35, %and3A_37, %add3A_314], %gather3A_694 : memref<8x8x128xf32, #tpu.memory_space<vmem>>[vector<16xi32>, vector<16xi32>, vector<16xi32>], vector<16xf32>,
        tpu.vector_store_idx %arg11[%shift_right_arithmetic3A_35, %xor3A_700, %add3A_314], %gather3A_701 : memref<8x8x128xf32, #tpu.memory_space<vmem>>[vector<16xi32>, vector<16xi32>, vector<16xi32>], vector<16xf32>,
        tpu.vector_store_idx %arg11[%shift_right_arithmetic3A_35, %xor3A_707, %add3A_314], %gather3A_708 : memref<8x8x128xf32, #tpu.memory_space<vmem>>[vector<16xi32>, vector<16xi32>, vector<16xi32>], vector<16xf32>,
        tpu.vector_store_idx %arg11[%shift_right_arithmetic3A_35, %xor3A_714, %add3A_314], %gather3A_715 : memref<8x8x128xf32, #tpu.memory_space<vmem>>[vector<16xi32>, vector<16xi32>, vector<16xi32>], vector<16xf32>,
        tpu.vector_store_idx %arg11[%shift_right_arithmetic3A_35, %xor3A_721, %add3A_314], %gather3A_722 : memref<8x8x128xf32, #tpu.memory_space<vmem>>[vector<16xi32>, vector<16xi32>, vector<16xi32>], vector<16xf32>,
        tpu.vector_store_idx %arg11[%shift_right_arithmetic3A_35, %xor3A_728, %add3A_314], %gather3A_729 : memref<8x8x128xf32, #tpu.memory_space<vmem>>[vector<16xi32>, vector<16xi32>, vector<16xi32>], vector<16xf32>,
        tpu.vector_store_idx %arg11[%shift_right_arithmetic3A_35, %xor3A_735, %add3A_314], %gather3A_736 : memref<8x8x128xf32, #tpu.memory_space<vmem>>[vector<16xi32>, vector<16xi32>, vector<16xi32>], vector<16xf32>,
        tpu.vector_store_idx %arg11[%shift_right_arithmetic3A_35, %xor3A_742, %add3A_314], %gather3A_743 : memref<8x8x128xf32, #tpu.memory_space<vmem>>[vector<16xi32>, vector<16xi32>, vector<16xi32>], vector<16xf32>,
        tpu.vector_store_idx %arg11[%xor3A_749, %and3A_37, %add3A_314], %gather3A_750 : memref<8x8x128xf32, #tpu.memory_space<vmem>>[vector<16xi32>, vector<16xi32>, vector<16xi32>], vector<16xf32>,
        tpu.vector_store_idx %arg11[%xor3A_756, %xor3A_759, %add3A_314], %gather3A_760 : memref<8x8x128xf32, #tpu.memory_space<vmem>>[vector<16xi32>, vector<16xi32>, vector<16xi32>], vector<16xf32>,
        tpu.vector_store_idx %arg11[%xor3A_766, %xor3A_769, %add3A_314], %gather3A_770 : memref<8x8x128xf32, #tpu.memory_space<vmem>>[vector<16xi32>, vector<16xi32>, vector<16xi32>], vector<16xf32>,
        tpu.vector_store_idx %arg11[%xor3A_776, %xor3A_779, %add3A_314], %gather3A_780 : memref<8x8x128xf32, #tpu.memory_space<vmem>>[vector<16xi32>, vector<16xi32>, vector<16xi32>], vector<16xf32>,
        tpu.vector_store_idx %arg11[%xor3A_786, %xor3A_789, %add3A_314], %gather3A_790 : memref<8x8x128xf32, #tpu.memory_space<vmem>>[vector<16xi32>, vector<16xi32>, vector<16xi32>], vector<16xf32>,
        tpu.vector_store_idx %arg11[%xor3A_796, %xor3A_799, %add3A_314], %gather3A_800 : memref<8x8x128xf32, #tpu.memory_space<vmem>>[vector<16xi32>, vector<16xi32>, vector<16xi32>], vector<16xf32>,
        tpu.vector_store_idx %arg11[%xor3A_806, %xor3A_809, %add3A_314], %gather3A_810 : memref<8x8x128xf32, #tpu.memory_space<vmem>>[vector<16xi32>, vector<16xi32>, vector<16xi32>], vector<16xf32>,
        tpu.vector_store_idx %arg11[%xor3A_816, %xor3A_819, %add3A_314], %gather3A_820 : memref<8x8x128xf32, #tpu.memory_space<vmem>>[vector<16xi32>, vector<16xi32>, vector<16xi32>], vector<16xf32>,
      }
      %scan3A_149 = arith.constant 8 : i32
      %add3A_150 = arith.constant 5 : i32
      %add3A_151 = arith.addi %add3A_135, %add3A_150 : i32
      %lt3A = arith.constant 200 : i32
      %lt3A_152 = arith.cmpi slt, %add3A_151, %lt3A : i32
      %convert_element_type3A_153 = arith.extui %lt3A_152 : i1 to i32
      %cond3A_154 = arith.constant 0 : i32
      %cond3A_155 = arith.cmpi ne, %convert_element_type3A_153, %cond3A_154 : i32
      scf.if %cond3A_155 {
        %add3A_310 = arith.constant 5 : i32
        %add3A_311 = arith.addi %add3A_135, %add3A_310 : i32
        %dma_start3A_312 = arith.constant 0 : i32
        %dma_start3A_313 = tpu.memref_slice %arg5[%add3A_311, %dma_start3A_312] : memref<200x128xi32, #tpu.memory_space<vmem>> -> memref<1x128xi32, #tpu.memory_space<vmem>>
        %dma_start3A_314 = tpu.memref_squeeze %dma_start3A_313 : memref<1x128xi32, #tpu.memory_space<vmem>> -> memref<128xi32, #tpu.memory_space<vmem>>
        %dma_start3A_315 = arith.constant 0 : i32
        %dma_start3A_316 = arith.constant 0 : i32
        %dma_start3A_317 = tpu.memref_slice %arg3[%dma_start3A_315, %dma_start3A_316] : memref<8192x64xf32, #tpu.memory_space<hbm>> -> memref<8192x64xf32, #tpu.memory_space<hbm>>
        tpu.enqueue_indirect_dma source(%dma_start3A_317 : memref<8192x64xf32, #tpu.memory_space<hbm>>) target(%arg6 : memref<128x64xf32, #tpu.memory_space<vmem>>) offsets(%dma_start3A_314 : memref<128xi32, #tpu.memory_space<vmem>>) semaphore(%arg16 : memref<!tpu.dma_semaphore, #tpu.memory_space<semaphore_mem>>)
      } else {
      }
      %dma_start3A_156 = arith.constant 0 : i32
      %dma_start3A_157 = arith.constant 0 : i32
      %dma_start3A_158 = arith.constant 0 : i32
      %dma_start3A_159 = tpu.memref_slice %arg4[%add3A_135, %dma_start3A_156, %add3A, %dma_start3A_157, %dma_start3A_158] : memref<200x8x32x8x128xf32, #tpu.memory_space<hbm>> -> memref<1x8x1x8x128xf32, #tpu.memory_space<hbm>>
      %dma_start3A_160 = tpu.memref_squeeze %dma_start3A_159 : memref<1x8x1x8x128xf32, #tpu.memory_space<hbm>> -> memref<8x8x128xf32, #tpu.memory_space<hbm>>
      %dma_start3A_161 = arith.constant 0 : i32
      %dma_start3A_162 = arith.constant 0 : i32
      %dma_start3A_163 = arith.constant 0 : i32
      %dma_start3A_164 = tpu.memref_slice %arg4[%add3A_135, %dma_start3A_161, %add3A, %dma_start3A_162, %dma_start3A_163] : memref<200x8x32x8x128xf32, #tpu.memory_space<hbm>> -> memref<1x8x1x8x128xf32, #tpu.memory_space<hbm>>
      %dma_start3A_165 = tpu.memref_squeeze %dma_start3A_164 : memref<1x8x1x8x128xf32, #tpu.memory_space<hbm>> -> memref<8x8x128xf32, #tpu.memory_space<hbm>>
      tpu.enqueue_dma source(%arg11 : memref<8x8x128xf32, #tpu.memory_space<vmem>>) target(%dma_start3A_165 : memref<8x8x128xf32, #tpu.memory_space<hbm>>) target_semaphore(%arg21 : memref<!tpu.dma_semaphore, #tpu.memory_space<semaphore_mem>>)
      %add3A_166 = arith.constant 1 : i32
      %add3A_167 = arith.addi %mul3A_133, %add3A_166 : i32
      %dma_wait3A_168 = arith.constant 0 : i32
      %dma_wait3A_169 = tpu.memref_slice %arg5[%add3A_167, %dma_wait3A_168] : memref<200x128xi32, #tpu.memory_space<vmem>> -> memref<1x128xi32, #tpu.memory_space<vmem>>
      %dma_wait3A_170 = tpu.memref_squeeze %dma_wait3A_169 : memref<1x128xi32, #tpu.memory_space<vmem>> -> memref<128xi32, #tpu.memory_space<vmem>>
      %dma_wait3A_171 = arith.constant 0 : i32
      %dma_wait3A_172 = arith.constant 0 : i32
      %dma_wait3A_173 = tpu.memref_slice %arg3[%dma_wait3A_171, %dma_wait3A_172] : memref<8192x64xf32, #tpu.memory_space<hbm>> -> memref<8192x64xf32, #tpu.memory_space<hbm>>
      tpu.wait_indirect_dma semaphore(%arg17 : memref<!tpu.dma_semaphore, #tpu.memory_space<semaphore_mem>>) src(%dma_wait3A_173 : memref<8192x64xf32, #tpu.memory_space<hbm>>) dst(%arg7 : memref<128x64xf32, #tpu.memory_space<vmem>>)
      %ge3A_174 = arith.constant 5 : i32
      %ge3A_175 = arith.cmpi sge, %add3A_167, %ge3A_174 : i32
      %convert_element_type3A_176 = arith.extui %ge3A_175 : i1 to i32
      %cond3A_177 = arith.constant 0 : i32
      %cond3A_178 = arith.cmpi ne, %convert_element_type3A_176, %cond3A_177 : i32
      scf.if %cond3A_178 {
        %sub3A = arith.constant 5 : i32
        %sub3A_310 = arith.subi %add3A_167, %sub3A : i32
        %dma_wait3A_311 = arith.constant 0 : i32
        %dma_wait3A_312 = arith.constant 0 : i32
        %dma_wait3A_313 = arith.constant 0 : i32
        %dma_wait3A_314 = tpu.memref_slice %arg4[%sub3A_310, %dma_wait3A_311, %add3A, %dma_wait3A_312, %dma_wait3A_313] : memref<200x8x32x8x128xf32, #tpu.memory_space<hbm>> -> memref<1x8x1x8x128xf32, #tpu.memory_space<hbm>>
        %dma_wait3A_315 = tpu.memref_squeeze %dma_wait3A_314 : memref<1x8x1x8x128xf32, #tpu.memory_space<hbm>> -> memref<8x8x128xf32, #tpu.memory_space<hbm>>
        %dma_wait3A_316 = arith.constant 0 : i32
        %dma_wait3A_317 = arith.constant 0 : i32
        %dma_wait3A_318 = arith.constant 0 : i32
        %dma_wait3A_319 = tpu.memref_slice %arg4[%sub3A_310, %dma_wait3A_316, %add3A, %dma_wait3A_317, %dma_wait3A_318] : memref<200x8x32x8x128xf32, #tpu.memory_space<hbm>> -> memref<1x8x1x8x128xf32, #tpu.memory_space<hbm>>
        %dma_wait3A_320 = tpu.memref_squeeze %dma_wait3A_319 : memref<1x8x1x8x128xf32, #tpu.memory_space<hbm>> -> memref<8x8x128xf32, #tpu.memory_space<hbm>>
        tpu.wait_dma2 semaphore(%arg22 : memref<!tpu.dma_semaphore, #tpu.memory_space<semaphore_mem>>) src(%arg12 : memref<8x8x128xf32, #tpu.memory_space<vmem>>) dst(%dma_wait3A_320 : memref<8x8x128xf32, #tpu.memory_space<hbm>>)
      } else {
      }
      %scan3A_179 = arith.constant 0 : i32
      %scan3A_180 = arith.constant 0 : i32
      %scan3A_181 = arith.constant 8 : i32
      %scan3A_182 = arith.addi %scan3A_180, %scan3A_181 : i32
      %scan3A_183 = arith.constant 1 : i32
      scf.for %scan3A_310 = %scan3A_180 to %scan3A_182 step %scan3A_183  : i32 {
        %mul3A_311 = arith.constant 16 : i32
        %mul3A_312 = arith.muli %scan3A_310, %mul3A_311 : i32
        %add3A_313 = vector.broadcast %mul3A_312 : i32 to vector<16xi32>
        %add3A_314 = arith.addi %add3A_313, %iota3A : vector<16xi32>
        %gather3A = tpu.vector_load_idx %arg7[%add3A_314, %add3A_3] : memref<128x64xf32, #tpu.memory_space<vmem>>[vector<16xi32>, vector<16xi32>], vector<16xf32>,
        %xor3A = arith.constant 1 : i32
        %xor3A_315 = vector.broadcast %xor3A : i32 to vector<16xi32>
        %xor3A_316 = arith.xori %add3A_3, %xor3A_315 : vector<16xi32>
        %xor3A_317 = arith.constant 1 : i32
        %xor3A_318 = vector.broadcast %xor3A_317 : i32 to vector<16xi32>
        %xor3A_319 = arith.xori %and3A_37, %xor3A_318 : vector<16xi32>
        %gather3A_320 = tpu.vector_load_idx %arg7[%add3A_314, %xor3A_316] : memref<128x64xf32, #tpu.memory_space<vmem>>[vector<16xi32>, vector<16xi32>], vector<16xf32>,
        %xor3A_321 = arith.constant 2 : i32
        %xor3A_322 = vector.broadcast %xor3A_321 : i32 to vector<16xi32>
        %xor3A_323 = arith.xori %add3A_3, %xor3A_322 : vector<16xi32>
        %xor3A_324 = arith.constant 2 : i32
        %xor3A_325 = vector.broadcast %xor3A_324 : i32 to vector<16xi32>
        %xor3A_326 = arith.xori %and3A_37, %xor3A_325 : vector<16xi32>
        %gather3A_327 = tpu.vector_load_idx %arg7[%add3A_314, %xor3A_323] : memref<128x64xf32, #tpu.memory_space<vmem>>[vector<16xi32>, vector<16xi32>], vector<16xf32>,
        %xor3A_328 = arith.constant 3 : i32
        %xor3A_329 = vector.broadcast %xor3A_328 : i32 to vector<16xi32>
        %xor3A_330 = arith.xori %add3A_3, %xor3A_329 : vector<16xi32>
        %xor3A_331 = arith.constant 3 : i32
        %xor3A_332 = vector.broadcast %xor3A_331 : i32 to vector<16xi32>
        %xor3A_333 = arith.xori %and3A_37, %xor3A_332 : vector<16xi32>
        %gather3A_334 = tpu.vector_load_idx %arg7[%add3A_314, %xor3A_330] : memref<128x64xf32, #tpu.memory_space<vmem>>[vector<16xi32>, vector<16xi32>], vector<16xf32>,
        %xor3A_335 = arith.constant 4 : i32
        %xor3A_336 = vector.broadcast %xor3A_335 : i32 to vector<16xi32>
        %xor3A_337 = arith.xori %add3A_3, %xor3A_336 : vector<16xi32>
        %xor3A_338 = arith.constant 4 : i32
        %xor3A_339 = vector.broadcast %xor3A_338 : i32 to vector<16xi32>
        %xor3A_340 = arith.xori %and3A_37, %xor3A_339 : vector<16xi32>
        %gather3A_341 = tpu.vector_load_idx %arg7[%add3A_314, %xor3A_337] : memref<128x64xf32, #tpu.memory_space<vmem>>[vector<16xi32>, vector<16xi32>], vector<16xf32>,
        %xor3A_342 = arith.constant 5 : i32
        %xor3A_343 = vector.broadcast %xor3A_342 : i32 to vector<16xi32>
        %xor3A_344 = arith.xori %add3A_3, %xor3A_343 : vector<16xi32>
        %xor3A_345 = arith.constant 5 : i32
        %xor3A_346 = vector.broadcast %xor3A_345 : i32 to vector<16xi32>
        %xor3A_347 = arith.xori %and3A_37, %xor3A_346 : vector<16xi32>
        %gather3A_348 = tpu.vector_load_idx %arg7[%add3A_314, %xor3A_344] : memref<128x64xf32, #tpu.memory_space<vmem>>[vector<16xi32>, vector<16xi32>], vector<16xf32>,
        %xor3A_349 = arith.constant 6 : i32
        %xor3A_350 = vector.broadcast %xor3A_349 : i32 to vector<16xi32>
        %xor3A_351 = arith.xori %add3A_3, %xor3A_350 : vector<16xi32>
        %xor3A_352 = arith.constant 6 : i32
        %xor3A_353 = vector.broadcast %xor3A_352 : i32 to vector<16xi32>
        %xor3A_354 = arith.xori %and3A_37, %xor3A_353 : vector<16xi32>
        %gather3A_355 = tpu.vector_load_idx %arg7[%add3A_314, %xor3A_351] : memref<128x64xf32, #tpu.memory_space<vmem>>[vector<16xi32>, vector<16xi32>], vector<16xf32>,
        %xor3A_356 = arith.constant 7 : i32
        %xor3A_357 = vector.broadcast %xor3A_356 : i32 to vector<16xi32>
        %xor3A_358 = arith.xori %add3A_3, %xor3A_357 : vector<16xi32>
        %xor3A_359 = arith.constant 7 : i32
        %xor3A_360 = vector.broadcast %xor3A_359 : i32 to vector<16xi32>
        %xor3A_361 = arith.xori %and3A_37, %xor3A_360 : vector<16xi32>
        %gather3A_362 = tpu.vector_load_idx %arg7[%add3A_314, %xor3A_358] : memref<128x64xf32, #tpu.memory_space<vmem>>[vector<16xi32>, vector<16xi32>], vector<16xf32>,
        %xor3A_363 = arith.constant 8 : i32
        %xor3A_364 = vector.broadcast %xor3A_363 : i32 to vector<16xi32>
        %xor3A_365 = arith.xori %add3A_3, %xor3A_364 : vector<16xi32>
        %xor3A_366 = arith.constant 1 : i32
        %xor3A_367 = vector.broadcast %xor3A_366 : i32 to vector<16xi32>
        %xor3A_368 = arith.xori %shift_right_arithmetic3A_17, %xor3A_367 : vector<16xi32>
        %gather3A_369 = tpu.vector_load_idx %arg7[%add3A_314, %xor3A_365] : memref<128x64xf32, #tpu.memory_space<vmem>>[vector<16xi32>, vector<16xi32>], vector<16xf32>,
        %xor3A_370 = arith.constant 9 : i32
        %xor3A_371 = vector.broadcast %xor3A_370 : i32 to vector<16xi32>
        %xor3A_372 = arith.xori %add3A_3, %xor3A_371 : vector<16xi32>
        %xor3A_373 = arith.constant 1 : i32
        %xor3A_374 = vector.broadcast %xor3A_373 : i32 to vector<16xi32>
        %xor3A_375 = arith.xori %shift_right_arithmetic3A_17, %xor3A_374 : vector<16xi32>
        %xor3A_376 = arith.constant 1 : i32
        %xor3A_377 = vector.broadcast %xor3A_376 : i32 to vector<16xi32>
        %xor3A_378 = arith.xori %and3A_37, %xor3A_377 : vector<16xi32>
        %gather3A_379 = tpu.vector_load_idx %arg7[%add3A_314, %xor3A_372] : memref<128x64xf32, #tpu.memory_space<vmem>>[vector<16xi32>, vector<16xi32>], vector<16xf32>,
        %xor3A_380 = arith.constant 10 : i32
        %xor3A_381 = vector.broadcast %xor3A_380 : i32 to vector<16xi32>
        %xor3A_382 = arith.xori %add3A_3, %xor3A_381 : vector<16xi32>
        %xor3A_383 = arith.constant 1 : i32
        %xor3A_384 = vector.broadcast %xor3A_383 : i32 to vector<16xi32>
        %xor3A_385 = arith.xori %shift_right_arithmetic3A_17, %xor3A_384 : vector<16xi32>
        %xor3A_386 = arith.constant 2 : i32
        %xor3A_387 = vector.broadcast %xor3A_386 : i32 to vector<16xi32>
        %xor3A_388 = arith.xori %and3A_37, %xor3A_387 : vector<16xi32>
        %gather3A_389 = tpu.vector_load_idx %arg7[%add3A_314, %xor3A_382] : memref<128x64xf32, #tpu.memory_space<vmem>>[vector<16xi32>, vector<16xi32>], vector<16xf32>,
        %xor3A_390 = arith.constant 11 : i32
        %xor3A_391 = vector.broadcast %xor3A_390 : i32 to vector<16xi32>
        %xor3A_392 = arith.xori %add3A_3, %xor3A_391 : vector<16xi32>
        %xor3A_393 = arith.constant 1 : i32
        %xor3A_394 = vector.broadcast %xor3A_393 : i32 to vector<16xi32>
        %xor3A_395 = arith.xori %shift_right_arithmetic3A_17, %xor3A_394 : vector<16xi32>
        %xor3A_396 = arith.constant 3 : i32
        %xor3A_397 = vector.broadcast %xor3A_396 : i32 to vector<16xi32>
        %xor3A_398 = arith.xori %and3A_37, %xor3A_397 : vector<16xi32>
        %gather3A_399 = tpu.vector_load_idx %arg7[%add3A_314, %xor3A_392] : memref<128x64xf32, #tpu.memory_space<vmem>>[vector<16xi32>, vector<16xi32>], vector<16xf32>,
        %xor3A_400 = arith.constant 12 : i32
        %xor3A_401 = vector.broadcast %xor3A_400 : i32 to vector<16xi32>
        %xor3A_402 = arith.xori %add3A_3, %xor3A_401 : vector<16xi32>
        %xor3A_403 = arith.constant 1 : i32
        %xor3A_404 = vector.broadcast %xor3A_403 : i32 to vector<16xi32>
        %xor3A_405 = arith.xori %shift_right_arithmetic3A_17, %xor3A_404 : vector<16xi32>
        %xor3A_406 = arith.constant 4 : i32
        %xor3A_407 = vector.broadcast %xor3A_406 : i32 to vector<16xi32>
        %xor3A_408 = arith.xori %and3A_37, %xor3A_407 : vector<16xi32>
        %gather3A_409 = tpu.vector_load_idx %arg7[%add3A_314, %xor3A_402] : memref<128x64xf32, #tpu.memory_space<vmem>>[vector<16xi32>, vector<16xi32>], vector<16xf32>,
        %xor3A_410 = arith.constant 13 : i32
        %xor3A_411 = vector.broadcast %xor3A_410 : i32 to vector<16xi32>
        %xor3A_412 = arith.xori %add3A_3, %xor3A_411 : vector<16xi32>
        %xor3A_413 = arith.constant 1 : i32
        %xor3A_414 = vector.broadcast %xor3A_413 : i32 to vector<16xi32>
        %xor3A_415 = arith.xori %shift_right_arithmetic3A_17, %xor3A_414 : vector<16xi32>
        %xor3A_416 = arith.constant 5 : i32
        %xor3A_417 = vector.broadcast %xor3A_416 : i32 to vector<16xi32>
        %xor3A_418 = arith.xori %and3A_37, %xor3A_417 : vector<16xi32>
        %gather3A_419 = tpu.vector_load_idx %arg7[%add3A_314, %xor3A_412] : memref<128x64xf32, #tpu.memory_space<vmem>>[vector<16xi32>, vector<16xi32>], vector<16xf32>,
        %xor3A_420 = arith.constant 14 : i32
        %xor3A_421 = vector.broadcast %xor3A_420 : i32 to vector<16xi32>
        %xor3A_422 = arith.xori %add3A_3, %xor3A_421 : vector<16xi32>
        %xor3A_423 = arith.constant 1 : i32
        %xor3A_424 = vector.broadcast %xor3A_423 : i32 to vector<16xi32>
        %xor3A_425 = arith.xori %shift_right_arithmetic3A_17, %xor3A_424 : vector<16xi32>
        %xor3A_426 = arith.constant 6 : i32
        %xor3A_427 = vector.broadcast %xor3A_426 : i32 to vector<16xi32>
        %xor3A_428 = arith.xori %and3A_37, %xor3A_427 : vector<16xi32>
        %gather3A_429 = tpu.vector_load_idx %arg7[%add3A_314, %xor3A_422] : memref<128x64xf32, #tpu.memory_space<vmem>>[vector<16xi32>, vector<16xi32>], vector<16xf32>,
        %xor3A_430 = arith.constant 15 : i32
        %xor3A_431 = vector.broadcast %xor3A_430 : i32 to vector<16xi32>
        %xor3A_432 = arith.xori %add3A_3, %xor3A_431 : vector<16xi32>
        %xor3A_433 = arith.constant 1 : i32
        %xor3A_434 = vector.broadcast %xor3A_433 : i32 to vector<16xi32>
        %xor3A_435 = arith.xori %shift_right_arithmetic3A_17, %xor3A_434 : vector<16xi32>
        %xor3A_436 = arith.constant 7 : i32
        %xor3A_437 = vector.broadcast %xor3A_436 : i32 to vector<16xi32>
        %xor3A_438 = arith.xori %and3A_37, %xor3A_437 : vector<16xi32>
        %gather3A_439 = tpu.vector_load_idx %arg7[%add3A_314, %xor3A_432] : memref<128x64xf32, #tpu.memory_space<vmem>>[vector<16xi32>, vector<16xi32>], vector<16xf32>,
        %gather3A_440 = tpu.vector_load_idx %arg7[%add3A_314, %add3A_6] : memref<128x64xf32, #tpu.memory_space<vmem>>[vector<16xi32>, vector<16xi32>], vector<16xf32>,
        %xor3A_441 = arith.constant 1 : i32
        %xor3A_442 = vector.broadcast %xor3A_441 : i32 to vector<16xi32>
        %xor3A_443 = arith.xori %add3A_6, %xor3A_442 : vector<16xi32>
        %xor3A_444 = arith.constant 1 : i32
        %xor3A_445 = vector.broadcast %xor3A_444 : i32 to vector<16xi32>
        %xor3A_446 = arith.xori %and3A_37, %xor3A_445 : vector<16xi32>
        %gather3A_447 = tpu.vector_load_idx %arg7[%add3A_314, %xor3A_443] : memref<128x64xf32, #tpu.memory_space<vmem>>[vector<16xi32>, vector<16xi32>], vector<16xf32>,
        %xor3A_448 = arith.constant 2 : i32
        %xor3A_449 = vector.broadcast %xor3A_448 : i32 to vector<16xi32>
        %xor3A_450 = arith.xori %add3A_6, %xor3A_449 : vector<16xi32>
        %xor3A_451 = arith.constant 2 : i32
        %xor3A_452 = vector.broadcast %xor3A_451 : i32 to vector<16xi32>
        %xor3A_453 = arith.xori %and3A_37, %xor3A_452 : vector<16xi32>
        %gather3A_454 = tpu.vector_load_idx %arg7[%add3A_314, %xor3A_450] : memref<128x64xf32, #tpu.memory_space<vmem>>[vector<16xi32>, vector<16xi32>], vector<16xf32>,
        %xor3A_455 = arith.constant 3 : i32
        %xor3A_456 = vector.broadcast %xor3A_455 : i32 to vector<16xi32>
        %xor3A_457 = arith.xori %add3A_6, %xor3A_456 : vector<16xi32>
        %xor3A_458 = arith.constant 3 : i32
        %xor3A_459 = vector.broadcast %xor3A_458 : i32 to vector<16xi32>
        %xor3A_460 = arith.xori %and3A_37, %xor3A_459 : vector<16xi32>
        %gather3A_461 = tpu.vector_load_idx %arg7[%add3A_314, %xor3A_457] : memref<128x64xf32, #tpu.memory_space<vmem>>[vector<16xi32>, vector<16xi32>], vector<16xf32>,
        %xor3A_462 = arith.constant 4 : i32
        %xor3A_463 = vector.broadcast %xor3A_462 : i32 to vector<16xi32>
        %xor3A_464 = arith.xori %add3A_6, %xor3A_463 : vector<16xi32>
        %xor3A_465 = arith.constant 4 : i32
        %xor3A_466 = vector.broadcast %xor3A_465 : i32 to vector<16xi32>
        %xor3A_467 = arith.xori %and3A_37, %xor3A_466 : vector<16xi32>
        %gather3A_468 = tpu.vector_load_idx %arg7[%add3A_314, %xor3A_464] : memref<128x64xf32, #tpu.memory_space<vmem>>[vector<16xi32>, vector<16xi32>], vector<16xf32>,
        %xor3A_469 = arith.constant 5 : i32
        %xor3A_470 = vector.broadcast %xor3A_469 : i32 to vector<16xi32>
        %xor3A_471 = arith.xori %add3A_6, %xor3A_470 : vector<16xi32>
        %xor3A_472 = arith.constant 5 : i32
        %xor3A_473 = vector.broadcast %xor3A_472 : i32 to vector<16xi32>
        %xor3A_474 = arith.xori %and3A_37, %xor3A_473 : vector<16xi32>
        %gather3A_475 = tpu.vector_load_idx %arg7[%add3A_314, %xor3A_471] : memref<128x64xf32, #tpu.memory_space<vmem>>[vector<16xi32>, vector<16xi32>], vector<16xf32>,
        %xor3A_476 = arith.constant 6 : i32
        %xor3A_477 = vector.broadcast %xor3A_476 : i32 to vector<16xi32>
        %xor3A_478 = arith.xori %add3A_6, %xor3A_477 : vector<16xi32>
        %xor3A_479 = arith.constant 6 : i32
        %xor3A_480 = vector.broadcast %xor3A_479 : i32 to vector<16xi32>
        %xor3A_481 = arith.xori %and3A_37, %xor3A_480 : vector<16xi32>
        %gather3A_482 = tpu.vector_load_idx %arg7[%add3A_314, %xor3A_478] : memref<128x64xf32, #tpu.memory_space<vmem>>[vector<16xi32>, vector<16xi32>], vector<16xf32>,
        %xor3A_483 = arith.constant 7 : i32
        %xor3A_484 = vector.broadcast %xor3A_483 : i32 to vector<16xi32>
        %xor3A_485 = arith.xori %add3A_6, %xor3A_484 : vector<16xi32>
        %xor3A_486 = arith.constant 7 : i32
        %xor3A_487 = vector.broadcast %xor3A_486 : i32 to vector<16xi32>
        %xor3A_488 = arith.xori %and3A_37, %xor3A_487 : vector<16xi32>
        %gather3A_489 = tpu.vector_load_idx %arg7[%add3A_314, %xor3A_485] : memref<128x64xf32, #tpu.memory_space<vmem>>[vector<16xi32>, vector<16xi32>], vector<16xf32>,
        %xor3A_490 = arith.constant 8 : i32
        %xor3A_491 = vector.broadcast %xor3A_490 : i32 to vector<16xi32>
        %xor3A_492 = arith.xori %add3A_6, %xor3A_491 : vector<16xi32>
        %xor3A_493 = arith.constant 1 : i32
        %xor3A_494 = vector.broadcast %xor3A_493 : i32 to vector<16xi32>
        %xor3A_495 = arith.xori %shift_right_arithmetic3A_23, %xor3A_494 : vector<16xi32>
        %gather3A_496 = tpu.vector_load_idx %arg7[%add3A_314, %xor3A_492] : memref<128x64xf32, #tpu.memory_space<vmem>>[vector<16xi32>, vector<16xi32>], vector<16xf32>,
        %xor3A_497 = arith.constant 9 : i32
        %xor3A_498 = vector.broadcast %xor3A_497 : i32 to vector<16xi32>
        %xor3A_499 = arith.xori %add3A_6, %xor3A_498 : vector<16xi32>
        %xor3A_500 = arith.constant 1 : i32
        %xor3A_501 = vector.broadcast %xor3A_500 : i32 to vector<16xi32>
        %xor3A_502 = arith.xori %shift_right_arithmetic3A_23, %xor3A_501 : vector<16xi32>
        %xor3A_503 = arith.constant 1 : i32
        %xor3A_504 = vector.broadcast %xor3A_503 : i32 to vector<16xi32>
        %xor3A_505 = arith.xori %and3A_37, %xor3A_504 : vector<16xi32>
        %gather3A_506 = tpu.vector_load_idx %arg7[%add3A_314, %xor3A_499] : memref<128x64xf32, #tpu.memory_space<vmem>>[vector<16xi32>, vector<16xi32>], vector<16xf32>,
        %xor3A_507 = arith.constant 10 : i32
        %xor3A_508 = vector.broadcast %xor3A_507 : i32 to vector<16xi32>
        %xor3A_509 = arith.xori %add3A_6, %xor3A_508 : vector<16xi32>
        %xor3A_510 = arith.constant 1 : i32
        %xor3A_511 = vector.broadcast %xor3A_510 : i32 to vector<16xi32>
        %xor3A_512 = arith.xori %shift_right_arithmetic3A_23, %xor3A_511 : vector<16xi32>
        %xor3A_513 = arith.constant 2 : i32
        %xor3A_514 = vector.broadcast %xor3A_513 : i32 to vector<16xi32>
        %xor3A_515 = arith.xori %and3A_37, %xor3A_514 : vector<16xi32>
        %gather3A_516 = tpu.vector_load_idx %arg7[%add3A_314, %xor3A_509] : memref<128x64xf32, #tpu.memory_space<vmem>>[vector<16xi32>, vector<16xi32>], vector<16xf32>,
        %xor3A_517 = arith.constant 11 : i32
        %xor3A_518 = vector.broadcast %xor3A_517 : i32 to vector<16xi32>
        %xor3A_519 = arith.xori %add3A_6, %xor3A_518 : vector<16xi32>
        %xor3A_520 = arith.constant 1 : i32
        %xor3A_521 = vector.broadcast %xor3A_520 : i32 to vector<16xi32>
        %xor3A_522 = arith.xori %shift_right_arithmetic3A_23, %xor3A_521 : vector<16xi32>
        %xor3A_523 = arith.constant 3 : i32
        %xor3A_524 = vector.broadcast %xor3A_523 : i32 to vector<16xi32>
        %xor3A_525 = arith.xori %and3A_37, %xor3A_524 : vector<16xi32>
        %gather3A_526 = tpu.vector_load_idx %arg7[%add3A_314, %xor3A_519] : memref<128x64xf32, #tpu.memory_space<vmem>>[vector<16xi32>, vector<16xi32>], vector<16xf32>,
        %xor3A_527 = arith.constant 12 : i32
        %xor3A_528 = vector.broadcast %xor3A_527 : i32 to vector<16xi32>
        %xor3A_529 = arith.xori %add3A_6, %xor3A_528 : vector<16xi32>
        %xor3A_530 = arith.constant 1 : i32
        %xor3A_531 = vector.broadcast %xor3A_530 : i32 to vector<16xi32>
        %xor3A_532 = arith.xori %shift_right_arithmetic3A_23, %xor3A_531 : vector<16xi32>
        %xor3A_533 = arith.constant 4 : i32
        %xor3A_534 = vector.broadcast %xor3A_533 : i32 to vector<16xi32>
        %xor3A_535 = arith.xori %and3A_37, %xor3A_534 : vector<16xi32>
        %gather3A_536 = tpu.vector_load_idx %arg7[%add3A_314, %xor3A_529] : memref<128x64xf32, #tpu.memory_space<vmem>>[vector<16xi32>, vector<16xi32>], vector<16xf32>,
        %xor3A_537 = arith.constant 13 : i32
        %xor3A_538 = vector.broadcast %xor3A_537 : i32 to vector<16xi32>
        %xor3A_539 = arith.xori %add3A_6, %xor3A_538 : vector<16xi32>
        %xor3A_540 = arith.constant 1 : i32
        %xor3A_541 = vector.broadcast %xor3A_540 : i32 to vector<16xi32>
        %xor3A_542 = arith.xori %shift_right_arithmetic3A_23, %xor3A_541 : vector<16xi32>
        %xor3A_543 = arith.constant 5 : i32
        %xor3A_544 = vector.broadcast %xor3A_543 : i32 to vector<16xi32>
        %xor3A_545 = arith.xori %and3A_37, %xor3A_544 : vector<16xi32>
        %gather3A_546 = tpu.vector_load_idx %arg7[%add3A_314, %xor3A_539] : memref<128x64xf32, #tpu.memory_space<vmem>>[vector<16xi32>, vector<16xi32>], vector<16xf32>,
        %xor3A_547 = arith.constant 14 : i32
        %xor3A_548 = vector.broadcast %xor3A_547 : i32 to vector<16xi32>
        %xor3A_549 = arith.xori %add3A_6, %xor3A_548 : vector<16xi32>
        %xor3A_550 = arith.constant 1 : i32
        %xor3A_551 = vector.broadcast %xor3A_550 : i32 to vector<16xi32>
        %xor3A_552 = arith.xori %shift_right_arithmetic3A_23, %xor3A_551 : vector<16xi32>
        %xor3A_553 = arith.constant 6 : i32
        %xor3A_554 = vector.broadcast %xor3A_553 : i32 to vector<16xi32>
        %xor3A_555 = arith.xori %and3A_37, %xor3A_554 : vector<16xi32>
        %gather3A_556 = tpu.vector_load_idx %arg7[%add3A_314, %xor3A_549] : memref<128x64xf32, #tpu.memory_space<vmem>>[vector<16xi32>, vector<16xi32>], vector<16xf32>,
        %xor3A_557 = arith.constant 15 : i32
        %xor3A_558 = vector.broadcast %xor3A_557 : i32 to vector<16xi32>
        %xor3A_559 = arith.xori %add3A_6, %xor3A_558 : vector<16xi32>
        %xor3A_560 = arith.constant 1 : i32
        %xor3A_561 = vector.broadcast %xor3A_560 : i32 to vector<16xi32>
        %xor3A_562 = arith.xori %shift_right_arithmetic3A_23, %xor3A_561 : vector<16xi32>
        %xor3A_563 = arith.constant 7 : i32
        %xor3A_564 = vector.broadcast %xor3A_563 : i32 to vector<16xi32>
        %xor3A_565 = arith.xori %and3A_37, %xor3A_564 : vector<16xi32>
        %gather3A_566 = tpu.vector_load_idx %arg7[%add3A_314, %xor3A_559] : memref<128x64xf32, #tpu.memory_space<vmem>>[vector<16xi32>, vector<16xi32>], vector<16xf32>,
        tpu.vector_store_idx %arg12[%shift_right_arithmetic3A_17, %and3A_37, %add3A_314], %gather3A : memref<8x8x128xf32, #tpu.memory_space<vmem>>[vector<16xi32>, vector<16xi32>, vector<16xi32>], vector<16xf32>,
        tpu.vector_store_idx %arg12[%shift_right_arithmetic3A_17, %xor3A_319, %add3A_314], %gather3A_320 : memref<8x8x128xf32, #tpu.memory_space<vmem>>[vector<16xi32>, vector<16xi32>, vector<16xi32>], vector<16xf32>,
        tpu.vector_store_idx %arg12[%shift_right_arithmetic3A_17, %xor3A_326, %add3A_314], %gather3A_327 : memref<8x8x128xf32, #tpu.memory_space<vmem>>[vector<16xi32>, vector<16xi32>, vector<16xi32>], vector<16xf32>,
        tpu.vector_store_idx %arg12[%shift_right_arithmetic3A_17, %xor3A_333, %add3A_314], %gather3A_334 : memref<8x8x128xf32, #tpu.memory_space<vmem>>[vector<16xi32>, vector<16xi32>, vector<16xi32>], vector<16xf32>,
        tpu.vector_store_idx %arg12[%shift_right_arithmetic3A_17, %xor3A_340, %add3A_314], %gather3A_341 : memref<8x8x128xf32, #tpu.memory_space<vmem>>[vector<16xi32>, vector<16xi32>, vector<16xi32>], vector<16xf32>,
        tpu.vector_store_idx %arg12[%shift_right_arithmetic3A_17, %xor3A_347, %add3A_314], %gather3A_348 : memref<8x8x128xf32, #tpu.memory_space<vmem>>[vector<16xi32>, vector<16xi32>, vector<16xi32>], vector<16xf32>,
        tpu.vector_store_idx %arg12[%shift_right_arithmetic3A_17, %xor3A_354, %add3A_314], %gather3A_355 : memref<8x8x128xf32, #tpu.memory_space<vmem>>[vector<16xi32>, vector<16xi32>, vector<16xi32>], vector<16xf32>,
        tpu.vector_store_idx %arg12[%shift_right_arithmetic3A_17, %xor3A_361, %add3A_314], %gather3A_362 : memref<8x8x128xf32, #tpu.memory_space<vmem>>[vector<16xi32>, vector<16xi32>, vector<16xi32>], vector<16xf32>,
        tpu.vector_store_idx %arg12[%xor3A_368, %and3A_37, %add3A_314], %gather3A_369 : memref<8x8x128xf32, #tpu.memory_space<vmem>>[vector<16xi32>, vector<16xi32>, vector<16xi32>], vector<16xf32>,
        tpu.vector_store_idx %arg12[%xor3A_375, %xor3A_378, %add3A_314], %gather3A_379 : memref<8x8x128xf32, #tpu.memory_space<vmem>>[vector<16xi32>, vector<16xi32>, vector<16xi32>], vector<16xf32>,
        tpu.vector_store_idx %arg12[%xor3A_385, %xor3A_388, %add3A_314], %gather3A_389 : memref<8x8x128xf32, #tpu.memory_space<vmem>>[vector<16xi32>, vector<16xi32>, vector<16xi32>], vector<16xf32>,
        tpu.vector_store_idx %arg12[%xor3A_395, %xor3A_398, %add3A_314], %gather3A_399 : memref<8x8x128xf32, #tpu.memory_space<vmem>>[vector<16xi32>, vector<16xi32>, vector<16xi32>], vector<16xf32>,
        tpu.vector_store_idx %arg12[%xor3A_405, %xor3A_408, %add3A_314], %gather3A_409 : memref<8x8x128xf32, #tpu.memory_space<vmem>>[vector<16xi32>, vector<16xi32>, vector<16xi32>], vector<16xf32>,
        tpu.vector_store_idx %arg12[%xor3A_415, %xor3A_418, %add3A_314], %gather3A_419 : memref<8x8x128xf32, #tpu.memory_space<vmem>>[vector<16xi32>, vector<16xi32>, vector<16xi32>], vector<16xf32>,
        tpu.vector_store_idx %arg12[%xor3A_425, %xor3A_428, %add3A_314], %gather3A_429 : memref<8x8x128xf32, #tpu.memory_space<vmem>>[vector<16xi32>, vector<16xi32>, vector<16xi32>], vector<16xf32>,
        tpu.vector_store_idx %arg12[%xor3A_435, %xor3A_438, %add3A_314], %gather3A_439 : memref<8x8x128xf32, #tpu.memory_space<vmem>>[vector<16xi32>, vector<16xi32>, vector<16xi32>], vector<16xf32>,
        tpu.vector_store_idx %arg12[%shift_right_arithmetic3A_23, %and3A_37, %add3A_314], %gather3A_440 : memref<8x8x128xf32, #tpu.memory_space<vmem>>[vector<16xi32>, vector<16xi32>, vector<16xi32>], vector<16xf32>,
        tpu.vector_store_idx %arg12[%shift_right_arithmetic3A_23, %xor3A_446, %add3A_314], %gather3A_447 : memref<8x8x128xf32, #tpu.memory_space<vmem>>[vector<16xi32>, vector<16xi32>, vector<16xi32>], vector<16xf32>,
        tpu.vector_store_idx %arg12[%shift_right_arithmetic3A_23, %xor3A_453, %add3A_314], %gather3A_454 : memref<8x8x128xf32, #tpu.memory_space<vmem>>[vector<16xi32>, vector<16xi32>, vector<16xi32>], vector<16xf32>,
        tpu.vector_store_idx %arg12[%shift_right_arithmetic3A_23, %xor3A_460, %add3A_314], %gather3A_461 : memref<8x8x128xf32, #tpu.memory_space<vmem>>[vector<16xi32>, vector<16xi32>, vector<16xi32>], vector<16xf32>,
        tpu.vector_store_idx %arg12[%shift_right_arithmetic3A_23, %xor3A_467, %add3A_314], %gather3A_468 : memref<8x8x128xf32, #tpu.memory_space<vmem>>[vector<16xi32>, vector<16xi32>, vector<16xi32>], vector<16xf32>,
        tpu.vector_store_idx %arg12[%shift_right_arithmetic3A_23, %xor3A_474, %add3A_314], %gather3A_475 : memref<8x8x128xf32, #tpu.memory_space<vmem>>[vector<16xi32>, vector<16xi32>, vector<16xi32>], vector<16xf32>,
        tpu.vector_store_idx %arg12[%shift_right_arithmetic3A_23, %xor3A_481, %add3A_314], %gather3A_482 : memref<8x8x128xf32, #tpu.memory_space<vmem>>[vector<16xi32>, vector<16xi32>, vector<16xi32>], vector<16xf32>,
        tpu.vector_store_idx %arg12[%shift_right_arithmetic3A_23, %xor3A_488, %add3A_314], %gather3A_489 : memref<8x8x128xf32, #tpu.memory_space<vmem>>[vector<16xi32>, vector<16xi32>, vector<16xi32>], vector<16xf32>,
        tpu.vector_store_idx %arg12[%xor3A_495, %and3A_37, %add3A_314], %gather3A_496 : memref<8x8x128xf32, #tpu.memory_space<vmem>>[vector<16xi32>, vector<16xi32>, vector<16xi32>], vector<16xf32>,
        tpu.vector_store_idx %arg12[%xor3A_502, %xor3A_505, %add3A_314], %gather3A_506 : memref<8x8x128xf32, #tpu.memory_space<vmem>>[vector<16xi32>, vector<16xi32>, vector<16xi32>], vector<16xf32>,
        tpu.vector_store_idx %arg12[%xor3A_512, %xor3A_515, %add3A_314], %gather3A_516 : memref<8x8x128xf32, #tpu.memory_space<vmem>>[vector<16xi32>, vector<16xi32>, vector<16xi32>], vector<16xf32>,
        tpu.vector_store_idx %arg12[%xor3A_522, %xor3A_525, %add3A_314], %gather3A_526 : memref<8x8x128xf32, #tpu.memory_space<vmem>>[vector<16xi32>, vector<16xi32>, vector<16xi32>], vector<16xf32>,
        tpu.vector_store_idx %arg12[%xor3A_532, %xor3A_535, %add3A_314], %gather3A_536 : memref<8x8x128xf32, #tpu.memory_space<vmem>>[vector<16xi32>, vector<16xi32>, vector<16xi32>], vector<16xf32>,
        tpu.vector_store_idx %arg12[%xor3A_542, %xor3A_545, %add3A_314], %gather3A_546 : memref<8x8x128xf32, #tpu.memory_space<vmem>>[vector<16xi32>, vector<16xi32>, vector<16xi32>], vector<16xf32>,
        tpu.vector_store_idx %arg12[%xor3A_552, %xor3A_555, %add3A_314], %gather3A_556 : memref<8x8x128xf32, #tpu.memory_space<vmem>>[vector<16xi32>, vector<16xi32>, vector<16xi32>], vector<16xf32>,
        tpu.vector_store_idx %arg12[%xor3A_562, %xor3A_565, %add3A_314], %gather3A_566 : memref<8x8x128xf32, #tpu.memory_space<vmem>>[vector<16xi32>, vector<16xi32>, vector<16xi32>], vector<16xf32>,
        %gather3A_567 = tpu.vector_load_idx %arg7[%add3A_314, %add3A_9] : memref<128x64xf32, #tpu.memory_space<vmem>>[vector<16xi32>, vector<16xi32>], vector<16xf32>,
        %xor3A_568 = arith.constant 1 : i32
        %xor3A_569 = vector.broadcast %xor3A_568 : i32 to vector<16xi32>
        %xor3A_570 = arith.xori %add3A_9, %xor3A_569 : vector<16xi32>
        %xor3A_571 = arith.constant 1 : i32
        %xor3A_572 = vector.broadcast %xor3A_571 : i32 to vector<16xi32>
        %xor3A_573 = arith.xori %and3A_37, %xor3A_572 : vector<16xi32>
        %gather3A_574 = tpu.vector_load_idx %arg7[%add3A_314, %xor3A_570] : memref<128x64xf32, #tpu.memory_space<vmem>>[vector<16xi32>, vector<16xi32>], vector<16xf32>,
        %xor3A_575 = arith.constant 2 : i32
        %xor3A_576 = vector.broadcast %xor3A_575 : i32 to vector<16xi32>
        %xor3A_577 = arith.xori %add3A_9, %xor3A_576 : vector<16xi32>
        %xor3A_578 = arith.constant 2 : i32
        %xor3A_579 = vector.broadcast %xor3A_578 : i32 to vector<16xi32>
        %xor3A_580 = arith.xori %and3A_37, %xor3A_579 : vector<16xi32>
        %gather3A_581 = tpu.vector_load_idx %arg7[%add3A_314, %xor3A_577] : memref<128x64xf32, #tpu.memory_space<vmem>>[vector<16xi32>, vector<16xi32>], vector<16xf32>,
        %xor3A_582 = arith.constant 3 : i32
        %xor3A_583 = vector.broadcast %xor3A_582 : i32 to vector<16xi32>
        %xor3A_584 = arith.xori %add3A_9, %xor3A_583 : vector<16xi32>
        %xor3A_585 = arith.constant 3 : i32
        %xor3A_586 = vector.broadcast %xor3A_585 : i32 to vector<16xi32>
        %xor3A_587 = arith.xori %and3A_37, %xor3A_586 : vector<16xi32>
        %gather3A_588 = tpu.vector_load_idx %arg7[%add3A_314, %xor3A_584] : memref<128x64xf32, #tpu.memory_space<vmem>>[vector<16xi32>, vector<16xi32>], vector<16xf32>,
        %xor3A_589 = arith.constant 4 : i32
        %xor3A_590 = vector.broadcast %xor3A_589 : i32 to vector<16xi32>
        %xor3A_591 = arith.xori %add3A_9, %xor3A_590 : vector<16xi32>
        %xor3A_592 = arith.constant 4 : i32
        %xor3A_593 = vector.broadcast %xor3A_592 : i32 to vector<16xi32>
        %xor3A_594 = arith.xori %and3A_37, %xor3A_593 : vector<16xi32>
        %gather3A_595 = tpu.vector_load_idx %arg7[%add3A_314, %xor3A_591] : memref<128x64xf32, #tpu.memory_space<vmem>>[vector<16xi32>, vector<16xi32>], vector<16xf32>,
        %xor3A_596 = arith.constant 5 : i32
        %xor3A_597 = vector.broadcast %xor3A_596 : i32 to vector<16xi32>
        %xor3A_598 = arith.xori %add3A_9, %xor3A_597 : vector<16xi32>
        %xor3A_599 = arith.constant 5 : i32
        %xor3A_600 = vector.broadcast %xor3A_599 : i32 to vector<16xi32>
        %xor3A_601 = arith.xori %and3A_37, %xor3A_600 : vector<16xi32>
        %gather3A_602 = tpu.vector_load_idx %arg7[%add3A_314, %xor3A_598] : memref<128x64xf32, #tpu.memory_space<vmem>>[vector<16xi32>, vector<16xi32>], vector<16xf32>,
        %xor3A_603 = arith.constant 6 : i32
        %xor3A_604 = vector.broadcast %xor3A_603 : i32 to vector<16xi32>
        %xor3A_605 = arith.xori %add3A_9, %xor3A_604 : vector<16xi32>
        %xor3A_606 = arith.constant 6 : i32
        %xor3A_607 = vector.broadcast %xor3A_606 : i32 to vector<16xi32>
        %xor3A_608 = arith.xori %and3A_37, %xor3A_607 : vector<16xi32>
        %gather3A_609 = tpu.vector_load_idx %arg7[%add3A_314, %xor3A_605] : memref<128x64xf32, #tpu.memory_space<vmem>>[vector<16xi32>, vector<16xi32>], vector<16xf32>,
        %xor3A_610 = arith.constant 7 : i32
        %xor3A_611 = vector.broadcast %xor3A_610 : i32 to vector<16xi32>
        %xor3A_612 = arith.xori %add3A_9, %xor3A_611 : vector<16xi32>
        %xor3A_613 = arith.constant 7 : i32
        %xor3A_614 = vector.broadcast %xor3A_613 : i32 to vector<16xi32>
        %xor3A_615 = arith.xori %and3A_37, %xor3A_614 : vector<16xi32>
        %gather3A_616 = tpu.vector_load_idx %arg7[%add3A_314, %xor3A_612] : memref<128x64xf32, #tpu.memory_space<vmem>>[vector<16xi32>, vector<16xi32>], vector<16xf32>,
        %xor3A_617 = arith.constant 8 : i32
        %xor3A_618 = vector.broadcast %xor3A_617 : i32 to vector<16xi32>
        %xor3A_619 = arith.xori %add3A_9, %xor3A_618 : vector<16xi32>
        %xor3A_620 = arith.constant 1 : i32
        %xor3A_621 = vector.broadcast %xor3A_620 : i32 to vector<16xi32>
        %xor3A_622 = arith.xori %shift_right_arithmetic3A_29, %xor3A_621 : vector<16xi32>
        %gather3A_623 = tpu.vector_load_idx %arg7[%add3A_314, %xor3A_619] : memref<128x64xf32, #tpu.memory_space<vmem>>[vector<16xi32>, vector<16xi32>], vector<16xf32>,
        %xor3A_624 = arith.constant 9 : i32
        %xor3A_625 = vector.broadcast %xor3A_624 : i32 to vector<16xi32>
        %xor3A_626 = arith.xori %add3A_9, %xor3A_625 : vector<16xi32>
        %xor3A_627 = arith.constant 1 : i32
        %xor3A_628 = vector.broadcast %xor3A_627 : i32 to vector<16xi32>
        %xor3A_629 = arith.xori %shift_right_arithmetic3A_29, %xor3A_628 : vector<16xi32>
        %xor3A_630 = arith.constant 1 : i32
        %xor3A_631 = vector.broadcast %xor3A_630 : i32 to vector<16xi32>
        %xor3A_632 = arith.xori %and3A_37, %xor3A_631 : vector<16xi32>
        %gather3A_633 = tpu.vector_load_idx %arg7[%add3A_314, %xor3A_626] : memref<128x64xf32, #tpu.memory_space<vmem>>[vector<16xi32>, vector<16xi32>], vector<16xf32>,
        %xor3A_634 = arith.constant 10 : i32
        %xor3A_635 = vector.broadcast %xor3A_634 : i32 to vector<16xi32>
        %xor3A_636 = arith.xori %add3A_9, %xor3A_635 : vector<16xi32>
        %xor3A_637 = arith.constant 1 : i32
        %xor3A_638 = vector.broadcast %xor3A_637 : i32 to vector<16xi32>
        %xor3A_639 = arith.xori %shift_right_arithmetic3A_29, %xor3A_638 : vector<16xi32>
        %xor3A_640 = arith.constant 2 : i32
        %xor3A_641 = vector.broadcast %xor3A_640 : i32 to vector<16xi32>
        %xor3A_642 = arith.xori %and3A_37, %xor3A_641 : vector<16xi32>
        %gather3A_643 = tpu.vector_load_idx %arg7[%add3A_314, %xor3A_636] : memref<128x64xf32, #tpu.memory_space<vmem>>[vector<16xi32>, vector<16xi32>], vector<16xf32>,
        %xor3A_644 = arith.constant 11 : i32
        %xor3A_645 = vector.broadcast %xor3A_644 : i32 to vector<16xi32>
        %xor3A_646 = arith.xori %add3A_9, %xor3A_645 : vector<16xi32>
        %xor3A_647 = arith.constant 1 : i32
        %xor3A_648 = vector.broadcast %xor3A_647 : i32 to vector<16xi32>
        %xor3A_649 = arith.xori %shift_right_arithmetic3A_29, %xor3A_648 : vector<16xi32>
        %xor3A_650 = arith.constant 3 : i32
        %xor3A_651 = vector.broadcast %xor3A_650 : i32 to vector<16xi32>
        %xor3A_652 = arith.xori %and3A_37, %xor3A_651 : vector<16xi32>
        %gather3A_653 = tpu.vector_load_idx %arg7[%add3A_314, %xor3A_646] : memref<128x64xf32, #tpu.memory_space<vmem>>[vector<16xi32>, vector<16xi32>], vector<16xf32>,
        %xor3A_654 = arith.constant 12 : i32
        %xor3A_655 = vector.broadcast %xor3A_654 : i32 to vector<16xi32>
        %xor3A_656 = arith.xori %add3A_9, %xor3A_655 : vector<16xi32>
        %xor3A_657 = arith.constant 1 : i32
        %xor3A_658 = vector.broadcast %xor3A_657 : i32 to vector<16xi32>
        %xor3A_659 = arith.xori %shift_right_arithmetic3A_29, %xor3A_658 : vector<16xi32>
        %xor3A_660 = arith.constant 4 : i32
        %xor3A_661 = vector.broadcast %xor3A_660 : i32 to vector<16xi32>
        %xor3A_662 = arith.xori %and3A_37, %xor3A_661 : vector<16xi32>
        %gather3A_663 = tpu.vector_load_idx %arg7[%add3A_314, %xor3A_656] : memref<128x64xf32, #tpu.memory_space<vmem>>[vector<16xi32>, vector<16xi32>], vector<16xf32>,
        %xor3A_664 = arith.constant 13 : i32
        %xor3A_665 = vector.broadcast %xor3A_664 : i32 to vector<16xi32>
        %xor3A_666 = arith.xori %add3A_9, %xor3A_665 : vector<16xi32>
        %xor3A_667 = arith.constant 1 : i32
        %xor3A_668 = vector.broadcast %xor3A_667 : i32 to vector<16xi32>
        %xor3A_669 = arith.xori %shift_right_arithmetic3A_29, %xor3A_668 : vector<16xi32>
        %xor3A_670 = arith.constant 5 : i32
        %xor3A_671 = vector.broadcast %xor3A_670 : i32 to vector<16xi32>
        %xor3A_672 = arith.xori %and3A_37, %xor3A_671 : vector<16xi32>
        %gather3A_673 = tpu.vector_load_idx %arg7[%add3A_314, %xor3A_666] : memref<128x64xf32, #tpu.memory_space<vmem>>[vector<16xi32>, vector<16xi32>], vector<16xf32>,
        %xor3A_674 = arith.constant 14 : i32
        %xor3A_675 = vector.broadcast %xor3A_674 : i32 to vector<16xi32>
        %xor3A_676 = arith.xori %add3A_9, %xor3A_675 : vector<16xi32>
        %xor3A_677 = arith.constant 1 : i32
        %xor3A_678 = vector.broadcast %xor3A_677 : i32 to vector<16xi32>
        %xor3A_679 = arith.xori %shift_right_arithmetic3A_29, %xor3A_678 : vector<16xi32>
        %xor3A_680 = arith.constant 6 : i32
        %xor3A_681 = vector.broadcast %xor3A_680 : i32 to vector<16xi32>
        %xor3A_682 = arith.xori %and3A_37, %xor3A_681 : vector<16xi32>
        %gather3A_683 = tpu.vector_load_idx %arg7[%add3A_314, %xor3A_676] : memref<128x64xf32, #tpu.memory_space<vmem>>[vector<16xi32>, vector<16xi32>], vector<16xf32>,
        %xor3A_684 = arith.constant 15 : i32
        %xor3A_685 = vector.broadcast %xor3A_684 : i32 to vector<16xi32>
        %xor3A_686 = arith.xori %add3A_9, %xor3A_685 : vector<16xi32>
        %xor3A_687 = arith.constant 1 : i32
        %xor3A_688 = vector.broadcast %xor3A_687 : i32 to vector<16xi32>
        %xor3A_689 = arith.xori %shift_right_arithmetic3A_29, %xor3A_688 : vector<16xi32>
        %xor3A_690 = arith.constant 7 : i32
        %xor3A_691 = vector.broadcast %xor3A_690 : i32 to vector<16xi32>
        %xor3A_692 = arith.xori %and3A_37, %xor3A_691 : vector<16xi32>
        %gather3A_693 = tpu.vector_load_idx %arg7[%add3A_314, %xor3A_686] : memref<128x64xf32, #tpu.memory_space<vmem>>[vector<16xi32>, vector<16xi32>], vector<16xf32>,
        %gather3A_694 = tpu.vector_load_idx %arg7[%add3A_314, %add3A_12] : memref<128x64xf32, #tpu.memory_space<vmem>>[vector<16xi32>, vector<16xi32>], vector<16xf32>,
        %xor3A_695 = arith.constant 1 : i32
        %xor3A_696 = vector.broadcast %xor3A_695 : i32 to vector<16xi32>
        %xor3A_697 = arith.xori %add3A_12, %xor3A_696 : vector<16xi32>
        %xor3A_698 = arith.constant 1 : i32
        %xor3A_699 = vector.broadcast %xor3A_698 : i32 to vector<16xi32>
        %xor3A_700 = arith.xori %and3A_37, %xor3A_699 : vector<16xi32>
        %gather3A_701 = tpu.vector_load_idx %arg7[%add3A_314, %xor3A_697] : memref<128x64xf32, #tpu.memory_space<vmem>>[vector<16xi32>, vector<16xi32>], vector<16xf32>,
        %xor3A_702 = arith.constant 2 : i32
        %xor3A_703 = vector.broadcast %xor3A_702 : i32 to vector<16xi32>
        %xor3A_704 = arith.xori %add3A_12, %xor3A_703 : vector<16xi32>
        %xor3A_705 = arith.constant 2 : i32
        %xor3A_706 = vector.broadcast %xor3A_705 : i32 to vector<16xi32>
        %xor3A_707 = arith.xori %and3A_37, %xor3A_706 : vector<16xi32>
        %gather3A_708 = tpu.vector_load_idx %arg7[%add3A_314, %xor3A_704] : memref<128x64xf32, #tpu.memory_space<vmem>>[vector<16xi32>, vector<16xi32>], vector<16xf32>,
        %xor3A_709 = arith.constant 3 : i32
        %xor3A_710 = vector.broadcast %xor3A_709 : i32 to vector<16xi32>
        %xor3A_711 = arith.xori %add3A_12, %xor3A_710 : vector<16xi32>
        %xor3A_712 = arith.constant 3 : i32
        %xor3A_713 = vector.broadcast %xor3A_712 : i32 to vector<16xi32>
        %xor3A_714 = arith.xori %and3A_37, %xor3A_713 : vector<16xi32>
        %gather3A_715 = tpu.vector_load_idx %arg7[%add3A_314, %xor3A_711] : memref<128x64xf32, #tpu.memory_space<vmem>>[vector<16xi32>, vector<16xi32>], vector<16xf32>,
        %xor3A_716 = arith.constant 4 : i32
        %xor3A_717 = vector.broadcast %xor3A_716 : i32 to vector<16xi32>
        %xor3A_718 = arith.xori %add3A_12, %xor3A_717 : vector<16xi32>
        %xor3A_719 = arith.constant 4 : i32
        %xor3A_720 = vector.broadcast %xor3A_719 : i32 to vector<16xi32>
        %xor3A_721 = arith.xori %and3A_37, %xor3A_720 : vector<16xi32>
        %gather3A_722 = tpu.vector_load_idx %arg7[%add3A_314, %xor3A_718] : memref<128x64xf32, #tpu.memory_space<vmem>>[vector<16xi32>, vector<16xi32>], vector<16xf32>,
        %xor3A_723 = arith.constant 5 : i32
        %xor3A_724 = vector.broadcast %xor3A_723 : i32 to vector<16xi32>
        %xor3A_725 = arith.xori %add3A_12, %xor3A_724 : vector<16xi32>
        %xor3A_726 = arith.constant 5 : i32
        %xor3A_727 = vector.broadcast %xor3A_726 : i32 to vector<16xi32>
        %xor3A_728 = arith.xori %and3A_37, %xor3A_727 : vector<16xi32>
        %gather3A_729 = tpu.vector_load_idx %arg7[%add3A_314, %xor3A_725] : memref<128x64xf32, #tpu.memory_space<vmem>>[vector<16xi32>, vector<16xi32>], vector<16xf32>,
        %xor3A_730 = arith.constant 6 : i32
        %xor3A_731 = vector.broadcast %xor3A_730 : i32 to vector<16xi32>
        %xor3A_732 = arith.xori %add3A_12, %xor3A_731 : vector<16xi32>
        %xor3A_733 = arith.constant 6 : i32
        %xor3A_734 = vector.broadcast %xor3A_733 : i32 to vector<16xi32>
        %xor3A_735 = arith.xori %and3A_37, %xor3A_734 : vector<16xi32>
        %gather3A_736 = tpu.vector_load_idx %arg7[%add3A_314, %xor3A_732] : memref<128x64xf32, #tpu.memory_space<vmem>>[vector<16xi32>, vector<16xi32>], vector<16xf32>,
        %xor3A_737 = arith.constant 7 : i32
        %xor3A_738 = vector.broadcast %xor3A_737 : i32 to vector<16xi32>
        %xor3A_739 = arith.xori %add3A_12, %xor3A_738 : vector<16xi32>
        %xor3A_740 = arith.constant 7 : i32
        %xor3A_741 = vector.broadcast %xor3A_740 : i32 to vector<16xi32>
        %xor3A_742 = arith.xori %and3A_37, %xor3A_741 : vector<16xi32>
        %gather3A_743 = tpu.vector_load_idx %arg7[%add3A_314, %xor3A_739] : memref<128x64xf32, #tpu.memory_space<vmem>>[vector<16xi32>, vector<16xi32>], vector<16xf32>,
        %xor3A_744 = arith.constant 8 : i32
        %xor3A_745 = vector.broadcast %xor3A_744 : i32 to vector<16xi32>
        %xor3A_746 = arith.xori %add3A_12, %xor3A_745 : vector<16xi32>
        %xor3A_747 = arith.constant 1 : i32
        %xor3A_748 = vector.broadcast %xor3A_747 : i32 to vector<16xi32>
        %xor3A_749 = arith.xori %shift_right_arithmetic3A_35, %xor3A_748 : vector<16xi32>
        %gather3A_750 = tpu.vector_load_idx %arg7[%add3A_314, %xor3A_746] : memref<128x64xf32, #tpu.memory_space<vmem>>[vector<16xi32>, vector<16xi32>], vector<16xf32>,
        %xor3A_751 = arith.constant 9 : i32
        %xor3A_752 = vector.broadcast %xor3A_751 : i32 to vector<16xi32>
        %xor3A_753 = arith.xori %add3A_12, %xor3A_752 : vector<16xi32>
        %xor3A_754 = arith.constant 1 : i32
        %xor3A_755 = vector.broadcast %xor3A_754 : i32 to vector<16xi32>
        %xor3A_756 = arith.xori %shift_right_arithmetic3A_35, %xor3A_755 : vector<16xi32>
        %xor3A_757 = arith.constant 1 : i32
        %xor3A_758 = vector.broadcast %xor3A_757 : i32 to vector<16xi32>
        %xor3A_759 = arith.xori %and3A_37, %xor3A_758 : vector<16xi32>
        %gather3A_760 = tpu.vector_load_idx %arg7[%add3A_314, %xor3A_753] : memref<128x64xf32, #tpu.memory_space<vmem>>[vector<16xi32>, vector<16xi32>], vector<16xf32>,
        %xor3A_761 = arith.constant 10 : i32
        %xor3A_762 = vector.broadcast %xor3A_761 : i32 to vector<16xi32>
        %xor3A_763 = arith.xori %add3A_12, %xor3A_762 : vector<16xi32>
        %xor3A_764 = arith.constant 1 : i32
        %xor3A_765 = vector.broadcast %xor3A_764 : i32 to vector<16xi32>
        %xor3A_766 = arith.xori %shift_right_arithmetic3A_35, %xor3A_765 : vector<16xi32>
        %xor3A_767 = arith.constant 2 : i32
        %xor3A_768 = vector.broadcast %xor3A_767 : i32 to vector<16xi32>
        %xor3A_769 = arith.xori %and3A_37, %xor3A_768 : vector<16xi32>
        %gather3A_770 = tpu.vector_load_idx %arg7[%add3A_314, %xor3A_763] : memref<128x64xf32, #tpu.memory_space<vmem>>[vector<16xi32>, vector<16xi32>], vector<16xf32>,
        %xor3A_771 = arith.constant 11 : i32
        %xor3A_772 = vector.broadcast %xor3A_771 : i32 to vector<16xi32>
        %xor3A_773 = arith.xori %add3A_12, %xor3A_772 : vector<16xi32>
        %xor3A_774 = arith.constant 1 : i32
        %xor3A_775 = vector.broadcast %xor3A_774 : i32 to vector<16xi32>
        %xor3A_776 = arith.xori %shift_right_arithmetic3A_35, %xor3A_775 : vector<16xi32>
        %xor3A_777 = arith.constant 3 : i32
        %xor3A_778 = vector.broadcast %xor3A_777 : i32 to vector<16xi32>
        %xor3A_779 = arith.xori %and3A_37, %xor3A_778 : vector<16xi32>
        %gather3A_780 = tpu.vector_load_idx %arg7[%add3A_314, %xor3A_773] : memref<128x64xf32, #tpu.memory_space<vmem>>[vector<16xi32>, vector<16xi32>], vector<16xf32>,
        %xor3A_781 = arith.constant 12 : i32
        %xor3A_782 = vector.broadcast %xor3A_781 : i32 to vector<16xi32>
        %xor3A_783 = arith.xori %add3A_12, %xor3A_782 : vector<16xi32>
        %xor3A_784 = arith.constant 1 : i32
        %xor3A_785 = vector.broadcast %xor3A_784 : i32 to vector<16xi32>
        %xor3A_786 = arith.xori %shift_right_arithmetic3A_35, %xor3A_785 : vector<16xi32>
        %xor3A_787 = arith.constant 4 : i32
        %xor3A_788 = vector.broadcast %xor3A_787 : i32 to vector<16xi32>
        %xor3A_789 = arith.xori %and3A_37, %xor3A_788 : vector<16xi32>
        %gather3A_790 = tpu.vector_load_idx %arg7[%add3A_314, %xor3A_783] : memref<128x64xf32, #tpu.memory_space<vmem>>[vector<16xi32>, vector<16xi32>], vector<16xf32>,
        %xor3A_791 = arith.constant 13 : i32
        %xor3A_792 = vector.broadcast %xor3A_791 : i32 to vector<16xi32>
        %xor3A_793 = arith.xori %add3A_12, %xor3A_792 : vector<16xi32>
        %xor3A_794 = arith.constant 1 : i32
        %xor3A_795 = vector.broadcast %xor3A_794 : i32 to vector<16xi32>
        %xor3A_796 = arith.xori %shift_right_arithmetic3A_35, %xor3A_795 : vector<16xi32>
        %xor3A_797 = arith.constant 5 : i32
        %xor3A_798 = vector.broadcast %xor3A_797 : i32 to vector<16xi32>
        %xor3A_799 = arith.xori %and3A_37, %xor3A_798 : vector<16xi32>
        %gather3A_800 = tpu.vector_load_idx %arg7[%add3A_314, %xor3A_793] : memref<128x64xf32, #tpu.memory_space<vmem>>[vector<16xi32>, vector<16xi32>], vector<16xf32>,
        %xor3A_801 = arith.constant 14 : i32
        %xor3A_802 = vector.broadcast %xor3A_801 : i32 to vector<16xi32>
        %xor3A_803 = arith.xori %add3A_12, %xor3A_802 : vector<16xi32>
        %xor3A_804 = arith.constant 1 : i32
        %xor3A_805 = vector.broadcast %xor3A_804 : i32 to vector<16xi32>
        %xor3A_806 = arith.xori %shift_right_arithmetic3A_35, %xor3A_805 : vector<16xi32>
        %xor3A_807 = arith.constant 6 : i32
        %xor3A_808 = vector.broadcast %xor3A_807 : i32 to vector<16xi32>
        %xor3A_809 = arith.xori %and3A_37, %xor3A_808 : vector<16xi32>
        %gather3A_810 = tpu.vector_load_idx %arg7[%add3A_314, %xor3A_803] : memref<128x64xf32, #tpu.memory_space<vmem>>[vector<16xi32>, vector<16xi32>], vector<16xf32>,
        %xor3A_811 = arith.constant 15 : i32
        %xor3A_812 = vector.broadcast %xor3A_811 : i32 to vector<16xi32>
        %xor3A_813 = arith.xori %add3A_12, %xor3A_812 : vector<16xi32>
        %xor3A_814 = arith.constant 1 : i32
        %xor3A_815 = vector.broadcast %xor3A_814 : i32 to vector<16xi32>
        %xor3A_816 = arith.xori %shift_right_arithmetic3A_35, %xor3A_815 : vector<16xi32>
        %xor3A_817 = arith.constant 7 : i32
        %xor3A_818 = vector.broadcast %xor3A_817 : i32 to vector<16xi32>
        %xor3A_819 = arith.xori %and3A_37, %xor3A_818 : vector<16xi32>
        %gather3A_820 = tpu.vector_load_idx %arg7[%add3A_314, %xor3A_813] : memref<128x64xf32, #tpu.memory_space<vmem>>[vector<16xi32>, vector<16xi32>], vector<16xf32>,
        tpu.vector_store_idx %arg12[%shift_right_arithmetic3A_29, %and3A_37, %add3A_314], %gather3A_567 : memref<8x8x128xf32, #tpu.memory_space<vmem>>[vector<16xi32>, vector<16xi32>, vector<16xi32>], vector<16xf32>,
        tpu.vector_store_idx %arg12[%shift_right_arithmetic3A_29, %xor3A_573, %add3A_314], %gather3A_574 : memref<8x8x128xf32, #tpu.memory_space<vmem>>[vector<16xi32>, vector<16xi32>, vector<16xi32>], vector<16xf32>,
        tpu.vector_store_idx %arg12[%shift_right_arithmetic3A_29, %xor3A_580, %add3A_314], %gather3A_581 : memref<8x8x128xf32, #tpu.memory_space<vmem>>[vector<16xi32>, vector<16xi32>, vector<16xi32>], vector<16xf32>,
        tpu.vector_store_idx %arg12[%shift_right_arithmetic3A_29, %xor3A_587, %add3A_314], %gather3A_588 : memref<8x8x128xf32, #tpu.memory_space<vmem>>[vector<16xi32>, vector<16xi32>, vector<16xi32>], vector<16xf32>,
        tpu.vector_store_idx %arg12[%shift_right_arithmetic3A_29, %xor3A_594, %add3A_314], %gather3A_595 : memref<8x8x128xf32, #tpu.memory_space<vmem>>[vector<16xi32>, vector<16xi32>, vector<16xi32>], vector<16xf32>,
        tpu.vector_store_idx %arg12[%shift_right_arithmetic3A_29, %xor3A_601, %add3A_314], %gather3A_602 : memref<8x8x128xf32, #tpu.memory_space<vmem>>[vector<16xi32>, vector<16xi32>, vector<16xi32>], vector<16xf32>,
        tpu.vector_store_idx %arg12[%shift_right_arithmetic3A_29, %xor3A_608, %add3A_314], %gather3A_609 : memref<8x8x128xf32, #tpu.memory_space<vmem>>[vector<16xi32>, vector<16xi32>, vector<16xi32>], vector<16xf32>,
        tpu.vector_store_idx %arg12[%shift_right_arithmetic3A_29, %xor3A_615, %add3A_314], %gather3A_616 : memref<8x8x128xf32, #tpu.memory_space<vmem>>[vector<16xi32>, vector<16xi32>, vector<16xi32>], vector<16xf32>,
        tpu.vector_store_idx %arg12[%xor3A_622, %and3A_37, %add3A_314], %gather3A_623 : memref<8x8x128xf32, #tpu.memory_space<vmem>>[vector<16xi32>, vector<16xi32>, vector<16xi32>], vector<16xf32>,
        tpu.vector_store_idx %arg12[%xor3A_629, %xor3A_632, %add3A_314], %gather3A_633 : memref<8x8x128xf32, #tpu.memory_space<vmem>>[vector<16xi32>, vector<16xi32>, vector<16xi32>], vector<16xf32>,
        tpu.vector_store_idx %arg12[%xor3A_639, %xor3A_642, %add3A_314], %gather3A_643 : memref<8x8x128xf32, #tpu.memory_space<vmem>>[vector<16xi32>, vector<16xi32>, vector<16xi32>], vector<16xf32>,
        tpu.vector_store_idx %arg12[%xor3A_649, %xor3A_652, %add3A_314], %gather3A_653 : memref<8x8x128xf32, #tpu.memory_space<vmem>>[vector<16xi32>, vector<16xi32>, vector<16xi32>], vector<16xf32>,
        tpu.vector_store_idx %arg12[%xor3A_659, %xor3A_662, %add3A_314], %gather3A_663 : memref<8x8x128xf32, #tpu.memory_space<vmem>>[vector<16xi32>, vector<16xi32>, vector<16xi32>], vector<16xf32>,
        tpu.vector_store_idx %arg12[%xor3A_669, %xor3A_672, %add3A_314], %gather3A_673 : memref<8x8x128xf32, #tpu.memory_space<vmem>>[vector<16xi32>, vector<16xi32>, vector<16xi32>], vector<16xf32>,
        tpu.vector_store_idx %arg12[%xor3A_679, %xor3A_682, %add3A_314], %gather3A_683 : memref<8x8x128xf32, #tpu.memory_space<vmem>>[vector<16xi32>, vector<16xi32>, vector<16xi32>], vector<16xf32>,
        tpu.vector_store_idx %arg12[%xor3A_689, %xor3A_692, %add3A_314], %gather3A_693 : memref<8x8x128xf32, #tpu.memory_space<vmem>>[vector<16xi32>, vector<16xi32>, vector<16xi32>], vector<16xf32>,
        tpu.vector_store_idx %arg12[%shift_right_arithmetic3A_35, %and3A_37, %add3A_314], %gather3A_694 : memref<8x8x128xf32, #tpu.memory_space<vmem>>[vector<16xi32>, vector<16xi32>, vector<16xi32>], vector<16xf32>,
        tpu.vector_store_idx %arg12[%shift_right_arithmetic3A_35, %xor3A_700, %add3A_314], %gather3A_701 : memref<8x8x128xf32, #tpu.memory_space<vmem>>[vector<16xi32>, vector<16xi32>, vector<16xi32>], vector<16xf32>,
        tpu.vector_store_idx %arg12[%shift_right_arithmetic3A_35, %xor3A_707, %add3A_314], %gather3A_708 : memref<8x8x128xf32, #tpu.memory_space<vmem>>[vector<16xi32>, vector<16xi32>, vector<16xi32>], vector<16xf32>,
        tpu.vector_store_idx %arg12[%shift_right_arithmetic3A_35, %xor3A_714, %add3A_314], %gather3A_715 : memref<8x8x128xf32, #tpu.memory_space<vmem>>[vector<16xi32>, vector<16xi32>, vector<16xi32>], vector<16xf32>,
        tpu.vector_store_idx %arg12[%shift_right_arithmetic3A_35, %xor3A_721, %add3A_314], %gather3A_722 : memref<8x8x128xf32, #tpu.memory_space<vmem>>[vector<16xi32>, vector<16xi32>, vector<16xi32>], vector<16xf32>,
        tpu.vector_store_idx %arg12[%shift_right_arithmetic3A_35, %xor3A_728, %add3A_314], %gather3A_729 : memref<8x8x128xf32, #tpu.memory_space<vmem>>[vector<16xi32>, vector<16xi32>, vector<16xi32>], vector<16xf32>,
        tpu.vector_store_idx %arg12[%shift_right_arithmetic3A_35, %xor3A_735, %add3A_314], %gather3A_736 : memref<8x8x128xf32, #tpu.memory_space<vmem>>[vector<16xi32>, vector<16xi32>, vector<16xi32>], vector<16xf32>,
        tpu.vector_store_idx %arg12[%shift_right_arithmetic3A_35, %xor3A_742, %add3A_314], %gather3A_743 : memref<8x8x128xf32, #tpu.memory_space<vmem>>[vector<16xi32>, vector<16xi32>, vector<16xi32>], vector<16xf32>,
        tpu.vector_store_idx %arg12[%xor3A_749, %and3A_37, %add3A_314], %gather3A_750 : memref<8x8x128xf32, #tpu.memory_space<vmem>>[vector<16xi32>, vector<16xi32>, vector<16xi32>], vector<16xf32>,
        tpu.vector_store_idx %arg12[%xor3A_756, %xor3A_759, %add3A_314], %gather3A_760 : memref<8x8x128xf32, #tpu.memory_space<vmem>>[vector<16xi32>, vector<16xi32>, vector<16xi32>], vector<16xf32>,
        tpu.vector_store_idx %arg12[%xor3A_766, %xor3A_769, %add3A_314], %gather3A_770 : memref<8x8x128xf32, #tpu.memory_space<vmem>>[vector<16xi32>, vector<16xi32>, vector<16xi32>], vector<16xf32>,
        tpu.vector_store_idx %arg12[%xor3A_776, %xor3A_779, %add3A_314], %gather3A_780 : memref<8x8x128xf32, #tpu.memory_space<vmem>>[vector<16xi32>, vector<16xi32>, vector<16xi32>], vector<16xf32>,
        tpu.vector_store_idx %arg12[%xor3A_786, %xor3A_789, %add3A_314], %gather3A_790 : memref<8x8x128xf32, #tpu.memory_space<vmem>>[vector<16xi32>, vector<16xi32>, vector<16xi32>], vector<16xf32>,
        tpu.vector_store_idx %arg12[%xor3A_796, %xor3A_799, %add3A_314], %gather3A_800 : memref<8x8x128xf32, #tpu.memory_space<vmem>>[vector<16xi32>, vector<16xi32>, vector<16xi32>], vector<16xf32>,
        tpu.vector_store_idx %arg12[%xor3A_806, %xor3A_809, %add3A_314], %gather3A_810 : memref<8x8x128xf32, #tpu.memory_space<vmem>>[vector<16xi32>, vector<16xi32>, vector<16xi32>], vector<16xf32>,
        tpu.vector_store_idx %arg12[%xor3A_816, %xor3A_819, %add3A_314], %gather3A_820 : memref<8x8x128xf32, #tpu.memory_space<vmem>>[vector<16xi32>, vector<16xi32>, vector<16xi32>], vector<16xf32>,
      }
      %scan3A_184 = arith.constant 8 : i32
      %add3A_185 = arith.constant 5 : i32
      %add3A_186 = arith.addi %add3A_167, %add3A_185 : i32
      %lt3A_187 = arith.constant 200 : i32
      %lt3A_188 = arith.cmpi slt, %add3A_186, %lt3A_187 : i32
      %convert_element_type3A_189 = arith.extui %lt3A_188 : i1 to i32
      %cond3A_190 = arith.constant 0 : i32
      %cond3A_191 = arith.cmpi ne, %convert_element_type3A_189, %cond3A_190 : i32
      scf.if %cond3A_191 {
        %add3A_310 = arith.constant 5 : i32
        %add3A_311 = arith.addi %add3A_167, %add3A_310 : i32
        %dma_start3A_312 = arith.constant 0 : i32
        %dma_start3A_313 = tpu.memref_slice %arg5[%add3A_311, %dma_start3A_312] : memref<200x128xi32, #tpu.memory_space<vmem>> -> memref<1x128xi32, #tpu.memory_space<vmem>>
        %dma_start3A_314 = tpu.memref_squeeze %dma_start3A_313 : memref<1x128xi32, #tpu.memory_space<vmem>> -> memref<128xi32, #tpu.memory_space<vmem>>
        %dma_start3A_315 = arith.constant 0 : i32
        %dma_start3A_316 = arith.constant 0 : i32
        %dma_start3A_317 = tpu.memref_slice %arg3[%dma_start3A_315, %dma_start3A_316] : memref<8192x64xf32, #tpu.memory_space<hbm>> -> memref<8192x64xf32, #tpu.memory_space<hbm>>
        tpu.enqueue_indirect_dma source(%dma_start3A_317 : memref<8192x64xf32, #tpu.memory_space<hbm>>) target(%arg7 : memref<128x64xf32, #tpu.memory_space<vmem>>) offsets(%dma_start3A_314 : memref<128xi32, #tpu.memory_space<vmem>>) semaphore(%arg17 : memref<!tpu.dma_semaphore, #tpu.memory_space<semaphore_mem>>)
      } else {
      }
      %dma_start3A_192 = arith.constant 0 : i32
      %dma_start3A_193 = arith.constant 0 : i32
      %dma_start3A_194 = arith.constant 0 : i32
      %dma_start3A_195 = tpu.memref_slice %arg4[%add3A_167, %dma_start3A_192, %add3A, %dma_start3A_193, %dma_start3A_194] : memref<200x8x32x8x128xf32, #tpu.memory_space<hbm>> -> memref<1x8x1x8x128xf32, #tpu.memory_space<hbm>>
      %dma_start3A_196 = tpu.memref_squeeze %dma_start3A_195 : memref<1x8x1x8x128xf32, #tpu.memory_space<hbm>> -> memref<8x8x128xf32, #tpu.memory_space<hbm>>
      %dma_start3A_197 = arith.constant 0 : i32
      %dma_start3A_198 = arith.constant 0 : i32
      %dma_start3A_199 = arith.constant 0 : i32
      %dma_start3A_200 = tpu.memref_slice %arg4[%add3A_167, %dma_start3A_197, %add3A, %dma_start3A_198, %dma_start3A_199] : memref<200x8x32x8x128xf32, #tpu.memory_space<hbm>> -> memref<1x8x1x8x128xf32, #tpu.memory_space<hbm>>
      %dma_start3A_201 = tpu.memref_squeeze %dma_start3A_200 : memref<1x8x1x8x128xf32, #tpu.memory_space<hbm>> -> memref<8x8x128xf32, #tpu.memory_space<hbm>>
      tpu.enqueue_dma source(%arg12 : memref<8x8x128xf32, #tpu.memory_space<vmem>>) target(%dma_start3A_201 : memref<8x8x128xf32, #tpu.memory_space<hbm>>) target_semaphore(%arg22 : memref<!tpu.dma_semaphore, #tpu.memory_space<semaphore_mem>>)
      %add3A_202 = arith.constant 2 : i32
      %add3A_203 = arith.addi %mul3A_133, %add3A_202 : i32
      %dma_wait3A_204 = arith.constant 0 : i32
      %dma_wait3A_205 = tpu.memref_slice %arg5[%add3A_203, %dma_wait3A_204] : memref<200x128xi32, #tpu.memory_space<vmem>> -> memref<1x128xi32, #tpu.memory_space<vmem>>
      %dma_wait3A_206 = tpu.memref_squeeze %dma_wait3A_205 : memref<1x128xi32, #tpu.memory_space<vmem>> -> memref<128xi32, #tpu.memory_space<vmem>>
      %dma_wait3A_207 = arith.constant 0 : i32
      %dma_wait3A_208 = arith.constant 0 : i32
      %dma_wait3A_209 = tpu.memref_slice %arg3[%dma_wait3A_207, %dma_wait3A_208] : memref<8192x64xf32, #tpu.memory_space<hbm>> -> memref<8192x64xf32, #tpu.memory_space<hbm>>
      tpu.wait_indirect_dma semaphore(%arg18 : memref<!tpu.dma_semaphore, #tpu.memory_space<semaphore_mem>>) src(%dma_wait3A_209 : memref<8192x64xf32, #tpu.memory_space<hbm>>) dst(%arg8 : memref<128x64xf32, #tpu.memory_space<vmem>>)
      %ge3A_210 = arith.constant 5 : i32
      %ge3A_211 = arith.cmpi sge, %add3A_203, %ge3A_210 : i32
      %convert_element_type3A_212 = arith.extui %ge3A_211 : i1 to i32
      %cond3A_213 = arith.constant 0 : i32
      %cond3A_214 = arith.cmpi ne, %convert_element_type3A_212, %cond3A_213 : i32
      scf.if %cond3A_214 {
        %sub3A = arith.constant 5 : i32
        %sub3A_310 = arith.subi %add3A_203, %sub3A : i32
        %dma_wait3A_311 = arith.constant 0 : i32
        %dma_wait3A_312 = arith.constant 0 : i32
        %dma_wait3A_313 = arith.constant 0 : i32
        %dma_wait3A_314 = tpu.memref_slice %arg4[%sub3A_310, %dma_wait3A_311, %add3A, %dma_wait3A_312, %dma_wait3A_313] : memref<200x8x32x8x128xf32, #tpu.memory_space<hbm>> -> memref<1x8x1x8x128xf32, #tpu.memory_space<hbm>>
        %dma_wait3A_315 = tpu.memref_squeeze %dma_wait3A_314 : memref<1x8x1x8x128xf32, #tpu.memory_space<hbm>> -> memref<8x8x128xf32, #tpu.memory_space<hbm>>
        %dma_wait3A_316 = arith.constant 0 : i32
        %dma_wait3A_317 = arith.constant 0 : i32
        %dma_wait3A_318 = arith.constant 0 : i32
        %dma_wait3A_319 = tpu.memref_slice %arg4[%sub3A_310, %dma_wait3A_316, %add3A, %dma_wait3A_317, %dma_wait3A_318] : memref<200x8x32x8x128xf32, #tpu.memory_space<hbm>> -> memref<1x8x1x8x128xf32, #tpu.memory_space<hbm>>
        %dma_wait3A_320 = tpu.memref_squeeze %dma_wait3A_319 : memref<1x8x1x8x128xf32, #tpu.memory_space<hbm>> -> memref<8x8x128xf32, #tpu.memory_space<hbm>>
        tpu.wait_dma2 semaphore(%arg23 : memref<!tpu.dma_semaphore, #tpu.memory_space<semaphore_mem>>) src(%arg13 : memref<8x8x128xf32, #tpu.memory_space<vmem>>) dst(%dma_wait3A_320 : memref<8x8x128xf32, #tpu.memory_space<hbm>>)
      } else {
      }
      %scan3A_215 = arith.constant 0 : i32
      %scan3A_216 = arith.constant 0 : i32
      %scan3A_217 = arith.constant 8 : i32
      %scan3A_218 = arith.addi %scan3A_216, %scan3A_217 : i32
      %scan3A_219 = arith.constant 1 : i32
      scf.for %scan3A_310 = %scan3A_216 to %scan3A_218 step %scan3A_219  : i32 {
        %mul3A_311 = arith.constant 16 : i32
        %mul3A_312 = arith.muli %scan3A_310, %mul3A_311 : i32
        %add3A_313 = vector.broadcast %mul3A_312 : i32 to vector<16xi32>
        %add3A_314 = arith.addi %add3A_313, %iota3A : vector<16xi32>
        %gather3A = tpu.vector_load_idx %arg8[%add3A_314, %add3A_3] : memref<128x64xf32, #tpu.memory_space<vmem>>[vector<16xi32>, vector<16xi32>], vector<16xf32>,
        %xor3A = arith.constant 1 : i32
        %xor3A_315 = vector.broadcast %xor3A : i32 to vector<16xi32>
        %xor3A_316 = arith.xori %add3A_3, %xor3A_315 : vector<16xi32>
        %xor3A_317 = arith.constant 1 : i32
        %xor3A_318 = vector.broadcast %xor3A_317 : i32 to vector<16xi32>
        %xor3A_319 = arith.xori %and3A_37, %xor3A_318 : vector<16xi32>
        %gather3A_320 = tpu.vector_load_idx %arg8[%add3A_314, %xor3A_316] : memref<128x64xf32, #tpu.memory_space<vmem>>[vector<16xi32>, vector<16xi32>], vector<16xf32>,
        %xor3A_321 = arith.constant 2 : i32
        %xor3A_322 = vector.broadcast %xor3A_321 : i32 to vector<16xi32>
        %xor3A_323 = arith.xori %add3A_3, %xor3A_322 : vector<16xi32>
        %xor3A_324 = arith.constant 2 : i32
        %xor3A_325 = vector.broadcast %xor3A_324 : i32 to vector<16xi32>
        %xor3A_326 = arith.xori %and3A_37, %xor3A_325 : vector<16xi32>
        %gather3A_327 = tpu.vector_load_idx %arg8[%add3A_314, %xor3A_323] : memref<128x64xf32, #tpu.memory_space<vmem>>[vector<16xi32>, vector<16xi32>], vector<16xf32>,
        %xor3A_328 = arith.constant 3 : i32
        %xor3A_329 = vector.broadcast %xor3A_328 : i32 to vector<16xi32>
        %xor3A_330 = arith.xori %add3A_3, %xor3A_329 : vector<16xi32>
        %xor3A_331 = arith.constant 3 : i32
        %xor3A_332 = vector.broadcast %xor3A_331 : i32 to vector<16xi32>
        %xor3A_333 = arith.xori %and3A_37, %xor3A_332 : vector<16xi32>
        %gather3A_334 = tpu.vector_load_idx %arg8[%add3A_314, %xor3A_330] : memref<128x64xf32, #tpu.memory_space<vmem>>[vector<16xi32>, vector<16xi32>], vector<16xf32>,
        %xor3A_335 = arith.constant 4 : i32
        %xor3A_336 = vector.broadcast %xor3A_335 : i32 to vector<16xi32>
        %xor3A_337 = arith.xori %add3A_3, %xor3A_336 : vector<16xi32>
        %xor3A_338 = arith.constant 4 : i32
        %xor3A_339 = vector.broadcast %xor3A_338 : i32 to vector<16xi32>
        %xor3A_340 = arith.xori %and3A_37, %xor3A_339 : vector<16xi32>
        %gather3A_341 = tpu.vector_load_idx %arg8[%add3A_314, %xor3A_337] : memref<128x64xf32, #tpu.memory_space<vmem>>[vector<16xi32>, vector<16xi32>], vector<16xf32>,
        %xor3A_342 = arith.constant 5 : i32
        %xor3A_343 = vector.broadcast %xor3A_342 : i32 to vector<16xi32>
        %xor3A_344 = arith.xori %add3A_3, %xor3A_343 : vector<16xi32>
        %xor3A_345 = arith.constant 5 : i32
        %xor3A_346 = vector.broadcast %xor3A_345 : i32 to vector<16xi32>
        %xor3A_347 = arith.xori %and3A_37, %xor3A_346 : vector<16xi32>
        %gather3A_348 = tpu.vector_load_idx %arg8[%add3A_314, %xor3A_344] : memref<128x64xf32, #tpu.memory_space<vmem>>[vector<16xi32>, vector<16xi32>], vector<16xf32>,
        %xor3A_349 = arith.constant 6 : i32
        %xor3A_350 = vector.broadcast %xor3A_349 : i32 to vector<16xi32>
        %xor3A_351 = arith.xori %add3A_3, %xor3A_350 : vector<16xi32>
        %xor3A_352 = arith.constant 6 : i32
        %xor3A_353 = vector.broadcast %xor3A_352 : i32 to vector<16xi32>
        %xor3A_354 = arith.xori %and3A_37, %xor3A_353 : vector<16xi32>
        %gather3A_355 = tpu.vector_load_idx %arg8[%add3A_314, %xor3A_351] : memref<128x64xf32, #tpu.memory_space<vmem>>[vector<16xi32>, vector<16xi32>], vector<16xf32>,
        %xor3A_356 = arith.constant 7 : i32
        %xor3A_357 = vector.broadcast %xor3A_356 : i32 to vector<16xi32>
        %xor3A_358 = arith.xori %add3A_3, %xor3A_357 : vector<16xi32>
        %xor3A_359 = arith.constant 7 : i32
        %xor3A_360 = vector.broadcast %xor3A_359 : i32 to vector<16xi32>
        %xor3A_361 = arith.xori %and3A_37, %xor3A_360 : vector<16xi32>
        %gather3A_362 = tpu.vector_load_idx %arg8[%add3A_314, %xor3A_358] : memref<128x64xf32, #tpu.memory_space<vmem>>[vector<16xi32>, vector<16xi32>], vector<16xf32>,
        %xor3A_363 = arith.constant 8 : i32
        %xor3A_364 = vector.broadcast %xor3A_363 : i32 to vector<16xi32>
        %xor3A_365 = arith.xori %add3A_3, %xor3A_364 : vector<16xi32>
        %xor3A_366 = arith.constant 1 : i32
        %xor3A_367 = vector.broadcast %xor3A_366 : i32 to vector<16xi32>
        %xor3A_368 = arith.xori %shift_right_arithmetic3A_17, %xor3A_367 : vector<16xi32>
        %gather3A_369 = tpu.vector_load_idx %arg8[%add3A_314, %xor3A_365] : memref<128x64xf32, #tpu.memory_space<vmem>>[vector<16xi32>, vector<16xi32>], vector<16xf32>,
        %xor3A_370 = arith.constant 9 : i32
        %xor3A_371 = vector.broadcast %xor3A_370 : i32 to vector<16xi32>
        %xor3A_372 = arith.xori %add3A_3, %xor3A_371 : vector<16xi32>
        %xor3A_373 = arith.constant 1 : i32
        %xor3A_374 = vector.broadcast %xor3A_373 : i32 to vector<16xi32>
        %xor3A_375 = arith.xori %shift_right_arithmetic3A_17, %xor3A_374 : vector<16xi32>
        %xor3A_376 = arith.constant 1 : i32
        %xor3A_377 = vector.broadcast %xor3A_376 : i32 to vector<16xi32>
        %xor3A_378 = arith.xori %and3A_37, %xor3A_377 : vector<16xi32>
        %gather3A_379 = tpu.vector_load_idx %arg8[%add3A_314, %xor3A_372] : memref<128x64xf32, #tpu.memory_space<vmem>>[vector<16xi32>, vector<16xi32>], vector<16xf32>,
        %xor3A_380 = arith.constant 10 : i32
        %xor3A_381 = vector.broadcast %xor3A_380 : i32 to vector<16xi32>
        %xor3A_382 = arith.xori %add3A_3, %xor3A_381 : vector<16xi32>
        %xor3A_383 = arith.constant 1 : i32
        %xor3A_384 = vector.broadcast %xor3A_383 : i32 to vector<16xi32>
        %xor3A_385 = arith.xori %shift_right_arithmetic3A_17, %xor3A_384 : vector<16xi32>
        %xor3A_386 = arith.constant 2 : i32
        %xor3A_387 = vector.broadcast %xor3A_386 : i32 to vector<16xi32>
        %xor3A_388 = arith.xori %and3A_37, %xor3A_387 : vector<16xi32>
        %gather3A_389 = tpu.vector_load_idx %arg8[%add3A_314, %xor3A_382] : memref<128x64xf32, #tpu.memory_space<vmem>>[vector<16xi32>, vector<16xi32>], vector<16xf32>,
        %xor3A_390 = arith.constant 11 : i32
        %xor3A_391 = vector.broadcast %xor3A_390 : i32 to vector<16xi32>
        %xor3A_392 = arith.xori %add3A_3, %xor3A_391 : vector<16xi32>
        %xor3A_393 = arith.constant 1 : i32
        %xor3A_394 = vector.broadcast %xor3A_393 : i32 to vector<16xi32>
        %xor3A_395 = arith.xori %shift_right_arithmetic3A_17, %xor3A_394 : vector<16xi32>
        %xor3A_396 = arith.constant 3 : i32
        %xor3A_397 = vector.broadcast %xor3A_396 : i32 to vector<16xi32>
        %xor3A_398 = arith.xori %and3A_37, %xor3A_397 : vector<16xi32>
        %gather3A_399 = tpu.vector_load_idx %arg8[%add3A_314, %xor3A_392] : memref<128x64xf32, #tpu.memory_space<vmem>>[vector<16xi32>, vector<16xi32>], vector<16xf32>,
        %xor3A_400 = arith.constant 12 : i32
        %xor3A_401 = vector.broadcast %xor3A_400 : i32 to vector<16xi32>
        %xor3A_402 = arith.xori %add3A_3, %xor3A_401 : vector<16xi32>
        %xor3A_403 = arith.constant 1 : i32
        %xor3A_404 = vector.broadcast %xor3A_403 : i32 to vector<16xi32>
        %xor3A_405 = arith.xori %shift_right_arithmetic3A_17, %xor3A_404 : vector<16xi32>
        %xor3A_406 = arith.constant 4 : i32
        %xor3A_407 = vector.broadcast %xor3A_406 : i32 to vector<16xi32>
        %xor3A_408 = arith.xori %and3A_37, %xor3A_407 : vector<16xi32>
        %gather3A_409 = tpu.vector_load_idx %arg8[%add3A_314, %xor3A_402] : memref<128x64xf32, #tpu.memory_space<vmem>>[vector<16xi32>, vector<16xi32>], vector<16xf32>,
        %xor3A_410 = arith.constant 13 : i32
        %xor3A_411 = vector.broadcast %xor3A_410 : i32 to vector<16xi32>
        %xor3A_412 = arith.xori %add3A_3, %xor3A_411 : vector<16xi32>
        %xor3A_413 = arith.constant 1 : i32
        %xor3A_414 = vector.broadcast %xor3A_413 : i32 to vector<16xi32>
        %xor3A_415 = arith.xori %shift_right_arithmetic3A_17, %xor3A_414 : vector<16xi32>
        %xor3A_416 = arith.constant 5 : i32
        %xor3A_417 = vector.broadcast %xor3A_416 : i32 to vector<16xi32>
        %xor3A_418 = arith.xori %and3A_37, %xor3A_417 : vector<16xi32>
        %gather3A_419 = tpu.vector_load_idx %arg8[%add3A_314, %xor3A_412] : memref<128x64xf32, #tpu.memory_space<vmem>>[vector<16xi32>, vector<16xi32>], vector<16xf32>,
        %xor3A_420 = arith.constant 14 : i32
        %xor3A_421 = vector.broadcast %xor3A_420 : i32 to vector<16xi32>
        %xor3A_422 = arith.xori %add3A_3, %xor3A_421 : vector<16xi32>
        %xor3A_423 = arith.constant 1 : i32
        %xor3A_424 = vector.broadcast %xor3A_423 : i32 to vector<16xi32>
        %xor3A_425 = arith.xori %shift_right_arithmetic3A_17, %xor3A_424 : vector<16xi32>
        %xor3A_426 = arith.constant 6 : i32
        %xor3A_427 = vector.broadcast %xor3A_426 : i32 to vector<16xi32>
        %xor3A_428 = arith.xori %and3A_37, %xor3A_427 : vector<16xi32>
        %gather3A_429 = tpu.vector_load_idx %arg8[%add3A_314, %xor3A_422] : memref<128x64xf32, #tpu.memory_space<vmem>>[vector<16xi32>, vector<16xi32>], vector<16xf32>,
        %xor3A_430 = arith.constant 15 : i32
        %xor3A_431 = vector.broadcast %xor3A_430 : i32 to vector<16xi32>
        %xor3A_432 = arith.xori %add3A_3, %xor3A_431 : vector<16xi32>
        %xor3A_433 = arith.constant 1 : i32
        %xor3A_434 = vector.broadcast %xor3A_433 : i32 to vector<16xi32>
        %xor3A_435 = arith.xori %shift_right_arithmetic3A_17, %xor3A_434 : vector<16xi32>
        %xor3A_436 = arith.constant 7 : i32
        %xor3A_437 = vector.broadcast %xor3A_436 : i32 to vector<16xi32>
        %xor3A_438 = arith.xori %and3A_37, %xor3A_437 : vector<16xi32>
        %gather3A_439 = tpu.vector_load_idx %arg8[%add3A_314, %xor3A_432] : memref<128x64xf32, #tpu.memory_space<vmem>>[vector<16xi32>, vector<16xi32>], vector<16xf32>,
        %gather3A_440 = tpu.vector_load_idx %arg8[%add3A_314, %add3A_6] : memref<128x64xf32, #tpu.memory_space<vmem>>[vector<16xi32>, vector<16xi32>], vector<16xf32>,
        %xor3A_441 = arith.constant 1 : i32
        %xor3A_442 = vector.broadcast %xor3A_441 : i32 to vector<16xi32>
        %xor3A_443 = arith.xori %add3A_6, %xor3A_442 : vector<16xi32>
        %xor3A_444 = arith.constant 1 : i32
        %xor3A_445 = vector.broadcast %xor3A_444 : i32 to vector<16xi32>
        %xor3A_446 = arith.xori %and3A_37, %xor3A_445 : vector<16xi32>
        %gather3A_447 = tpu.vector_load_idx %arg8[%add3A_314, %xor3A_443] : memref<128x64xf32, #tpu.memory_space<vmem>>[vector<16xi32>, vector<16xi32>], vector<16xf32>,
        %xor3A_448 = arith.constant 2 : i32
        %xor3A_449 = vector.broadcast %xor3A_448 : i32 to vector<16xi32>
        %xor3A_450 = arith.xori %add3A_6, %xor3A_449 : vector<16xi32>
        %xor3A_451 = arith.constant 2 : i32
        %xor3A_452 = vector.broadcast %xor3A_451 : i32 to vector<16xi32>
        %xor3A_453 = arith.xori %and3A_37, %xor3A_452 : vector<16xi32>
        %gather3A_454 = tpu.vector_load_idx %arg8[%add3A_314, %xor3A_450] : memref<128x64xf32, #tpu.memory_space<vmem>>[vector<16xi32>, vector<16xi32>], vector<16xf32>,
        %xor3A_455 = arith.constant 3 : i32
        %xor3A_456 = vector.broadcast %xor3A_455 : i32 to vector<16xi32>
        %xor3A_457 = arith.xori %add3A_6, %xor3A_456 : vector<16xi32>
        %xor3A_458 = arith.constant 3 : i32
        %xor3A_459 = vector.broadcast %xor3A_458 : i32 to vector<16xi32>
        %xor3A_460 = arith.xori %and3A_37, %xor3A_459 : vector<16xi32>
        %gather3A_461 = tpu.vector_load_idx %arg8[%add3A_314, %xor3A_457] : memref<128x64xf32, #tpu.memory_space<vmem>>[vector<16xi32>, vector<16xi32>], vector<16xf32>,
        %xor3A_462 = arith.constant 4 : i32
        %xor3A_463 = vector.broadcast %xor3A_462 : i32 to vector<16xi32>
        %xor3A_464 = arith.xori %add3A_6, %xor3A_463 : vector<16xi32>
        %xor3A_465 = arith.constant 4 : i32
        %xor3A_466 = vector.broadcast %xor3A_465 : i32 to vector<16xi32>
        %xor3A_467 = arith.xori %and3A_37, %xor3A_466 : vector<16xi32>
        %gather3A_468 = tpu.vector_load_idx %arg8[%add3A_314, %xor3A_464] : memref<128x64xf32, #tpu.memory_space<vmem>>[vector<16xi32>, vector<16xi32>], vector<16xf32>,
        %xor3A_469 = arith.constant 5 : i32
        %xor3A_470 = vector.broadcast %xor3A_469 : i32 to vector<16xi32>
        %xor3A_471 = arith.xori %add3A_6, %xor3A_470 : vector<16xi32>
        %xor3A_472 = arith.constant 5 : i32
        %xor3A_473 = vector.broadcast %xor3A_472 : i32 to vector<16xi32>
        %xor3A_474 = arith.xori %and3A_37, %xor3A_473 : vector<16xi32>
        %gather3A_475 = tpu.vector_load_idx %arg8[%add3A_314, %xor3A_471] : memref<128x64xf32, #tpu.memory_space<vmem>>[vector<16xi32>, vector<16xi32>], vector<16xf32>,
        %xor3A_476 = arith.constant 6 : i32
        %xor3A_477 = vector.broadcast %xor3A_476 : i32 to vector<16xi32>
        %xor3A_478 = arith.xori %add3A_6, %xor3A_477 : vector<16xi32>
        %xor3A_479 = arith.constant 6 : i32
        %xor3A_480 = vector.broadcast %xor3A_479 : i32 to vector<16xi32>
        %xor3A_481 = arith.xori %and3A_37, %xor3A_480 : vector<16xi32>
        %gather3A_482 = tpu.vector_load_idx %arg8[%add3A_314, %xor3A_478] : memref<128x64xf32, #tpu.memory_space<vmem>>[vector<16xi32>, vector<16xi32>], vector<16xf32>,
        %xor3A_483 = arith.constant 7 : i32
        %xor3A_484 = vector.broadcast %xor3A_483 : i32 to vector<16xi32>
        %xor3A_485 = arith.xori %add3A_6, %xor3A_484 : vector<16xi32>
        %xor3A_486 = arith.constant 7 : i32
        %xor3A_487 = vector.broadcast %xor3A_486 : i32 to vector<16xi32>
        %xor3A_488 = arith.xori %and3A_37, %xor3A_487 : vector<16xi32>
        %gather3A_489 = tpu.vector_load_idx %arg8[%add3A_314, %xor3A_485] : memref<128x64xf32, #tpu.memory_space<vmem>>[vector<16xi32>, vector<16xi32>], vector<16xf32>,
        %xor3A_490 = arith.constant 8 : i32
        %xor3A_491 = vector.broadcast %xor3A_490 : i32 to vector<16xi32>
        %xor3A_492 = arith.xori %add3A_6, %xor3A_491 : vector<16xi32>
        %xor3A_493 = arith.constant 1 : i32
        %xor3A_494 = vector.broadcast %xor3A_493 : i32 to vector<16xi32>
        %xor3A_495 = arith.xori %shift_right_arithmetic3A_23, %xor3A_494 : vector<16xi32>
        %gather3A_496 = tpu.vector_load_idx %arg8[%add3A_314, %xor3A_492] : memref<128x64xf32, #tpu.memory_space<vmem>>[vector<16xi32>, vector<16xi32>], vector<16xf32>,
        %xor3A_497 = arith.constant 9 : i32
        %xor3A_498 = vector.broadcast %xor3A_497 : i32 to vector<16xi32>
        %xor3A_499 = arith.xori %add3A_6, %xor3A_498 : vector<16xi32>
        %xor3A_500 = arith.constant 1 : i32
        %xor3A_501 = vector.broadcast %xor3A_500 : i32 to vector<16xi32>
        %xor3A_502 = arith.xori %shift_right_arithmetic3A_23, %xor3A_501 : vector<16xi32>
        %xor3A_503 = arith.constant 1 : i32
        %xor3A_504 = vector.broadcast %xor3A_503 : i32 to vector<16xi32>
        %xor3A_505 = arith.xori %and3A_37, %xor3A_504 : vector<16xi32>
        %gather3A_506 = tpu.vector_load_idx %arg8[%add3A_314, %xor3A_499] : memref<128x64xf32, #tpu.memory_space<vmem>>[vector<16xi32>, vector<16xi32>], vector<16xf32>,
        %xor3A_507 = arith.constant 10 : i32
        %xor3A_508 = vector.broadcast %xor3A_507 : i32 to vector<16xi32>
        %xor3A_509 = arith.xori %add3A_6, %xor3A_508 : vector<16xi32>
        %xor3A_510 = arith.constant 1 : i32
        %xor3A_511 = vector.broadcast %xor3A_510 : i32 to vector<16xi32>
        %xor3A_512 = arith.xori %shift_right_arithmetic3A_23, %xor3A_511 : vector<16xi32>
        %xor3A_513 = arith.constant 2 : i32
        %xor3A_514 = vector.broadcast %xor3A_513 : i32 to vector<16xi32>
        %xor3A_515 = arith.xori %and3A_37, %xor3A_514 : vector<16xi32>
        %gather3A_516 = tpu.vector_load_idx %arg8[%add3A_314, %xor3A_509] : memref<128x64xf32, #tpu.memory_space<vmem>>[vector<16xi32>, vector<16xi32>], vector<16xf32>,
        %xor3A_517 = arith.constant 11 : i32
        %xor3A_518 = vector.broadcast %xor3A_517 : i32 to vector<16xi32>
        %xor3A_519 = arith.xori %add3A_6, %xor3A_518 : vector<16xi32>
        %xor3A_520 = arith.constant 1 : i32
        %xor3A_521 = vector.broadcast %xor3A_520 : i32 to vector<16xi32>
        %xor3A_522 = arith.xori %shift_right_arithmetic3A_23, %xor3A_521 : vector<16xi32>
        %xor3A_523 = arith.constant 3 : i32
        %xor3A_524 = vector.broadcast %xor3A_523 : i32 to vector<16xi32>
        %xor3A_525 = arith.xori %and3A_37, %xor3A_524 : vector<16xi32>
        %gather3A_526 = tpu.vector_load_idx %arg8[%add3A_314, %xor3A_519] : memref<128x64xf32, #tpu.memory_space<vmem>>[vector<16xi32>, vector<16xi32>], vector<16xf32>,
        %xor3A_527 = arith.constant 12 : i32
        %xor3A_528 = vector.broadcast %xor3A_527 : i32 to vector<16xi32>
        %xor3A_529 = arith.xori %add3A_6, %xor3A_528 : vector<16xi32>
        %xor3A_530 = arith.constant 1 : i32
        %xor3A_531 = vector.broadcast %xor3A_530 : i32 to vector<16xi32>
        %xor3A_532 = arith.xori %shift_right_arithmetic3A_23, %xor3A_531 : vector<16xi32>
        %xor3A_533 = arith.constant 4 : i32
        %xor3A_534 = vector.broadcast %xor3A_533 : i32 to vector<16xi32>
        %xor3A_535 = arith.xori %and3A_37, %xor3A_534 : vector<16xi32>
        %gather3A_536 = tpu.vector_load_idx %arg8[%add3A_314, %xor3A_529] : memref<128x64xf32, #tpu.memory_space<vmem>>[vector<16xi32>, vector<16xi32>], vector<16xf32>,
        %xor3A_537 = arith.constant 13 : i32
        %xor3A_538 = vector.broadcast %xor3A_537 : i32 to vector<16xi32>
        %xor3A_539 = arith.xori %add3A_6, %xor3A_538 : vector<16xi32>
        %xor3A_540 = arith.constant 1 : i32
        %xor3A_541 = vector.broadcast %xor3A_540 : i32 to vector<16xi32>
        %xor3A_542 = arith.xori %shift_right_arithmetic3A_23, %xor3A_541 : vector<16xi32>
        %xor3A_543 = arith.constant 5 : i32
        %xor3A_544 = vector.broadcast %xor3A_543 : i32 to vector<16xi32>
        %xor3A_545 = arith.xori %and3A_37, %xor3A_544 : vector<16xi32>
        %gather3A_546 = tpu.vector_load_idx %arg8[%add3A_314, %xor3A_539] : memref<128x64xf32, #tpu.memory_space<vmem>>[vector<16xi32>, vector<16xi32>], vector<16xf32>,
        %xor3A_547 = arith.constant 14 : i32
        %xor3A_548 = vector.broadcast %xor3A_547 : i32 to vector<16xi32>
        %xor3A_549 = arith.xori %add3A_6, %xor3A_548 : vector<16xi32>
        %xor3A_550 = arith.constant 1 : i32
        %xor3A_551 = vector.broadcast %xor3A_550 : i32 to vector<16xi32>
        %xor3A_552 = arith.xori %shift_right_arithmetic3A_23, %xor3A_551 : vector<16xi32>
        %xor3A_553 = arith.constant 6 : i32
        %xor3A_554 = vector.broadcast %xor3A_553 : i32 to vector<16xi32>
        %xor3A_555 = arith.xori %and3A_37, %xor3A_554 : vector<16xi32>
        %gather3A_556 = tpu.vector_load_idx %arg8[%add3A_314, %xor3A_549] : memref<128x64xf32, #tpu.memory_space<vmem>>[vector<16xi32>, vector<16xi32>], vector<16xf32>,
        %xor3A_557 = arith.constant 15 : i32
        %xor3A_558 = vector.broadcast %xor3A_557 : i32 to vector<16xi32>
        %xor3A_559 = arith.xori %add3A_6, %xor3A_558 : vector<16xi32>
        %xor3A_560 = arith.constant 1 : i32
        %xor3A_561 = vector.broadcast %xor3A_560 : i32 to vector<16xi32>
        %xor3A_562 = arith.xori %shift_right_arithmetic3A_23, %xor3A_561 : vector<16xi32>
        %xor3A_563 = arith.constant 7 : i32
        %xor3A_564 = vector.broadcast %xor3A_563 : i32 to vector<16xi32>
        %xor3A_565 = arith.xori %and3A_37, %xor3A_564 : vector<16xi32>
        %gather3A_566 = tpu.vector_load_idx %arg8[%add3A_314, %xor3A_559] : memref<128x64xf32, #tpu.memory_space<vmem>>[vector<16xi32>, vector<16xi32>], vector<16xf32>,
        tpu.vector_store_idx %arg13[%shift_right_arithmetic3A_17, %and3A_37, %add3A_314], %gather3A : memref<8x8x128xf32, #tpu.memory_space<vmem>>[vector<16xi32>, vector<16xi32>, vector<16xi32>], vector<16xf32>,
        tpu.vector_store_idx %arg13[%shift_right_arithmetic3A_17, %xor3A_319, %add3A_314], %gather3A_320 : memref<8x8x128xf32, #tpu.memory_space<vmem>>[vector<16xi32>, vector<16xi32>, vector<16xi32>], vector<16xf32>,
        tpu.vector_store_idx %arg13[%shift_right_arithmetic3A_17, %xor3A_326, %add3A_314], %gather3A_327 : memref<8x8x128xf32, #tpu.memory_space<vmem>>[vector<16xi32>, vector<16xi32>, vector<16xi32>], vector<16xf32>,
        tpu.vector_store_idx %arg13[%shift_right_arithmetic3A_17, %xor3A_333, %add3A_314], %gather3A_334 : memref<8x8x128xf32, #tpu.memory_space<vmem>>[vector<16xi32>, vector<16xi32>, vector<16xi32>], vector<16xf32>,
        tpu.vector_store_idx %arg13[%shift_right_arithmetic3A_17, %xor3A_340, %add3A_314], %gather3A_341 : memref<8x8x128xf32, #tpu.memory_space<vmem>>[vector<16xi32>, vector<16xi32>, vector<16xi32>], vector<16xf32>,
        tpu.vector_store_idx %arg13[%shift_right_arithmetic3A_17, %xor3A_347, %add3A_314], %gather3A_348 : memref<8x8x128xf32, #tpu.memory_space<vmem>>[vector<16xi32>, vector<16xi32>, vector<16xi32>], vector<16xf32>,
        tpu.vector_store_idx %arg13[%shift_right_arithmetic3A_17, %xor3A_354, %add3A_314], %gather3A_355 : memref<8x8x128xf32, #tpu.memory_space<vmem>>[vector<16xi32>, vector<16xi32>, vector<16xi32>], vector<16xf32>,
        tpu.vector_store_idx %arg13[%shift_right_arithmetic3A_17, %xor3A_361, %add3A_314], %gather3A_362 : memref<8x8x128xf32, #tpu.memory_space<vmem>>[vector<16xi32>, vector<16xi32>, vector<16xi32>], vector<16xf32>,
        tpu.vector_store_idx %arg13[%xor3A_368, %and3A_37, %add3A_314], %gather3A_369 : memref<8x8x128xf32, #tpu.memory_space<vmem>>[vector<16xi32>, vector<16xi32>, vector<16xi32>], vector<16xf32>,
        tpu.vector_store_idx %arg13[%xor3A_375, %xor3A_378, %add3A_314], %gather3A_379 : memref<8x8x128xf32, #tpu.memory_space<vmem>>[vector<16xi32>, vector<16xi32>, vector<16xi32>], vector<16xf32>,
        tpu.vector_store_idx %arg13[%xor3A_385, %xor3A_388, %add3A_314], %gather3A_389 : memref<8x8x128xf32, #tpu.memory_space<vmem>>[vector<16xi32>, vector<16xi32>, vector<16xi32>], vector<16xf32>,
        tpu.vector_store_idx %arg13[%xor3A_395, %xor3A_398, %add3A_314], %gather3A_399 : memref<8x8x128xf32, #tpu.memory_space<vmem>>[vector<16xi32>, vector<16xi32>, vector<16xi32>], vector<16xf32>,
        tpu.vector_store_idx %arg13[%xor3A_405, %xor3A_408, %add3A_314], %gather3A_409 : memref<8x8x128xf32, #tpu.memory_space<vmem>>[vector<16xi32>, vector<16xi32>, vector<16xi32>], vector<16xf32>,
        tpu.vector_store_idx %arg13[%xor3A_415, %xor3A_418, %add3A_314], %gather3A_419 : memref<8x8x128xf32, #tpu.memory_space<vmem>>[vector<16xi32>, vector<16xi32>, vector<16xi32>], vector<16xf32>,
        tpu.vector_store_idx %arg13[%xor3A_425, %xor3A_428, %add3A_314], %gather3A_429 : memref<8x8x128xf32, #tpu.memory_space<vmem>>[vector<16xi32>, vector<16xi32>, vector<16xi32>], vector<16xf32>,
        tpu.vector_store_idx %arg13[%xor3A_435, %xor3A_438, %add3A_314], %gather3A_439 : memref<8x8x128xf32, #tpu.memory_space<vmem>>[vector<16xi32>, vector<16xi32>, vector<16xi32>], vector<16xf32>,
        tpu.vector_store_idx %arg13[%shift_right_arithmetic3A_23, %and3A_37, %add3A_314], %gather3A_440 : memref<8x8x128xf32, #tpu.memory_space<vmem>>[vector<16xi32>, vector<16xi32>, vector<16xi32>], vector<16xf32>,
        tpu.vector_store_idx %arg13[%shift_right_arithmetic3A_23, %xor3A_446, %add3A_314], %gather3A_447 : memref<8x8x128xf32, #tpu.memory_space<vmem>>[vector<16xi32>, vector<16xi32>, vector<16xi32>], vector<16xf32>,
        tpu.vector_store_idx %arg13[%shift_right_arithmetic3A_23, %xor3A_453, %add3A_314], %gather3A_454 : memref<8x8x128xf32, #tpu.memory_space<vmem>>[vector<16xi32>, vector<16xi32>, vector<16xi32>], vector<16xf32>,
        tpu.vector_store_idx %arg13[%shift_right_arithmetic3A_23, %xor3A_460, %add3A_314], %gather3A_461 : memref<8x8x128xf32, #tpu.memory_space<vmem>>[vector<16xi32>, vector<16xi32>, vector<16xi32>], vector<16xf32>,
        tpu.vector_store_idx %arg13[%shift_right_arithmetic3A_23, %xor3A_467, %add3A_314], %gather3A_468 : memref<8x8x128xf32, #tpu.memory_space<vmem>>[vector<16xi32>, vector<16xi32>, vector<16xi32>], vector<16xf32>,
        tpu.vector_store_idx %arg13[%shift_right_arithmetic3A_23, %xor3A_474, %add3A_314], %gather3A_475 : memref<8x8x128xf32, #tpu.memory_space<vmem>>[vector<16xi32>, vector<16xi32>, vector<16xi32>], vector<16xf32>,
        tpu.vector_store_idx %arg13[%shift_right_arithmetic3A_23, %xor3A_481, %add3A_314], %gather3A_482 : memref<8x8x128xf32, #tpu.memory_space<vmem>>[vector<16xi32>, vector<16xi32>, vector<16xi32>], vector<16xf32>,
        tpu.vector_store_idx %arg13[%shift_right_arithmetic3A_23, %xor3A_488, %add3A_314], %gather3A_489 : memref<8x8x128xf32, #tpu.memory_space<vmem>>[vector<16xi32>, vector<16xi32>, vector<16xi32>], vector<16xf32>,
        tpu.vector_store_idx %arg13[%xor3A_495, %and3A_37, %add3A_314], %gather3A_496 : memref<8x8x128xf32, #tpu.memory_space<vmem>>[vector<16xi32>, vector<16xi32>, vector<16xi32>], vector<16xf32>,
        tpu.vector_store_idx %arg13[%xor3A_502, %xor3A_505, %add3A_314], %gather3A_506 : memref<8x8x128xf32, #tpu.memory_space<vmem>>[vector<16xi32>, vector<16xi32>, vector<16xi32>], vector<16xf32>,
        tpu.vector_store_idx %arg13[%xor3A_512, %xor3A_515, %add3A_314], %gather3A_516 : memref<8x8x128xf32, #tpu.memory_space<vmem>>[vector<16xi32>, vector<16xi32>, vector<16xi32>], vector<16xf32>,
        tpu.vector_store_idx %arg13[%xor3A_522, %xor3A_525, %add3A_314], %gather3A_526 : memref<8x8x128xf32, #tpu.memory_space<vmem>>[vector<16xi32>, vector<16xi32>, vector<16xi32>], vector<16xf32>,
        tpu.vector_store_idx %arg13[%xor3A_532, %xor3A_535, %add3A_314], %gather3A_536 : memref<8x8x128xf32, #tpu.memory_space<vmem>>[vector<16xi32>, vector<16xi32>, vector<16xi32>], vector<16xf32>,
        tpu.vector_store_idx %arg13[%xor3A_542, %xor3A_545, %add3A_314], %gather3A_546 : memref<8x8x128xf32, #tpu.memory_space<vmem>>[vector<16xi32>, vector<16xi32>, vector<16xi32>], vector<16xf32>,
        tpu.vector_store_idx %arg13[%xor3A_552, %xor3A_555, %add3A_314], %gather3A_556 : memref<8x8x128xf32, #tpu.memory_space<vmem>>[vector<16xi32>, vector<16xi32>, vector<16xi32>], vector<16xf32>,
        tpu.vector_store_idx %arg13[%xor3A_562, %xor3A_565, %add3A_314], %gather3A_566 : memref<8x8x128xf32, #tpu.memory_space<vmem>>[vector<16xi32>, vector<16xi32>, vector<16xi32>], vector<16xf32>,
        %gather3A_567 = tpu.vector_load_idx %arg8[%add3A_314, %add3A_9] : memref<128x64xf32, #tpu.memory_space<vmem>>[vector<16xi32>, vector<16xi32>], vector<16xf32>,
        %xor3A_568 = arith.constant 1 : i32
        %xor3A_569 = vector.broadcast %xor3A_568 : i32 to vector<16xi32>
        %xor3A_570 = arith.xori %add3A_9, %xor3A_569 : vector<16xi32>
        %xor3A_571 = arith.constant 1 : i32
        %xor3A_572 = vector.broadcast %xor3A_571 : i32 to vector<16xi32>
        %xor3A_573 = arith.xori %and3A_37, %xor3A_572 : vector<16xi32>
        %gather3A_574 = tpu.vector_load_idx %arg8[%add3A_314, %xor3A_570] : memref<128x64xf32, #tpu.memory_space<vmem>>[vector<16xi32>, vector<16xi32>], vector<16xf32>,
        %xor3A_575 = arith.constant 2 : i32
        %xor3A_576 = vector.broadcast %xor3A_575 : i32 to vector<16xi32>
        %xor3A_577 = arith.xori %add3A_9, %xor3A_576 : vector<16xi32>
        %xor3A_578 = arith.constant 2 : i32
        %xor3A_579 = vector.broadcast %xor3A_578 : i32 to vector<16xi32>
        %xor3A_580 = arith.xori %and3A_37, %xor3A_579 : vector<16xi32>
        %gather3A_581 = tpu.vector_load_idx %arg8[%add3A_314, %xor3A_577] : memref<128x64xf32, #tpu.memory_space<vmem>>[vector<16xi32>, vector<16xi32>], vector<16xf32>,
        %xor3A_582 = arith.constant 3 : i32
        %xor3A_583 = vector.broadcast %xor3A_582 : i32 to vector<16xi32>
        %xor3A_584 = arith.xori %add3A_9, %xor3A_583 : vector<16xi32>
        %xor3A_585 = arith.constant 3 : i32
        %xor3A_586 = vector.broadcast %xor3A_585 : i32 to vector<16xi32>
        %xor3A_587 = arith.xori %and3A_37, %xor3A_586 : vector<16xi32>
        %gather3A_588 = tpu.vector_load_idx %arg8[%add3A_314, %xor3A_584] : memref<128x64xf32, #tpu.memory_space<vmem>>[vector<16xi32>, vector<16xi32>], vector<16xf32>,
        %xor3A_589 = arith.constant 4 : i32
        %xor3A_590 = vector.broadcast %xor3A_589 : i32 to vector<16xi32>
        %xor3A_591 = arith.xori %add3A_9, %xor3A_590 : vector<16xi32>
        %xor3A_592 = arith.constant 4 : i32
        %xor3A_593 = vector.broadcast %xor3A_592 : i32 to vector<16xi32>
        %xor3A_594 = arith.xori %and3A_37, %xor3A_593 : vector<16xi32>
        %gather3A_595 = tpu.vector_load_idx %arg8[%add3A_314, %xor3A_591] : memref<128x64xf32, #tpu.memory_space<vmem>>[vector<16xi32>, vector<16xi32>], vector<16xf32>,
        %xor3A_596 = arith.constant 5 : i32
        %xor3A_597 = vector.broadcast %xor3A_596 : i32 to vector<16xi32>
        %xor3A_598 = arith.xori %add3A_9, %xor3A_597 : vector<16xi32>
        %xor3A_599 = arith.constant 5 : i32
        %xor3A_600 = vector.broadcast %xor3A_599 : i32 to vector<16xi32>
        %xor3A_601 = arith.xori %and3A_37, %xor3A_600 : vector<16xi32>
        %gather3A_602 = tpu.vector_load_idx %arg8[%add3A_314, %xor3A_598] : memref<128x64xf32, #tpu.memory_space<vmem>>[vector<16xi32>, vector<16xi32>], vector<16xf32>,
        %xor3A_603 = arith.constant 6 : i32
        %xor3A_604 = vector.broadcast %xor3A_603 : i32 to vector<16xi32>
        %xor3A_605 = arith.xori %add3A_9, %xor3A_604 : vector<16xi32>
        %xor3A_606 = arith.constant 6 : i32
        %xor3A_607 = vector.broadcast %xor3A_606 : i32 to vector<16xi32>
        %xor3A_608 = arith.xori %and3A_37, %xor3A_607 : vector<16xi32>
        %gather3A_609 = tpu.vector_load_idx %arg8[%add3A_314, %xor3A_605] : memref<128x64xf32, #tpu.memory_space<vmem>>[vector<16xi32>, vector<16xi32>], vector<16xf32>,
        %xor3A_610 = arith.constant 7 : i32
        %xor3A_611 = vector.broadcast %xor3A_610 : i32 to vector<16xi32>
        %xor3A_612 = arith.xori %add3A_9, %xor3A_611 : vector<16xi32>
        %xor3A_613 = arith.constant 7 : i32
        %xor3A_614 = vector.broadcast %xor3A_613 : i32 to vector<16xi32>
        %xor3A_615 = arith.xori %and3A_37, %xor3A_614 : vector<16xi32>
        %gather3A_616 = tpu.vector_load_idx %arg8[%add3A_314, %xor3A_612] : memref<128x64xf32, #tpu.memory_space<vmem>>[vector<16xi32>, vector<16xi32>], vector<16xf32>,
        %xor3A_617 = arith.constant 8 : i32
        %xor3A_618 = vector.broadcast %xor3A_617 : i32 to vector<16xi32>
        %xor3A_619 = arith.xori %add3A_9, %xor3A_618 : vector<16xi32>
        %xor3A_620 = arith.constant 1 : i32
        %xor3A_621 = vector.broadcast %xor3A_620 : i32 to vector<16xi32>
        %xor3A_622 = arith.xori %shift_right_arithmetic3A_29, %xor3A_621 : vector<16xi32>
        %gather3A_623 = tpu.vector_load_idx %arg8[%add3A_314, %xor3A_619] : memref<128x64xf32, #tpu.memory_space<vmem>>[vector<16xi32>, vector<16xi32>], vector<16xf32>,
        %xor3A_624 = arith.constant 9 : i32
        %xor3A_625 = vector.broadcast %xor3A_624 : i32 to vector<16xi32>
        %xor3A_626 = arith.xori %add3A_9, %xor3A_625 : vector<16xi32>
        %xor3A_627 = arith.constant 1 : i32
        %xor3A_628 = vector.broadcast %xor3A_627 : i32 to vector<16xi32>
        %xor3A_629 = arith.xori %shift_right_arithmetic3A_29, %xor3A_628 : vector<16xi32>
        %xor3A_630 = arith.constant 1 : i32
        %xor3A_631 = vector.broadcast %xor3A_630 : i32 to vector<16xi32>
        %xor3A_632 = arith.xori %and3A_37, %xor3A_631 : vector<16xi32>
        %gather3A_633 = tpu.vector_load_idx %arg8[%add3A_314, %xor3A_626] : memref<128x64xf32, #tpu.memory_space<vmem>>[vector<16xi32>, vector<16xi32>], vector<16xf32>,
        %xor3A_634 = arith.constant 10 : i32
        %xor3A_635 = vector.broadcast %xor3A_634 : i32 to vector<16xi32>
        %xor3A_636 = arith.xori %add3A_9, %xor3A_635 : vector<16xi32>
        %xor3A_637 = arith.constant 1 : i32
        %xor3A_638 = vector.broadcast %xor3A_637 : i32 to vector<16xi32>
        %xor3A_639 = arith.xori %shift_right_arithmetic3A_29, %xor3A_638 : vector<16xi32>
        %xor3A_640 = arith.constant 2 : i32
        %xor3A_641 = vector.broadcast %xor3A_640 : i32 to vector<16xi32>
        %xor3A_642 = arith.xori %and3A_37, %xor3A_641 : vector<16xi32>
        %gather3A_643 = tpu.vector_load_idx %arg8[%add3A_314, %xor3A_636] : memref<128x64xf32, #tpu.memory_space<vmem>>[vector<16xi32>, vector<16xi32>], vector<16xf32>,
        %xor3A_644 = arith.constant 11 : i32
        %xor3A_645 = vector.broadcast %xor3A_644 : i32 to vector<16xi32>
        %xor3A_646 = arith.xori %add3A_9, %xor3A_645 : vector<16xi32>
        %xor3A_647 = arith.constant 1 : i32
        %xor3A_648 = vector.broadcast %xor3A_647 : i32 to vector<16xi32>
        %xor3A_649 = arith.xori %shift_right_arithmetic3A_29, %xor3A_648 : vector<16xi32>
        %xor3A_650 = arith.constant 3 : i32
        %xor3A_651 = vector.broadcast %xor3A_650 : i32 to vector<16xi32>
        %xor3A_652 = arith.xori %and3A_37, %xor3A_651 : vector<16xi32>
        %gather3A_653 = tpu.vector_load_idx %arg8[%add3A_314, %xor3A_646] : memref<128x64xf32, #tpu.memory_space<vmem>>[vector<16xi32>, vector<16xi32>], vector<16xf32>,
        %xor3A_654 = arith.constant 12 : i32
        %xor3A_655 = vector.broadcast %xor3A_654 : i32 to vector<16xi32>
        %xor3A_656 = arith.xori %add3A_9, %xor3A_655 : vector<16xi32>
        %xor3A_657 = arith.constant 1 : i32
        %xor3A_658 = vector.broadcast %xor3A_657 : i32 to vector<16xi32>
        %xor3A_659 = arith.xori %shift_right_arithmetic3A_29, %xor3A_658 : vector<16xi32>
        %xor3A_660 = arith.constant 4 : i32
        %xor3A_661 = vector.broadcast %xor3A_660 : i32 to vector<16xi32>
        %xor3A_662 = arith.xori %and3A_37, %xor3A_661 : vector<16xi32>
        %gather3A_663 = tpu.vector_load_idx %arg8[%add3A_314, %xor3A_656] : memref<128x64xf32, #tpu.memory_space<vmem>>[vector<16xi32>, vector<16xi32>], vector<16xf32>,
        %xor3A_664 = arith.constant 13 : i32
        %xor3A_665 = vector.broadcast %xor3A_664 : i32 to vector<16xi32>
        %xor3A_666 = arith.xori %add3A_9, %xor3A_665 : vector<16xi32>
        %xor3A_667 = arith.constant 1 : i32
        %xor3A_668 = vector.broadcast %xor3A_667 : i32 to vector<16xi32>
        %xor3A_669 = arith.xori %shift_right_arithmetic3A_29, %xor3A_668 : vector<16xi32>
        %xor3A_670 = arith.constant 5 : i32
        %xor3A_671 = vector.broadcast %xor3A_670 : i32 to vector<16xi32>
        %xor3A_672 = arith.xori %and3A_37, %xor3A_671 : vector<16xi32>
        %gather3A_673 = tpu.vector_load_idx %arg8[%add3A_314, %xor3A_666] : memref<128x64xf32, #tpu.memory_space<vmem>>[vector<16xi32>, vector<16xi32>], vector<16xf32>,
        %xor3A_674 = arith.constant 14 : i32
        %xor3A_675 = vector.broadcast %xor3A_674 : i32 to vector<16xi32>
        %xor3A_676 = arith.xori %add3A_9, %xor3A_675 : vector<16xi32>
        %xor3A_677 = arith.constant 1 : i32
        %xor3A_678 = vector.broadcast %xor3A_677 : i32 to vector<16xi32>
        %xor3A_679 = arith.xori %shift_right_arithmetic3A_29, %xor3A_678 : vector<16xi32>
        %xor3A_680 = arith.constant 6 : i32
        %xor3A_681 = vector.broadcast %xor3A_680 : i32 to vector<16xi32>
        %xor3A_682 = arith.xori %and3A_37, %xor3A_681 : vector<16xi32>
        %gather3A_683 = tpu.vector_load_idx %arg8[%add3A_314, %xor3A_676] : memref<128x64xf32, #tpu.memory_space<vmem>>[vector<16xi32>, vector<16xi32>], vector<16xf32>,
        %xor3A_684 = arith.constant 15 : i32
        %xor3A_685 = vector.broadcast %xor3A_684 : i32 to vector<16xi32>
        %xor3A_686 = arith.xori %add3A_9, %xor3A_685 : vector<16xi32>
        %xor3A_687 = arith.constant 1 : i32
        %xor3A_688 = vector.broadcast %xor3A_687 : i32 to vector<16xi32>
        %xor3A_689 = arith.xori %shift_right_arithmetic3A_29, %xor3A_688 : vector<16xi32>
        %xor3A_690 = arith.constant 7 : i32
        %xor3A_691 = vector.broadcast %xor3A_690 : i32 to vector<16xi32>
        %xor3A_692 = arith.xori %and3A_37, %xor3A_691 : vector<16xi32>
        %gather3A_693 = tpu.vector_load_idx %arg8[%add3A_314, %xor3A_686] : memref<128x64xf32, #tpu.memory_space<vmem>>[vector<16xi32>, vector<16xi32>], vector<16xf32>,
        %gather3A_694 = tpu.vector_load_idx %arg8[%add3A_314, %add3A_12] : memref<128x64xf32, #tpu.memory_space<vmem>>[vector<16xi32>, vector<16xi32>], vector<16xf32>,
        %xor3A_695 = arith.constant 1 : i32
        %xor3A_696 = vector.broadcast %xor3A_695 : i32 to vector<16xi32>
        %xor3A_697 = arith.xori %add3A_12, %xor3A_696 : vector<16xi32>
        %xor3A_698 = arith.constant 1 : i32
        %xor3A_699 = vector.broadcast %xor3A_698 : i32 to vector<16xi32>
        %xor3A_700 = arith.xori %and3A_37, %xor3A_699 : vector<16xi32>
        %gather3A_701 = tpu.vector_load_idx %arg8[%add3A_314, %xor3A_697] : memref<128x64xf32, #tpu.memory_space<vmem>>[vector<16xi32>, vector<16xi32>], vector<16xf32>,
        %xor3A_702 = arith.constant 2 : i32
        %xor3A_703 = vector.broadcast %xor3A_702 : i32 to vector<16xi32>
        %xor3A_704 = arith.xori %add3A_12, %xor3A_703 : vector<16xi32>
        %xor3A_705 = arith.constant 2 : i32
        %xor3A_706 = vector.broadcast %xor3A_705 : i32 to vector<16xi32>
        %xor3A_707 = arith.xori %and3A_37, %xor3A_706 : vector<16xi32>
        %gather3A_708 = tpu.vector_load_idx %arg8[%add3A_314, %xor3A_704] : memref<128x64xf32, #tpu.memory_space<vmem>>[vector<16xi32>, vector<16xi32>], vector<16xf32>,
        %xor3A_709 = arith.constant 3 : i32
        %xor3A_710 = vector.broadcast %xor3A_709 : i32 to vector<16xi32>
        %xor3A_711 = arith.xori %add3A_12, %xor3A_710 : vector<16xi32>
        %xor3A_712 = arith.constant 3 : i32
        %xor3A_713 = vector.broadcast %xor3A_712 : i32 to vector<16xi32>
        %xor3A_714 = arith.xori %and3A_37, %xor3A_713 : vector<16xi32>
        %gather3A_715 = tpu.vector_load_idx %arg8[%add3A_314, %xor3A_711] : memref<128x64xf32, #tpu.memory_space<vmem>>[vector<16xi32>, vector<16xi32>], vector<16xf32>,
        %xor3A_716 = arith.constant 4 : i32
        %xor3A_717 = vector.broadcast %xor3A_716 : i32 to vector<16xi32>
        %xor3A_718 = arith.xori %add3A_12, %xor3A_717 : vector<16xi32>
        %xor3A_719 = arith.constant 4 : i32
        %xor3A_720 = vector.broadcast %xor3A_719 : i32 to vector<16xi32>
        %xor3A_721 = arith.xori %and3A_37, %xor3A_720 : vector<16xi32>
        %gather3A_722 = tpu.vector_load_idx %arg8[%add3A_314, %xor3A_718] : memref<128x64xf32, #tpu.memory_space<vmem>>[vector<16xi32>, vector<16xi32>], vector<16xf32>,
        %xor3A_723 = arith.constant 5 : i32
        %xor3A_724 = vector.broadcast %xor3A_723 : i32 to vector<16xi32>
        %xor3A_725 = arith.xori %add3A_12, %xor3A_724 : vector<16xi32>
        %xor3A_726 = arith.constant 5 : i32
        %xor3A_727 = vector.broadcast %xor3A_726 : i32 to vector<16xi32>
        %xor3A_728 = arith.xori %and3A_37, %xor3A_727 : vector<16xi32>
        %gather3A_729 = tpu.vector_load_idx %arg8[%add3A_314, %xor3A_725] : memref<128x64xf32, #tpu.memory_space<vmem>>[vector<16xi32>, vector<16xi32>], vector<16xf32>,
        %xor3A_730 = arith.constant 6 : i32
        %xor3A_731 = vector.broadcast %xor3A_730 : i32 to vector<16xi32>
        %xor3A_732 = arith.xori %add3A_12, %xor3A_731 : vector<16xi32>
        %xor3A_733 = arith.constant 6 : i32
        %xor3A_734 = vector.broadcast %xor3A_733 : i32 to vector<16xi32>
        %xor3A_735 = arith.xori %and3A_37, %xor3A_734 : vector<16xi32>
        %gather3A_736 = tpu.vector_load_idx %arg8[%add3A_314, %xor3A_732] : memref<128x64xf32, #tpu.memory_space<vmem>>[vector<16xi32>, vector<16xi32>], vector<16xf32>,
        %xor3A_737 = arith.constant 7 : i32
        %xor3A_738 = vector.broadcast %xor3A_737 : i32 to vector<16xi32>
        %xor3A_739 = arith.xori %add3A_12, %xor3A_738 : vector<16xi32>
        %xor3A_740 = arith.constant 7 : i32
        %xor3A_741 = vector.broadcast %xor3A_740 : i32 to vector<16xi32>
        %xor3A_742 = arith.xori %and3A_37, %xor3A_741 : vector<16xi32>
        %gather3A_743 = tpu.vector_load_idx %arg8[%add3A_314, %xor3A_739] : memref<128x64xf32, #tpu.memory_space<vmem>>[vector<16xi32>, vector<16xi32>], vector<16xf32>,
        %xor3A_744 = arith.constant 8 : i32
        %xor3A_745 = vector.broadcast %xor3A_744 : i32 to vector<16xi32>
        %xor3A_746 = arith.xori %add3A_12, %xor3A_745 : vector<16xi32>
        %xor3A_747 = arith.constant 1 : i32
        %xor3A_748 = vector.broadcast %xor3A_747 : i32 to vector<16xi32>
        %xor3A_749 = arith.xori %shift_right_arithmetic3A_35, %xor3A_748 : vector<16xi32>
        %gather3A_750 = tpu.vector_load_idx %arg8[%add3A_314, %xor3A_746] : memref<128x64xf32, #tpu.memory_space<vmem>>[vector<16xi32>, vector<16xi32>], vector<16xf32>,
        %xor3A_751 = arith.constant 9 : i32
        %xor3A_752 = vector.broadcast %xor3A_751 : i32 to vector<16xi32>
        %xor3A_753 = arith.xori %add3A_12, %xor3A_752 : vector<16xi32>
        %xor3A_754 = arith.constant 1 : i32
        %xor3A_755 = vector.broadcast %xor3A_754 : i32 to vector<16xi32>
        %xor3A_756 = arith.xori %shift_right_arithmetic3A_35, %xor3A_755 : vector<16xi32>
        %xor3A_757 = arith.constant 1 : i32
        %xor3A_758 = vector.broadcast %xor3A_757 : i32 to vector<16xi32>
        %xor3A_759 = arith.xori %and3A_37, %xor3A_758 : vector<16xi32>
        %gather3A_760 = tpu.vector_load_idx %arg8[%add3A_314, %xor3A_753] : memref<128x64xf32, #tpu.memory_space<vmem>>[vector<16xi32>, vector<16xi32>], vector<16xf32>,
        %xor3A_761 = arith.constant 10 : i32
        %xor3A_762 = vector.broadcast %xor3A_761 : i32 to vector<16xi32>
        %xor3A_763 = arith.xori %add3A_12, %xor3A_762 : vector<16xi32>
        %xor3A_764 = arith.constant 1 : i32
        %xor3A_765 = vector.broadcast %xor3A_764 : i32 to vector<16xi32>
        %xor3A_766 = arith.xori %shift_right_arithmetic3A_35, %xor3A_765 : vector<16xi32>
        %xor3A_767 = arith.constant 2 : i32
        %xor3A_768 = vector.broadcast %xor3A_767 : i32 to vector<16xi32>
        %xor3A_769 = arith.xori %and3A_37, %xor3A_768 : vector<16xi32>
        %gather3A_770 = tpu.vector_load_idx %arg8[%add3A_314, %xor3A_763] : memref<128x64xf32, #tpu.memory_space<vmem>>[vector<16xi32>, vector<16xi32>], vector<16xf32>,
        %xor3A_771 = arith.constant 11 : i32
        %xor3A_772 = vector.broadcast %xor3A_771 : i32 to vector<16xi32>
        %xor3A_773 = arith.xori %add3A_12, %xor3A_772 : vector<16xi32>
        %xor3A_774 = arith.constant 1 : i32
        %xor3A_775 = vector.broadcast %xor3A_774 : i32 to vector<16xi32>
        %xor3A_776 = arith.xori %shift_right_arithmetic3A_35, %xor3A_775 : vector<16xi32>
        %xor3A_777 = arith.constant 3 : i32
        %xor3A_778 = vector.broadcast %xor3A_777 : i32 to vector<16xi32>
        %xor3A_779 = arith.xori %and3A_37, %xor3A_778 : vector<16xi32>
        %gather3A_780 = tpu.vector_load_idx %arg8[%add3A_314, %xor3A_773] : memref<128x64xf32, #tpu.memory_space<vmem>>[vector<16xi32>, vector<16xi32>], vector<16xf32>,
        %xor3A_781 = arith.constant 12 : i32
        %xor3A_782 = vector.broadcast %xor3A_781 : i32 to vector<16xi32>
        %xor3A_783 = arith.xori %add3A_12, %xor3A_782 : vector<16xi32>
        %xor3A_784 = arith.constant 1 : i32
        %xor3A_785 = vector.broadcast %xor3A_784 : i32 to vector<16xi32>
        %xor3A_786 = arith.xori %shift_right_arithmetic3A_35, %xor3A_785 : vector<16xi32>
        %xor3A_787 = arith.constant 4 : i32
        %xor3A_788 = vector.broadcast %xor3A_787 : i32 to vector<16xi32>
        %xor3A_789 = arith.xori %and3A_37, %xor3A_788 : vector<16xi32>
        %gather3A_790 = tpu.vector_load_idx %arg8[%add3A_314, %xor3A_783] : memref<128x64xf32, #tpu.memory_space<vmem>>[vector<16xi32>, vector<16xi32>], vector<16xf32>,
        %xor3A_791 = arith.constant 13 : i32
        %xor3A_792 = vector.broadcast %xor3A_791 : i32 to vector<16xi32>
        %xor3A_793 = arith.xori %add3A_12, %xor3A_792 : vector<16xi32>
        %xor3A_794 = arith.constant 1 : i32
        %xor3A_795 = vector.broadcast %xor3A_794 : i32 to vector<16xi32>
        %xor3A_796 = arith.xori %shift_right_arithmetic3A_35, %xor3A_795 : vector<16xi32>
        %xor3A_797 = arith.constant 5 : i32
        %xor3A_798 = vector.broadcast %xor3A_797 : i32 to vector<16xi32>
        %xor3A_799 = arith.xori %and3A_37, %xor3A_798 : vector<16xi32>
        %gather3A_800 = tpu.vector_load_idx %arg8[%add3A_314, %xor3A_793] : memref<128x64xf32, #tpu.memory_space<vmem>>[vector<16xi32>, vector<16xi32>], vector<16xf32>,
        %xor3A_801 = arith.constant 14 : i32
        %xor3A_802 = vector.broadcast %xor3A_801 : i32 to vector<16xi32>
        %xor3A_803 = arith.xori %add3A_12, %xor3A_802 : vector<16xi32>
        %xor3A_804 = arith.constant 1 : i32
        %xor3A_805 = vector.broadcast %xor3A_804 : i32 to vector<16xi32>
        %xor3A_806 = arith.xori %shift_right_arithmetic3A_35, %xor3A_805 : vector<16xi32>
        %xor3A_807 = arith.constant 6 : i32
        %xor3A_808 = vector.broadcast %xor3A_807 : i32 to vector<16xi32>
        %xor3A_809 = arith.xori %and3A_37, %xor3A_808 : vector<16xi32>
        %gather3A_810 = tpu.vector_load_idx %arg8[%add3A_314, %xor3A_803] : memref<128x64xf32, #tpu.memory_space<vmem>>[vector<16xi32>, vector<16xi32>], vector<16xf32>,
        %xor3A_811 = arith.constant 15 : i32
        %xor3A_812 = vector.broadcast %xor3A_811 : i32 to vector<16xi32>
        %xor3A_813 = arith.xori %add3A_12, %xor3A_812 : vector<16xi32>
        %xor3A_814 = arith.constant 1 : i32
        %xor3A_815 = vector.broadcast %xor3A_814 : i32 to vector<16xi32>
        %xor3A_816 = arith.xori %shift_right_arithmetic3A_35, %xor3A_815 : vector<16xi32>
        %xor3A_817 = arith.constant 7 : i32
        %xor3A_818 = vector.broadcast %xor3A_817 : i32 to vector<16xi32>
        %xor3A_819 = arith.xori %and3A_37, %xor3A_818 : vector<16xi32>
        %gather3A_820 = tpu.vector_load_idx %arg8[%add3A_314, %xor3A_813] : memref<128x64xf32, #tpu.memory_space<vmem>>[vector<16xi32>, vector<16xi32>], vector<16xf32>,
        tpu.vector_store_idx %arg13[%shift_right_arithmetic3A_29, %and3A_37, %add3A_314], %gather3A_567 : memref<8x8x128xf32, #tpu.memory_space<vmem>>[vector<16xi32>, vector<16xi32>, vector<16xi32>], vector<16xf32>,
        tpu.vector_store_idx %arg13[%shift_right_arithmetic3A_29, %xor3A_573, %add3A_314], %gather3A_574 : memref<8x8x128xf32, #tpu.memory_space<vmem>>[vector<16xi32>, vector<16xi32>, vector<16xi32>], vector<16xf32>,
        tpu.vector_store_idx %arg13[%shift_right_arithmetic3A_29, %xor3A_580, %add3A_314], %gather3A_581 : memref<8x8x128xf32, #tpu.memory_space<vmem>>[vector<16xi32>, vector<16xi32>, vector<16xi32>], vector<16xf32>,
        tpu.vector_store_idx %arg13[%shift_right_arithmetic3A_29, %xor3A_587, %add3A_314], %gather3A_588 : memref<8x8x128xf32, #tpu.memory_space<vmem>>[vector<16xi32>, vector<16xi32>, vector<16xi32>], vector<16xf32>,
        tpu.vector_store_idx %arg13[%shift_right_arithmetic3A_29, %xor3A_594, %add3A_314], %gather3A_595 : memref<8x8x128xf32, #tpu.memory_space<vmem>>[vector<16xi32>, vector<16xi32>, vector<16xi32>], vector<16xf32>,
        tpu.vector_store_idx %arg13[%shift_right_arithmetic3A_29, %xor3A_601, %add3A_314], %gather3A_602 : memref<8x8x128xf32, #tpu.memory_space<vmem>>[vector<16xi32>, vector<16xi32>, vector<16xi32>], vector<16xf32>,
        tpu.vector_store_idx %arg13[%shift_right_arithmetic3A_29, %xor3A_608, %add3A_314], %gather3A_609 : memref<8x8x128xf32, #tpu.memory_space<vmem>>[vector<16xi32>, vector<16xi32>, vector<16xi32>], vector<16xf32>,
        tpu.vector_store_idx %arg13[%shift_right_arithmetic3A_29, %xor3A_615, %add3A_314], %gather3A_616 : memref<8x8x128xf32, #tpu.memory_space<vmem>>[vector<16xi32>, vector<16xi32>, vector<16xi32>], vector<16xf32>,
        tpu.vector_store_idx %arg13[%xor3A_622, %and3A_37, %add3A_314], %gather3A_623 : memref<8x8x128xf32, #tpu.memory_space<vmem>>[vector<16xi32>, vector<16xi32>, vector<16xi32>], vector<16xf32>,
        tpu.vector_store_idx %arg13[%xor3A_629, %xor3A_632, %add3A_314], %gather3A_633 : memref<8x8x128xf32, #tpu.memory_space<vmem>>[vector<16xi32>, vector<16xi32>, vector<16xi32>], vector<16xf32>,
        tpu.vector_store_idx %arg13[%xor3A_639, %xor3A_642, %add3A_314], %gather3A_643 : memref<8x8x128xf32, #tpu.memory_space<vmem>>[vector<16xi32>, vector<16xi32>, vector<16xi32>], vector<16xf32>,
        tpu.vector_store_idx %arg13[%xor3A_649, %xor3A_652, %add3A_314], %gather3A_653 : memref<8x8x128xf32, #tpu.memory_space<vmem>>[vector<16xi32>, vector<16xi32>, vector<16xi32>], vector<16xf32>,
        tpu.vector_store_idx %arg13[%xor3A_659, %xor3A_662, %add3A_314], %gather3A_663 : memref<8x8x128xf32, #tpu.memory_space<vmem>>[vector<16xi32>, vector<16xi32>, vector<16xi32>], vector<16xf32>,
        tpu.vector_store_idx %arg13[%xor3A_669, %xor3A_672, %add3A_314], %gather3A_673 : memref<8x8x128xf32, #tpu.memory_space<vmem>>[vector<16xi32>, vector<16xi32>, vector<16xi32>], vector<16xf32>,
        tpu.vector_store_idx %arg13[%xor3A_679, %xor3A_682, %add3A_314], %gather3A_683 : memref<8x8x128xf32, #tpu.memory_space<vmem>>[vector<16xi32>, vector<16xi32>, vector<16xi32>], vector<16xf32>,
        tpu.vector_store_idx %arg13[%xor3A_689, %xor3A_692, %add3A_314], %gather3A_693 : memref<8x8x128xf32, #tpu.memory_space<vmem>>[vector<16xi32>, vector<16xi32>, vector<16xi32>], vector<16xf32>,
        tpu.vector_store_idx %arg13[%shift_right_arithmetic3A_35, %and3A_37, %add3A_314], %gather3A_694 : memref<8x8x128xf32, #tpu.memory_space<vmem>>[vector<16xi32>, vector<16xi32>, vector<16xi32>], vector<16xf32>,
        tpu.vector_store_idx %arg13[%shift_right_arithmetic3A_35, %xor3A_700, %add3A_314], %gather3A_701 : memref<8x8x128xf32, #tpu.memory_space<vmem>>[vector<16xi32>, vector<16xi32>, vector<16xi32>], vector<16xf32>,
        tpu.vector_store_idx %arg13[%shift_right_arithmetic3A_35, %xor3A_707, %add3A_314], %gather3A_708 : memref<8x8x128xf32, #tpu.memory_space<vmem>>[vector<16xi32>, vector<16xi32>, vector<16xi32>], vector<16xf32>,
        tpu.vector_store_idx %arg13[%shift_right_arithmetic3A_35, %xor3A_714, %add3A_314], %gather3A_715 : memref<8x8x128xf32, #tpu.memory_space<vmem>>[vector<16xi32>, vector<16xi32>, vector<16xi32>], vector<16xf32>,
        tpu.vector_store_idx %arg13[%shift_right_arithmetic3A_35, %xor3A_721, %add3A_314], %gather3A_722 : memref<8x8x128xf32, #tpu.memory_space<vmem>>[vector<16xi32>, vector<16xi32>, vector<16xi32>], vector<16xf32>,
        tpu.vector_store_idx %arg13[%shift_right_arithmetic3A_35, %xor3A_728, %add3A_314], %gather3A_729 : memref<8x8x128xf32, #tpu.memory_space<vmem>>[vector<16xi32>, vector<16xi32>, vector<16xi32>], vector<16xf32>,
        tpu.vector_store_idx %arg13[%shift_right_arithmetic3A_35, %xor3A_735, %add3A_314], %gather3A_736 : memref<8x8x128xf32, #tpu.memory_space<vmem>>[vector<16xi32>, vector<16xi32>, vector<16xi32>], vector<16xf32>,
        tpu.vector_store_idx %arg13[%shift_right_arithmetic3A_35, %xor3A_742, %add3A_314], %gather3A_743 : memref<8x8x128xf32, #tpu.memory_space<vmem>>[vector<16xi32>, vector<16xi32>, vector<16xi32>], vector<16xf32>,
        tpu.vector_store_idx %arg13[%xor3A_749, %and3A_37, %add3A_314], %gather3A_750 : memref<8x8x128xf32, #tpu.memory_space<vmem>>[vector<16xi32>, vector<16xi32>, vector<16xi32>], vector<16xf32>,
        tpu.vector_store_idx %arg13[%xor3A_756, %xor3A_759, %add3A_314], %gather3A_760 : memref<8x8x128xf32, #tpu.memory_space<vmem>>[vector<16xi32>, vector<16xi32>, vector<16xi32>], vector<16xf32>,
        tpu.vector_store_idx %arg13[%xor3A_766, %xor3A_769, %add3A_314], %gather3A_770 : memref<8x8x128xf32, #tpu.memory_space<vmem>>[vector<16xi32>, vector<16xi32>, vector<16xi32>], vector<16xf32>,
        tpu.vector_store_idx %arg13[%xor3A_776, %xor3A_779, %add3A_314], %gather3A_780 : memref<8x8x128xf32, #tpu.memory_space<vmem>>[vector<16xi32>, vector<16xi32>, vector<16xi32>], vector<16xf32>,
        tpu.vector_store_idx %arg13[%xor3A_786, %xor3A_789, %add3A_314], %gather3A_790 : memref<8x8x128xf32, #tpu.memory_space<vmem>>[vector<16xi32>, vector<16xi32>, vector<16xi32>], vector<16xf32>,
        tpu.vector_store_idx %arg13[%xor3A_796, %xor3A_799, %add3A_314], %gather3A_800 : memref<8x8x128xf32, #tpu.memory_space<vmem>>[vector<16xi32>, vector<16xi32>, vector<16xi32>], vector<16xf32>,
        tpu.vector_store_idx %arg13[%xor3A_806, %xor3A_809, %add3A_314], %gather3A_810 : memref<8x8x128xf32, #tpu.memory_space<vmem>>[vector<16xi32>, vector<16xi32>, vector<16xi32>], vector<16xf32>,
        tpu.vector_store_idx %arg13[%xor3A_816, %xor3A_819, %add3A_314], %gather3A_820 : memref<8x8x128xf32, #tpu.memory_space<vmem>>[vector<16xi32>, vector<16xi32>, vector<16xi32>], vector<16xf32>,
      }
      %scan3A_220 = arith.constant 8 : i32
      %add3A_221 = arith.constant 5 : i32
      %add3A_222 = arith.addi %add3A_203, %add3A_221 : i32
      %lt3A_223 = arith.constant 200 : i32
      %lt3A_224 = arith.cmpi slt, %add3A_222, %lt3A_223 : i32
      %convert_element_type3A_225 = arith.extui %lt3A_224 : i1 to i32
      %cond3A_226 = arith.constant 0 : i32
      %cond3A_227 = arith.cmpi ne, %convert_element_type3A_225, %cond3A_226 : i32
      scf.if %cond3A_227 {
        %add3A_310 = arith.constant 5 : i32
        %add3A_311 = arith.addi %add3A_203, %add3A_310 : i32
        %dma_start3A_312 = arith.constant 0 : i32
        %dma_start3A_313 = tpu.memref_slice %arg5[%add3A_311, %dma_start3A_312] : memref<200x128xi32, #tpu.memory_space<vmem>> -> memref<1x128xi32, #tpu.memory_space<vmem>>
        %dma_start3A_314 = tpu.memref_squeeze %dma_start3A_313 : memref<1x128xi32, #tpu.memory_space<vmem>> -> memref<128xi32, #tpu.memory_space<vmem>>
        %dma_start3A_315 = arith.constant 0 : i32
        %dma_start3A_316 = arith.constant 0 : i32
        %dma_start3A_317 = tpu.memref_slice %arg3[%dma_start3A_315, %dma_start3A_316] : memref<8192x64xf32, #tpu.memory_space<hbm>> -> memref<8192x64xf32, #tpu.memory_space<hbm>>
        tpu.enqueue_indirect_dma source(%dma_start3A_317 : memref<8192x64xf32, #tpu.memory_space<hbm>>) target(%arg8 : memref<128x64xf32, #tpu.memory_space<vmem>>) offsets(%dma_start3A_314 : memref<128xi32, #tpu.memory_space<vmem>>) semaphore(%arg18 : memref<!tpu.dma_semaphore, #tpu.memory_space<semaphore_mem>>)
      } else {
      }
      %dma_start3A_228 = arith.constant 0 : i32
      %dma_start3A_229 = arith.constant 0 : i32
      %dma_start3A_230 = arith.constant 0 : i32
      %dma_start3A_231 = tpu.memref_slice %arg4[%add3A_203, %dma_start3A_228, %add3A, %dma_start3A_229, %dma_start3A_230] : memref<200x8x32x8x128xf32, #tpu.memory_space<hbm>> -> memref<1x8x1x8x128xf32, #tpu.memory_space<hbm>>
      %dma_start3A_232 = tpu.memref_squeeze %dma_start3A_231 : memref<1x8x1x8x128xf32, #tpu.memory_space<hbm>> -> memref<8x8x128xf32, #tpu.memory_space<hbm>>
      %dma_start3A_233 = arith.constant 0 : i32
      %dma_start3A_234 = arith.constant 0 : i32
      %dma_start3A_235 = arith.constant 0 : i32
      %dma_start3A_236 = tpu.memref_slice %arg4[%add3A_203, %dma_start3A_233, %add3A, %dma_start3A_234, %dma_start3A_235] : memref<200x8x32x8x128xf32, #tpu.memory_space<hbm>> -> memref<1x8x1x8x128xf32, #tpu.memory_space<hbm>>
      %dma_start3A_237 = tpu.memref_squeeze %dma_start3A_236 : memref<1x8x1x8x128xf32, #tpu.memory_space<hbm>> -> memref<8x8x128xf32, #tpu.memory_space<hbm>>
      tpu.enqueue_dma source(%arg13 : memref<8x8x128xf32, #tpu.memory_space<vmem>>) target(%dma_start3A_237 : memref<8x8x128xf32, #tpu.memory_space<hbm>>) target_semaphore(%arg23 : memref<!tpu.dma_semaphore, #tpu.memory_space<semaphore_mem>>)
      %add3A_238 = arith.constant 3 : i32
      %add3A_239 = arith.addi %mul3A_133, %add3A_238 : i32
      %dma_wait3A_240 = arith.constant 0 : i32
      %dma_wait3A_241 = tpu.memref_slice %arg5[%add3A_239, %dma_wait3A_240] : memref<200x128xi32, #tpu.memory_space<vmem>> -> memref<1x128xi32, #tpu.memory_space<vmem>>
      %dma_wait3A_242 = tpu.memref_squeeze %dma_wait3A_241 : memref<1x128xi32, #tpu.memory_space<vmem>> -> memref<128xi32, #tpu.memory_space<vmem>>
      %dma_wait3A_243 = arith.constant 0 : i32
      %dma_wait3A_244 = arith.constant 0 : i32
      %dma_wait3A_245 = tpu.memref_slice %arg3[%dma_wait3A_243, %dma_wait3A_244] : memref<8192x64xf32, #tpu.memory_space<hbm>> -> memref<8192x64xf32, #tpu.memory_space<hbm>>
      tpu.wait_indirect_dma semaphore(%arg19 : memref<!tpu.dma_semaphore, #tpu.memory_space<semaphore_mem>>) src(%dma_wait3A_245 : memref<8192x64xf32, #tpu.memory_space<hbm>>) dst(%arg9 : memref<128x64xf32, #tpu.memory_space<vmem>>)
      %ge3A_246 = arith.constant 5 : i32
      %ge3A_247 = arith.cmpi sge, %add3A_239, %ge3A_246 : i32
      %convert_element_type3A_248 = arith.extui %ge3A_247 : i1 to i32
      %cond3A_249 = arith.constant 0 : i32
      %cond3A_250 = arith.cmpi ne, %convert_element_type3A_248, %cond3A_249 : i32
      scf.if %cond3A_250 {
        %sub3A = arith.constant 5 : i32
        %sub3A_310 = arith.subi %add3A_239, %sub3A : i32
        %dma_wait3A_311 = arith.constant 0 : i32
        %dma_wait3A_312 = arith.constant 0 : i32
        %dma_wait3A_313 = arith.constant 0 : i32
        %dma_wait3A_314 = tpu.memref_slice %arg4[%sub3A_310, %dma_wait3A_311, %add3A, %dma_wait3A_312, %dma_wait3A_313] : memref<200x8x32x8x128xf32, #tpu.memory_space<hbm>> -> memref<1x8x1x8x128xf32, #tpu.memory_space<hbm>>
        %dma_wait3A_315 = tpu.memref_squeeze %dma_wait3A_314 : memref<1x8x1x8x128xf32, #tpu.memory_space<hbm>> -> memref<8x8x128xf32, #tpu.memory_space<hbm>>
        %dma_wait3A_316 = arith.constant 0 : i32
        %dma_wait3A_317 = arith.constant 0 : i32
        %dma_wait3A_318 = arith.constant 0 : i32
        %dma_wait3A_319 = tpu.memref_slice %arg4[%sub3A_310, %dma_wait3A_316, %add3A, %dma_wait3A_317, %dma_wait3A_318] : memref<200x8x32x8x128xf32, #tpu.memory_space<hbm>> -> memref<1x8x1x8x128xf32, #tpu.memory_space<hbm>>
        %dma_wait3A_320 = tpu.memref_squeeze %dma_wait3A_319 : memref<1x8x1x8x128xf32, #tpu.memory_space<hbm>> -> memref<8x8x128xf32, #tpu.memory_space<hbm>>
        tpu.wait_dma2 semaphore(%arg24 : memref<!tpu.dma_semaphore, #tpu.memory_space<semaphore_mem>>) src(%arg14 : memref<8x8x128xf32, #tpu.memory_space<vmem>>) dst(%dma_wait3A_320 : memref<8x8x128xf32, #tpu.memory_space<hbm>>)
      } else {
      }
      %scan3A_251 = arith.constant 0 : i32
      %scan3A_252 = arith.constant 0 : i32
      %scan3A_253 = arith.constant 8 : i32
      %scan3A_254 = arith.addi %scan3A_252, %scan3A_253 : i32
      %scan3A_255 = arith.constant 1 : i32
      scf.for %scan3A_310 = %scan3A_252 to %scan3A_254 step %scan3A_255  : i32 {
        %mul3A_311 = arith.constant 16 : i32
        %mul3A_312 = arith.muli %scan3A_310, %mul3A_311 : i32
        %add3A_313 = vector.broadcast %mul3A_312 : i32 to vector<16xi32>
        %add3A_314 = arith.addi %add3A_313, %iota3A : vector<16xi32>
        %gather3A = tpu.vector_load_idx %arg9[%add3A_314, %add3A_3] : memref<128x64xf32, #tpu.memory_space<vmem>>[vector<16xi32>, vector<16xi32>], vector<16xf32>,
        %xor3A = arith.constant 1 : i32
        %xor3A_315 = vector.broadcast %xor3A : i32 to vector<16xi32>
        %xor3A_316 = arith.xori %add3A_3, %xor3A_315 : vector<16xi32>
        %xor3A_317 = arith.constant 1 : i32
        %xor3A_318 = vector.broadcast %xor3A_317 : i32 to vector<16xi32>
        %xor3A_319 = arith.xori %and3A_37, %xor3A_318 : vector<16xi32>
        %gather3A_320 = tpu.vector_load_idx %arg9[%add3A_314, %xor3A_316] : memref<128x64xf32, #tpu.memory_space<vmem>>[vector<16xi32>, vector<16xi32>], vector<16xf32>,
        %xor3A_321 = arith.constant 2 : i32
        %xor3A_322 = vector.broadcast %xor3A_321 : i32 to vector<16xi32>
        %xor3A_323 = arith.xori %add3A_3, %xor3A_322 : vector<16xi32>
        %xor3A_324 = arith.constant 2 : i32
        %xor3A_325 = vector.broadcast %xor3A_324 : i32 to vector<16xi32>
        %xor3A_326 = arith.xori %and3A_37, %xor3A_325 : vector<16xi32>
        %gather3A_327 = tpu.vector_load_idx %arg9[%add3A_314, %xor3A_323] : memref<128x64xf32, #tpu.memory_space<vmem>>[vector<16xi32>, vector<16xi32>], vector<16xf32>,
        %xor3A_328 = arith.constant 3 : i32
        %xor3A_329 = vector.broadcast %xor3A_328 : i32 to vector<16xi32>
        %xor3A_330 = arith.xori %add3A_3, %xor3A_329 : vector<16xi32>
        %xor3A_331 = arith.constant 3 : i32
        %xor3A_332 = vector.broadcast %xor3A_331 : i32 to vector<16xi32>
        %xor3A_333 = arith.xori %and3A_37, %xor3A_332 : vector<16xi32>
        %gather3A_334 = tpu.vector_load_idx %arg9[%add3A_314, %xor3A_330] : memref<128x64xf32, #tpu.memory_space<vmem>>[vector<16xi32>, vector<16xi32>], vector<16xf32>,
        %xor3A_335 = arith.constant 4 : i32
        %xor3A_336 = vector.broadcast %xor3A_335 : i32 to vector<16xi32>
        %xor3A_337 = arith.xori %add3A_3, %xor3A_336 : vector<16xi32>
        %xor3A_338 = arith.constant 4 : i32
        %xor3A_339 = vector.broadcast %xor3A_338 : i32 to vector<16xi32>
        %xor3A_340 = arith.xori %and3A_37, %xor3A_339 : vector<16xi32>
        %gather3A_341 = tpu.vector_load_idx %arg9[%add3A_314, %xor3A_337] : memref<128x64xf32, #tpu.memory_space<vmem>>[vector<16xi32>, vector<16xi32>], vector<16xf32>,
        %xor3A_342 = arith.constant 5 : i32
        %xor3A_343 = vector.broadcast %xor3A_342 : i32 to vector<16xi32>
        %xor3A_344 = arith.xori %add3A_3, %xor3A_343 : vector<16xi32>
        %xor3A_345 = arith.constant 5 : i32
        %xor3A_346 = vector.broadcast %xor3A_345 : i32 to vector<16xi32>
        %xor3A_347 = arith.xori %and3A_37, %xor3A_346 : vector<16xi32>
        %gather3A_348 = tpu.vector_load_idx %arg9[%add3A_314, %xor3A_344] : memref<128x64xf32, #tpu.memory_space<vmem>>[vector<16xi32>, vector<16xi32>], vector<16xf32>,
        %xor3A_349 = arith.constant 6 : i32
        %xor3A_350 = vector.broadcast %xor3A_349 : i32 to vector<16xi32>
        %xor3A_351 = arith.xori %add3A_3, %xor3A_350 : vector<16xi32>
        %xor3A_352 = arith.constant 6 : i32
        %xor3A_353 = vector.broadcast %xor3A_352 : i32 to vector<16xi32>
        %xor3A_354 = arith.xori %and3A_37, %xor3A_353 : vector<16xi32>
        %gather3A_355 = tpu.vector_load_idx %arg9[%add3A_314, %xor3A_351] : memref<128x64xf32, #tpu.memory_space<vmem>>[vector<16xi32>, vector<16xi32>], vector<16xf32>,
        %xor3A_356 = arith.constant 7 : i32
        %xor3A_357 = vector.broadcast %xor3A_356 : i32 to vector<16xi32>
        %xor3A_358 = arith.xori %add3A_3, %xor3A_357 : vector<16xi32>
        %xor3A_359 = arith.constant 7 : i32
        %xor3A_360 = vector.broadcast %xor3A_359 : i32 to vector<16xi32>
        %xor3A_361 = arith.xori %and3A_37, %xor3A_360 : vector<16xi32>
        %gather3A_362 = tpu.vector_load_idx %arg9[%add3A_314, %xor3A_358] : memref<128x64xf32, #tpu.memory_space<vmem>>[vector<16xi32>, vector<16xi32>], vector<16xf32>,
        %xor3A_363 = arith.constant 8 : i32
        %xor3A_364 = vector.broadcast %xor3A_363 : i32 to vector<16xi32>
        %xor3A_365 = arith.xori %add3A_3, %xor3A_364 : vector<16xi32>
        %xor3A_366 = arith.constant 1 : i32
        %xor3A_367 = vector.broadcast %xor3A_366 : i32 to vector<16xi32>
        %xor3A_368 = arith.xori %shift_right_arithmetic3A_17, %xor3A_367 : vector<16xi32>
        %gather3A_369 = tpu.vector_load_idx %arg9[%add3A_314, %xor3A_365] : memref<128x64xf32, #tpu.memory_space<vmem>>[vector<16xi32>, vector<16xi32>], vector<16xf32>,
        %xor3A_370 = arith.constant 9 : i32
        %xor3A_371 = vector.broadcast %xor3A_370 : i32 to vector<16xi32>
        %xor3A_372 = arith.xori %add3A_3, %xor3A_371 : vector<16xi32>
        %xor3A_373 = arith.constant 1 : i32
        %xor3A_374 = vector.broadcast %xor3A_373 : i32 to vector<16xi32>
        %xor3A_375 = arith.xori %shift_right_arithmetic3A_17, %xor3A_374 : vector<16xi32>
        %xor3A_376 = arith.constant 1 : i32
        %xor3A_377 = vector.broadcast %xor3A_376 : i32 to vector<16xi32>
        %xor3A_378 = arith.xori %and3A_37, %xor3A_377 : vector<16xi32>
        %gather3A_379 = tpu.vector_load_idx %arg9[%add3A_314, %xor3A_372] : memref<128x64xf32, #tpu.memory_space<vmem>>[vector<16xi32>, vector<16xi32>], vector<16xf32>,
        %xor3A_380 = arith.constant 10 : i32
        %xor3A_381 = vector.broadcast %xor3A_380 : i32 to vector<16xi32>
        %xor3A_382 = arith.xori %add3A_3, %xor3A_381 : vector<16xi32>
        %xor3A_383 = arith.constant 1 : i32
        %xor3A_384 = vector.broadcast %xor3A_383 : i32 to vector<16xi32>
        %xor3A_385 = arith.xori %shift_right_arithmetic3A_17, %xor3A_384 : vector<16xi32>
        %xor3A_386 = arith.constant 2 : i32
        %xor3A_387 = vector.broadcast %xor3A_386 : i32 to vector<16xi32>
        %xor3A_388 = arith.xori %and3A_37, %xor3A_387 : vector<16xi32>
        %gather3A_389 = tpu.vector_load_idx %arg9[%add3A_314, %xor3A_382] : memref<128x64xf32, #tpu.memory_space<vmem>>[vector<16xi32>, vector<16xi32>], vector<16xf32>,
        %xor3A_390 = arith.constant 11 : i32
        %xor3A_391 = vector.broadcast %xor3A_390 : i32 to vector<16xi32>
        %xor3A_392 = arith.xori %add3A_3, %xor3A_391 : vector<16xi32>
        %xor3A_393 = arith.constant 1 : i32
        %xor3A_394 = vector.broadcast %xor3A_393 : i32 to vector<16xi32>
        %xor3A_395 = arith.xori %shift_right_arithmetic3A_17, %xor3A_394 : vector<16xi32>
        %xor3A_396 = arith.constant 3 : i32
        %xor3A_397 = vector.broadcast %xor3A_396 : i32 to vector<16xi32>
        %xor3A_398 = arith.xori %and3A_37, %xor3A_397 : vector<16xi32>
        %gather3A_399 = tpu.vector_load_idx %arg9[%add3A_314, %xor3A_392] : memref<128x64xf32, #tpu.memory_space<vmem>>[vector<16xi32>, vector<16xi32>], vector<16xf32>,
        %xor3A_400 = arith.constant 12 : i32
        %xor3A_401 = vector.broadcast %xor3A_400 : i32 to vector<16xi32>
        %xor3A_402 = arith.xori %add3A_3, %xor3A_401 : vector<16xi32>
        %xor3A_403 = arith.constant 1 : i32
        %xor3A_404 = vector.broadcast %xor3A_403 : i32 to vector<16xi32>
        %xor3A_405 = arith.xori %shift_right_arithmetic3A_17, %xor3A_404 : vector<16xi32>
        %xor3A_406 = arith.constant 4 : i32
        %xor3A_407 = vector.broadcast %xor3A_406 : i32 to vector<16xi32>
        %xor3A_408 = arith.xori %and3A_37, %xor3A_407 : vector<16xi32>
        %gather3A_409 = tpu.vector_load_idx %arg9[%add3A_314, %xor3A_402] : memref<128x64xf32, #tpu.memory_space<vmem>>[vector<16xi32>, vector<16xi32>], vector<16xf32>,
        %xor3A_410 = arith.constant 13 : i32
        %xor3A_411 = vector.broadcast %xor3A_410 : i32 to vector<16xi32>
        %xor3A_412 = arith.xori %add3A_3, %xor3A_411 : vector<16xi32>
        %xor3A_413 = arith.constant 1 : i32
        %xor3A_414 = vector.broadcast %xor3A_413 : i32 to vector<16xi32>
        %xor3A_415 = arith.xori %shift_right_arithmetic3A_17, %xor3A_414 : vector<16xi32>
        %xor3A_416 = arith.constant 5 : i32
        %xor3A_417 = vector.broadcast %xor3A_416 : i32 to vector<16xi32>
        %xor3A_418 = arith.xori %and3A_37, %xor3A_417 : vector<16xi32>
        %gather3A_419 = tpu.vector_load_idx %arg9[%add3A_314, %xor3A_412] : memref<128x64xf32, #tpu.memory_space<vmem>>[vector<16xi32>, vector<16xi32>], vector<16xf32>,
        %xor3A_420 = arith.constant 14 : i32
        %xor3A_421 = vector.broadcast %xor3A_420 : i32 to vector<16xi32>
        %xor3A_422 = arith.xori %add3A_3, %xor3A_421 : vector<16xi32>
        %xor3A_423 = arith.constant 1 : i32
        %xor3A_424 = vector.broadcast %xor3A_423 : i32 to vector<16xi32>
        %xor3A_425 = arith.xori %shift_right_arithmetic3A_17, %xor3A_424 : vector<16xi32>
        %xor3A_426 = arith.constant 6 : i32
        %xor3A_427 = vector.broadcast %xor3A_426 : i32 to vector<16xi32>
        %xor3A_428 = arith.xori %and3A_37, %xor3A_427 : vector<16xi32>
        %gather3A_429 = tpu.vector_load_idx %arg9[%add3A_314, %xor3A_422] : memref<128x64xf32, #tpu.memory_space<vmem>>[vector<16xi32>, vector<16xi32>], vector<16xf32>,
        %xor3A_430 = arith.constant 15 : i32
        %xor3A_431 = vector.broadcast %xor3A_430 : i32 to vector<16xi32>
        %xor3A_432 = arith.xori %add3A_3, %xor3A_431 : vector<16xi32>
        %xor3A_433 = arith.constant 1 : i32
        %xor3A_434 = vector.broadcast %xor3A_433 : i32 to vector<16xi32>
        %xor3A_435 = arith.xori %shift_right_arithmetic3A_17, %xor3A_434 : vector<16xi32>
        %xor3A_436 = arith.constant 7 : i32
        %xor3A_437 = vector.broadcast %xor3A_436 : i32 to vector<16xi32>
        %xor3A_438 = arith.xori %and3A_37, %xor3A_437 : vector<16xi32>
        %gather3A_439 = tpu.vector_load_idx %arg9[%add3A_314, %xor3A_432] : memref<128x64xf32, #tpu.memory_space<vmem>>[vector<16xi32>, vector<16xi32>], vector<16xf32>,
        %gather3A_440 = tpu.vector_load_idx %arg9[%add3A_314, %add3A_6] : memref<128x64xf32, #tpu.memory_space<vmem>>[vector<16xi32>, vector<16xi32>], vector<16xf32>,
        %xor3A_441 = arith.constant 1 : i32
        %xor3A_442 = vector.broadcast %xor3A_441 : i32 to vector<16xi32>
        %xor3A_443 = arith.xori %add3A_6, %xor3A_442 : vector<16xi32>
        %xor3A_444 = arith.constant 1 : i32
        %xor3A_445 = vector.broadcast %xor3A_444 : i32 to vector<16xi32>
        %xor3A_446 = arith.xori %and3A_37, %xor3A_445 : vector<16xi32>
        %gather3A_447 = tpu.vector_load_idx %arg9[%add3A_314, %xor3A_443] : memref<128x64xf32, #tpu.memory_space<vmem>>[vector<16xi32>, vector<16xi32>], vector<16xf32>,
        %xor3A_448 = arith.constant 2 : i32
        %xor3A_449 = vector.broadcast %xor3A_448 : i32 to vector<16xi32>
        %xor3A_450 = arith.xori %add3A_6, %xor3A_449 : vector<16xi32>
        %xor3A_451 = arith.constant 2 : i32
        %xor3A_452 = vector.broadcast %xor3A_451 : i32 to vector<16xi32>
        %xor3A_453 = arith.xori %and3A_37, %xor3A_452 : vector<16xi32>
        %gather3A_454 = tpu.vector_load_idx %arg9[%add3A_314, %xor3A_450] : memref<128x64xf32, #tpu.memory_space<vmem>>[vector<16xi32>, vector<16xi32>], vector<16xf32>,
        %xor3A_455 = arith.constant 3 : i32
        %xor3A_456 = vector.broadcast %xor3A_455 : i32 to vector<16xi32>
        %xor3A_457 = arith.xori %add3A_6, %xor3A_456 : vector<16xi32>
        %xor3A_458 = arith.constant 3 : i32
        %xor3A_459 = vector.broadcast %xor3A_458 : i32 to vector<16xi32>
        %xor3A_460 = arith.xori %and3A_37, %xor3A_459 : vector<16xi32>
        %gather3A_461 = tpu.vector_load_idx %arg9[%add3A_314, %xor3A_457] : memref<128x64xf32, #tpu.memory_space<vmem>>[vector<16xi32>, vector<16xi32>], vector<16xf32>,
        %xor3A_462 = arith.constant 4 : i32
        %xor3A_463 = vector.broadcast %xor3A_462 : i32 to vector<16xi32>
        %xor3A_464 = arith.xori %add3A_6, %xor3A_463 : vector<16xi32>
        %xor3A_465 = arith.constant 4 : i32
        %xor3A_466 = vector.broadcast %xor3A_465 : i32 to vector<16xi32>
        %xor3A_467 = arith.xori %and3A_37, %xor3A_466 : vector<16xi32>
        %gather3A_468 = tpu.vector_load_idx %arg9[%add3A_314, %xor3A_464] : memref<128x64xf32, #tpu.memory_space<vmem>>[vector<16xi32>, vector<16xi32>], vector<16xf32>,
        %xor3A_469 = arith.constant 5 : i32
        %xor3A_470 = vector.broadcast %xor3A_469 : i32 to vector<16xi32>
        %xor3A_471 = arith.xori %add3A_6, %xor3A_470 : vector<16xi32>
        %xor3A_472 = arith.constant 5 : i32
        %xor3A_473 = vector.broadcast %xor3A_472 : i32 to vector<16xi32>
        %xor3A_474 = arith.xori %and3A_37, %xor3A_473 : vector<16xi32>
        %gather3A_475 = tpu.vector_load_idx %arg9[%add3A_314, %xor3A_471] : memref<128x64xf32, #tpu.memory_space<vmem>>[vector<16xi32>, vector<16xi32>], vector<16xf32>,
        %xor3A_476 = arith.constant 6 : i32
        %xor3A_477 = vector.broadcast %xor3A_476 : i32 to vector<16xi32>
        %xor3A_478 = arith.xori %add3A_6, %xor3A_477 : vector<16xi32>
        %xor3A_479 = arith.constant 6 : i32
        %xor3A_480 = vector.broadcast %xor3A_479 : i32 to vector<16xi32>
        %xor3A_481 = arith.xori %and3A_37, %xor3A_480 : vector<16xi32>
        %gather3A_482 = tpu.vector_load_idx %arg9[%add3A_314, %xor3A_478] : memref<128x64xf32, #tpu.memory_space<vmem>>[vector<16xi32>, vector<16xi32>], vector<16xf32>,
        %xor3A_483 = arith.constant 7 : i32
        %xor3A_484 = vector.broadcast %xor3A_483 : i32 to vector<16xi32>
        %xor3A_485 = arith.xori %add3A_6, %xor3A_484 : vector<16xi32>
        %xor3A_486 = arith.constant 7 : i32
        %xor3A_487 = vector.broadcast %xor3A_486 : i32 to vector<16xi32>
        %xor3A_488 = arith.xori %and3A_37, %xor3A_487 : vector<16xi32>
        %gather3A_489 = tpu.vector_load_idx %arg9[%add3A_314, %xor3A_485] : memref<128x64xf32, #tpu.memory_space<vmem>>[vector<16xi32>, vector<16xi32>], vector<16xf32>,
        %xor3A_490 = arith.constant 8 : i32
        %xor3A_491 = vector.broadcast %xor3A_490 : i32 to vector<16xi32>
        %xor3A_492 = arith.xori %add3A_6, %xor3A_491 : vector<16xi32>
        %xor3A_493 = arith.constant 1 : i32
        %xor3A_494 = vector.broadcast %xor3A_493 : i32 to vector<16xi32>
        %xor3A_495 = arith.xori %shift_right_arithmetic3A_23, %xor3A_494 : vector<16xi32>
        %gather3A_496 = tpu.vector_load_idx %arg9[%add3A_314, %xor3A_492] : memref<128x64xf32, #tpu.memory_space<vmem>>[vector<16xi32>, vector<16xi32>], vector<16xf32>,
        %xor3A_497 = arith.constant 9 : i32
        %xor3A_498 = vector.broadcast %xor3A_497 : i32 to vector<16xi32>
        %xor3A_499 = arith.xori %add3A_6, %xor3A_498 : vector<16xi32>
        %xor3A_500 = arith.constant 1 : i32
        %xor3A_501 = vector.broadcast %xor3A_500 : i32 to vector<16xi32>
        %xor3A_502 = arith.xori %shift_right_arithmetic3A_23, %xor3A_501 : vector<16xi32>
        %xor3A_503 = arith.constant 1 : i32
        %xor3A_504 = vector.broadcast %xor3A_503 : i32 to vector<16xi32>
        %xor3A_505 = arith.xori %and3A_37, %xor3A_504 : vector<16xi32>
        %gather3A_506 = tpu.vector_load_idx %arg9[%add3A_314, %xor3A_499] : memref<128x64xf32, #tpu.memory_space<vmem>>[vector<16xi32>, vector<16xi32>], vector<16xf32>,
        %xor3A_507 = arith.constant 10 : i32
        %xor3A_508 = vector.broadcast %xor3A_507 : i32 to vector<16xi32>
        %xor3A_509 = arith.xori %add3A_6, %xor3A_508 : vector<16xi32>
        %xor3A_510 = arith.constant 1 : i32
        %xor3A_511 = vector.broadcast %xor3A_510 : i32 to vector<16xi32>
        %xor3A_512 = arith.xori %shift_right_arithmetic3A_23, %xor3A_511 : vector<16xi32>
        %xor3A_513 = arith.constant 2 : i32
        %xor3A_514 = vector.broadcast %xor3A_513 : i32 to vector<16xi32>
        %xor3A_515 = arith.xori %and3A_37, %xor3A_514 : vector<16xi32>
        %gather3A_516 = tpu.vector_load_idx %arg9[%add3A_314, %xor3A_509] : memref<128x64xf32, #tpu.memory_space<vmem>>[vector<16xi32>, vector<16xi32>], vector<16xf32>,
        %xor3A_517 = arith.constant 11 : i32
        %xor3A_518 = vector.broadcast %xor3A_517 : i32 to vector<16xi32>
        %xor3A_519 = arith.xori %add3A_6, %xor3A_518 : vector<16xi32>
        %xor3A_520 = arith.constant 1 : i32
        %xor3A_521 = vector.broadcast %xor3A_520 : i32 to vector<16xi32>
        %xor3A_522 = arith.xori %shift_right_arithmetic3A_23, %xor3A_521 : vector<16xi32>
        %xor3A_523 = arith.constant 3 : i32
        %xor3A_524 = vector.broadcast %xor3A_523 : i32 to vector<16xi32>
        %xor3A_525 = arith.xori %and3A_37, %xor3A_524 : vector<16xi32>
        %gather3A_526 = tpu.vector_load_idx %arg9[%add3A_314, %xor3A_519] : memref<128x64xf32, #tpu.memory_space<vmem>>[vector<16xi32>, vector<16xi32>], vector<16xf32>,
        %xor3A_527 = arith.constant 12 : i32
        %xor3A_528 = vector.broadcast %xor3A_527 : i32 to vector<16xi32>
        %xor3A_529 = arith.xori %add3A_6, %xor3A_528 : vector<16xi32>
        %xor3A_530 = arith.constant 1 : i32
        %xor3A_531 = vector.broadcast %xor3A_530 : i32 to vector<16xi32>
        %xor3A_532 = arith.xori %shift_right_arithmetic3A_23, %xor3A_531 : vector<16xi32>
        %xor3A_533 = arith.constant 4 : i32
        %xor3A_534 = vector.broadcast %xor3A_533 : i32 to vector<16xi32>
        %xor3A_535 = arith.xori %and3A_37, %xor3A_534 : vector<16xi32>
        %gather3A_536 = tpu.vector_load_idx %arg9[%add3A_314, %xor3A_529] : memref<128x64xf32, #tpu.memory_space<vmem>>[vector<16xi32>, vector<16xi32>], vector<16xf32>,
        %xor3A_537 = arith.constant 13 : i32
        %xor3A_538 = vector.broadcast %xor3A_537 : i32 to vector<16xi32>
        %xor3A_539 = arith.xori %add3A_6, %xor3A_538 : vector<16xi32>
        %xor3A_540 = arith.constant 1 : i32
        %xor3A_541 = vector.broadcast %xor3A_540 : i32 to vector<16xi32>
        %xor3A_542 = arith.xori %shift_right_arithmetic3A_23, %xor3A_541 : vector<16xi32>
        %xor3A_543 = arith.constant 5 : i32
        %xor3A_544 = vector.broadcast %xor3A_543 : i32 to vector<16xi32>
        %xor3A_545 = arith.xori %and3A_37, %xor3A_544 : vector<16xi32>
        %gather3A_546 = tpu.vector_load_idx %arg9[%add3A_314, %xor3A_539] : memref<128x64xf32, #tpu.memory_space<vmem>>[vector<16xi32>, vector<16xi32>], vector<16xf32>,
        %xor3A_547 = arith.constant 14 : i32
        %xor3A_548 = vector.broadcast %xor3A_547 : i32 to vector<16xi32>
        %xor3A_549 = arith.xori %add3A_6, %xor3A_548 : vector<16xi32>
        %xor3A_550 = arith.constant 1 : i32
        %xor3A_551 = vector.broadcast %xor3A_550 : i32 to vector<16xi32>
        %xor3A_552 = arith.xori %shift_right_arithmetic3A_23, %xor3A_551 : vector<16xi32>
        %xor3A_553 = arith.constant 6 : i32
        %xor3A_554 = vector.broadcast %xor3A_553 : i32 to vector<16xi32>
        %xor3A_555 = arith.xori %and3A_37, %xor3A_554 : vector<16xi32>
        %gather3A_556 = tpu.vector_load_idx %arg9[%add3A_314, %xor3A_549] : memref<128x64xf32, #tpu.memory_space<vmem>>[vector<16xi32>, vector<16xi32>], vector<16xf32>,
        %xor3A_557 = arith.constant 15 : i32
        %xor3A_558 = vector.broadcast %xor3A_557 : i32 to vector<16xi32>
        %xor3A_559 = arith.xori %add3A_6, %xor3A_558 : vector<16xi32>
        %xor3A_560 = arith.constant 1 : i32
        %xor3A_561 = vector.broadcast %xor3A_560 : i32 to vector<16xi32>
        %xor3A_562 = arith.xori %shift_right_arithmetic3A_23, %xor3A_561 : vector<16xi32>
        %xor3A_563 = arith.constant 7 : i32
        %xor3A_564 = vector.broadcast %xor3A_563 : i32 to vector<16xi32>
        %xor3A_565 = arith.xori %and3A_37, %xor3A_564 : vector<16xi32>
        %gather3A_566 = tpu.vector_load_idx %arg9[%add3A_314, %xor3A_559] : memref<128x64xf32, #tpu.memory_space<vmem>>[vector<16xi32>, vector<16xi32>], vector<16xf32>,
        tpu.vector_store_idx %arg14[%shift_right_arithmetic3A_17, %and3A_37, %add3A_314], %gather3A : memref<8x8x128xf32, #tpu.memory_space<vmem>>[vector<16xi32>, vector<16xi32>, vector<16xi32>], vector<16xf32>,
        tpu.vector_store_idx %arg14[%shift_right_arithmetic3A_17, %xor3A_319, %add3A_314], %gather3A_320 : memref<8x8x128xf32, #tpu.memory_space<vmem>>[vector<16xi32>, vector<16xi32>, vector<16xi32>], vector<16xf32>,
        tpu.vector_store_idx %arg14[%shift_right_arithmetic3A_17, %xor3A_326, %add3A_314], %gather3A_327 : memref<8x8x128xf32, #tpu.memory_space<vmem>>[vector<16xi32>, vector<16xi32>, vector<16xi32>], vector<16xf32>,
        tpu.vector_store_idx %arg14[%shift_right_arithmetic3A_17, %xor3A_333, %add3A_314], %gather3A_334 : memref<8x8x128xf32, #tpu.memory_space<vmem>>[vector<16xi32>, vector<16xi32>, vector<16xi32>], vector<16xf32>,
        tpu.vector_store_idx %arg14[%shift_right_arithmetic3A_17, %xor3A_340, %add3A_314], %gather3A_341 : memref<8x8x128xf32, #tpu.memory_space<vmem>>[vector<16xi32>, vector<16xi32>, vector<16xi32>], vector<16xf32>,
        tpu.vector_store_idx %arg14[%shift_right_arithmetic3A_17, %xor3A_347, %add3A_314], %gather3A_348 : memref<8x8x128xf32, #tpu.memory_space<vmem>>[vector<16xi32>, vector<16xi32>, vector<16xi32>], vector<16xf32>,
        tpu.vector_store_idx %arg14[%shift_right_arithmetic3A_17, %xor3A_354, %add3A_314], %gather3A_355 : memref<8x8x128xf32, #tpu.memory_space<vmem>>[vector<16xi32>, vector<16xi32>, vector<16xi32>], vector<16xf32>,
        tpu.vector_store_idx %arg14[%shift_right_arithmetic3A_17, %xor3A_361, %add3A_314], %gather3A_362 : memref<8x8x128xf32, #tpu.memory_space<vmem>>[vector<16xi32>, vector<16xi32>, vector<16xi32>], vector<16xf32>,
        tpu.vector_store_idx %arg14[%xor3A_368, %and3A_37, %add3A_314], %gather3A_369 : memref<8x8x128xf32, #tpu.memory_space<vmem>>[vector<16xi32>, vector<16xi32>, vector<16xi32>], vector<16xf32>,
        tpu.vector_store_idx %arg14[%xor3A_375, %xor3A_378, %add3A_314], %gather3A_379 : memref<8x8x128xf32, #tpu.memory_space<vmem>>[vector<16xi32>, vector<16xi32>, vector<16xi32>], vector<16xf32>,
        tpu.vector_store_idx %arg14[%xor3A_385, %xor3A_388, %add3A_314], %gather3A_389 : memref<8x8x128xf32, #tpu.memory_space<vmem>>[vector<16xi32>, vector<16xi32>, vector<16xi32>], vector<16xf32>,
        tpu.vector_store_idx %arg14[%xor3A_395, %xor3A_398, %add3A_314], %gather3A_399 : memref<8x8x128xf32, #tpu.memory_space<vmem>>[vector<16xi32>, vector<16xi32>, vector<16xi32>], vector<16xf32>,
        tpu.vector_store_idx %arg14[%xor3A_405, %xor3A_408, %add3A_314], %gather3A_409 : memref<8x8x128xf32, #tpu.memory_space<vmem>>[vector<16xi32>, vector<16xi32>, vector<16xi32>], vector<16xf32>,
        tpu.vector_store_idx %arg14[%xor3A_415, %xor3A_418, %add3A_314], %gather3A_419 : memref<8x8x128xf32, #tpu.memory_space<vmem>>[vector<16xi32>, vector<16xi32>, vector<16xi32>], vector<16xf32>,
        tpu.vector_store_idx %arg14[%xor3A_425, %xor3A_428, %add3A_314], %gather3A_429 : memref<8x8x128xf32, #tpu.memory_space<vmem>>[vector<16xi32>, vector<16xi32>, vector<16xi32>], vector<16xf32>,
        tpu.vector_store_idx %arg14[%xor3A_435, %xor3A_438, %add3A_314], %gather3A_439 : memref<8x8x128xf32, #tpu.memory_space<vmem>>[vector<16xi32>, vector<16xi32>, vector<16xi32>], vector<16xf32>,
        tpu.vector_store_idx %arg14[%shift_right_arithmetic3A_23, %and3A_37, %add3A_314], %gather3A_440 : memref<8x8x128xf32, #tpu.memory_space<vmem>>[vector<16xi32>, vector<16xi32>, vector<16xi32>], vector<16xf32>,
        tpu.vector_store_idx %arg14[%shift_right_arithmetic3A_23, %xor3A_446, %add3A_314], %gather3A_447 : memref<8x8x128xf32, #tpu.memory_space<vmem>>[vector<16xi32>, vector<16xi32>, vector<16xi32>], vector<16xf32>,
        tpu.vector_store_idx %arg14[%shift_right_arithmetic3A_23, %xor3A_453, %add3A_314], %gather3A_454 : memref<8x8x128xf32, #tpu.memory_space<vmem>>[vector<16xi32>, vector<16xi32>, vector<16xi32>], vector<16xf32>,
        tpu.vector_store_idx %arg14[%shift_right_arithmetic3A_23, %xor3A_460, %add3A_314], %gather3A_461 : memref<8x8x128xf32, #tpu.memory_space<vmem>>[vector<16xi32>, vector<16xi32>, vector<16xi32>], vector<16xf32>,
        tpu.vector_store_idx %arg14[%shift_right_arithmetic3A_23, %xor3A_467, %add3A_314], %gather3A_468 : memref<8x8x128xf32, #tpu.memory_space<vmem>>[vector<16xi32>, vector<16xi32>, vector<16xi32>], vector<16xf32>,
        tpu.vector_store_idx %arg14[%shift_right_arithmetic3A_23, %xor3A_474, %add3A_314], %gather3A_475 : memref<8x8x128xf32, #tpu.memory_space<vmem>>[vector<16xi32>, vector<16xi32>, vector<16xi32>], vector<16xf32>,
        tpu.vector_store_idx %arg14[%shift_right_arithmetic3A_23, %xor3A_481, %add3A_314], %gather3A_482 : memref<8x8x128xf32, #tpu.memory_space<vmem>>[vector<16xi32>, vector<16xi32>, vector<16xi32>], vector<16xf32>,
        tpu.vector_store_idx %arg14[%shift_right_arithmetic3A_23, %xor3A_488, %add3A_314], %gather3A_489 : memref<8x8x128xf32, #tpu.memory_space<vmem>>[vector<16xi32>, vector<16xi32>, vector<16xi32>], vector<16xf32>,
        tpu.vector_store_idx %arg14[%xor3A_495, %and3A_37, %add3A_314], %gather3A_496 : memref<8x8x128xf32, #tpu.memory_space<vmem>>[vector<16xi32>, vector<16xi32>, vector<16xi32>], vector<16xf32>,
        tpu.vector_store_idx %arg14[%xor3A_502, %xor3A_505, %add3A_314], %gather3A_506 : memref<8x8x128xf32, #tpu.memory_space<vmem>>[vector<16xi32>, vector<16xi32>, vector<16xi32>], vector<16xf32>,
        tpu.vector_store_idx %arg14[%xor3A_512, %xor3A_515, %add3A_314], %gather3A_516 : memref<8x8x128xf32, #tpu.memory_space<vmem>>[vector<16xi32>, vector<16xi32>, vector<16xi32>], vector<16xf32>,
        tpu.vector_store_idx %arg14[%xor3A_522, %xor3A_525, %add3A_314], %gather3A_526 : memref<8x8x128xf32, #tpu.memory_space<vmem>>[vector<16xi32>, vector<16xi32>, vector<16xi32>], vector<16xf32>,
        tpu.vector_store_idx %arg14[%xor3A_532, %xor3A_535, %add3A_314], %gather3A_536 : memref<8x8x128xf32, #tpu.memory_space<vmem>>[vector<16xi32>, vector<16xi32>, vector<16xi32>], vector<16xf32>,
        tpu.vector_store_idx %arg14[%xor3A_542, %xor3A_545, %add3A_314], %gather3A_546 : memref<8x8x128xf32, #tpu.memory_space<vmem>>[vector<16xi32>, vector<16xi32>, vector<16xi32>], vector<16xf32>,
        tpu.vector_store_idx %arg14[%xor3A_552, %xor3A_555, %add3A_314], %gather3A_556 : memref<8x8x128xf32, #tpu.memory_space<vmem>>[vector<16xi32>, vector<16xi32>, vector<16xi32>], vector<16xf32>,
        tpu.vector_store_idx %arg14[%xor3A_562, %xor3A_565, %add3A_314], %gather3A_566 : memref<8x8x128xf32, #tpu.memory_space<vmem>>[vector<16xi32>, vector<16xi32>, vector<16xi32>], vector<16xf32>,
        %gather3A_567 = tpu.vector_load_idx %arg9[%add3A_314, %add3A_9] : memref<128x64xf32, #tpu.memory_space<vmem>>[vector<16xi32>, vector<16xi32>], vector<16xf32>,
        %xor3A_568 = arith.constant 1 : i32
        %xor3A_569 = vector.broadcast %xor3A_568 : i32 to vector<16xi32>
        %xor3A_570 = arith.xori %add3A_9, %xor3A_569 : vector<16xi32>
        %xor3A_571 = arith.constant 1 : i32
        %xor3A_572 = vector.broadcast %xor3A_571 : i32 to vector<16xi32>
        %xor3A_573 = arith.xori %and3A_37, %xor3A_572 : vector<16xi32>
        %gather3A_574 = tpu.vector_load_idx %arg9[%add3A_314, %xor3A_570] : memref<128x64xf32, #tpu.memory_space<vmem>>[vector<16xi32>, vector<16xi32>], vector<16xf32>,
        %xor3A_575 = arith.constant 2 : i32
        %xor3A_576 = vector.broadcast %xor3A_575 : i32 to vector<16xi32>
        %xor3A_577 = arith.xori %add3A_9, %xor3A_576 : vector<16xi32>
        %xor3A_578 = arith.constant 2 : i32
        %xor3A_579 = vector.broadcast %xor3A_578 : i32 to vector<16xi32>
        %xor3A_580 = arith.xori %and3A_37, %xor3A_579 : vector<16xi32>
        %gather3A_581 = tpu.vector_load_idx %arg9[%add3A_314, %xor3A_577] : memref<128x64xf32, #tpu.memory_space<vmem>>[vector<16xi32>, vector<16xi32>], vector<16xf32>,
        %xor3A_582 = arith.constant 3 : i32
        %xor3A_583 = vector.broadcast %xor3A_582 : i32 to vector<16xi32>
        %xor3A_584 = arith.xori %add3A_9, %xor3A_583 : vector<16xi32>
        %xor3A_585 = arith.constant 3 : i32
        %xor3A_586 = vector.broadcast %xor3A_585 : i32 to vector<16xi32>
        %xor3A_587 = arith.xori %and3A_37, %xor3A_586 : vector<16xi32>
        %gather3A_588 = tpu.vector_load_idx %arg9[%add3A_314, %xor3A_584] : memref<128x64xf32, #tpu.memory_space<vmem>>[vector<16xi32>, vector<16xi32>], vector<16xf32>,
        %xor3A_589 = arith.constant 4 : i32
        %xor3A_590 = vector.broadcast %xor3A_589 : i32 to vector<16xi32>
        %xor3A_591 = arith.xori %add3A_9, %xor3A_590 : vector<16xi32>
        %xor3A_592 = arith.constant 4 : i32
        %xor3A_593 = vector.broadcast %xor3A_592 : i32 to vector<16xi32>
        %xor3A_594 = arith.xori %and3A_37, %xor3A_593 : vector<16xi32>
        %gather3A_595 = tpu.vector_load_idx %arg9[%add3A_314, %xor3A_591] : memref<128x64xf32, #tpu.memory_space<vmem>>[vector<16xi32>, vector<16xi32>], vector<16xf32>,
        %xor3A_596 = arith.constant 5 : i32
        %xor3A_597 = vector.broadcast %xor3A_596 : i32 to vector<16xi32>
        %xor3A_598 = arith.xori %add3A_9, %xor3A_597 : vector<16xi32>
        %xor3A_599 = arith.constant 5 : i32
        %xor3A_600 = vector.broadcast %xor3A_599 : i32 to vector<16xi32>
        %xor3A_601 = arith.xori %and3A_37, %xor3A_600 : vector<16xi32>
        %gather3A_602 = tpu.vector_load_idx %arg9[%add3A_314, %xor3A_598] : memref<128x64xf32, #tpu.memory_space<vmem>>[vector<16xi32>, vector<16xi32>], vector<16xf32>,
        %xor3A_603 = arith.constant 6 : i32
        %xor3A_604 = vector.broadcast %xor3A_603 : i32 to vector<16xi32>
        %xor3A_605 = arith.xori %add3A_9, %xor3A_604 : vector<16xi32>
        %xor3A_606 = arith.constant 6 : i32
        %xor3A_607 = vector.broadcast %xor3A_606 : i32 to vector<16xi32>
        %xor3A_608 = arith.xori %and3A_37, %xor3A_607 : vector<16xi32>
        %gather3A_609 = tpu.vector_load_idx %arg9[%add3A_314, %xor3A_605] : memref<128x64xf32, #tpu.memory_space<vmem>>[vector<16xi32>, vector<16xi32>], vector<16xf32>,
        %xor3A_610 = arith.constant 7 : i32
        %xor3A_611 = vector.broadcast %xor3A_610 : i32 to vector<16xi32>
        %xor3A_612 = arith.xori %add3A_9, %xor3A_611 : vector<16xi32>
        %xor3A_613 = arith.constant 7 : i32
        %xor3A_614 = vector.broadcast %xor3A_613 : i32 to vector<16xi32>
        %xor3A_615 = arith.xori %and3A_37, %xor3A_614 : vector<16xi32>
        %gather3A_616 = tpu.vector_load_idx %arg9[%add3A_314, %xor3A_612] : memref<128x64xf32, #tpu.memory_space<vmem>>[vector<16xi32>, vector<16xi32>], vector<16xf32>,
        %xor3A_617 = arith.constant 8 : i32
        %xor3A_618 = vector.broadcast %xor3A_617 : i32 to vector<16xi32>
        %xor3A_619 = arith.xori %add3A_9, %xor3A_618 : vector<16xi32>
        %xor3A_620 = arith.constant 1 : i32
        %xor3A_621 = vector.broadcast %xor3A_620 : i32 to vector<16xi32>
        %xor3A_622 = arith.xori %shift_right_arithmetic3A_29, %xor3A_621 : vector<16xi32>
        %gather3A_623 = tpu.vector_load_idx %arg9[%add3A_314, %xor3A_619] : memref<128x64xf32, #tpu.memory_space<vmem>>[vector<16xi32>, vector<16xi32>], vector<16xf32>,
        %xor3A_624 = arith.constant 9 : i32
        %xor3A_625 = vector.broadcast %xor3A_624 : i32 to vector<16xi32>
        %xor3A_626 = arith.xori %add3A_9, %xor3A_625 : vector<16xi32>
        %xor3A_627 = arith.constant 1 : i32
        %xor3A_628 = vector.broadcast %xor3A_627 : i32 to vector<16xi32>
        %xor3A_629 = arith.xori %shift_right_arithmetic3A_29, %xor3A_628 : vector<16xi32>
        %xor3A_630 = arith.constant 1 : i32
        %xor3A_631 = vector.broadcast %xor3A_630 : i32 to vector<16xi32>
        %xor3A_632 = arith.xori %and3A_37, %xor3A_631 : vector<16xi32>
        %gather3A_633 = tpu.vector_load_idx %arg9[%add3A_314, %xor3A_626] : memref<128x64xf32, #tpu.memory_space<vmem>>[vector<16xi32>, vector<16xi32>], vector<16xf32>,
        %xor3A_634 = arith.constant 10 : i32
        %xor3A_635 = vector.broadcast %xor3A_634 : i32 to vector<16xi32>
        %xor3A_636 = arith.xori %add3A_9, %xor3A_635 : vector<16xi32>
        %xor3A_637 = arith.constant 1 : i32
        %xor3A_638 = vector.broadcast %xor3A_637 : i32 to vector<16xi32>
        %xor3A_639 = arith.xori %shift_right_arithmetic3A_29, %xor3A_638 : vector<16xi32>
        %xor3A_640 = arith.constant 2 : i32
        %xor3A_641 = vector.broadcast %xor3A_640 : i32 to vector<16xi32>
        %xor3A_642 = arith.xori %and3A_37, %xor3A_641 : vector<16xi32>
        %gather3A_643 = tpu.vector_load_idx %arg9[%add3A_314, %xor3A_636] : memref<128x64xf32, #tpu.memory_space<vmem>>[vector<16xi32>, vector<16xi32>], vector<16xf32>,
        %xor3A_644 = arith.constant 11 : i32
        %xor3A_645 = vector.broadcast %xor3A_644 : i32 to vector<16xi32>
        %xor3A_646 = arith.xori %add3A_9, %xor3A_645 : vector<16xi32>
        %xor3A_647 = arith.constant 1 : i32
        %xor3A_648 = vector.broadcast %xor3A_647 : i32 to vector<16xi32>
        %xor3A_649 = arith.xori %shift_right_arithmetic3A_29, %xor3A_648 : vector<16xi32>
        %xor3A_650 = arith.constant 3 : i32
        %xor3A_651 = vector.broadcast %xor3A_650 : i32 to vector<16xi32>
        %xor3A_652 = arith.xori %and3A_37, %xor3A_651 : vector<16xi32>
        %gather3A_653 = tpu.vector_load_idx %arg9[%add3A_314, %xor3A_646] : memref<128x64xf32, #tpu.memory_space<vmem>>[vector<16xi32>, vector<16xi32>], vector<16xf32>,
        %xor3A_654 = arith.constant 12 : i32
        %xor3A_655 = vector.broadcast %xor3A_654 : i32 to vector<16xi32>
        %xor3A_656 = arith.xori %add3A_9, %xor3A_655 : vector<16xi32>
        %xor3A_657 = arith.constant 1 : i32
        %xor3A_658 = vector.broadcast %xor3A_657 : i32 to vector<16xi32>
        %xor3A_659 = arith.xori %shift_right_arithmetic3A_29, %xor3A_658 : vector<16xi32>
        %xor3A_660 = arith.constant 4 : i32
        %xor3A_661 = vector.broadcast %xor3A_660 : i32 to vector<16xi32>
        %xor3A_662 = arith.xori %and3A_37, %xor3A_661 : vector<16xi32>
        %gather3A_663 = tpu.vector_load_idx %arg9[%add3A_314, %xor3A_656] : memref<128x64xf32, #tpu.memory_space<vmem>>[vector<16xi32>, vector<16xi32>], vector<16xf32>,
        %xor3A_664 = arith.constant 13 : i32
        %xor3A_665 = vector.broadcast %xor3A_664 : i32 to vector<16xi32>
        %xor3A_666 = arith.xori %add3A_9, %xor3A_665 : vector<16xi32>
        %xor3A_667 = arith.constant 1 : i32
        %xor3A_668 = vector.broadcast %xor3A_667 : i32 to vector<16xi32>
        %xor3A_669 = arith.xori %shift_right_arithmetic3A_29, %xor3A_668 : vector<16xi32>
        %xor3A_670 = arith.constant 5 : i32
        %xor3A_671 = vector.broadcast %xor3A_670 : i32 to vector<16xi32>
        %xor3A_672 = arith.xori %and3A_37, %xor3A_671 : vector<16xi32>
        %gather3A_673 = tpu.vector_load_idx %arg9[%add3A_314, %xor3A_666] : memref<128x64xf32, #tpu.memory_space<vmem>>[vector<16xi32>, vector<16xi32>], vector<16xf32>,
        %xor3A_674 = arith.constant 14 : i32
        %xor3A_675 = vector.broadcast %xor3A_674 : i32 to vector<16xi32>
        %xor3A_676 = arith.xori %add3A_9, %xor3A_675 : vector<16xi32>
        %xor3A_677 = arith.constant 1 : i32
        %xor3A_678 = vector.broadcast %xor3A_677 : i32 to vector<16xi32>
        %xor3A_679 = arith.xori %shift_right_arithmetic3A_29, %xor3A_678 : vector<16xi32>
        %xor3A_680 = arith.constant 6 : i32
        %xor3A_681 = vector.broadcast %xor3A_680 : i32 to vector<16xi32>
        %xor3A_682 = arith.xori %and3A_37, %xor3A_681 : vector<16xi32>
        %gather3A_683 = tpu.vector_load_idx %arg9[%add3A_314, %xor3A_676] : memref<128x64xf32, #tpu.memory_space<vmem>>[vector<16xi32>, vector<16xi32>], vector<16xf32>,
        %xor3A_684 = arith.constant 15 : i32
        %xor3A_685 = vector.broadcast %xor3A_684 : i32 to vector<16xi32>
        %xor3A_686 = arith.xori %add3A_9, %xor3A_685 : vector<16xi32>
        %xor3A_687 = arith.constant 1 : i32
        %xor3A_688 = vector.broadcast %xor3A_687 : i32 to vector<16xi32>
        %xor3A_689 = arith.xori %shift_right_arithmetic3A_29, %xor3A_688 : vector<16xi32>
        %xor3A_690 = arith.constant 7 : i32
        %xor3A_691 = vector.broadcast %xor3A_690 : i32 to vector<16xi32>
        %xor3A_692 = arith.xori %and3A_37, %xor3A_691 : vector<16xi32>
        %gather3A_693 = tpu.vector_load_idx %arg9[%add3A_314, %xor3A_686] : memref<128x64xf32, #tpu.memory_space<vmem>>[vector<16xi32>, vector<16xi32>], vector<16xf32>,
        %gather3A_694 = tpu.vector_load_idx %arg9[%add3A_314, %add3A_12] : memref<128x64xf32, #tpu.memory_space<vmem>>[vector<16xi32>, vector<16xi32>], vector<16xf32>,
        %xor3A_695 = arith.constant 1 : i32
        %xor3A_696 = vector.broadcast %xor3A_695 : i32 to vector<16xi32>
        %xor3A_697 = arith.xori %add3A_12, %xor3A_696 : vector<16xi32>
        %xor3A_698 = arith.constant 1 : i32
        %xor3A_699 = vector.broadcast %xor3A_698 : i32 to vector<16xi32>
        %xor3A_700 = arith.xori %and3A_37, %xor3A_699 : vector<16xi32>
        %gather3A_701 = tpu.vector_load_idx %arg9[%add3A_314, %xor3A_697] : memref<128x64xf32, #tpu.memory_space<vmem>>[vector<16xi32>, vector<16xi32>], vector<16xf32>,
        %xor3A_702 = arith.constant 2 : i32
        %xor3A_703 = vector.broadcast %xor3A_702 : i32 to vector<16xi32>
        %xor3A_704 = arith.xori %add3A_12, %xor3A_703 : vector<16xi32>
        %xor3A_705 = arith.constant 2 : i32
        %xor3A_706 = vector.broadcast %xor3A_705 : i32 to vector<16xi32>
        %xor3A_707 = arith.xori %and3A_37, %xor3A_706 : vector<16xi32>
        %gather3A_708 = tpu.vector_load_idx %arg9[%add3A_314, %xor3A_704] : memref<128x64xf32, #tpu.memory_space<vmem>>[vector<16xi32>, vector<16xi32>], vector<16xf32>,
        %xor3A_709 = arith.constant 3 : i32
        %xor3A_710 = vector.broadcast %xor3A_709 : i32 to vector<16xi32>
        %xor3A_711 = arith.xori %add3A_12, %xor3A_710 : vector<16xi32>
        %xor3A_712 = arith.constant 3 : i32
        %xor3A_713 = vector.broadcast %xor3A_712 : i32 to vector<16xi32>
        %xor3A_714 = arith.xori %and3A_37, %xor3A_713 : vector<16xi32>
        %gather3A_715 = tpu.vector_load_idx %arg9[%add3A_314, %xor3A_711] : memref<128x64xf32, #tpu.memory_space<vmem>>[vector<16xi32>, vector<16xi32>], vector<16xf32>,
        %xor3A_716 = arith.constant 4 : i32
        %xor3A_717 = vector.broadcast %xor3A_716 : i32 to vector<16xi32>
        %xor3A_718 = arith.xori %add3A_12, %xor3A_717 : vector<16xi32>
        %xor3A_719 = arith.constant 4 : i32
        %xor3A_720 = vector.broadcast %xor3A_719 : i32 to vector<16xi32>
        %xor3A_721 = arith.xori %and3A_37, %xor3A_720 : vector<16xi32>
        %gather3A_722 = tpu.vector_load_idx %arg9[%add3A_314, %xor3A_718] : memref<128x64xf32, #tpu.memory_space<vmem>>[vector<16xi32>, vector<16xi32>], vector<16xf32>,
        %xor3A_723 = arith.constant 5 : i32
        %xor3A_724 = vector.broadcast %xor3A_723 : i32 to vector<16xi32>
        %xor3A_725 = arith.xori %add3A_12, %xor3A_724 : vector<16xi32>
        %xor3A_726 = arith.constant 5 : i32
        %xor3A_727 = vector.broadcast %xor3A_726 : i32 to vector<16xi32>
        %xor3A_728 = arith.xori %and3A_37, %xor3A_727 : vector<16xi32>
        %gather3A_729 = tpu.vector_load_idx %arg9[%add3A_314, %xor3A_725] : memref<128x64xf32, #tpu.memory_space<vmem>>[vector<16xi32>, vector<16xi32>], vector<16xf32>,
        %xor3A_730 = arith.constant 6 : i32
        %xor3A_731 = vector.broadcast %xor3A_730 : i32 to vector<16xi32>
        %xor3A_732 = arith.xori %add3A_12, %xor3A_731 : vector<16xi32>
        %xor3A_733 = arith.constant 6 : i32
        %xor3A_734 = vector.broadcast %xor3A_733 : i32 to vector<16xi32>
        %xor3A_735 = arith.xori %and3A_37, %xor3A_734 : vector<16xi32>
        %gather3A_736 = tpu.vector_load_idx %arg9[%add3A_314, %xor3A_732] : memref<128x64xf32, #tpu.memory_space<vmem>>[vector<16xi32>, vector<16xi32>], vector<16xf32>,
        %xor3A_737 = arith.constant 7 : i32
        %xor3A_738 = vector.broadcast %xor3A_737 : i32 to vector<16xi32>
        %xor3A_739 = arith.xori %add3A_12, %xor3A_738 : vector<16xi32>
        %xor3A_740 = arith.constant 7 : i32
        %xor3A_741 = vector.broadcast %xor3A_740 : i32 to vector<16xi32>
        %xor3A_742 = arith.xori %and3A_37, %xor3A_741 : vector<16xi32>
        %gather3A_743 = tpu.vector_load_idx %arg9[%add3A_314, %xor3A_739] : memref<128x64xf32, #tpu.memory_space<vmem>>[vector<16xi32>, vector<16xi32>], vector<16xf32>,
        %xor3A_744 = arith.constant 8 : i32
        %xor3A_745 = vector.broadcast %xor3A_744 : i32 to vector<16xi32>
        %xor3A_746 = arith.xori %add3A_12, %xor3A_745 : vector<16xi32>
        %xor3A_747 = arith.constant 1 : i32
        %xor3A_748 = vector.broadcast %xor3A_747 : i32 to vector<16xi32>
        %xor3A_749 = arith.xori %shift_right_arithmetic3A_35, %xor3A_748 : vector<16xi32>
        %gather3A_750 = tpu.vector_load_idx %arg9[%add3A_314, %xor3A_746] : memref<128x64xf32, #tpu.memory_space<vmem>>[vector<16xi32>, vector<16xi32>], vector<16xf32>,
        %xor3A_751 = arith.constant 9 : i32
        %xor3A_752 = vector.broadcast %xor3A_751 : i32 to vector<16xi32>
        %xor3A_753 = arith.xori %add3A_12, %xor3A_752 : vector<16xi32>
        %xor3A_754 = arith.constant 1 : i32
        %xor3A_755 = vector.broadcast %xor3A_754 : i32 to vector<16xi32>
        %xor3A_756 = arith.xori %shift_right_arithmetic3A_35, %xor3A_755 : vector<16xi32>
        %xor3A_757 = arith.constant 1 : i32
        %xor3A_758 = vector.broadcast %xor3A_757 : i32 to vector<16xi32>
        %xor3A_759 = arith.xori %and3A_37, %xor3A_758 : vector<16xi32>
        %gather3A_760 = tpu.vector_load_idx %arg9[%add3A_314, %xor3A_753] : memref<128x64xf32, #tpu.memory_space<vmem>>[vector<16xi32>, vector<16xi32>], vector<16xf32>,
        %xor3A_761 = arith.constant 10 : i32
        %xor3A_762 = vector.broadcast %xor3A_761 : i32 to vector<16xi32>
        %xor3A_763 = arith.xori %add3A_12, %xor3A_762 : vector<16xi32>
        %xor3A_764 = arith.constant 1 : i32
        %xor3A_765 = vector.broadcast %xor3A_764 : i32 to vector<16xi32>
        %xor3A_766 = arith.xori %shift_right_arithmetic3A_35, %xor3A_765 : vector<16xi32>
        %xor3A_767 = arith.constant 2 : i32
        %xor3A_768 = vector.broadcast %xor3A_767 : i32 to vector<16xi32>
        %xor3A_769 = arith.xori %and3A_37, %xor3A_768 : vector<16xi32>
        %gather3A_770 = tpu.vector_load_idx %arg9[%add3A_314, %xor3A_763] : memref<128x64xf32, #tpu.memory_space<vmem>>[vector<16xi32>, vector<16xi32>], vector<16xf32>,
        %xor3A_771 = arith.constant 11 : i32
        %xor3A_772 = vector.broadcast %xor3A_771 : i32 to vector<16xi32>
        %xor3A_773 = arith.xori %add3A_12, %xor3A_772 : vector<16xi32>
        %xor3A_774 = arith.constant 1 : i32
        %xor3A_775 = vector.broadcast %xor3A_774 : i32 to vector<16xi32>
        %xor3A_776 = arith.xori %shift_right_arithmetic3A_35, %xor3A_775 : vector<16xi32>
        %xor3A_777 = arith.constant 3 : i32
        %xor3A_778 = vector.broadcast %xor3A_777 : i32 to vector<16xi32>
        %xor3A_779 = arith.xori %and3A_37, %xor3A_778 : vector<16xi32>
        %gather3A_780 = tpu.vector_load_idx %arg9[%add3A_314, %xor3A_773] : memref<128x64xf32, #tpu.memory_space<vmem>>[vector<16xi32>, vector<16xi32>], vector<16xf32>,
        %xor3A_781 = arith.constant 12 : i32
        %xor3A_782 = vector.broadcast %xor3A_781 : i32 to vector<16xi32>
        %xor3A_783 = arith.xori %add3A_12, %xor3A_782 : vector<16xi32>
        %xor3A_784 = arith.constant 1 : i32
        %xor3A_785 = vector.broadcast %xor3A_784 : i32 to vector<16xi32>
        %xor3A_786 = arith.xori %shift_right_arithmetic3A_35, %xor3A_785 : vector<16xi32>
        %xor3A_787 = arith.constant 4 : i32
        %xor3A_788 = vector.broadcast %xor3A_787 : i32 to vector<16xi32>
        %xor3A_789 = arith.xori %and3A_37, %xor3A_788 : vector<16xi32>
        %gather3A_790 = tpu.vector_load_idx %arg9[%add3A_314, %xor3A_783] : memref<128x64xf32, #tpu.memory_space<vmem>>[vector<16xi32>, vector<16xi32>], vector<16xf32>,
        %xor3A_791 = arith.constant 13 : i32
        %xor3A_792 = vector.broadcast %xor3A_791 : i32 to vector<16xi32>
        %xor3A_793 = arith.xori %add3A_12, %xor3A_792 : vector<16xi32>
        %xor3A_794 = arith.constant 1 : i32
        %xor3A_795 = vector.broadcast %xor3A_794 : i32 to vector<16xi32>
        %xor3A_796 = arith.xori %shift_right_arithmetic3A_35, %xor3A_795 : vector<16xi32>
        %xor3A_797 = arith.constant 5 : i32
        %xor3A_798 = vector.broadcast %xor3A_797 : i32 to vector<16xi32>
        %xor3A_799 = arith.xori %and3A_37, %xor3A_798 : vector<16xi32>
        %gather3A_800 = tpu.vector_load_idx %arg9[%add3A_314, %xor3A_793] : memref<128x64xf32, #tpu.memory_space<vmem>>[vector<16xi32>, vector<16xi32>], vector<16xf32>,
        %xor3A_801 = arith.constant 14 : i32
        %xor3A_802 = vector.broadcast %xor3A_801 : i32 to vector<16xi32>
        %xor3A_803 = arith.xori %add3A_12, %xor3A_802 : vector<16xi32>
        %xor3A_804 = arith.constant 1 : i32
        %xor3A_805 = vector.broadcast %xor3A_804 : i32 to vector<16xi32>
        %xor3A_806 = arith.xori %shift_right_arithmetic3A_35, %xor3A_805 : vector<16xi32>
        %xor3A_807 = arith.constant 6 : i32
        %xor3A_808 = vector.broadcast %xor3A_807 : i32 to vector<16xi32>
        %xor3A_809 = arith.xori %and3A_37, %xor3A_808 : vector<16xi32>
        %gather3A_810 = tpu.vector_load_idx %arg9[%add3A_314, %xor3A_803] : memref<128x64xf32, #tpu.memory_space<vmem>>[vector<16xi32>, vector<16xi32>], vector<16xf32>,
        %xor3A_811 = arith.constant 15 : i32
        %xor3A_812 = vector.broadcast %xor3A_811 : i32 to vector<16xi32>
        %xor3A_813 = arith.xori %add3A_12, %xor3A_812 : vector<16xi32>
        %xor3A_814 = arith.constant 1 : i32
        %xor3A_815 = vector.broadcast %xor3A_814 : i32 to vector<16xi32>
        %xor3A_816 = arith.xori %shift_right_arithmetic3A_35, %xor3A_815 : vector<16xi32>
        %xor3A_817 = arith.constant 7 : i32
        %xor3A_818 = vector.broadcast %xor3A_817 : i32 to vector<16xi32>
        %xor3A_819 = arith.xori %and3A_37, %xor3A_818 : vector<16xi32>
        %gather3A_820 = tpu.vector_load_idx %arg9[%add3A_314, %xor3A_813] : memref<128x64xf32, #tpu.memory_space<vmem>>[vector<16xi32>, vector<16xi32>], vector<16xf32>,
        tpu.vector_store_idx %arg14[%shift_right_arithmetic3A_29, %and3A_37, %add3A_314], %gather3A_567 : memref<8x8x128xf32, #tpu.memory_space<vmem>>[vector<16xi32>, vector<16xi32>, vector<16xi32>], vector<16xf32>,
        tpu.vector_store_idx %arg14[%shift_right_arithmetic3A_29, %xor3A_573, %add3A_314], %gather3A_574 : memref<8x8x128xf32, #tpu.memory_space<vmem>>[vector<16xi32>, vector<16xi32>, vector<16xi32>], vector<16xf32>,
        tpu.vector_store_idx %arg14[%shift_right_arithmetic3A_29, %xor3A_580, %add3A_314], %gather3A_581 : memref<8x8x128xf32, #tpu.memory_space<vmem>>[vector<16xi32>, vector<16xi32>, vector<16xi32>], vector<16xf32>,
        tpu.vector_store_idx %arg14[%shift_right_arithmetic3A_29, %xor3A_587, %add3A_314], %gather3A_588 : memref<8x8x128xf32, #tpu.memory_space<vmem>>[vector<16xi32>, vector<16xi32>, vector<16xi32>], vector<16xf32>,
        tpu.vector_store_idx %arg14[%shift_right_arithmetic3A_29, %xor3A_594, %add3A_314], %gather3A_595 : memref<8x8x128xf32, #tpu.memory_space<vmem>>[vector<16xi32>, vector<16xi32>, vector<16xi32>], vector<16xf32>,
        tpu.vector_store_idx %arg14[%shift_right_arithmetic3A_29, %xor3A_601, %add3A_314], %gather3A_602 : memref<8x8x128xf32, #tpu.memory_space<vmem>>[vector<16xi32>, vector<16xi32>, vector<16xi32>], vector<16xf32>,
        tpu.vector_store_idx %arg14[%shift_right_arithmetic3A_29, %xor3A_608, %add3A_314], %gather3A_609 : memref<8x8x128xf32, #tpu.memory_space<vmem>>[vector<16xi32>, vector<16xi32>, vector<16xi32>], vector<16xf32>,
        tpu.vector_store_idx %arg14[%shift_right_arithmetic3A_29, %xor3A_615, %add3A_314], %gather3A_616 : memref<8x8x128xf32, #tpu.memory_space<vmem>>[vector<16xi32>, vector<16xi32>, vector<16xi32>], vector<16xf32>,
        tpu.vector_store_idx %arg14[%xor3A_622, %and3A_37, %add3A_314], %gather3A_623 : memref<8x8x128xf32, #tpu.memory_space<vmem>>[vector<16xi32>, vector<16xi32>, vector<16xi32>], vector<16xf32>,
        tpu.vector_store_idx %arg14[%xor3A_629, %xor3A_632, %add3A_314], %gather3A_633 : memref<8x8x128xf32, #tpu.memory_space<vmem>>[vector<16xi32>, vector<16xi32>, vector<16xi32>], vector<16xf32>,
        tpu.vector_store_idx %arg14[%xor3A_639, %xor3A_642, %add3A_314], %gather3A_643 : memref<8x8x128xf32, #tpu.memory_space<vmem>>[vector<16xi32>, vector<16xi32>, vector<16xi32>], vector<16xf32>,
        tpu.vector_store_idx %arg14[%xor3A_649, %xor3A_652, %add3A_314], %gather3A_653 : memref<8x8x128xf32, #tpu.memory_space<vmem>>[vector<16xi32>, vector<16xi32>, vector<16xi32>], vector<16xf32>,
        tpu.vector_store_idx %arg14[%xor3A_659, %xor3A_662, %add3A_314], %gather3A_663 : memref<8x8x128xf32, #tpu.memory_space<vmem>>[vector<16xi32>, vector<16xi32>, vector<16xi32>], vector<16xf32>,
        tpu.vector_store_idx %arg14[%xor3A_669, %xor3A_672, %add3A_314], %gather3A_673 : memref<8x8x128xf32, #tpu.memory_space<vmem>>[vector<16xi32>, vector<16xi32>, vector<16xi32>], vector<16xf32>,
        tpu.vector_store_idx %arg14[%xor3A_679, %xor3A_682, %add3A_314], %gather3A_683 : memref<8x8x128xf32, #tpu.memory_space<vmem>>[vector<16xi32>, vector<16xi32>, vector<16xi32>], vector<16xf32>,
        tpu.vector_store_idx %arg14[%xor3A_689, %xor3A_692, %add3A_314], %gather3A_693 : memref<8x8x128xf32, #tpu.memory_space<vmem>>[vector<16xi32>, vector<16xi32>, vector<16xi32>], vector<16xf32>,
        tpu.vector_store_idx %arg14[%shift_right_arithmetic3A_35, %and3A_37, %add3A_314], %gather3A_694 : memref<8x8x128xf32, #tpu.memory_space<vmem>>[vector<16xi32>, vector<16xi32>, vector<16xi32>], vector<16xf32>,
        tpu.vector_store_idx %arg14[%shift_right_arithmetic3A_35, %xor3A_700, %add3A_314], %gather3A_701 : memref<8x8x128xf32, #tpu.memory_space<vmem>>[vector<16xi32>, vector<16xi32>, vector<16xi32>], vector<16xf32>,
        tpu.vector_store_idx %arg14[%shift_right_arithmetic3A_35, %xor3A_707, %add3A_314], %gather3A_708 : memref<8x8x128xf32, #tpu.memory_space<vmem>>[vector<16xi32>, vector<16xi32>, vector<16xi32>], vector<16xf32>,
        tpu.vector_store_idx %arg14[%shift_right_arithmetic3A_35, %xor3A_714, %add3A_314], %gather3A_715 : memref<8x8x128xf32, #tpu.memory_space<vmem>>[vector<16xi32>, vector<16xi32>, vector<16xi32>], vector<16xf32>,
        tpu.vector_store_idx %arg14[%shift_right_arithmetic3A_35, %xor3A_721, %add3A_314], %gather3A_722 : memref<8x8x128xf32, #tpu.memory_space<vmem>>[vector<16xi32>, vector<16xi32>, vector<16xi32>], vector<16xf32>,
        tpu.vector_store_idx %arg14[%shift_right_arithmetic3A_35, %xor3A_728, %add3A_314], %gather3A_729 : memref<8x8x128xf32, #tpu.memory_space<vmem>>[vector<16xi32>, vector<16xi32>, vector<16xi32>], vector<16xf32>,
        tpu.vector_store_idx %arg14[%shift_right_arithmetic3A_35, %xor3A_735, %add3A_314], %gather3A_736 : memref<8x8x128xf32, #tpu.memory_space<vmem>>[vector<16xi32>, vector<16xi32>, vector<16xi32>], vector<16xf32>,
        tpu.vector_store_idx %arg14[%shift_right_arithmetic3A_35, %xor3A_742, %add3A_314], %gather3A_743 : memref<8x8x128xf32, #tpu.memory_space<vmem>>[vector<16xi32>, vector<16xi32>, vector<16xi32>], vector<16xf32>,
        tpu.vector_store_idx %arg14[%xor3A_749, %and3A_37, %add3A_314], %gather3A_750 : memref<8x8x128xf32, #tpu.memory_space<vmem>>[vector<16xi32>, vector<16xi32>, vector<16xi32>], vector<16xf32>,
        tpu.vector_store_idx %arg14[%xor3A_756, %xor3A_759, %add3A_314], %gather3A_760 : memref<8x8x128xf32, #tpu.memory_space<vmem>>[vector<16xi32>, vector<16xi32>, vector<16xi32>], vector<16xf32>,
        tpu.vector_store_idx %arg14[%xor3A_766, %xor3A_769, %add3A_314], %gather3A_770 : memref<8x8x128xf32, #tpu.memory_space<vmem>>[vector<16xi32>, vector<16xi32>, vector<16xi32>], vector<16xf32>,
        tpu.vector_store_idx %arg14[%xor3A_776, %xor3A_779, %add3A_314], %gather3A_780 : memref<8x8x128xf32, #tpu.memory_space<vmem>>[vector<16xi32>, vector<16xi32>, vector<16xi32>], vector<16xf32>,
        tpu.vector_store_idx %arg14[%xor3A_786, %xor3A_789, %add3A_314], %gather3A_790 : memref<8x8x128xf32, #tpu.memory_space<vmem>>[vector<16xi32>, vector<16xi32>, vector<16xi32>], vector<16xf32>,
        tpu.vector_store_idx %arg14[%xor3A_796, %xor3A_799, %add3A_314], %gather3A_800 : memref<8x8x128xf32, #tpu.memory_space<vmem>>[vector<16xi32>, vector<16xi32>, vector<16xi32>], vector<16xf32>,
        tpu.vector_store_idx %arg14[%xor3A_806, %xor3A_809, %add3A_314], %gather3A_810 : memref<8x8x128xf32, #tpu.memory_space<vmem>>[vector<16xi32>, vector<16xi32>, vector<16xi32>], vector<16xf32>,
        tpu.vector_store_idx %arg14[%xor3A_816, %xor3A_819, %add3A_314], %gather3A_820 : memref<8x8x128xf32, #tpu.memory_space<vmem>>[vector<16xi32>, vector<16xi32>, vector<16xi32>], vector<16xf32>,
      }
      %scan3A_256 = arith.constant 8 : i32
      %add3A_257 = arith.constant 5 : i32
      %add3A_258 = arith.addi %add3A_239, %add3A_257 : i32
      %lt3A_259 = arith.constant 200 : i32
      %lt3A_260 = arith.cmpi slt, %add3A_258, %lt3A_259 : i32
      %convert_element_type3A_261 = arith.extui %lt3A_260 : i1 to i32
      %cond3A_262 = arith.constant 0 : i32
      %cond3A_263 = arith.cmpi ne, %convert_element_type3A_261, %cond3A_262 : i32
      scf.if %cond3A_263 {
        %add3A_310 = arith.constant 5 : i32
        %add3A_311 = arith.addi %add3A_239, %add3A_310 : i32
        %dma_start3A_312 = arith.constant 0 : i32
        %dma_start3A_313 = tpu.memref_slice %arg5[%add3A_311, %dma_start3A_312] : memref<200x128xi32, #tpu.memory_space<vmem>> -> memref<1x128xi32, #tpu.memory_space<vmem>>
        %dma_start3A_314 = tpu.memref_squeeze %dma_start3A_313 : memref<1x128xi32, #tpu.memory_space<vmem>> -> memref<128xi32, #tpu.memory_space<vmem>>
        %dma_start3A_315 = arith.constant 0 : i32
        %dma_start3A_316 = arith.constant 0 : i32
        %dma_start3A_317 = tpu.memref_slice %arg3[%dma_start3A_315, %dma_start3A_316] : memref<8192x64xf32, #tpu.memory_space<hbm>> -> memref<8192x64xf32, #tpu.memory_space<hbm>>
        tpu.enqueue_indirect_dma source(%dma_start3A_317 : memref<8192x64xf32, #tpu.memory_space<hbm>>) target(%arg9 : memref<128x64xf32, #tpu.memory_space<vmem>>) offsets(%dma_start3A_314 : memref<128xi32, #tpu.memory_space<vmem>>) semaphore(%arg19 : memref<!tpu.dma_semaphore, #tpu.memory_space<semaphore_mem>>)
      } else {
      }
      %dma_start3A_264 = arith.constant 0 : i32
      %dma_start3A_265 = arith.constant 0 : i32
      %dma_start3A_266 = arith.constant 0 : i32
      %dma_start3A_267 = tpu.memref_slice %arg4[%add3A_239, %dma_start3A_264, %add3A, %dma_start3A_265, %dma_start3A_266] : memref<200x8x32x8x128xf32, #tpu.memory_space<hbm>> -> memref<1x8x1x8x128xf32, #tpu.memory_space<hbm>>
      %dma_start3A_268 = tpu.memref_squeeze %dma_start3A_267 : memref<1x8x1x8x128xf32, #tpu.memory_space<hbm>> -> memref<8x8x128xf32, #tpu.memory_space<hbm>>
      %dma_start3A_269 = arith.constant 0 : i32
      %dma_start3A_270 = arith.constant 0 : i32
      %dma_start3A_271 = arith.constant 0 : i32
      %dma_start3A_272 = tpu.memref_slice %arg4[%add3A_239, %dma_start3A_269, %add3A, %dma_start3A_270, %dma_start3A_271] : memref<200x8x32x8x128xf32, #tpu.memory_space<hbm>> -> memref<1x8x1x8x128xf32, #tpu.memory_space<hbm>>
      %dma_start3A_273 = tpu.memref_squeeze %dma_start3A_272 : memref<1x8x1x8x128xf32, #tpu.memory_space<hbm>> -> memref<8x8x128xf32, #tpu.memory_space<hbm>>
      tpu.enqueue_dma source(%arg14 : memref<8x8x128xf32, #tpu.memory_space<vmem>>) target(%dma_start3A_273 : memref<8x8x128xf32, #tpu.memory_space<hbm>>) target_semaphore(%arg24 : memref<!tpu.dma_semaphore, #tpu.memory_space<semaphore_mem>>)
      %add3A_274 = arith.constant 4 : i32
      %add3A_275 = arith.addi %mul3A_133, %add3A_274 : i32
      %dma_wait3A_276 = arith.constant 0 : i32
      %dma_wait3A_277 = tpu.memref_slice %arg5[%add3A_275, %dma_wait3A_276] : memref<200x128xi32, #tpu.memory_space<vmem>> -> memref<1x128xi32, #tpu.memory_space<vmem>>
      %dma_wait3A_278 = tpu.memref_squeeze %dma_wait3A_277 : memref<1x128xi32, #tpu.memory_space<vmem>> -> memref<128xi32, #tpu.memory_space<vmem>>
      %dma_wait3A_279 = arith.constant 0 : i32
      %dma_wait3A_280 = arith.constant 0 : i32
      %dma_wait3A_281 = tpu.memref_slice %arg3[%dma_wait3A_279, %dma_wait3A_280] : memref<8192x64xf32, #tpu.memory_space<hbm>> -> memref<8192x64xf32, #tpu.memory_space<hbm>>
      tpu.wait_indirect_dma semaphore(%arg20 : memref<!tpu.dma_semaphore, #tpu.memory_space<semaphore_mem>>) src(%dma_wait3A_281 : memref<8192x64xf32, #tpu.memory_space<hbm>>) dst(%arg10 : memref<128x64xf32, #tpu.memory_space<vmem>>)
      %ge3A_282 = arith.constant 5 : i32
      %ge3A_283 = arith.cmpi sge, %add3A_275, %ge3A_282 : i32
      %convert_element_type3A_284 = arith.extui %ge3A_283 : i1 to i32
      %cond3A_285 = arith.constant 0 : i32
      %cond3A_286 = arith.cmpi ne, %convert_element_type3A_284, %cond3A_285 : i32
      scf.if %cond3A_286 {
        %sub3A = arith.constant 5 : i32
        %sub3A_310 = arith.subi %add3A_275, %sub3A : i32
        %dma_wait3A_311 = arith.constant 0 : i32
        %dma_wait3A_312 = arith.constant 0 : i32
        %dma_wait3A_313 = arith.constant 0 : i32
        %dma_wait3A_314 = tpu.memref_slice %arg4[%sub3A_310, %dma_wait3A_311, %add3A, %dma_wait3A_312, %dma_wait3A_313] : memref<200x8x32x8x128xf32, #tpu.memory_space<hbm>> -> memref<1x8x1x8x128xf32, #tpu.memory_space<hbm>>
        %dma_wait3A_315 = tpu.memref_squeeze %dma_wait3A_314 : memref<1x8x1x8x128xf32, #tpu.memory_space<hbm>> -> memref<8x8x128xf32, #tpu.memory_space<hbm>>
        %dma_wait3A_316 = arith.constant 0 : i32
        %dma_wait3A_317 = arith.constant 0 : i32
        %dma_wait3A_318 = arith.constant 0 : i32
        %dma_wait3A_319 = tpu.memref_slice %arg4[%sub3A_310, %dma_wait3A_316, %add3A, %dma_wait3A_317, %dma_wait3A_318] : memref<200x8x32x8x128xf32, #tpu.memory_space<hbm>> -> memref<1x8x1x8x128xf32, #tpu.memory_space<hbm>>
        %dma_wait3A_320 = tpu.memref_squeeze %dma_wait3A_319 : memref<1x8x1x8x128xf32, #tpu.memory_space<hbm>> -> memref<8x8x128xf32, #tpu.memory_space<hbm>>
        tpu.wait_dma2 semaphore(%arg25 : memref<!tpu.dma_semaphore, #tpu.memory_space<semaphore_mem>>) src(%arg15 : memref<8x8x128xf32, #tpu.memory_space<vmem>>) dst(%dma_wait3A_320 : memref<8x8x128xf32, #tpu.memory_space<hbm>>)
      } else {
      }
      %scan3A_287 = arith.constant 0 : i32
      %scan3A_288 = arith.constant 0 : i32
      %scan3A_289 = arith.constant 8 : i32
      %scan3A_290 = arith.addi %scan3A_288, %scan3A_289 : i32
      %scan3A_291 = arith.constant 1 : i32
      scf.for %scan3A_310 = %scan3A_288 to %scan3A_290 step %scan3A_291  : i32 {
        %mul3A_311 = arith.constant 16 : i32
        %mul3A_312 = arith.muli %scan3A_310, %mul3A_311 : i32
        %add3A_313 = vector.broadcast %mul3A_312 : i32 to vector<16xi32>
        %add3A_314 = arith.addi %add3A_313, %iota3A : vector<16xi32>
        %gather3A = tpu.vector_load_idx %arg10[%add3A_314, %add3A_3] : memref<128x64xf32, #tpu.memory_space<vmem>>[vector<16xi32>, vector<16xi32>], vector<16xf32>,
        %xor3A = arith.constant 1 : i32
        %xor3A_315 = vector.broadcast %xor3A : i32 to vector<16xi32>
        %xor3A_316 = arith.xori %add3A_3, %xor3A_315 : vector<16xi32>
        %xor3A_317 = arith.constant 1 : i32
        %xor3A_318 = vector.broadcast %xor3A_317 : i32 to vector<16xi32>
        %xor3A_319 = arith.xori %and3A_37, %xor3A_318 : vector<16xi32>
        %gather3A_320 = tpu.vector_load_idx %arg10[%add3A_314, %xor3A_316] : memref<128x64xf32, #tpu.memory_space<vmem>>[vector<16xi32>, vector<16xi32>], vector<16xf32>,
        %xor3A_321 = arith.constant 2 : i32
        %xor3A_322 = vector.broadcast %xor3A_321 : i32 to vector<16xi32>
        %xor3A_323 = arith.xori %add3A_3, %xor3A_322 : vector<16xi32>
        %xor3A_324 = arith.constant 2 : i32
        %xor3A_325 = vector.broadcast %xor3A_324 : i32 to vector<16xi32>
        %xor3A_326 = arith.xori %and3A_37, %xor3A_325 : vector<16xi32>
        %gather3A_327 = tpu.vector_load_idx %arg10[%add3A_314, %xor3A_323] : memref<128x64xf32, #tpu.memory_space<vmem>>[vector<16xi32>, vector<16xi32>], vector<16xf32>,
        %xor3A_328 = arith.constant 3 : i32
        %xor3A_329 = vector.broadcast %xor3A_328 : i32 to vector<16xi32>
        %xor3A_330 = arith.xori %add3A_3, %xor3A_329 : vector<16xi32>
        %xor3A_331 = arith.constant 3 : i32
        %xor3A_332 = vector.broadcast %xor3A_331 : i32 to vector<16xi32>
        %xor3A_333 = arith.xori %and3A_37, %xor3A_332 : vector<16xi32>
        %gather3A_334 = tpu.vector_load_idx %arg10[%add3A_314, %xor3A_330] : memref<128x64xf32, #tpu.memory_space<vmem>>[vector<16xi32>, vector<16xi32>], vector<16xf32>,
        %xor3A_335 = arith.constant 4 : i32
        %xor3A_336 = vector.broadcast %xor3A_335 : i32 to vector<16xi32>
        %xor3A_337 = arith.xori %add3A_3, %xor3A_336 : vector<16xi32>
        %xor3A_338 = arith.constant 4 : i32
        %xor3A_339 = vector.broadcast %xor3A_338 : i32 to vector<16xi32>
        %xor3A_340 = arith.xori %and3A_37, %xor3A_339 : vector<16xi32>
        %gather3A_341 = tpu.vector_load_idx %arg10[%add3A_314, %xor3A_337] : memref<128x64xf32, #tpu.memory_space<vmem>>[vector<16xi32>, vector<16xi32>], vector<16xf32>,
        %xor3A_342 = arith.constant 5 : i32
        %xor3A_343 = vector.broadcast %xor3A_342 : i32 to vector<16xi32>
        %xor3A_344 = arith.xori %add3A_3, %xor3A_343 : vector<16xi32>
        %xor3A_345 = arith.constant 5 : i32
        %xor3A_346 = vector.broadcast %xor3A_345 : i32 to vector<16xi32>
        %xor3A_347 = arith.xori %and3A_37, %xor3A_346 : vector<16xi32>
        %gather3A_348 = tpu.vector_load_idx %arg10[%add3A_314, %xor3A_344] : memref<128x64xf32, #tpu.memory_space<vmem>>[vector<16xi32>, vector<16xi32>], vector<16xf32>,
        %xor3A_349 = arith.constant 6 : i32
        %xor3A_350 = vector.broadcast %xor3A_349 : i32 to vector<16xi32>
        %xor3A_351 = arith.xori %add3A_3, %xor3A_350 : vector<16xi32>
        %xor3A_352 = arith.constant 6 : i32
        %xor3A_353 = vector.broadcast %xor3A_352 : i32 to vector<16xi32>
        %xor3A_354 = arith.xori %and3A_37, %xor3A_353 : vector<16xi32>
        %gather3A_355 = tpu.vector_load_idx %arg10[%add3A_314, %xor3A_351] : memref<128x64xf32, #tpu.memory_space<vmem>>[vector<16xi32>, vector<16xi32>], vector<16xf32>,
        %xor3A_356 = arith.constant 7 : i32
        %xor3A_357 = vector.broadcast %xor3A_356 : i32 to vector<16xi32>
        %xor3A_358 = arith.xori %add3A_3, %xor3A_357 : vector<16xi32>
        %xor3A_359 = arith.constant 7 : i32
        %xor3A_360 = vector.broadcast %xor3A_359 : i32 to vector<16xi32>
        %xor3A_361 = arith.xori %and3A_37, %xor3A_360 : vector<16xi32>
        %gather3A_362 = tpu.vector_load_idx %arg10[%add3A_314, %xor3A_358] : memref<128x64xf32, #tpu.memory_space<vmem>>[vector<16xi32>, vector<16xi32>], vector<16xf32>,
        %xor3A_363 = arith.constant 8 : i32
        %xor3A_364 = vector.broadcast %xor3A_363 : i32 to vector<16xi32>
        %xor3A_365 = arith.xori %add3A_3, %xor3A_364 : vector<16xi32>
        %xor3A_366 = arith.constant 1 : i32
        %xor3A_367 = vector.broadcast %xor3A_366 : i32 to vector<16xi32>
        %xor3A_368 = arith.xori %shift_right_arithmetic3A_17, %xor3A_367 : vector<16xi32>
        %gather3A_369 = tpu.vector_load_idx %arg10[%add3A_314, %xor3A_365] : memref<128x64xf32, #tpu.memory_space<vmem>>[vector<16xi32>, vector<16xi32>], vector<16xf32>,
        %xor3A_370 = arith.constant 9 : i32
        %xor3A_371 = vector.broadcast %xor3A_370 : i32 to vector<16xi32>
        %xor3A_372 = arith.xori %add3A_3, %xor3A_371 : vector<16xi32>
        %xor3A_373 = arith.constant 1 : i32
        %xor3A_374 = vector.broadcast %xor3A_373 : i32 to vector<16xi32>
        %xor3A_375 = arith.xori %shift_right_arithmetic3A_17, %xor3A_374 : vector<16xi32>
        %xor3A_376 = arith.constant 1 : i32
        %xor3A_377 = vector.broadcast %xor3A_376 : i32 to vector<16xi32>
        %xor3A_378 = arith.xori %and3A_37, %xor3A_377 : vector<16xi32>
        %gather3A_379 = tpu.vector_load_idx %arg10[%add3A_314, %xor3A_372] : memref<128x64xf32, #tpu.memory_space<vmem>>[vector<16xi32>, vector<16xi32>], vector<16xf32>,
        %xor3A_380 = arith.constant 10 : i32
        %xor3A_381 = vector.broadcast %xor3A_380 : i32 to vector<16xi32>
        %xor3A_382 = arith.xori %add3A_3, %xor3A_381 : vector<16xi32>
        %xor3A_383 = arith.constant 1 : i32
        %xor3A_384 = vector.broadcast %xor3A_383 : i32 to vector<16xi32>
        %xor3A_385 = arith.xori %shift_right_arithmetic3A_17, %xor3A_384 : vector<16xi32>
        %xor3A_386 = arith.constant 2 : i32
        %xor3A_387 = vector.broadcast %xor3A_386 : i32 to vector<16xi32>
        %xor3A_388 = arith.xori %and3A_37, %xor3A_387 : vector<16xi32>
        %gather3A_389 = tpu.vector_load_idx %arg10[%add3A_314, %xor3A_382] : memref<128x64xf32, #tpu.memory_space<vmem>>[vector<16xi32>, vector<16xi32>], vector<16xf32>,
        %xor3A_390 = arith.constant 11 : i32
        %xor3A_391 = vector.broadcast %xor3A_390 : i32 to vector<16xi32>
        %xor3A_392 = arith.xori %add3A_3, %xor3A_391 : vector<16xi32>
        %xor3A_393 = arith.constant 1 : i32
        %xor3A_394 = vector.broadcast %xor3A_393 : i32 to vector<16xi32>
        %xor3A_395 = arith.xori %shift_right_arithmetic3A_17, %xor3A_394 : vector<16xi32>
        %xor3A_396 = arith.constant 3 : i32
        %xor3A_397 = vector.broadcast %xor3A_396 : i32 to vector<16xi32>
        %xor3A_398 = arith.xori %and3A_37, %xor3A_397 : vector<16xi32>
        %gather3A_399 = tpu.vector_load_idx %arg10[%add3A_314, %xor3A_392] : memref<128x64xf32, #tpu.memory_space<vmem>>[vector<16xi32>, vector<16xi32>], vector<16xf32>,
        %xor3A_400 = arith.constant 12 : i32
        %xor3A_401 = vector.broadcast %xor3A_400 : i32 to vector<16xi32>
        %xor3A_402 = arith.xori %add3A_3, %xor3A_401 : vector<16xi32>
        %xor3A_403 = arith.constant 1 : i32
        %xor3A_404 = vector.broadcast %xor3A_403 : i32 to vector<16xi32>
        %xor3A_405 = arith.xori %shift_right_arithmetic3A_17, %xor3A_404 : vector<16xi32>
        %xor3A_406 = arith.constant 4 : i32
        %xor3A_407 = vector.broadcast %xor3A_406 : i32 to vector<16xi32>
        %xor3A_408 = arith.xori %and3A_37, %xor3A_407 : vector<16xi32>
        %gather3A_409 = tpu.vector_load_idx %arg10[%add3A_314, %xor3A_402] : memref<128x64xf32, #tpu.memory_space<vmem>>[vector<16xi32>, vector<16xi32>], vector<16xf32>,
        %xor3A_410 = arith.constant 13 : i32
        %xor3A_411 = vector.broadcast %xor3A_410 : i32 to vector<16xi32>
        %xor3A_412 = arith.xori %add3A_3, %xor3A_411 : vector<16xi32>
        %xor3A_413 = arith.constant 1 : i32
        %xor3A_414 = vector.broadcast %xor3A_413 : i32 to vector<16xi32>
        %xor3A_415 = arith.xori %shift_right_arithmetic3A_17, %xor3A_414 : vector<16xi32>
        %xor3A_416 = arith.constant 5 : i32
        %xor3A_417 = vector.broadcast %xor3A_416 : i32 to vector<16xi32>
        %xor3A_418 = arith.xori %and3A_37, %xor3A_417 : vector<16xi32>
        %gather3A_419 = tpu.vector_load_idx %arg10[%add3A_314, %xor3A_412] : memref<128x64xf32, #tpu.memory_space<vmem>>[vector<16xi32>, vector<16xi32>], vector<16xf32>,
        %xor3A_420 = arith.constant 14 : i32
        %xor3A_421 = vector.broadcast %xor3A_420 : i32 to vector<16xi32>
        %xor3A_422 = arith.xori %add3A_3, %xor3A_421 : vector<16xi32>
        %xor3A_423 = arith.constant 1 : i32
        %xor3A_424 = vector.broadcast %xor3A_423 : i32 to vector<16xi32>
        %xor3A_425 = arith.xori %shift_right_arithmetic3A_17, %xor3A_424 : vector<16xi32>
        %xor3A_426 = arith.constant 6 : i32
        %xor3A_427 = vector.broadcast %xor3A_426 : i32 to vector<16xi32>
        %xor3A_428 = arith.xori %and3A_37, %xor3A_427 : vector<16xi32>
        %gather3A_429 = tpu.vector_load_idx %arg10[%add3A_314, %xor3A_422] : memref<128x64xf32, #tpu.memory_space<vmem>>[vector<16xi32>, vector<16xi32>], vector<16xf32>,
        %xor3A_430 = arith.constant 15 : i32
        %xor3A_431 = vector.broadcast %xor3A_430 : i32 to vector<16xi32>
        %xor3A_432 = arith.xori %add3A_3, %xor3A_431 : vector<16xi32>
        %xor3A_433 = arith.constant 1 : i32
        %xor3A_434 = vector.broadcast %xor3A_433 : i32 to vector<16xi32>
        %xor3A_435 = arith.xori %shift_right_arithmetic3A_17, %xor3A_434 : vector<16xi32>
        %xor3A_436 = arith.constant 7 : i32
        %xor3A_437 = vector.broadcast %xor3A_436 : i32 to vector<16xi32>
        %xor3A_438 = arith.xori %and3A_37, %xor3A_437 : vector<16xi32>
        %gather3A_439 = tpu.vector_load_idx %arg10[%add3A_314, %xor3A_432] : memref<128x64xf32, #tpu.memory_space<vmem>>[vector<16xi32>, vector<16xi32>], vector<16xf32>,
        %gather3A_440 = tpu.vector_load_idx %arg10[%add3A_314, %add3A_6] : memref<128x64xf32, #tpu.memory_space<vmem>>[vector<16xi32>, vector<16xi32>], vector<16xf32>,
        %xor3A_441 = arith.constant 1 : i32
        %xor3A_442 = vector.broadcast %xor3A_441 : i32 to vector<16xi32>
        %xor3A_443 = arith.xori %add3A_6, %xor3A_442 : vector<16xi32>
        %xor3A_444 = arith.constant 1 : i32
        %xor3A_445 = vector.broadcast %xor3A_444 : i32 to vector<16xi32>
        %xor3A_446 = arith.xori %and3A_37, %xor3A_445 : vector<16xi32>
        %gather3A_447 = tpu.vector_load_idx %arg10[%add3A_314, %xor3A_443] : memref<128x64xf32, #tpu.memory_space<vmem>>[vector<16xi32>, vector<16xi32>], vector<16xf32>,
        %xor3A_448 = arith.constant 2 : i32
        %xor3A_449 = vector.broadcast %xor3A_448 : i32 to vector<16xi32>
        %xor3A_450 = arith.xori %add3A_6, %xor3A_449 : vector<16xi32>
        %xor3A_451 = arith.constant 2 : i32
        %xor3A_452 = vector.broadcast %xor3A_451 : i32 to vector<16xi32>
        %xor3A_453 = arith.xori %and3A_37, %xor3A_452 : vector<16xi32>
        %gather3A_454 = tpu.vector_load_idx %arg10[%add3A_314, %xor3A_450] : memref<128x64xf32, #tpu.memory_space<vmem>>[vector<16xi32>, vector<16xi32>], vector<16xf32>,
        %xor3A_455 = arith.constant 3 : i32
        %xor3A_456 = vector.broadcast %xor3A_455 : i32 to vector<16xi32>
        %xor3A_457 = arith.xori %add3A_6, %xor3A_456 : vector<16xi32>
        %xor3A_458 = arith.constant 3 : i32
        %xor3A_459 = vector.broadcast %xor3A_458 : i32 to vector<16xi32>
        %xor3A_460 = arith.xori %and3A_37, %xor3A_459 : vector<16xi32>
        %gather3A_461 = tpu.vector_load_idx %arg10[%add3A_314, %xor3A_457] : memref<128x64xf32, #tpu.memory_space<vmem>>[vector<16xi32>, vector<16xi32>], vector<16xf32>,
        %xor3A_462 = arith.constant 4 : i32
        %xor3A_463 = vector.broadcast %xor3A_462 : i32 to vector<16xi32>
        %xor3A_464 = arith.xori %add3A_6, %xor3A_463 : vector<16xi32>
        %xor3A_465 = arith.constant 4 : i32
        %xor3A_466 = vector.broadcast %xor3A_465 : i32 to vector<16xi32>
        %xor3A_467 = arith.xori %and3A_37, %xor3A_466 : vector<16xi32>
        %gather3A_468 = tpu.vector_load_idx %arg10[%add3A_314, %xor3A_464] : memref<128x64xf32, #tpu.memory_space<vmem>>[vector<16xi32>, vector<16xi32>], vector<16xf32>,
        %xor3A_469 = arith.constant 5 : i32
        %xor3A_470 = vector.broadcast %xor3A_469 : i32 to vector<16xi32>
        %xor3A_471 = arith.xori %add3A_6, %xor3A_470 : vector<16xi32>
        %xor3A_472 = arith.constant 5 : i32
        %xor3A_473 = vector.broadcast %xor3A_472 : i32 to vector<16xi32>
        %xor3A_474 = arith.xori %and3A_37, %xor3A_473 : vector<16xi32>
        %gather3A_475 = tpu.vector_load_idx %arg10[%add3A_314, %xor3A_471] : memref<128x64xf32, #tpu.memory_space<vmem>>[vector<16xi32>, vector<16xi32>], vector<16xf32>,
        %xor3A_476 = arith.constant 6 : i32
        %xor3A_477 = vector.broadcast %xor3A_476 : i32 to vector<16xi32>
        %xor3A_478 = arith.xori %add3A_6, %xor3A_477 : vector<16xi32>
        %xor3A_479 = arith.constant 6 : i32
        %xor3A_480 = vector.broadcast %xor3A_479 : i32 to vector<16xi32>
        %xor3A_481 = arith.xori %and3A_37, %xor3A_480 : vector<16xi32>
        %gather3A_482 = tpu.vector_load_idx %arg10[%add3A_314, %xor3A_478] : memref<128x64xf32, #tpu.memory_space<vmem>>[vector<16xi32>, vector<16xi32>], vector<16xf32>,
        %xor3A_483 = arith.constant 7 : i32
        %xor3A_484 = vector.broadcast %xor3A_483 : i32 to vector<16xi32>
        %xor3A_485 = arith.xori %add3A_6, %xor3A_484 : vector<16xi32>
        %xor3A_486 = arith.constant 7 : i32
        %xor3A_487 = vector.broadcast %xor3A_486 : i32 to vector<16xi32>
        %xor3A_488 = arith.xori %and3A_37, %xor3A_487 : vector<16xi32>
        %gather3A_489 = tpu.vector_load_idx %arg10[%add3A_314, %xor3A_485] : memref<128x64xf32, #tpu.memory_space<vmem>>[vector<16xi32>, vector<16xi32>], vector<16xf32>,
        %xor3A_490 = arith.constant 8 : i32
        %xor3A_491 = vector.broadcast %xor3A_490 : i32 to vector<16xi32>
        %xor3A_492 = arith.xori %add3A_6, %xor3A_491 : vector<16xi32>
        %xor3A_493 = arith.constant 1 : i32
        %xor3A_494 = vector.broadcast %xor3A_493 : i32 to vector<16xi32>
        %xor3A_495 = arith.xori %shift_right_arithmetic3A_23, %xor3A_494 : vector<16xi32>
        %gather3A_496 = tpu.vector_load_idx %arg10[%add3A_314, %xor3A_492] : memref<128x64xf32, #tpu.memory_space<vmem>>[vector<16xi32>, vector<16xi32>], vector<16xf32>,
        %xor3A_497 = arith.constant 9 : i32
        %xor3A_498 = vector.broadcast %xor3A_497 : i32 to vector<16xi32>
        %xor3A_499 = arith.xori %add3A_6, %xor3A_498 : vector<16xi32>
        %xor3A_500 = arith.constant 1 : i32
        %xor3A_501 = vector.broadcast %xor3A_500 : i32 to vector<16xi32>
        %xor3A_502 = arith.xori %shift_right_arithmetic3A_23, %xor3A_501 : vector<16xi32>
        %xor3A_503 = arith.constant 1 : i32
        %xor3A_504 = vector.broadcast %xor3A_503 : i32 to vector<16xi32>
        %xor3A_505 = arith.xori %and3A_37, %xor3A_504 : vector<16xi32>
        %gather3A_506 = tpu.vector_load_idx %arg10[%add3A_314, %xor3A_499] : memref<128x64xf32, #tpu.memory_space<vmem>>[vector<16xi32>, vector<16xi32>], vector<16xf32>,
        %xor3A_507 = arith.constant 10 : i32
        %xor3A_508 = vector.broadcast %xor3A_507 : i32 to vector<16xi32>
        %xor3A_509 = arith.xori %add3A_6, %xor3A_508 : vector<16xi32>
        %xor3A_510 = arith.constant 1 : i32
        %xor3A_511 = vector.broadcast %xor3A_510 : i32 to vector<16xi32>
        %xor3A_512 = arith.xori %shift_right_arithmetic3A_23, %xor3A_511 : vector<16xi32>
        %xor3A_513 = arith.constant 2 : i32
        %xor3A_514 = vector.broadcast %xor3A_513 : i32 to vector<16xi32>
        %xor3A_515 = arith.xori %and3A_37, %xor3A_514 : vector<16xi32>
        %gather3A_516 = tpu.vector_load_idx %arg10[%add3A_314, %xor3A_509] : memref<128x64xf32, #tpu.memory_space<vmem>>[vector<16xi32>, vector<16xi32>], vector<16xf32>,
        %xor3A_517 = arith.constant 11 : i32
        %xor3A_518 = vector.broadcast %xor3A_517 : i32 to vector<16xi32>
        %xor3A_519 = arith.xori %add3A_6, %xor3A_518 : vector<16xi32>
        %xor3A_520 = arith.constant 1 : i32
        %xor3A_521 = vector.broadcast %xor3A_520 : i32 to vector<16xi32>
        %xor3A_522 = arith.xori %shift_right_arithmetic3A_23, %xor3A_521 : vector<16xi32>
        %xor3A_523 = arith.constant 3 : i32
        %xor3A_524 = vector.broadcast %xor3A_523 : i32 to vector<16xi32>
        %xor3A_525 = arith.xori %and3A_37, %xor3A_524 : vector<16xi32>
        %gather3A_526 = tpu.vector_load_idx %arg10[%add3A_314, %xor3A_519] : memref<128x64xf32, #tpu.memory_space<vmem>>[vector<16xi32>, vector<16xi32>], vector<16xf32>,
        %xor3A_527 = arith.constant 12 : i32
        %xor3A_528 = vector.broadcast %xor3A_527 : i32 to vector<16xi32>
        %xor3A_529 = arith.xori %add3A_6, %xor3A_528 : vector<16xi32>
        %xor3A_530 = arith.constant 1 : i32
        %xor3A_531 = vector.broadcast %xor3A_530 : i32 to vector<16xi32>
        %xor3A_532 = arith.xori %shift_right_arithmetic3A_23, %xor3A_531 : vector<16xi32>
        %xor3A_533 = arith.constant 4 : i32
        %xor3A_534 = vector.broadcast %xor3A_533 : i32 to vector<16xi32>
        %xor3A_535 = arith.xori %and3A_37, %xor3A_534 : vector<16xi32>
        %gather3A_536 = tpu.vector_load_idx %arg10[%add3A_314, %xor3A_529] : memref<128x64xf32, #tpu.memory_space<vmem>>[vector<16xi32>, vector<16xi32>], vector<16xf32>,
        %xor3A_537 = arith.constant 13 : i32
        %xor3A_538 = vector.broadcast %xor3A_537 : i32 to vector<16xi32>
        %xor3A_539 = arith.xori %add3A_6, %xor3A_538 : vector<16xi32>
        %xor3A_540 = arith.constant 1 : i32
        %xor3A_541 = vector.broadcast %xor3A_540 : i32 to vector<16xi32>
        %xor3A_542 = arith.xori %shift_right_arithmetic3A_23, %xor3A_541 : vector<16xi32>
        %xor3A_543 = arith.constant 5 : i32
        %xor3A_544 = vector.broadcast %xor3A_543 : i32 to vector<16xi32>
        %xor3A_545 = arith.xori %and3A_37, %xor3A_544 : vector<16xi32>
        %gather3A_546 = tpu.vector_load_idx %arg10[%add3A_314, %xor3A_539] : memref<128x64xf32, #tpu.memory_space<vmem>>[vector<16xi32>, vector<16xi32>], vector<16xf32>,
        %xor3A_547 = arith.constant 14 : i32
        %xor3A_548 = vector.broadcast %xor3A_547 : i32 to vector<16xi32>
        %xor3A_549 = arith.xori %add3A_6, %xor3A_548 : vector<16xi32>
        %xor3A_550 = arith.constant 1 : i32
        %xor3A_551 = vector.broadcast %xor3A_550 : i32 to vector<16xi32>
        %xor3A_552 = arith.xori %shift_right_arithmetic3A_23, %xor3A_551 : vector<16xi32>
        %xor3A_553 = arith.constant 6 : i32
        %xor3A_554 = vector.broadcast %xor3A_553 : i32 to vector<16xi32>
        %xor3A_555 = arith.xori %and3A_37, %xor3A_554 : vector<16xi32>
        %gather3A_556 = tpu.vector_load_idx %arg10[%add3A_314, %xor3A_549] : memref<128x64xf32, #tpu.memory_space<vmem>>[vector<16xi32>, vector<16xi32>], vector<16xf32>,
        %xor3A_557 = arith.constant 15 : i32
        %xor3A_558 = vector.broadcast %xor3A_557 : i32 to vector<16xi32>
        %xor3A_559 = arith.xori %add3A_6, %xor3A_558 : vector<16xi32>
        %xor3A_560 = arith.constant 1 : i32
        %xor3A_561 = vector.broadcast %xor3A_560 : i32 to vector<16xi32>
        %xor3A_562 = arith.xori %shift_right_arithmetic3A_23, %xor3A_561 : vector<16xi32>
        %xor3A_563 = arith.constant 7 : i32
        %xor3A_564 = vector.broadcast %xor3A_563 : i32 to vector<16xi32>
        %xor3A_565 = arith.xori %and3A_37, %xor3A_564 : vector<16xi32>
        %gather3A_566 = tpu.vector_load_idx %arg10[%add3A_314, %xor3A_559] : memref<128x64xf32, #tpu.memory_space<vmem>>[vector<16xi32>, vector<16xi32>], vector<16xf32>,
        tpu.vector_store_idx %arg15[%shift_right_arithmetic3A_17, %and3A_37, %add3A_314], %gather3A : memref<8x8x128xf32, #tpu.memory_space<vmem>>[vector<16xi32>, vector<16xi32>, vector<16xi32>], vector<16xf32>,
        tpu.vector_store_idx %arg15[%shift_right_arithmetic3A_17, %xor3A_319, %add3A_314], %gather3A_320 : memref<8x8x128xf32, #tpu.memory_space<vmem>>[vector<16xi32>, vector<16xi32>, vector<16xi32>], vector<16xf32>,
        tpu.vector_store_idx %arg15[%shift_right_arithmetic3A_17, %xor3A_326, %add3A_314], %gather3A_327 : memref<8x8x128xf32, #tpu.memory_space<vmem>>[vector<16xi32>, vector<16xi32>, vector<16xi32>], vector<16xf32>,
        tpu.vector_store_idx %arg15[%shift_right_arithmetic3A_17, %xor3A_333, %add3A_314], %gather3A_334 : memref<8x8x128xf32, #tpu.memory_space<vmem>>[vector<16xi32>, vector<16xi32>, vector<16xi32>], vector<16xf32>,
        tpu.vector_store_idx %arg15[%shift_right_arithmetic3A_17, %xor3A_340, %add3A_314], %gather3A_341 : memref<8x8x128xf32, #tpu.memory_space<vmem>>[vector<16xi32>, vector<16xi32>, vector<16xi32>], vector<16xf32>,
        tpu.vector_store_idx %arg15[%shift_right_arithmetic3A_17, %xor3A_347, %add3A_314], %gather3A_348 : memref<8x8x128xf32, #tpu.memory_space<vmem>>[vector<16xi32>, vector<16xi32>, vector<16xi32>], vector<16xf32>,
        tpu.vector_store_idx %arg15[%shift_right_arithmetic3A_17, %xor3A_354, %add3A_314], %gather3A_355 : memref<8x8x128xf32, #tpu.memory_space<vmem>>[vector<16xi32>, vector<16xi32>, vector<16xi32>], vector<16xf32>,
        tpu.vector_store_idx %arg15[%shift_right_arithmetic3A_17, %xor3A_361, %add3A_314], %gather3A_362 : memref<8x8x128xf32, #tpu.memory_space<vmem>>[vector<16xi32>, vector<16xi32>, vector<16xi32>], vector<16xf32>,
        tpu.vector_store_idx %arg15[%xor3A_368, %and3A_37, %add3A_314], %gather3A_369 : memref<8x8x128xf32, #tpu.memory_space<vmem>>[vector<16xi32>, vector<16xi32>, vector<16xi32>], vector<16xf32>,
        tpu.vector_store_idx %arg15[%xor3A_375, %xor3A_378, %add3A_314], %gather3A_379 : memref<8x8x128xf32, #tpu.memory_space<vmem>>[vector<16xi32>, vector<16xi32>, vector<16xi32>], vector<16xf32>,
        tpu.vector_store_idx %arg15[%xor3A_385, %xor3A_388, %add3A_314], %gather3A_389 : memref<8x8x128xf32, #tpu.memory_space<vmem>>[vector<16xi32>, vector<16xi32>, vector<16xi32>], vector<16xf32>,
        tpu.vector_store_idx %arg15[%xor3A_395, %xor3A_398, %add3A_314], %gather3A_399 : memref<8x8x128xf32, #tpu.memory_space<vmem>>[vector<16xi32>, vector<16xi32>, vector<16xi32>], vector<16xf32>,
        tpu.vector_store_idx %arg15[%xor3A_405, %xor3A_408, %add3A_314], %gather3A_409 : memref<8x8x128xf32, #tpu.memory_space<vmem>>[vector<16xi32>, vector<16xi32>, vector<16xi32>], vector<16xf32>,
        tpu.vector_store_idx %arg15[%xor3A_415, %xor3A_418, %add3A_314], %gather3A_419 : memref<8x8x128xf32, #tpu.memory_space<vmem>>[vector<16xi32>, vector<16xi32>, vector<16xi32>], vector<16xf32>,
        tpu.vector_store_idx %arg15[%xor3A_425, %xor3A_428, %add3A_314], %gather3A_429 : memref<8x8x128xf32, #tpu.memory_space<vmem>>[vector<16xi32>, vector<16xi32>, vector<16xi32>], vector<16xf32>,
        tpu.vector_store_idx %arg15[%xor3A_435, %xor3A_438, %add3A_314], %gather3A_439 : memref<8x8x128xf32, #tpu.memory_space<vmem>>[vector<16xi32>, vector<16xi32>, vector<16xi32>], vector<16xf32>,
        tpu.vector_store_idx %arg15[%shift_right_arithmetic3A_23, %and3A_37, %add3A_314], %gather3A_440 : memref<8x8x128xf32, #tpu.memory_space<vmem>>[vector<16xi32>, vector<16xi32>, vector<16xi32>], vector<16xf32>,
        tpu.vector_store_idx %arg15[%shift_right_arithmetic3A_23, %xor3A_446, %add3A_314], %gather3A_447 : memref<8x8x128xf32, #tpu.memory_space<vmem>>[vector<16xi32>, vector<16xi32>, vector<16xi32>], vector<16xf32>,
        tpu.vector_store_idx %arg15[%shift_right_arithmetic3A_23, %xor3A_453, %add3A_314], %gather3A_454 : memref<8x8x128xf32, #tpu.memory_space<vmem>>[vector<16xi32>, vector<16xi32>, vector<16xi32>], vector<16xf32>,
        tpu.vector_store_idx %arg15[%shift_right_arithmetic3A_23, %xor3A_460, %add3A_314], %gather3A_461 : memref<8x8x128xf32, #tpu.memory_space<vmem>>[vector<16xi32>, vector<16xi32>, vector<16xi32>], vector<16xf32>,
        tpu.vector_store_idx %arg15[%shift_right_arithmetic3A_23, %xor3A_467, %add3A_314], %gather3A_468 : memref<8x8x128xf32, #tpu.memory_space<vmem>>[vector<16xi32>, vector<16xi32>, vector<16xi32>], vector<16xf32>,
        tpu.vector_store_idx %arg15[%shift_right_arithmetic3A_23, %xor3A_474, %add3A_314], %gather3A_475 : memref<8x8x128xf32, #tpu.memory_space<vmem>>[vector<16xi32>, vector<16xi32>, vector<16xi32>], vector<16xf32>,
        tpu.vector_store_idx %arg15[%shift_right_arithmetic3A_23, %xor3A_481, %add3A_314], %gather3A_482 : memref<8x8x128xf32, #tpu.memory_space<vmem>>[vector<16xi32>, vector<16xi32>, vector<16xi32>], vector<16xf32>,
        tpu.vector_store_idx %arg15[%shift_right_arithmetic3A_23, %xor3A_488, %add3A_314], %gather3A_489 : memref<8x8x128xf32, #tpu.memory_space<vmem>>[vector<16xi32>, vector<16xi32>, vector<16xi32>], vector<16xf32>,
        tpu.vector_store_idx %arg15[%xor3A_495, %and3A_37, %add3A_314], %gather3A_496 : memref<8x8x128xf32, #tpu.memory_space<vmem>>[vector<16xi32>, vector<16xi32>, vector<16xi32>], vector<16xf32>,
        tpu.vector_store_idx %arg15[%xor3A_502, %xor3A_505, %add3A_314], %gather3A_506 : memref<8x8x128xf32, #tpu.memory_space<vmem>>[vector<16xi32>, vector<16xi32>, vector<16xi32>], vector<16xf32>,
        tpu.vector_store_idx %arg15[%xor3A_512, %xor3A_515, %add3A_314], %gather3A_516 : memref<8x8x128xf32, #tpu.memory_space<vmem>>[vector<16xi32>, vector<16xi32>, vector<16xi32>], vector<16xf32>,
        tpu.vector_store_idx %arg15[%xor3A_522, %xor3A_525, %add3A_314], %gather3A_526 : memref<8x8x128xf32, #tpu.memory_space<vmem>>[vector<16xi32>, vector<16xi32>, vector<16xi32>], vector<16xf32>,
        tpu.vector_store_idx %arg15[%xor3A_532, %xor3A_535, %add3A_314], %gather3A_536 : memref<8x8x128xf32, #tpu.memory_space<vmem>>[vector<16xi32>, vector<16xi32>, vector<16xi32>], vector<16xf32>,
        tpu.vector_store_idx %arg15[%xor3A_542, %xor3A_545, %add3A_314], %gather3A_546 : memref<8x8x128xf32, #tpu.memory_space<vmem>>[vector<16xi32>, vector<16xi32>, vector<16xi32>], vector<16xf32>,
        tpu.vector_store_idx %arg15[%xor3A_552, %xor3A_555, %add3A_314], %gather3A_556 : memref<8x8x128xf32, #tpu.memory_space<vmem>>[vector<16xi32>, vector<16xi32>, vector<16xi32>], vector<16xf32>,
        tpu.vector_store_idx %arg15[%xor3A_562, %xor3A_565, %add3A_314], %gather3A_566 : memref<8x8x128xf32, #tpu.memory_space<vmem>>[vector<16xi32>, vector<16xi32>, vector<16xi32>], vector<16xf32>,
        %gather3A_567 = tpu.vector_load_idx %arg10[%add3A_314, %add3A_9] : memref<128x64xf32, #tpu.memory_space<vmem>>[vector<16xi32>, vector<16xi32>], vector<16xf32>,
        %xor3A_568 = arith.constant 1 : i32
        %xor3A_569 = vector.broadcast %xor3A_568 : i32 to vector<16xi32>
        %xor3A_570 = arith.xori %add3A_9, %xor3A_569 : vector<16xi32>
        %xor3A_571 = arith.constant 1 : i32
        %xor3A_572 = vector.broadcast %xor3A_571 : i32 to vector<16xi32>
        %xor3A_573 = arith.xori %and3A_37, %xor3A_572 : vector<16xi32>
        %gather3A_574 = tpu.vector_load_idx %arg10[%add3A_314, %xor3A_570] : memref<128x64xf32, #tpu.memory_space<vmem>>[vector<16xi32>, vector<16xi32>], vector<16xf32>,
        %xor3A_575 = arith.constant 2 : i32
        %xor3A_576 = vector.broadcast %xor3A_575 : i32 to vector<16xi32>
        %xor3A_577 = arith.xori %add3A_9, %xor3A_576 : vector<16xi32>
        %xor3A_578 = arith.constant 2 : i32
        %xor3A_579 = vector.broadcast %xor3A_578 : i32 to vector<16xi32>
        %xor3A_580 = arith.xori %and3A_37, %xor3A_579 : vector<16xi32>
        %gather3A_581 = tpu.vector_load_idx %arg10[%add3A_314, %xor3A_577] : memref<128x64xf32, #tpu.memory_space<vmem>>[vector<16xi32>, vector<16xi32>], vector<16xf32>,
        %xor3A_582 = arith.constant 3 : i32
        %xor3A_583 = vector.broadcast %xor3A_582 : i32 to vector<16xi32>
        %xor3A_584 = arith.xori %add3A_9, %xor3A_583 : vector<16xi32>
        %xor3A_585 = arith.constant 3 : i32
        %xor3A_586 = vector.broadcast %xor3A_585 : i32 to vector<16xi32>
        %xor3A_587 = arith.xori %and3A_37, %xor3A_586 : vector<16xi32>
        %gather3A_588 = tpu.vector_load_idx %arg10[%add3A_314, %xor3A_584] : memref<128x64xf32, #tpu.memory_space<vmem>>[vector<16xi32>, vector<16xi32>], vector<16xf32>,
        %xor3A_589 = arith.constant 4 : i32
        %xor3A_590 = vector.broadcast %xor3A_589 : i32 to vector<16xi32>
        %xor3A_591 = arith.xori %add3A_9, %xor3A_590 : vector<16xi32>
        %xor3A_592 = arith.constant 4 : i32
        %xor3A_593 = vector.broadcast %xor3A_592 : i32 to vector<16xi32>
        %xor3A_594 = arith.xori %and3A_37, %xor3A_593 : vector<16xi32>
        %gather3A_595 = tpu.vector_load_idx %arg10[%add3A_314, %xor3A_591] : memref<128x64xf32, #tpu.memory_space<vmem>>[vector<16xi32>, vector<16xi32>], vector<16xf32>,
        %xor3A_596 = arith.constant 5 : i32
        %xor3A_597 = vector.broadcast %xor3A_596 : i32 to vector<16xi32>
        %xor3A_598 = arith.xori %add3A_9, %xor3A_597 : vector<16xi32>
        %xor3A_599 = arith.constant 5 : i32
        %xor3A_600 = vector.broadcast %xor3A_599 : i32 to vector<16xi32>
        %xor3A_601 = arith.xori %and3A_37, %xor3A_600 : vector<16xi32>
        %gather3A_602 = tpu.vector_load_idx %arg10[%add3A_314, %xor3A_598] : memref<128x64xf32, #tpu.memory_space<vmem>>[vector<16xi32>, vector<16xi32>], vector<16xf32>,
        %xor3A_603 = arith.constant 6 : i32
        %xor3A_604 = vector.broadcast %xor3A_603 : i32 to vector<16xi32>
        %xor3A_605 = arith.xori %add3A_9, %xor3A_604 : vector<16xi32>
        %xor3A_606 = arith.constant 6 : i32
        %xor3A_607 = vector.broadcast %xor3A_606 : i32 to vector<16xi32>
        %xor3A_608 = arith.xori %and3A_37, %xor3A_607 : vector<16xi32>
        %gather3A_609 = tpu.vector_load_idx %arg10[%add3A_314, %xor3A_605] : memref<128x64xf32, #tpu.memory_space<vmem>>[vector<16xi32>, vector<16xi32>], vector<16xf32>,
        %xor3A_610 = arith.constant 7 : i32
        %xor3A_611 = vector.broadcast %xor3A_610 : i32 to vector<16xi32>
        %xor3A_612 = arith.xori %add3A_9, %xor3A_611 : vector<16xi32>
        %xor3A_613 = arith.constant 7 : i32
        %xor3A_614 = vector.broadcast %xor3A_613 : i32 to vector<16xi32>
        %xor3A_615 = arith.xori %and3A_37, %xor3A_614 : vector<16xi32>
        %gather3A_616 = tpu.vector_load_idx %arg10[%add3A_314, %xor3A_612] : memref<128x64xf32, #tpu.memory_space<vmem>>[vector<16xi32>, vector<16xi32>], vector<16xf32>,
        %xor3A_617 = arith.constant 8 : i32
        %xor3A_618 = vector.broadcast %xor3A_617 : i32 to vector<16xi32>
        %xor3A_619 = arith.xori %add3A_9, %xor3A_618 : vector<16xi32>
        %xor3A_620 = arith.constant 1 : i32
        %xor3A_621 = vector.broadcast %xor3A_620 : i32 to vector<16xi32>
        %xor3A_622 = arith.xori %shift_right_arithmetic3A_29, %xor3A_621 : vector<16xi32>
        %gather3A_623 = tpu.vector_load_idx %arg10[%add3A_314, %xor3A_619] : memref<128x64xf32, #tpu.memory_space<vmem>>[vector<16xi32>, vector<16xi32>], vector<16xf32>,
        %xor3A_624 = arith.constant 9 : i32
        %xor3A_625 = vector.broadcast %xor3A_624 : i32 to vector<16xi32>
        %xor3A_626 = arith.xori %add3A_9, %xor3A_625 : vector<16xi32>
        %xor3A_627 = arith.constant 1 : i32
        %xor3A_628 = vector.broadcast %xor3A_627 : i32 to vector<16xi32>
        %xor3A_629 = arith.xori %shift_right_arithmetic3A_29, %xor3A_628 : vector<16xi32>
        %xor3A_630 = arith.constant 1 : i32
        %xor3A_631 = vector.broadcast %xor3A_630 : i32 to vector<16xi32>
        %xor3A_632 = arith.xori %and3A_37, %xor3A_631 : vector<16xi32>
        %gather3A_633 = tpu.vector_load_idx %arg10[%add3A_314, %xor3A_626] : memref<128x64xf32, #tpu.memory_space<vmem>>[vector<16xi32>, vector<16xi32>], vector<16xf32>,
        %xor3A_634 = arith.constant 10 : i32
        %xor3A_635 = vector.broadcast %xor3A_634 : i32 to vector<16xi32>
        %xor3A_636 = arith.xori %add3A_9, %xor3A_635 : vector<16xi32>
        %xor3A_637 = arith.constant 1 : i32
        %xor3A_638 = vector.broadcast %xor3A_637 : i32 to vector<16xi32>
        %xor3A_639 = arith.xori %shift_right_arithmetic3A_29, %xor3A_638 : vector<16xi32>
        %xor3A_640 = arith.constant 2 : i32
        %xor3A_641 = vector.broadcast %xor3A_640 : i32 to vector<16xi32>
        %xor3A_642 = arith.xori %and3A_37, %xor3A_641 : vector<16xi32>
        %gather3A_643 = tpu.vector_load_idx %arg10[%add3A_314, %xor3A_636] : memref<128x64xf32, #tpu.memory_space<vmem>>[vector<16xi32>, vector<16xi32>], vector<16xf32>,
        %xor3A_644 = arith.constant 11 : i32
        %xor3A_645 = vector.broadcast %xor3A_644 : i32 to vector<16xi32>
        %xor3A_646 = arith.xori %add3A_9, %xor3A_645 : vector<16xi32>
        %xor3A_647 = arith.constant 1 : i32
        %xor3A_648 = vector.broadcast %xor3A_647 : i32 to vector<16xi32>
        %xor3A_649 = arith.xori %shift_right_arithmetic3A_29, %xor3A_648 : vector<16xi32>
        %xor3A_650 = arith.constant 3 : i32
        %xor3A_651 = vector.broadcast %xor3A_650 : i32 to vector<16xi32>
        %xor3A_652 = arith.xori %and3A_37, %xor3A_651 : vector<16xi32>
        %gather3A_653 = tpu.vector_load_idx %arg10[%add3A_314, %xor3A_646] : memref<128x64xf32, #tpu.memory_space<vmem>>[vector<16xi32>, vector<16xi32>], vector<16xf32>,
        %xor3A_654 = arith.constant 12 : i32
        %xor3A_655 = vector.broadcast %xor3A_654 : i32 to vector<16xi32>
        %xor3A_656 = arith.xori %add3A_9, %xor3A_655 : vector<16xi32>
        %xor3A_657 = arith.constant 1 : i32
        %xor3A_658 = vector.broadcast %xor3A_657 : i32 to vector<16xi32>
        %xor3A_659 = arith.xori %shift_right_arithmetic3A_29, %xor3A_658 : vector<16xi32>
        %xor3A_660 = arith.constant 4 : i32
        %xor3A_661 = vector.broadcast %xor3A_660 : i32 to vector<16xi32>
        %xor3A_662 = arith.xori %and3A_37, %xor3A_661 : vector<16xi32>
        %gather3A_663 = tpu.vector_load_idx %arg10[%add3A_314, %xor3A_656] : memref<128x64xf32, #tpu.memory_space<vmem>>[vector<16xi32>, vector<16xi32>], vector<16xf32>,
        %xor3A_664 = arith.constant 13 : i32
        %xor3A_665 = vector.broadcast %xor3A_664 : i32 to vector<16xi32>
        %xor3A_666 = arith.xori %add3A_9, %xor3A_665 : vector<16xi32>
        %xor3A_667 = arith.constant 1 : i32
        %xor3A_668 = vector.broadcast %xor3A_667 : i32 to vector<16xi32>
        %xor3A_669 = arith.xori %shift_right_arithmetic3A_29, %xor3A_668 : vector<16xi32>
        %xor3A_670 = arith.constant 5 : i32
        %xor3A_671 = vector.broadcast %xor3A_670 : i32 to vector<16xi32>
        %xor3A_672 = arith.xori %and3A_37, %xor3A_671 : vector<16xi32>
        %gather3A_673 = tpu.vector_load_idx %arg10[%add3A_314, %xor3A_666] : memref<128x64xf32, #tpu.memory_space<vmem>>[vector<16xi32>, vector<16xi32>], vector<16xf32>,
        %xor3A_674 = arith.constant 14 : i32
        %xor3A_675 = vector.broadcast %xor3A_674 : i32 to vector<16xi32>
        %xor3A_676 = arith.xori %add3A_9, %xor3A_675 : vector<16xi32>
        %xor3A_677 = arith.constant 1 : i32
        %xor3A_678 = vector.broadcast %xor3A_677 : i32 to vector<16xi32>
        %xor3A_679 = arith.xori %shift_right_arithmetic3A_29, %xor3A_678 : vector<16xi32>
        %xor3A_680 = arith.constant 6 : i32
        %xor3A_681 = vector.broadcast %xor3A_680 : i32 to vector<16xi32>
        %xor3A_682 = arith.xori %and3A_37, %xor3A_681 : vector<16xi32>
        %gather3A_683 = tpu.vector_load_idx %arg10[%add3A_314, %xor3A_676] : memref<128x64xf32, #tpu.memory_space<vmem>>[vector<16xi32>, vector<16xi32>], vector<16xf32>,
        %xor3A_684 = arith.constant 15 : i32
        %xor3A_685 = vector.broadcast %xor3A_684 : i32 to vector<16xi32>
        %xor3A_686 = arith.xori %add3A_9, %xor3A_685 : vector<16xi32>
        %xor3A_687 = arith.constant 1 : i32
        %xor3A_688 = vector.broadcast %xor3A_687 : i32 to vector<16xi32>
        %xor3A_689 = arith.xori %shift_right_arithmetic3A_29, %xor3A_688 : vector<16xi32>
        %xor3A_690 = arith.constant 7 : i32
        %xor3A_691 = vector.broadcast %xor3A_690 : i32 to vector<16xi32>
        %xor3A_692 = arith.xori %and3A_37, %xor3A_691 : vector<16xi32>
        %gather3A_693 = tpu.vector_load_idx %arg10[%add3A_314, %xor3A_686] : memref<128x64xf32, #tpu.memory_space<vmem>>[vector<16xi32>, vector<16xi32>], vector<16xf32>,
        %gather3A_694 = tpu.vector_load_idx %arg10[%add3A_314, %add3A_12] : memref<128x64xf32, #tpu.memory_space<vmem>>[vector<16xi32>, vector<16xi32>], vector<16xf32>,
        %xor3A_695 = arith.constant 1 : i32
        %xor3A_696 = vector.broadcast %xor3A_695 : i32 to vector<16xi32>
        %xor3A_697 = arith.xori %add3A_12, %xor3A_696 : vector<16xi32>
        %xor3A_698 = arith.constant 1 : i32
        %xor3A_699 = vector.broadcast %xor3A_698 : i32 to vector<16xi32>
        %xor3A_700 = arith.xori %and3A_37, %xor3A_699 : vector<16xi32>
        %gather3A_701 = tpu.vector_load_idx %arg10[%add3A_314, %xor3A_697] : memref<128x64xf32, #tpu.memory_space<vmem>>[vector<16xi32>, vector<16xi32>], vector<16xf32>,
        %xor3A_702 = arith.constant 2 : i32
        %xor3A_703 = vector.broadcast %xor3A_702 : i32 to vector<16xi32>
        %xor3A_704 = arith.xori %add3A_12, %xor3A_703 : vector<16xi32>
        %xor3A_705 = arith.constant 2 : i32
        %xor3A_706 = vector.broadcast %xor3A_705 : i32 to vector<16xi32>
        %xor3A_707 = arith.xori %and3A_37, %xor3A_706 : vector<16xi32>
        %gather3A_708 = tpu.vector_load_idx %arg10[%add3A_314, %xor3A_704] : memref<128x64xf32, #tpu.memory_space<vmem>>[vector<16xi32>, vector<16xi32>], vector<16xf32>,
        %xor3A_709 = arith.constant 3 : i32
        %xor3A_710 = vector.broadcast %xor3A_709 : i32 to vector<16xi32>
        %xor3A_711 = arith.xori %add3A_12, %xor3A_710 : vector<16xi32>
        %xor3A_712 = arith.constant 3 : i32
        %xor3A_713 = vector.broadcast %xor3A_712 : i32 to vector<16xi32>
        %xor3A_714 = arith.xori %and3A_37, %xor3A_713 : vector<16xi32>
        %gather3A_715 = tpu.vector_load_idx %arg10[%add3A_314, %xor3A_711] : memref<128x64xf32, #tpu.memory_space<vmem>>[vector<16xi32>, vector<16xi32>], vector<16xf32>,
        %xor3A_716 = arith.constant 4 : i32
        %xor3A_717 = vector.broadcast %xor3A_716 : i32 to vector<16xi32>
        %xor3A_718 = arith.xori %add3A_12, %xor3A_717 : vector<16xi32>
        %xor3A_719 = arith.constant 4 : i32
        %xor3A_720 = vector.broadcast %xor3A_719 : i32 to vector<16xi32>
        %xor3A_721 = arith.xori %and3A_37, %xor3A_720 : vector<16xi32>
        %gather3A_722 = tpu.vector_load_idx %arg10[%add3A_314, %xor3A_718] : memref<128x64xf32, #tpu.memory_space<vmem>>[vector<16xi32>, vector<16xi32>], vector<16xf32>,
        %xor3A_723 = arith.constant 5 : i32
        %xor3A_724 = vector.broadcast %xor3A_723 : i32 to vector<16xi32>
        %xor3A_725 = arith.xori %add3A_12, %xor3A_724 : vector<16xi32>
        %xor3A_726 = arith.constant 5 : i32
        %xor3A_727 = vector.broadcast %xor3A_726 : i32 to vector<16xi32>
        %xor3A_728 = arith.xori %and3A_37, %xor3A_727 : vector<16xi32>
        %gather3A_729 = tpu.vector_load_idx %arg10[%add3A_314, %xor3A_725] : memref<128x64xf32, #tpu.memory_space<vmem>>[vector<16xi32>, vector<16xi32>], vector<16xf32>,
        %xor3A_730 = arith.constant 6 : i32
        %xor3A_731 = vector.broadcast %xor3A_730 : i32 to vector<16xi32>
        %xor3A_732 = arith.xori %add3A_12, %xor3A_731 : vector<16xi32>
        %xor3A_733 = arith.constant 6 : i32
        %xor3A_734 = vector.broadcast %xor3A_733 : i32 to vector<16xi32>
        %xor3A_735 = arith.xori %and3A_37, %xor3A_734 : vector<16xi32>
        %gather3A_736 = tpu.vector_load_idx %arg10[%add3A_314, %xor3A_732] : memref<128x64xf32, #tpu.memory_space<vmem>>[vector<16xi32>, vector<16xi32>], vector<16xf32>,
        %xor3A_737 = arith.constant 7 : i32
        %xor3A_738 = vector.broadcast %xor3A_737 : i32 to vector<16xi32>
        %xor3A_739 = arith.xori %add3A_12, %xor3A_738 : vector<16xi32>
        %xor3A_740 = arith.constant 7 : i32
        %xor3A_741 = vector.broadcast %xor3A_740 : i32 to vector<16xi32>
        %xor3A_742 = arith.xori %and3A_37, %xor3A_741 : vector<16xi32>
        %gather3A_743 = tpu.vector_load_idx %arg10[%add3A_314, %xor3A_739] : memref<128x64xf32, #tpu.memory_space<vmem>>[vector<16xi32>, vector<16xi32>], vector<16xf32>,
        %xor3A_744 = arith.constant 8 : i32
        %xor3A_745 = vector.broadcast %xor3A_744 : i32 to vector<16xi32>
        %xor3A_746 = arith.xori %add3A_12, %xor3A_745 : vector<16xi32>
        %xor3A_747 = arith.constant 1 : i32
        %xor3A_748 = vector.broadcast %xor3A_747 : i32 to vector<16xi32>
        %xor3A_749 = arith.xori %shift_right_arithmetic3A_35, %xor3A_748 : vector<16xi32>
        %gather3A_750 = tpu.vector_load_idx %arg10[%add3A_314, %xor3A_746] : memref<128x64xf32, #tpu.memory_space<vmem>>[vector<16xi32>, vector<16xi32>], vector<16xf32>,
        %xor3A_751 = arith.constant 9 : i32
        %xor3A_752 = vector.broadcast %xor3A_751 : i32 to vector<16xi32>
        %xor3A_753 = arith.xori %add3A_12, %xor3A_752 : vector<16xi32>
        %xor3A_754 = arith.constant 1 : i32
        %xor3A_755 = vector.broadcast %xor3A_754 : i32 to vector<16xi32>
        %xor3A_756 = arith.xori %shift_right_arithmetic3A_35, %xor3A_755 : vector<16xi32>
        %xor3A_757 = arith.constant 1 : i32
        %xor3A_758 = vector.broadcast %xor3A_757 : i32 to vector<16xi32>
        %xor3A_759 = arith.xori %and3A_37, %xor3A_758 : vector<16xi32>
        %gather3A_760 = tpu.vector_load_idx %arg10[%add3A_314, %xor3A_753] : memref<128x64xf32, #tpu.memory_space<vmem>>[vector<16xi32>, vector<16xi32>], vector<16xf32>,
        %xor3A_761 = arith.constant 10 : i32
        %xor3A_762 = vector.broadcast %xor3A_761 : i32 to vector<16xi32>
        %xor3A_763 = arith.xori %add3A_12, %xor3A_762 : vector<16xi32>
        %xor3A_764 = arith.constant 1 : i32
        %xor3A_765 = vector.broadcast %xor3A_764 : i32 to vector<16xi32>
        %xor3A_766 = arith.xori %shift_right_arithmetic3A_35, %xor3A_765 : vector<16xi32>
        %xor3A_767 = arith.constant 2 : i32
        %xor3A_768 = vector.broadcast %xor3A_767 : i32 to vector<16xi32>
        %xor3A_769 = arith.xori %and3A_37, %xor3A_768 : vector<16xi32>
        %gather3A_770 = tpu.vector_load_idx %arg10[%add3A_314, %xor3A_763] : memref<128x64xf32, #tpu.memory_space<vmem>>[vector<16xi32>, vector<16xi32>], vector<16xf32>,
        %xor3A_771 = arith.constant 11 : i32
        %xor3A_772 = vector.broadcast %xor3A_771 : i32 to vector<16xi32>
        %xor3A_773 = arith.xori %add3A_12, %xor3A_772 : vector<16xi32>
        %xor3A_774 = arith.constant 1 : i32
        %xor3A_775 = vector.broadcast %xor3A_774 : i32 to vector<16xi32>
        %xor3A_776 = arith.xori %shift_right_arithmetic3A_35, %xor3A_775 : vector<16xi32>
        %xor3A_777 = arith.constant 3 : i32
        %xor3A_778 = vector.broadcast %xor3A_777 : i32 to vector<16xi32>
        %xor3A_779 = arith.xori %and3A_37, %xor3A_778 : vector<16xi32>
        %gather3A_780 = tpu.vector_load_idx %arg10[%add3A_314, %xor3A_773] : memref<128x64xf32, #tpu.memory_space<vmem>>[vector<16xi32>, vector<16xi32>], vector<16xf32>,
        %xor3A_781 = arith.constant 12 : i32
        %xor3A_782 = vector.broadcast %xor3A_781 : i32 to vector<16xi32>
        %xor3A_783 = arith.xori %add3A_12, %xor3A_782 : vector<16xi32>
        %xor3A_784 = arith.constant 1 : i32
        %xor3A_785 = vector.broadcast %xor3A_784 : i32 to vector<16xi32>
        %xor3A_786 = arith.xori %shift_right_arithmetic3A_35, %xor3A_785 : vector<16xi32>
        %xor3A_787 = arith.constant 4 : i32
        %xor3A_788 = vector.broadcast %xor3A_787 : i32 to vector<16xi32>
        %xor3A_789 = arith.xori %and3A_37, %xor3A_788 : vector<16xi32>
        %gather3A_790 = tpu.vector_load_idx %arg10[%add3A_314, %xor3A_783] : memref<128x64xf32, #tpu.memory_space<vmem>>[vector<16xi32>, vector<16xi32>], vector<16xf32>,
        %xor3A_791 = arith.constant 13 : i32
        %xor3A_792 = vector.broadcast %xor3A_791 : i32 to vector<16xi32>
        %xor3A_793 = arith.xori %add3A_12, %xor3A_792 : vector<16xi32>
        %xor3A_794 = arith.constant 1 : i32
        %xor3A_795 = vector.broadcast %xor3A_794 : i32 to vector<16xi32>
        %xor3A_796 = arith.xori %shift_right_arithmetic3A_35, %xor3A_795 : vector<16xi32>
        %xor3A_797 = arith.constant 5 : i32
        %xor3A_798 = vector.broadcast %xor3A_797 : i32 to vector<16xi32>
        %xor3A_799 = arith.xori %and3A_37, %xor3A_798 : vector<16xi32>
        %gather3A_800 = tpu.vector_load_idx %arg10[%add3A_314, %xor3A_793] : memref<128x64xf32, #tpu.memory_space<vmem>>[vector<16xi32>, vector<16xi32>], vector<16xf32>,
        %xor3A_801 = arith.constant 14 : i32
        %xor3A_802 = vector.broadcast %xor3A_801 : i32 to vector<16xi32>
        %xor3A_803 = arith.xori %add3A_12, %xor3A_802 : vector<16xi32>
        %xor3A_804 = arith.constant 1 : i32
        %xor3A_805 = vector.broadcast %xor3A_804 : i32 to vector<16xi32>
        %xor3A_806 = arith.xori %shift_right_arithmetic3A_35, %xor3A_805 : vector<16xi32>
        %xor3A_807 = arith.constant 6 : i32
        %xor3A_808 = vector.broadcast %xor3A_807 : i32 to vector<16xi32>
        %xor3A_809 = arith.xori %and3A_37, %xor3A_808 : vector<16xi32>
        %gather3A_810 = tpu.vector_load_idx %arg10[%add3A_314, %xor3A_803] : memref<128x64xf32, #tpu.memory_space<vmem>>[vector<16xi32>, vector<16xi32>], vector<16xf32>,
        %xor3A_811 = arith.constant 15 : i32
        %xor3A_812 = vector.broadcast %xor3A_811 : i32 to vector<16xi32>
        %xor3A_813 = arith.xori %add3A_12, %xor3A_812 : vector<16xi32>
        %xor3A_814 = arith.constant 1 : i32
        %xor3A_815 = vector.broadcast %xor3A_814 : i32 to vector<16xi32>
        %xor3A_816 = arith.xori %shift_right_arithmetic3A_35, %xor3A_815 : vector<16xi32>
        %xor3A_817 = arith.constant 7 : i32
        %xor3A_818 = vector.broadcast %xor3A_817 : i32 to vector<16xi32>
        %xor3A_819 = arith.xori %and3A_37, %xor3A_818 : vector<16xi32>
        %gather3A_820 = tpu.vector_load_idx %arg10[%add3A_314, %xor3A_813] : memref<128x64xf32, #tpu.memory_space<vmem>>[vector<16xi32>, vector<16xi32>], vector<16xf32>,
        tpu.vector_store_idx %arg15[%shift_right_arithmetic3A_29, %and3A_37, %add3A_314], %gather3A_567 : memref<8x8x128xf32, #tpu.memory_space<vmem>>[vector<16xi32>, vector<16xi32>, vector<16xi32>], vector<16xf32>,
        tpu.vector_store_idx %arg15[%shift_right_arithmetic3A_29, %xor3A_573, %add3A_314], %gather3A_574 : memref<8x8x128xf32, #tpu.memory_space<vmem>>[vector<16xi32>, vector<16xi32>, vector<16xi32>], vector<16xf32>,
        tpu.vector_store_idx %arg15[%shift_right_arithmetic3A_29, %xor3A_580, %add3A_314], %gather3A_581 : memref<8x8x128xf32, #tpu.memory_space<vmem>>[vector<16xi32>, vector<16xi32>, vector<16xi32>], vector<16xf32>,
        tpu.vector_store_idx %arg15[%shift_right_arithmetic3A_29, %xor3A_587, %add3A_314], %gather3A_588 : memref<8x8x128xf32, #tpu.memory_space<vmem>>[vector<16xi32>, vector<16xi32>, vector<16xi32>], vector<16xf32>,
        tpu.vector_store_idx %arg15[%shift_right_arithmetic3A_29, %xor3A_594, %add3A_314], %gather3A_595 : memref<8x8x128xf32, #tpu.memory_space<vmem>>[vector<16xi32>, vector<16xi32>, vector<16xi32>], vector<16xf32>,
        tpu.vector_store_idx %arg15[%shift_right_arithmetic3A_29, %xor3A_601, %add3A_314], %gather3A_602 : memref<8x8x128xf32, #tpu.memory_space<vmem>>[vector<16xi32>, vector<16xi32>, vector<16xi32>], vector<16xf32>,
        tpu.vector_store_idx %arg15[%shift_right_arithmetic3A_29, %xor3A_608, %add3A_314], %gather3A_609 : memref<8x8x128xf32, #tpu.memory_space<vmem>>[vector<16xi32>, vector<16xi32>, vector<16xi32>], vector<16xf32>,
        tpu.vector_store_idx %arg15[%shift_right_arithmetic3A_29, %xor3A_615, %add3A_314], %gather3A_616 : memref<8x8x128xf32, #tpu.memory_space<vmem>>[vector<16xi32>, vector<16xi32>, vector<16xi32>], vector<16xf32>,
        tpu.vector_store_idx %arg15[%xor3A_622, %and3A_37, %add3A_314], %gather3A_623 : memref<8x8x128xf32, #tpu.memory_space<vmem>>[vector<16xi32>, vector<16xi32>, vector<16xi32>], vector<16xf32>,
        tpu.vector_store_idx %arg15[%xor3A_629, %xor3A_632, %add3A_314], %gather3A_633 : memref<8x8x128xf32, #tpu.memory_space<vmem>>[vector<16xi32>, vector<16xi32>, vector<16xi32>], vector<16xf32>,
        tpu.vector_store_idx %arg15[%xor3A_639, %xor3A_642, %add3A_314], %gather3A_643 : memref<8x8x128xf32, #tpu.memory_space<vmem>>[vector<16xi32>, vector<16xi32>, vector<16xi32>], vector<16xf32>,
        tpu.vector_store_idx %arg15[%xor3A_649, %xor3A_652, %add3A_314], %gather3A_653 : memref<8x8x128xf32, #tpu.memory_space<vmem>>[vector<16xi32>, vector<16xi32>, vector<16xi32>], vector<16xf32>,
        tpu.vector_store_idx %arg15[%xor3A_659, %xor3A_662, %add3A_314], %gather3A_663 : memref<8x8x128xf32, #tpu.memory_space<vmem>>[vector<16xi32>, vector<16xi32>, vector<16xi32>], vector<16xf32>,
        tpu.vector_store_idx %arg15[%xor3A_669, %xor3A_672, %add3A_314], %gather3A_673 : memref<8x8x128xf32, #tpu.memory_space<vmem>>[vector<16xi32>, vector<16xi32>, vector<16xi32>], vector<16xf32>,
        tpu.vector_store_idx %arg15[%xor3A_679, %xor3A_682, %add3A_314], %gather3A_683 : memref<8x8x128xf32, #tpu.memory_space<vmem>>[vector<16xi32>, vector<16xi32>, vector<16xi32>], vector<16xf32>,
        tpu.vector_store_idx %arg15[%xor3A_689, %xor3A_692, %add3A_314], %gather3A_693 : memref<8x8x128xf32, #tpu.memory_space<vmem>>[vector<16xi32>, vector<16xi32>, vector<16xi32>], vector<16xf32>,
        tpu.vector_store_idx %arg15[%shift_right_arithmetic3A_35, %and3A_37, %add3A_314], %gather3A_694 : memref<8x8x128xf32, #tpu.memory_space<vmem>>[vector<16xi32>, vector<16xi32>, vector<16xi32>], vector<16xf32>,
        tpu.vector_store_idx %arg15[%shift_right_arithmetic3A_35, %xor3A_700, %add3A_314], %gather3A_701 : memref<8x8x128xf32, #tpu.memory_space<vmem>>[vector<16xi32>, vector<16xi32>, vector<16xi32>], vector<16xf32>,
        tpu.vector_store_idx %arg15[%shift_right_arithmetic3A_35, %xor3A_707, %add3A_314], %gather3A_708 : memref<8x8x128xf32, #tpu.memory_space<vmem>>[vector<16xi32>, vector<16xi32>, vector<16xi32>], vector<16xf32>,
        tpu.vector_store_idx %arg15[%shift_right_arithmetic3A_35, %xor3A_714, %add3A_314], %gather3A_715 : memref<8x8x128xf32, #tpu.memory_space<vmem>>[vector<16xi32>, vector<16xi32>, vector<16xi32>], vector<16xf32>,
        tpu.vector_store_idx %arg15[%shift_right_arithmetic3A_35, %xor3A_721, %add3A_314], %gather3A_722 : memref<8x8x128xf32, #tpu.memory_space<vmem>>[vector<16xi32>, vector<16xi32>, vector<16xi32>], vector<16xf32>,
        tpu.vector_store_idx %arg15[%shift_right_arithmetic3A_35, %xor3A_728, %add3A_314], %gather3A_729 : memref<8x8x128xf32, #tpu.memory_space<vmem>>[vector<16xi32>, vector<16xi32>, vector<16xi32>], vector<16xf32>,
        tpu.vector_store_idx %arg15[%shift_right_arithmetic3A_35, %xor3A_735, %add3A_314], %gather3A_736 : memref<8x8x128xf32, #tpu.memory_space<vmem>>[vector<16xi32>, vector<16xi32>, vector<16xi32>], vector<16xf32>,
        tpu.vector_store_idx %arg15[%shift_right_arithmetic3A_35, %xor3A_742, %add3A_314], %gather3A_743 : memref<8x8x128xf32, #tpu.memory_space<vmem>>[vector<16xi32>, vector<16xi32>, vector<16xi32>], vector<16xf32>,
        tpu.vector_store_idx %arg15[%xor3A_749, %and3A_37, %add3A_314], %gather3A_750 : memref<8x8x128xf32, #tpu.memory_space<vmem>>[vector<16xi32>, vector<16xi32>, vector<16xi32>], vector<16xf32>,
        tpu.vector_store_idx %arg15[%xor3A_756, %xor3A_759, %add3A_314], %gather3A_760 : memref<8x8x128xf32, #tpu.memory_space<vmem>>[vector<16xi32>, vector<16xi32>, vector<16xi32>], vector<16xf32>,
        tpu.vector_store_idx %arg15[%xor3A_766, %xor3A_769, %add3A_314], %gather3A_770 : memref<8x8x128xf32, #tpu.memory_space<vmem>>[vector<16xi32>, vector<16xi32>, vector<16xi32>], vector<16xf32>,
        tpu.vector_store_idx %arg15[%xor3A_776, %xor3A_779, %add3A_314], %gather3A_780 : memref<8x8x128xf32, #tpu.memory_space<vmem>>[vector<16xi32>, vector<16xi32>, vector<16xi32>], vector<16xf32>,
        tpu.vector_store_idx %arg15[%xor3A_786, %xor3A_789, %add3A_314], %gather3A_790 : memref<8x8x128xf32, #tpu.memory_space<vmem>>[vector<16xi32>, vector<16xi32>, vector<16xi32>], vector<16xf32>,
        tpu.vector_store_idx %arg15[%xor3A_796, %xor3A_799, %add3A_314], %gather3A_800 : memref<8x8x128xf32, #tpu.memory_space<vmem>>[vector<16xi32>, vector<16xi32>, vector<16xi32>], vector<16xf32>,
        tpu.vector_store_idx %arg15[%xor3A_806, %xor3A_809, %add3A_314], %gather3A_810 : memref<8x8x128xf32, #tpu.memory_space<vmem>>[vector<16xi32>, vector<16xi32>, vector<16xi32>], vector<16xf32>,
        tpu.vector_store_idx %arg15[%xor3A_816, %xor3A_819, %add3A_314], %gather3A_820 : memref<8x8x128xf32, #tpu.memory_space<vmem>>[vector<16xi32>, vector<16xi32>, vector<16xi32>], vector<16xf32>,
      }
      %scan3A_292 = arith.constant 8 : i32
      %add3A_293 = arith.constant 5 : i32
      %add3A_294 = arith.addi %add3A_275, %add3A_293 : i32
      %lt3A_295 = arith.constant 200 : i32
      %lt3A_296 = arith.cmpi slt, %add3A_294, %lt3A_295 : i32
      %convert_element_type3A_297 = arith.extui %lt3A_296 : i1 to i32
      %cond3A_298 = arith.constant 0 : i32
      %cond3A_299 = arith.cmpi ne, %convert_element_type3A_297, %cond3A_298 : i32
      scf.if %cond3A_299 {
        %add3A_310 = arith.constant 5 : i32
        %add3A_311 = arith.addi %add3A_275, %add3A_310 : i32
        %dma_start3A_312 = arith.constant 0 : i32
        %dma_start3A_313 = tpu.memref_slice %arg5[%add3A_311, %dma_start3A_312] : memref<200x128xi32, #tpu.memory_space<vmem>> -> memref<1x128xi32, #tpu.memory_space<vmem>>
        %dma_start3A_314 = tpu.memref_squeeze %dma_start3A_313 : memref<1x128xi32, #tpu.memory_space<vmem>> -> memref<128xi32, #tpu.memory_space<vmem>>
        %dma_start3A_315 = arith.constant 0 : i32
        %dma_start3A_316 = arith.constant 0 : i32
        %dma_start3A_317 = tpu.memref_slice %arg3[%dma_start3A_315, %dma_start3A_316] : memref<8192x64xf32, #tpu.memory_space<hbm>> -> memref<8192x64xf32, #tpu.memory_space<hbm>>
        tpu.enqueue_indirect_dma source(%dma_start3A_317 : memref<8192x64xf32, #tpu.memory_space<hbm>>) target(%arg10 : memref<128x64xf32, #tpu.memory_space<vmem>>) offsets(%dma_start3A_314 : memref<128xi32, #tpu.memory_space<vmem>>) semaphore(%arg20 : memref<!tpu.dma_semaphore, #tpu.memory_space<semaphore_mem>>)
      } else {
      }
      %dma_start3A_300 = arith.constant 0 : i32
      %dma_start3A_301 = arith.constant 0 : i32
      %dma_start3A_302 = arith.constant 0 : i32
      %dma_start3A_303 = tpu.memref_slice %arg4[%add3A_275, %dma_start3A_300, %add3A, %dma_start3A_301, %dma_start3A_302] : memref<200x8x32x8x128xf32, #tpu.memory_space<hbm>> -> memref<1x8x1x8x128xf32, #tpu.memory_space<hbm>>
      %dma_start3A_304 = tpu.memref_squeeze %dma_start3A_303 : memref<1x8x1x8x128xf32, #tpu.memory_space<hbm>> -> memref<8x8x128xf32, #tpu.memory_space<hbm>>
      %dma_start3A_305 = arith.constant 0 : i32
      %dma_start3A_306 = arith.constant 0 : i32
      %dma_start3A_307 = arith.constant 0 : i32
      %dma_start3A_308 = tpu.memref_slice %arg4[%add3A_275, %dma_start3A_305, %add3A, %dma_start3A_306, %dma_start3A_307] : memref<200x8x32x8x128xf32, #tpu.memory_space<hbm>> -> memref<1x8x1x8x128xf32, #tpu.memory_space<hbm>>
      %dma_start3A_309 = tpu.memref_squeeze %dma_start3A_308 : memref<1x8x1x8x128xf32, #tpu.memory_space<hbm>> -> memref<8x8x128xf32, #tpu.memory_space<hbm>>
      tpu.enqueue_dma source(%arg15 : memref<8x8x128xf32, #tpu.memory_space<vmem>>) target(%dma_start3A_309 : memref<8x8x128xf32, #tpu.memory_space<hbm>>) target_semaphore(%arg25 : memref<!tpu.dma_semaphore, #tpu.memory_space<semaphore_mem>>)
    }
    %scan3A_76 = arith.constant 40 : i32
    %dma_wait3A = arith.constant 195 : i32
    %dma_wait3A_77 = arith.constant 0 : i32
    %dma_wait3A_78 = arith.constant 0 : i32
    %dma_wait3A_79 = arith.constant 0 : i32
    %dma_wait3A_80 = tpu.memref_slice %arg4[%dma_wait3A, %dma_wait3A_77, %add3A, %dma_wait3A_78, %dma_wait3A_79] : memref<200x8x32x8x128xf32, #tpu.memory_space<hbm>> -> memref<1x8x1x8x128xf32, #tpu.memory_space<hbm>>
    %dma_wait3A_81 = tpu.memref_squeeze %dma_wait3A_80 : memref<1x8x1x8x128xf32, #tpu.memory_space<hbm>> -> memref<8x8x128xf32, #tpu.memory_space<hbm>>
    %dma_wait3A_82 = arith.constant 0 : i32
    %dma_wait3A_83 = arith.constant 0 : i32
    %dma_wait3A_84 = arith.constant 0 : i32
    %dma_wait3A_85 = tpu.memref_slice %arg4[%dma_wait3A, %dma_wait3A_82, %add3A, %dma_wait3A_83, %dma_wait3A_84] : memref<200x8x32x8x128xf32, #tpu.memory_space<hbm>> -> memref<1x8x1x8x128xf32, #tpu.memory_space<hbm>>
    %dma_wait3A_86 = tpu.memref_squeeze %dma_wait3A_85 : memref<1x8x1x8x128xf32, #tpu.memory_space<hbm>> -> memref<8x8x128xf32, #tpu.memory_space<hbm>>
    tpu.wait_dma2 semaphore(%arg21 : memref<!tpu.dma_semaphore, #tpu.memory_space<semaphore_mem>>) src(%arg11 : memref<8x8x128xf32, #tpu.memory_space<vmem>>) dst(%dma_wait3A_86 : memref<8x8x128xf32, #tpu.memory_space<hbm>>)
    %dma_wait3A_87 = arith.constant 196 : i32
    %dma_wait3A_88 = arith.constant 0 : i32
    %dma_wait3A_89 = arith.constant 0 : i32
    %dma_wait3A_90 = arith.constant 0 : i32
    %dma_wait3A_91 = tpu.memref_slice %arg4[%dma_wait3A_87, %dma_wait3A_88, %add3A, %dma_wait3A_89, %dma_wait3A_90] : memref<200x8x32x8x128xf32, #tpu.memory_space<hbm>> -> memref<1x8x1x8x128xf32, #tpu.memory_space<hbm>>
    %dma_wait3A_92 = tpu.memref_squeeze %dma_wait3A_91 : memref<1x8x1x8x128xf32, #tpu.memory_space<hbm>> -> memref<8x8x128xf32, #tpu.memory_space<hbm>>
    %dma_wait3A_93 = arith.constant 0 : i32
    %dma_wait3A_94 = arith.constant 0 : i32
    %dma_wait3A_95 = arith.constant 0 : i32
    %dma_wait3A_96 = tpu.memref_slice %arg4[%dma_wait3A_87, %dma_wait3A_93, %add3A, %dma_wait3A_94, %dma_wait3A_95] : memref<200x8x32x8x128xf32, #tpu.memory_space<hbm>> -> memref<1x8x1x8x128xf32, #tpu.memory_space<hbm>>
    %dma_wait3A_97 = tpu.memref_squeeze %dma_wait3A_96 : memref<1x8x1x8x128xf32, #tpu.memory_space<hbm>> -> memref<8x8x128xf32, #tpu.memory_space<hbm>>
    tpu.wait_dma2 semaphore(%arg22 : memref<!tpu.dma_semaphore, #tpu.memory_space<semaphore_mem>>) src(%arg12 : memref<8x8x128xf32, #tpu.memory_space<vmem>>) dst(%dma_wait3A_97 : memref<8x8x128xf32, #tpu.memory_space<hbm>>)
    %dma_wait3A_98 = arith.constant 197 : i32
    %dma_wait3A_99 = arith.constant 0 : i32
    %dma_wait3A_100 = arith.constant 0 : i32
    %dma_wait3A_101 = arith.constant 0 : i32
    %dma_wait3A_102 = tpu.memref_slice %arg4[%dma_wait3A_98, %dma_wait3A_99, %add3A, %dma_wait3A_100, %dma_wait3A_101] : memref<200x8x32x8x128xf32, #tpu.memory_space<hbm>> -> memref<1x8x1x8x128xf32, #tpu.memory_space<hbm>>
    %dma_wait3A_103 = tpu.memref_squeeze %dma_wait3A_102 : memref<1x8x1x8x128xf32, #tpu.memory_space<hbm>> -> memref<8x8x128xf32, #tpu.memory_space<hbm>>
    %dma_wait3A_104 = arith.constant 0 : i32
    %dma_wait3A_105 = arith.constant 0 : i32
    %dma_wait3A_106 = arith.constant 0 : i32
    %dma_wait3A_107 = tpu.memref_slice %arg4[%dma_wait3A_98, %dma_wait3A_104, %add3A, %dma_wait3A_105, %dma_wait3A_106] : memref<200x8x32x8x128xf32, #tpu.memory_space<hbm>> -> memref<1x8x1x8x128xf32, #tpu.memory_space<hbm>>
    %dma_wait3A_108 = tpu.memref_squeeze %dma_wait3A_107 : memref<1x8x1x8x128xf32, #tpu.memory_space<hbm>> -> memref<8x8x128xf32, #tpu.memory_space<hbm>>
    tpu.wait_dma2 semaphore(%arg23 : memref<!tpu.dma_semaphore, #tpu.memory_space<semaphore_mem>>) src(%arg13 : memref<8x8x128xf32, #tpu.memory_space<vmem>>) dst(%dma_wait3A_108 : memref<8x8x128xf32, #tpu.memory_space<hbm>>)
    %dma_wait3A_109 = arith.constant 198 : i32
    %dma_wait3A_110 = arith.constant 0 : i32
    %dma_wait3A_111 = arith.constant 0 : i32
    %dma_wait3A_112 = arith.constant 0 : i32
    %dma_wait3A_113 = tpu.memref_slice %arg4[%dma_wait3A_109, %dma_wait3A_110, %add3A, %dma_wait3A_111, %dma_wait3A_112] : memref<200x8x32x8x128xf32, #tpu.memory_space<hbm>> -> memref<1x8x1x8x128xf32, #tpu.memory_space<hbm>>
    %dma_wait3A_114 = tpu.memref_squeeze %dma_wait3A_113 : memref<1x8x1x8x128xf32, #tpu.memory_space<hbm>> -> memref<8x8x128xf32, #tpu.memory_space<hbm>>
    %dma_wait3A_115 = arith.constant 0 : i32
    %dma_wait3A_116 = arith.constant 0 : i32
    %dma_wait3A_117 = arith.constant 0 : i32
    %dma_wait3A_118 = tpu.memref_slice %arg4[%dma_wait3A_109, %dma_wait3A_115, %add3A, %dma_wait3A_116, %dma_wait3A_117] : memref<200x8x32x8x128xf32, #tpu.memory_space<hbm>> -> memref<1x8x1x8x128xf32, #tpu.memory_space<hbm>>
    %dma_wait3A_119 = tpu.memref_squeeze %dma_wait3A_118 : memref<1x8x1x8x128xf32, #tpu.memory_space<hbm>> -> memref<8x8x128xf32, #tpu.memory_space<hbm>>
    tpu.wait_dma2 semaphore(%arg24 : memref<!tpu.dma_semaphore, #tpu.memory_space<semaphore_mem>>) src(%arg14 : memref<8x8x128xf32, #tpu.memory_space<vmem>>) dst(%dma_wait3A_119 : memref<8x8x128xf32, #tpu.memory_space<hbm>>)
    %dma_wait3A_120 = arith.constant 199 : i32
    %dma_wait3A_121 = arith.constant 0 : i32
    %dma_wait3A_122 = arith.constant 0 : i32
    %dma_wait3A_123 = arith.constant 0 : i32
    %dma_wait3A_124 = tpu.memref_slice %arg4[%dma_wait3A_120, %dma_wait3A_121, %add3A, %dma_wait3A_122, %dma_wait3A_123] : memref<200x8x32x8x128xf32, #tpu.memory_space<hbm>> -> memref<1x8x1x8x128xf32, #tpu.memory_space<hbm>>
    %dma_wait3A_125 = tpu.memref_squeeze %dma_wait3A_124 : memref<1x8x1x8x128xf32, #tpu.memory_space<hbm>> -> memref<8x8x128xf32, #tpu.memory_space<hbm>>
    %dma_wait3A_126 = arith.constant 0 : i32
    %dma_wait3A_127 = arith.constant 0 : i32
    %dma_wait3A_128 = arith.constant 0 : i32
    %dma_wait3A_129 = tpu.memref_slice %arg4[%dma_wait3A_120, %dma_wait3A_126, %add3A, %dma_wait3A_127, %dma_wait3A_128] : memref<200x8x32x8x128xf32, #tpu.memory_space<hbm>> -> memref<1x8x1x8x128xf32, #tpu.memory_space<hbm>>
    %dma_wait3A_130 = tpu.memref_squeeze %dma_wait3A_129 : memref<1x8x1x8x128xf32, #tpu.memory_space<hbm>> -> memref<8x8x128xf32, #tpu.memory_space<hbm>>
    tpu.wait_dma2 semaphore(%arg25 : memref<!tpu.dma_semaphore, #tpu.memory_space<semaphore_mem>>) src(%arg15 : memref<8x8x128xf32, #tpu.memory_space<vmem>>) dst(%dma_wait3A_130 : memref<8x8x128xf32, #tpu.memory_space<hbm>>)
    return
  }
}

</mosaic_0001>

<sc_bundles>
// kernel: kernel.3.cloned.1.call-start
scs
__scs_entry_jumppad:
0x0: {  	(pc) =	sbr.rel $0x88, $3  }
0x1: {  	(tag) =	ssettag $0x0;
	lr =	simm.s32 $0x1  }
0x2: {  	[smem:$0x3F9F] =	sst lr;
	_ =	strace $0xD0000000  }
0x3: {  	_ = 	snop  }
0x4: {  	_ = 	snop  }
0x5: {  	_ = 	snop  }
0x6: {  	_ = 	snop  }
0x7: {  	_ = 	snop  }
__scs_overlays_trampoline_lowered:
0x8: {  	[smem:$0x3FAE] =	sst s0  }
0x9: {  	[smem:$0x3FAF] =	sst s1  }
0xa: {  	[smem:$0x3FB0] =	sst s2  }
0xb: {  	[smem:$0x3FB1] =	sst s3  }
0xc: {  	[smem:$0x3FB2] =	sst s4  }
0xd: {  	[smem:$0x3FB3] =	sst s5  }
0xe: {  	[smem:$0x3FB4] =	sst s6  }
0xf: {  	[smem:$0x3FB5] =	sst s7  }
0x10: {  	[smem:$0x3FB6] =	sst s8  }
0x11: {  	[smem:$0x3FB7] =	sst s9;
	s0 =	simm.s32 @!p0 $0x0  }
0x12: {  	s1 =	sld [smem:$0x3F9D];
	s0 =	simm.s32 @p0 $0x1  }
0x13: {  	[smem:$0x3FB8] =	sst s0;
	s0 =	simm.s32 @!p1 $0x0  }
0x14: {  	s2 =	sld [smem:$0x3F9C];
	s0 =	simm.s32 @p1 $0x1  }
0x15: {  	[smem:$0x3FB9] =	sst s0;
	s0 =	simm.s32 @!p2 $0x0  }
0x16: {  	s3 =	sld [smem:$0x3FDB];
	s0 =	simm.s32 @p2 $0x1  }
0x17: {  	s4 =	simm.s32 $0x1BF5;
	[smem:$0x3FBB] =	sst s0  }
0x18: {  	s0 =	sld [smem:$0x3F9E];
	_ =	swait.ge [sflag:s4], $0x0  }
0x19: {  	s7 =	sld [smem:$0x3F9F]  }
0x1a: {  	s8 =	sadd.s32 $0xFFFFE003, lr  }
0x1b: {  	s9 =	sadd.s32 $0xFFFFFEF7, lr;
	s5 =	simm.s32 $0xFFFFFFFF;
	p2 =	slt.u32 s8, $0xFFFFF086  }
0x1c: {  	p1 =	slt.u32 s9, $0xF7A;
	s5 =	simm.s32 @!p2 $0x0  }
0x1d: {  	s5 =	simm.s32 @p1 $0x1;
	p0 =	seq.s32 s7, s2  }
0x1e: {  	s7 =	smul.u32 @!p0 $0xF7A, s2;
	p2 =	seq.s32 @!p0 s5, $0x0  }
0x1f: {  	s9 =	smul.u32 $0xF7A, s1;
	s8 =	simm.s32 @!p0 $0x1BF5;
	p2 =	por !p2, p0  }
0x20: {  	[sflag:s8] =	ssyncset.s32 @!p0 $0xFFFFF086;
	s6 =	sadd.s32 @!p0 s3, s7;
	s7 =	simm.s32 @!p0 $0x108  }
0x21: {  	s3 =	sadd.s32 s3, s9;
	s6 =	sadd.s32 @!p0 $0x88, s6;
	s7 =	simm.s32 @p2 $0x1082  }
0x22: {  	[simem:s7], [sflag:s8] =	dma.local @!p0 [hbm:s6], $0xF7A  }
0x23: {  	s9 =	sor.u32 $0xD0000000, s2;
	s6 =	simm.s32 $0x108;
	_ =	swait.ge @!p0 [sflag:s8], $0x0  }
0x24: {  	s3 =	sadd.s32 $0x88, s3;
	s6 =	simm.s32 @!p1 $0x1082;
	[sflag:s4] =	ssyncset.s32 $0xFFFFF086  }
0x25: {  	[simem:s6], [sflag:s4] =	dma.local [hbm:s3], $0xF7A  }
0x26: {  	[smem:$0x3F9F] =	sst s1;
	(tag) =	ssettag s2;
	_ =	strace s9  }
0x27: {  	s1 =	sld [smem:$0x3FAF]  }
0x28: {  	s2 =	sld [smem:$0x3FB0]  }
0x29: {  	s4 =	sld [smem:$0x3FB2]  }
0x2a: {  	p0 =	seq.s32 s5, $0x0;
	s5 =	sld [smem:$0x3FB3]  }
0x2b: {  	s6 =	sld [smem:$0x3FB4]  }
0x2c: {  	s7 =	sld [smem:$0x3FB5]  }
0x2d: {  	s3 =	simm.s32 $0x108;
	s8 =	sld [smem:$0x3FB6]  }
0x2e: {  	s3 =	simm.s32 @!p0 $0x1082;
	s9 =	sld [smem:$0x3FB7]  }
0x2f: {  	lr =	sadd.s32 s0, s3;
	s0 =	sld [smem:$0x3FAE]  }
0x30: {  	s3 =	sld [smem:$0x3FB1]  }
0x31: {  	[smem:$0x3FBA] =	sst s10  }
0x32: {  	s10 =	sld [smem:$0x3FB8];
	_ =	sdelay $0x3  }
0x33: {  	p0 =	seq.s32 s10, $0x1;
	s10 =	sld [smem:$0x3FBA];
	_ =	sdelay $0x3  }
0x34: {  	[smem:$0x3FBA] =	sst s10  }
0x35: {  	s10 =	sld [smem:$0x3FB9];
	_ =	sdelay $0x3  }
0x36: {  	p1 =	seq.s32 s10, $0x1;
	s10 =	sld [smem:$0x3FBA];
	_ =	sdelay $0x3  }
0x37: {  	[smem:$0x3FBA] =	sst s10  }
0x38: {  	s10 =	sld [smem:$0x3FBB]  }
0x39: {  	_ = 	snop;
	(pc) =	sbr.ind lr, $3  }
0x3a: {  	_ = 	snop  }
0x3b: {  	_ = 	snop  }
0x3c: {  	p2 =	seq.s32 s10, $0x1;
	s10 =	sld [smem:$0x3FBA]  }
0x3d: {  	_ =	shalt  }
0x3e: {  	_ =	shalt  }
0x3f: {  	_ =	shalt  }
0x40: {  	_ =	shalt  }
0x41: {  	_ =	shalt  }
0x42: {  	_ =	shalt  }
0x43: {  	_ =	shalt  }
0x44: {  	_ =	shalt  }
0x45: {  	_ =	shalt  }
0x46: {  	_ =	shalt  }
0x47: {  	_ =	shalt  }
0x48: {  	_ =	shalt  }
0x49: {  	_ =	shalt  }
0x4a: {  	_ =	shalt  }
0x4b: {  	_ =	shalt  }
0x4c: {  	_ =	shalt  }
0x4d: {  	_ =	shalt  }
0x4e: {  	_ =	shalt  }
0x4f: {  	_ =	shalt  }
0x50: {  	_ =	shalt  }
0x51: {  	_ =	shalt  }
0x52: {  	_ =	shalt  }
0x53: {  	_ =	shalt  }
0x54: {  	_ =	shalt  }
0x55: {  	_ =	shalt  }
0x56: {  	_ =	shalt  }
0x57: {  	_ =	shalt  }
0x58: {  	_ =	shalt  }
0x59: {  	_ =	shalt  }
0x5a: {  	_ =	shalt  }
0x5b: {  	_ =	shalt  }
0x5c: {  	_ =	shalt  }
0x5d: {  	_ =	shalt  }
0x5e: {  	_ =	shalt  }
0x5f: {  	_ =	shalt  }
0x60: {  	_ =	shalt  }
0x61: {  	_ =	shalt  }
0x62: {  	_ =	shalt  }
0x63: {  	_ =	shalt  }
0x64: {  	_ =	shalt  }
0x65: {  	_ =	shalt  }
0x66: {  	_ =	shalt  }
0x67: {  	_ =	shalt  }
0x68: {  	_ =	shalt  }
0x69: {  	_ =	shalt  }
0x6a: {  	_ =	shalt  }
0x6b: {  	_ =	shalt  }
0x6c: {  	_ =	shalt  }
0x6d: {  	_ =	shalt  }
0x6e: {  	_ =	shalt  }
0x6f: {  	_ =	shalt  }
0x70: {  	_ =	shalt  }
0x71: {  	_ =	shalt  }
0x72: {  	_ =	shalt  }
0x73: {  	_ =	shalt  }
0x74: {  	_ =	shalt  }
0x75: {  	_ =	shalt  }
0x76: {  	_ =	shalt  }
0x77: {  	_ =	shalt  }
0x78: {  	_ =	shalt  }
0x79: {  	_ =	shalt  }
0x7a: {  	_ =	shalt  }
0x7b: {  	_ =	shalt  }
0x7c: {  	_ =	shalt  }
0x7d: {  	_ =	shalt  }
0x7e: {  	_ =	shalt  }
0x7f: {  	_ =	shalt  }
0x80: {  	_ =	shalt  }
0x81: {  	_ =	shalt  }
0x82: {  	_ =	shalt  }
0x83: {  	_ =	shalt  }
0x84: {  	_ =	shalt  }
0x85: {  	_ =	shalt  }
0x86: {  	_ =	shalt  }
0x87: {  	_ =	shalt  }
.Lfunc_end0:
.L_simem_size_0:
called_computation_lowered:
.L_overlay_start_0:
0x88: {  	s2 =	sld [smem:$0x3FD9]  }
0x89: {  	s3 =	sld [smem:$0x3FFE];
	_ =	sdelay $0x1  }
0x8a: {  	s1 =	srdreg.scid  }
0x8b: {  	s0 =	sand.u32 $0x1, s1  }
0x8c: {  	s17 =	sshll.u32 s0, $0xA;
	s2 =	sadd.s32 s3, s2  }
0x8d: {  	s2 =	sadd.s32 s2, s17  }
0x8e: {  	[smem:$0x3FC6] =	sst s2  }
0x8f: {  	_ = 	snop  }
0x90: {  	s2 =	sld [smem:$0x3FD0];
	(tm) =	ssettm $0x1  }
0x91: {  	s18 =	sld [smem:$0x3FFB];
	_ =	sdelay $0x3  }
0x92: {  	_ =	strace s18  }
0x93: {  	s3 =	sld [smem:$0x3FFC];
	_ =	sdelay $0x3  }
0x94: {  	_ =	strace s3  }
0x95: {  	s3 =	sld [smem:$0x3FFD];
	_ =	sdelay $0x3  }
0x96: {  	_ =	strace s3  }
0x97: {  	_ =	strace $0x8FFFFFFF  }
0x98: {  	s19 =	sld [smem:$0x3FDB];
	_ =	sdelay $0x1  }
0x99: {  	s4 =	simm.s32 $_scs_section_size  }
0x9a: {  	s5 =	simm.s32 $_size__tile_overlayer_lowered;
	s6 =	simm.s32 $_tile_overlayer_lowered  }
0x9b: {  	s22 =	simm.s32 $0x1BFF;
	s21 =	sshll.u32 s6, $0x1;
	s3 =	sadd.s32 s4, s19  }
0x9c: {  	s7 =	simm.s32 $0x0;
	s20 =	sshll.u32 s5, $0x1;
	s5 =	sadd.s32 s21, s3  }
0x9d: {  	[timem:s7], [sflag:s22] =	dma.local [hbm:s5], s20  }
0x9e: {  	_ =	swait.ge [sflag:s22], s20  }
0x9f: {  	s4 =	ssub.s32 $0x0, s20;
	[sflag:s22] =	ssyncset.done $0x0  }
0xa0: {  	[sflag:s22] =	ssyncadd.s32 s4;
	_ =	sdelay $0x1  }
0xa1: {  	s23 =	simm.s32 $0x1B8B  }
0xa2: {  	_ =	swait.ge [sflag:s23], $0x1  }
0xa3: {  	[sflag:s23] =	ssyncset.done $0x0  }
0xa4: {  	s25 =	simm.s32 $0x1B8E;
	s24 =	sld [smem:$0x3FFE];
	[sflag:s23] =	ssyncadd.s32 $0xFFFFFFFF  }
0xa5: {  	s26 =	simm.s32 $execute0_lowered;
	[smem:$0x3FD2] =	sst s25  }
0xa6: {  	s5 =	sshll.u32 s26, $0x1;
	_ =	strace $0x80000046;
	[dreg:$0x1] =	wrdreg $0xFFFFFFFF  }
0xa7: {  	s28 =	simm.s32 $_size_execute0_lowered;
	s3 =	sadd.s32 s3, s5;
	[dreg:$0x0] =	wrdreg $0x0  }
0xa8: {  	s5 =	sshll.u32 s28, $0x1;
	[dreg:$0x2] =	wrdreg s3  }
0xa9: {  	[dreg:$0x3] =	wrdreg s5  }
0xaa: {  	[dreg:$0x4] =	wrdreg $0xC0  }
0xab: {  	_ =	task [dreg:s7], $0x5FFFF  }
0xac: {  	[dreg:$0x1] =	wrdreg $0xFFFFFFFF  }
0xad: {  	[dreg:$0x0] =	wrdreg $0x60  }
0xae: {  	[dreg:$0x2] =	wrdreg s24  }
0xaf: {  	[dreg:$0x3] =	wrdreg s2  }
0xb0: {  	[dreg:$0x4] =	wrdreg $0x9  }
0xb1: {  	_ =	task.clear_ibuf [dreg:s7], $0x5FFFF;
	_ =	strace $0x90000046  }
0xb2: {  	s29 =	simm.s32 $0x9;
	_ =	strace $0x80000048  }
0xb3: {  	_ =	swait.ge [sflag:s29], $0x1  }
0xb4: {  	[sflag:s29] =	ssyncadd.s32 $0xFFFFFFFF  }
0xb5: {  	_ =	strace $0x90000048  }
0xb6: {  	_ =	sfence  }
0xb7: {  	s30 =	sld [smem:$0x0];
	_ =	sdelay $0x2  }
0xb8: {  	s31 =	sshll.u32 s1, $0xD;
	s1 =	sshrl.u32 s1, $0x2  }
0xb9: {  	s3 =	sand.u32 $0x4000, s31;
	s1 =	sadd.s32 s1, s30  }
0xba: {  	s0 =	sor.u32 s3, s0;
	s1 =	sshll.u32 s1, $0x11  }
0xbb: {  	s0 =	sor.u32 s1, s0  }
0xbc: {  	s0 =	sadd.s32 $0x8F2B, s0  }
0xbd: {  	[sflag:s0] =	ssyncadd.remote.s32 $0x1  }
0xbe: {  	_ =	sfence.sel $0xFFFF  }
0xbf: {  	[dreg:$0x0] =	wrdreg $0xFFFFFFFF;
	(pc) =	sbr.abs _section_cstart, $3  }
0xc0: {  	[dreg:$0x1] =	wrdreg $0xFFFFFFFF  }
0xc1: {  	_ =	task.clear_ibuf [dreg:s7], $0x2FFFF;
	_ =	strace $0x9FFFFFFF  }
0xc2: {  	(tm) =	ssettm $0x7FFFFFFF  }
0xc3: {  	_ =	shalt  }
tec
execute0_lowered:
.L_overlay_start_1:
0x0: {  	(tag) =	ssettag $0x1  }
0x1: {  	v0 =	vimm.s32 $0xEFCDAB89;
	v1 =	vimm.s32 $0x67452301  }
0x2: {  	v55 =	vimm.s32 $0xDCFE98BA;
	v56 =	vimm.s32 $0x54761032;
	v2 =	vimm.s32 $0xCDEF89AB  }
0x3: {  	v5 =	vimm.s32 $0x45670123;
	v6 =	vimm.s32 $0xBA98FEDC;
	v7 =	vimm.s32 $0x32107654  }
0x4: {  	v11 =	vimm.s32 $0xAB89EFCD;
	v13 =	vimm.s32 $0x23016745;
	v15 =	vimm.s32 $0x98BADCFE  }
0x5: {  	v16 =	vimm.s32 $0x10325476;
	v17 =	vimm.s32 $0x89ABCDEF;
	v18 =	vimm.s32 $0x1234567  }
0x6: {  	v14 =	vimm.s32 $0xFEDCBA98;
	vm0 =	vcmask $0x1F10;
	v47 =	vimm.s32 $0x11101312  }
0x7: {  	vm2 =	vcmask $0x300;
	v48 =	vimm.s32 $0x787;
	vm6 =	vcmask $0x704  }
0x8: {  	v49 =	vimm.s32 $0x15141716;
	vm5 =	vcmask $0xB08;
	vm8 =	vcmask $0xF0C  }
0x9: {  	vm9 =	vcmask $0x1310;
	vm7 =	vcmask $0x1714;
	vm3 =	vcmask $0x1B18  }
0xa: {  	vm4 =	vcmask $0x1F1C;
	vm1 =	vcmask $0x2320;
	v20 =	vimm.s32 $0xF07  }
0xb: {  	v21 =	vimm.s32 $0xE87;
	v22 =	vimm.s32 $0xE07;
	v23 =	vimm.s32 $0xD87  }
0xc: {  	v28 =	vimm.s32 $0xB07;
	v29 =	vimm.s32 $0xA87;
	v30 =	vimm.s32 $0xA07  }
0xd: {  	v31 =	vimm.s32 $0x987;
	vm13 =	vcmask $0x2B28;
	vm14 =	vcmask $0x2F2C  }
0xe: {  	vm15 =	vcmask $0x3330;
	v0 =	vunpack.c.l.s4.s8 v0;
	v1 =	vunpack.c.l.s4.s8 v1  }
0xf: {  	v2 =	vunpack.c.l.s4.s8 v2;
	v5 =	vunpack.c.l.s4.s8 v5;
	v57 =	vunpack.c.l.s4.s8 v6  }
0x10: {  	v6 =	vunpack.c.l.s4.s8 v7;
	v11 =	vunpack.c.l.s4.s8 v11;
	v60 =	vunpack.c.l.s4.s8 v13  }
0x11: {  	v13 =	vunpack.c.l.s4.s8 v18;
	v14 =	vunpack.c.l.s4.s8 v14;
	v20 =	vsel vm2, $0x880, v20  }
0x12: {  	v21 =	vsel vm2, $0x900, v21;
	v22 =	vsel vm2, $0x980, v22;
	v23 =	vsel vm2, $0xA00, v23  }
0x13: {  	v28 =	vsel vm2, $0xC80, v28;
	v29 =	vsel vm2, $0xD00, v29;
	v30 =	vsel vm2, $0xD80, v30  }
0x14: {  	v31 =	vsel vm2, $0xE00, v31;
	v20 =	vsel vm6, $0x801, v20;
	v21 =	vsel vm6, $0x981, v21  }
0x15: {  	v22 =	vsel vm6, $0x901, v22;
	v23 =	vsel vm6, $0xA81, v23;
	v28 =	vsel vm6, $0xC01, v28  }
0x16: {  	v29 =	vsel vm6, $0xD81, v29;
	v30 =	vsel vm6, $0xD01, v30;
	v31 =	vsel vm6, $0xE81, v31  }
0x17: {  	v3 =	vunpack.c.0.s8.s32 v0;
	v4 =	vunpack.c.0.s8.s32 v1;
	v0 =	vunpack.c.l.s4.s8 v55  }
0x18: {  	v1 =	vunpack.c.l.s4.s8 v56;
	v9 =	vunpack.c.0.s8.s32 v2;
	v5 =	vunpack.c.0.s8.s32 v5  }
0x19: {  	v10 =	vunpack.c.0.s8.s32 v57;
	v6 =	vunpack.c.0.s8.s32 v6;
	v11 =	vunpack.c.0.s8.s32 v11  }
0x1a: {  	v63 =	vunpack.c.0.s8.s32 v60;
	v13 =	vunpack.c.0.s8.s32 v13;
	v14 =	vunpack.c.0.s8.s32 v14  }
0x1b: {  	v60 =	vimm.s32 $0x387;
	v20 =	vsel vm5, $0x982, v20;
	v21 =	vsel vm5, $0x802, v21  }
0x1c: {  	v22 =	vsel vm5, $0x882, v22;
	v23 =	vsel vm5, $0xB02, v23;
	v28 =	vsel vm5, $0xD82, v28  }
0x1d: {  	v29 =	vsel vm5, $0xC02, v29;
	v30 =	vsel vm5, $0xC82, v30;
	v31 =	vsel vm5, $0xF02, v31  }
0x1e: {  	v8 =	vunpack.c.0.s8.s32 v0;
	v58 =	vcombine.low v4, v3;
	v2 =	vcombine.low v5, v9  }
0x1f: {  	v7 =	vunpack.c.0.s8.s32 v1;
	v12 =	vcombine.low v6, v10;
	v25 =	vcombine.low v63, v11  }
0x20: {  	v32 =	vand.u32 $0xF, v14;
	v3 =	vand.u32 $0xF, v3;
	v37 =	vand.u32 $0xF, v9  }
0x21: {  	v40 =	vand.u32 $0xF, v11;
	v9 =	vunpack.c.0.s8.s32 v47;
	v11 =	vunpack.c.0.s8.s32 v49  }
0x22: {  	v47 =	vimm.s32 $0x1187;
	v49 =	vimm.s32 $0x1087;
	v34 =	vcombine.low v3, v4  }
0x23: {  	v4 =	vand.u32 $0xF, v10;
	v38 =	vcombine.low v37, v5;
	v41 =	vcombine.low v40, v63  }
0x24: {  	v5 =	vimm.s32 $0x12131011;
	v10 =	vsel vm2, $0x0, v48;
	v63 =	vimm.s32 $0x207  }
0x25: {  	v37 =	vimm.s32 $0x1687;
	v40 =	vimm.s32 $0x1507;
	v48 =	vimm.s32 $0x1107  }
0x26: {  	v47 =	vsel vm2, $0x1600, v47;
	v49 =	vsel vm2, $0x1700, v49;
	v59 =	vcombine.low v7, v8  }
0x27: {  	v1 =	vand.u32 $0xF, v58;
	v61 =	vand.u32 $0xF, v2;
	v62 =	vand.u32 $0xF, v12  }
0x28: {  	v2 =	vunpack.c.l.s4.s8 v17;
	v35 =	vand.u32 $0xF, v8;
	v39 =	vcombine.low v4, v6  }
0x29: {  	v4 =	vimm.s32 $0x1A1B1819;
	v6 =	vimm.s32 $0x16171415;
	v5 =	vunpack.c.0.s8.s32 v5  }
0x2a: {  	v8 =	vimm.s32 $0x1D1C1F1E;
	v10 =	vsel vm6, $0x81, v10;
	v51 =	vsel vm0, v11, v9  }
0x2b: {  	v56 =	vsel vm0, v9, v11;
	v58 =	vimm.s32 $0x487;
	v11 =	vsel vm2, $0x400, v60  }
0x2c: {  	[tilespmem:$0x1F7C0] =	vst v25;
	v14 =	vsel vm2, $0x580, v63;
	v25 =	vimm.s32 $0xC87;
	v37 =	vsel vm2, $0x1100, v37  }
0x2d: {  	v40 =	vsel vm2, $0x1280, v40;
	v48 =	vsel vm2, $0x1680, v48;
	v60 =	vimm.s32 $0x1B07;
	[tilespmem:$0x1F710] =	vst v1  }
0x2e: {  	v63 =	vimm.s32 $0x1987;
	v47 =	vsel vm6, $0x1681, v47;
	v49 =	vsel vm6, $0x1781, v49;
	[tilespmem:$0x1F730] =	vst v61  }
0x2f: {  	[tilespmem:$0x1F740] =	vst v62;
	v1 =	vunpack.c.l.s4.s8 v16;
	v36 =	vcombine.low v35, v7;
	v44 =	vunpack.c.0.s8.s32 v4  }
0x30: {  	[tilespmem:$0x1F760] =	vst v34;
	v4 =	vimm.s32 $0x1E1F1C1D;
	v6 =	vunpack.c.0.s8.s32 v6;
	v7 =	vimm.s32 $0x19181B1A  }
0x31: {  	[tilespmem:$0x1F780] =	vst v38;
	v8 =	vunpack.c.0.s8.s32 v8;
	v10 =	vsel vm5, $0x102, v10;
	v9 =	vsel vm2, $0x300, v58  }
0x32: {  	[tilespmem:$0x1F7A0] =	vst v41;
	v61 =	vimm.s32 $0x307;
	v62 =	vimm.s32 $0x287;
	v25 =	vsel vm2, $0xB00, v25  }
0x33: {  	[tilespmem:$0x1FDB0] =	vst v51;
	v34 =	vimm.s32 $0x807;
	v35 =	vimm.s32 $0x1787;
	v38 =	vimm.s32 $0x1607  }
0x34: {  	[tilespmem:$0x1FEC0] =	vst v56;
	v41 =	vimm.s32 $0x1487;
	v51 =	vimm.s32 $0x1F87;
	v56 =	vimm.s32 $0x1D07  }
0x35: {  	v58 =	vimm.s32 $0x1C07;
	v60 =	vsel vm2, $0x1C80, v60;
	v63 =	vsel vm2, $0x1E00, v63  }
0x36: {  	v11 =	vsel vm6, $0x481, v11;
	v14 =	vsel vm6, $0x501, v14;
	v37 =	vsel vm6, $0x1181, v37  }
0x37: {  	v40 =	vsel vm6, $0x1201, v40;
	v48 =	vsel vm6, $0x1601, v48;
	v47 =	vsel vm5, $0x1702, v47  }
0x38: {  	v49 =	vsel vm5, $0x1602, v49;
	v0 =	vand.u32 $0xF, v59;
	v24 =	vunpack.c.0.s8.s32 v2  }
0x39: {  	v4 =	vunpack.c.0.s8.s32 v4;
	v7 =	vunpack.c.0.s8.s32 v7;
	v10 =	vsel vm8, $0x183, v10  }
0x3a: {  	v59 =	vimm.s32 $0x407;
	v12 =	vsel vm2, $0x480, v61;
	v2 =	vimm.s32 $0x87  }
0x3b: {  	[tilespmem:$0x1F790] =	vst v39;
	v34 =	vsel vm2, $0xF80, v34;
	v35 =	vsel vm2, $0x1000, v35;
	v39 =	vimm.s32 $0x1587  }
0x3c: {  	v38 =	vsel vm2, $0x1180, v38;
	v41 =	vsel vm2, $0x1300, v41;
	v51 =	vsel vm2, $0x1800, v51  }
0x3d: {  	v56 =	vsel vm2, $0x1A80, v56;
	v58 =	vsel vm2, $0x1B80, v58;
	v61 =	vimm.s32 $0x1A87  }
0x3e: {  	v9 =	vsel vm6, $0x381, v9;
	v25 =	vsel vm6, $0xB81, v25;
	v60 =	vsel vm6, $0x1C01, v60  }
0x3f: {  	v63 =	vsel vm6, $0x1E81, v63;
	v11 =	vsel vm5, $0x502, v11;
	v14 =	vsel vm5, $0x482, v14  }
0x40: {  	v37 =	vsel vm5, $0x1002, v37;
	v40 =	vsel vm5, $0x1382, v40;
	v48 =	vsel vm5, $0x1782, v48  }
0x41: {  	[tilespmem:$0x1F720] =	vst v0;
	v0 =	vunpack.c.l.s4.s8 v15;
	v15 =	vimm.s32 $0x76543210;
	v17 =	vunpack.c.0.s8.s32 v1  }
0x42: {  	v46 =	vsel vm0, v6, v5;
	v10 =	vsel vm9, $0x204, v10;
	v54 =	vsel vm0, v5, v6  }
0x43: {  	v5 =	vimm.s32 $0x687;
	v6 =	vimm.s32 $0x607;
	v1 =	vimm.s32 $0x107  }
0x44: {  	[tilespmem:$0x1F770] =	vst v36;
	v36 =	vimm.s32 $0x1707;
	v39 =	vsel vm2, $0x1200, v39;
	v61 =	vsel vm2, $0x1D00, v61  }
0x45: {  	v12 =	vsel vm6, $0x401, v12;
	v34 =	vsel vm6, $0xF01, v34;
	v35 =	vsel vm6, $0x1081, v35  }
0x46: {  	v38 =	vsel vm6, $0x1101, v38;
	v41 =	vsel vm6, $0x1381, v41;
	v51 =	vsel vm6, $0x1881, v51  }
0x47: {  	v56 =	vsel vm6, $0x1A01, v56;
	v58 =	vsel vm6, $0x1B01, v58;
	v9 =	vsel vm5, $0x202, v9  }
0x48: {  	v25 =	vsel vm5, $0xA02, v25;
	v60 =	vsel vm5, $0x1D82, v60;
	v63 =	vsel vm5, $0x1F02, v63  }
0x49: {  	v48 =	vsel vm8, $0x1703, v48;
	v19 =	vunpack.c.l.s4.s8 v15;
	v27 =	vcombine.low v13, v24  }
0x4a: {  	v45 =	vsel vm0, v4, v44;
	v50 =	vsel vm0, v8, v7;
	v52 =	vsel vm0, v44, v4  }
0x4b: {  	v53 =	vsel vm7, $0x285, v10;
	v55 =	vsel vm0, v7, v8;
	v4 =	vimm.s32 $0x707  }
0x4c: {  	v5 =	vsel vm2, $0x100, v5;
	v6 =	vsel vm2, $0x180, v6;
	v7 =	vimm.s32 $0x587  }
0x4d: {  	v8 =	vimm.s32 $0x507;
	v10 =	vsel vm2, $0x380, v59;
	v13 =	vsel vm2, $0x500, v62  }
0x4e: {  	[tilespmem:$0x1FD90] =	vst v46;
	v24 =	vimm.s32 $0xD07;
	v36 =	vsel vm2, $0x1080, v36;
	v44 =	vimm.s32 $0x1307  }
0x4f: {  	[tilespmem:$0x1FEA0] =	vst v54;
	v46 =	vimm.s32 $0x1207;
	v54 =	vimm.s32 $0x1E07;
	v59 =	vimm.s32 $0x1B87  }
0x50: {  	v62 =	vimm.s32 $0x1A07;
	v39 =	vsel vm6, $0x1281, v39;
	v61 =	vsel vm6, $0x1D81, v61  }
0x51: {  	v12 =	vsel vm5, $0x582, v12;
	v34 =	vsel vm5, $0xE82, v34;
	v35 =	vsel vm5, $0x1102, v35  }
0x52: {  	v38 =	vsel vm5, $0x1082, v38;
	v41 =	vsel vm5, $0x1202, v41;
	v51 =	vsel vm5, $0x1902, v51  }
0x53: {  	v56 =	vsel vm5, $0x1B82, v56;
	v58 =	vsel vm5, $0x1A82, v58;
	v9 =	vsel vm8, $0x283, v9  }
0x54: {  	v48 =	vsel vm9, $0x1484, v48;
	v60 =	vsel vm8, $0x1D03, v60;
	v63 =	vsel vm8, $0x1F83, v63  }
0x55: {  	v16 =	vunpack.c.0.s8.s32 v0;
	v3 =	vsel vm3, $0x306, v53;
	v4 =	vsel vm2, $0x80, v4  }
0x56: {  	[tilespmem:$0x1FD80] =	vst v45;
	v7 =	vsel vm2, $0x200, v7;
	v8 =	vsel vm2, $0x280, v8;
	v0 =	vimm.s32 $0x187  }
0x57: {  	[tilespmem:$0x1FDA0] =	vst v50;
	v24 =	vsel vm2, $0xA80, v24;
	v45 =	vimm.s32 $0x1287;
	v44 =	vsel vm2, $0x1480, v44  }
0x58: {  	[tilespmem:$0x1FE90] =	vst v52;
	v46 =	vsel vm2, $0x1580, v46;
	v50 =	vimm.s32 $0x1007;
	v52 =	vimm.s32 $0x1F07  }
0x59: {  	[tilespmem:$0x1FEB0] =	vst v55;
	v53 =	vimm.s32 $0x1E87;
	v54 =	vsel vm2, $0x1980, v54;
	v55 =	vimm.s32 $0x1D87  }
0x5a: {  	v59 =	vsel vm2, $0x1C00, v59;
	v62 =	vsel vm2, $0x1D80, v62;
	v5 =	vsel vm6, $0x181, v5  }
0x5b: {  	v6 =	vsel vm6, $0x101, v6;
	v10 =	vsel vm6, $0x301, v10;
	v13 =	vsel vm6, $0x581, v13  }
0x5c: {  	v36 =	vsel vm6, $0x1001, v36;
	v39 =	vsel vm5, $0x1302, v39;
	v61 =	vsel vm5, $0x1C02, v61  }
0x5d: {  	v9 =	vsel vm9, $0x104, v9;
	v12 =	vsel vm8, $0x503, v12;
	v51 =	vsel vm8, $0x1983, v51  }
0x5e: {  	v60 =	vsel vm9, $0x1E84, v60;
	v63 =	vsel vm9, $0x1C04, v63;
	v48 =	vsel vm7, $0x1405, v48  }
0x5f: {  	v18 =	vunpack.c.0.s8.s32 v19;
	v3 =	vsel vm4, $0x387, v3;
	v15 =	vsel vm2, $0x600, v0  }
0x60: {  	[tilespmem:$0x1F810] =	vst v27;
	v19 =	vimm.s32 $0xF87;
	v27 =	vimm.s32 $0xB87;
	v45 =	vsel vm2, $0x1500, v45  }
0x61: {  	v50 =	vsel vm2, $0x1780, v50;
	v52 =	vsel vm2, $0x1880, v52;
	v53 =	vsel vm2, $0x1900, v53  }
0x62: {  	v55 =	vsel vm2, $0x1A00, v55;
	v0 =	vimm.s32 $0x1907;
	v4 =	vsel vm6, $0x1, v4  }
0x63: {  	v7 =	vsel vm6, $0x281, v7;
	v8 =	vsel vm6, $0x201, v8;
	v24 =	vsel vm6, $0xA01, v24  }
0x64: {  	v44 =	vsel vm6, $0x1401, v44;
	v46 =	vsel vm6, $0x1501, v46;
	v54 =	vsel vm6, $0x1901, v54  }
0x65: {  	v59 =	vsel vm6, $0x1C81, v59;
	v62 =	vsel vm6, $0x1D01, v62;
	v5 =	vsel vm5, $0x2, v5  }
0x66: {  	v6 =	vsel vm5, $0x82, v6;
	v10 =	vsel vm5, $0x282, v10;
	v13 =	vsel vm5, $0x402, v13  }
0x67: {  	v36 =	vsel vm5, $0x1182, v36;
	v12 =	vsel vm9, $0x684, v12;
	v39 =	vsel vm8, $0x1383, v39  }
0x68: {  	v51 =	vsel vm9, $0x1A04, v51;
	v9 =	vsel vm7, $0x185, v9;
	v60 =	vsel vm7, $0x1E05, v60  }
0x69: {  	v63 =	vsel vm7, $0x1C85, v63;
	v48 =	vsel vm3, $0x1586, v48;
	v26 =	vcombine.low v17, v16  }
0x6a: {  	v42 =	vand.u32 $0xF, v16;
	v57 =	vsel vm1, $0x400, v3;
	v16 =	vsel vm2, $0x680, v1  }
0x6b: {  	v3 =	vimm.s32 $0x7;
	v19 =	vsel vm2, $0x800, v19;
	v27 =	vsel vm2, $0xC00, v27  }
0x6c: {  	v1 =	vimm.s32 $0x1807;
	v15 =	vsel vm6, $0x681, v15;
	v45 =	vsel vm6, $0x1581, v45  }
0x6d: {  	v50 =	vsel vm6, $0x1701, v50;
	v52 =	vsel vm6, $0x1801, v52;
	v53 =	vsel vm6, $0x1981, v53  }
0x6e: {  	v55 =	vsel vm6, $0x1A81, v55;
	v4 =	vsel vm5, $0x182, v4;
	v7 =	vsel vm5, $0x302, v7  }
0x6f: {  	v8 =	vsel vm5, $0x382, v8;
	v24 =	vsel vm5, $0xB82, v24;
	v44 =	vsel vm5, $0x1582, v44  }
0x70: {  	v46 =	vsel vm5, $0x1482, v46;
	v54 =	vsel vm5, $0x1882, v54;
	v59 =	vsel vm5, $0x1D02, v59  }
0x71: {  	v62 =	vsel vm5, $0x1C82, v62;
	v36 =	vsel vm8, $0x1103, v36;
	v39 =	vsel vm9, $0x1004, v39  }
0x72: {  	v12 =	vsel vm7, $0x605, v12;
	v51 =	vsel vm7, $0x1A85, v51;
	v60 =	vsel vm3, $0x1F86, v60  }
0x73: {  	v33 =	vcombine.low v32, v18;
	v43 =	vcombine.low v42, v17;
	v17 =	vsel vm2, $0x700, v2  }
0x74: {  	v18 =	vsel vm2, $0x780, v3;
	v32 =	vimm.s32 $0x907;
	v42 =	vimm.s32 $0x1407  }
0x75: {  	[tilespmem:$0x1F7E0] =	vst v57;
	v57 =	vimm.s32 $0x1C87;
	v2 =	vsel vm2, $0x1E80, v0;
	v0 =	vimm.s32 $0x1887  }
0x76: {  	v1 =	vsel vm2, $0x1F80, v1;
	v16 =	vsel vm6, $0x601, v16;
	v19 =	vsel vm6, $0x881, v19  }
0x77: {  	v27 =	vsel vm6, $0xC81, v27;
	v15 =	vsel vm5, $0x702, v15;
	v45 =	vsel vm5, $0x1402, v45  }
0x78: {  	v50 =	vsel vm5, $0x1682, v50;
	v52 =	vsel vm5, $0x1982, v52;
	v53 =	vsel vm5, $0x1802, v53  }
0x79: {  	v55 =	vsel vm5, $0x1B02, v55;
	v4 =	vsel vm8, $0x103, v4;
	v24 =	vsel vm8, $0xB03, v24  }
0x7a: {  	v36 =	vsel vm9, $0x1284, v36;
	v54 =	vsel vm8, $0x1803, v54;
	v39 =	vsel vm7, $0x1085, v39  }
0x7b: {  	v12 =	vsel vm3, $0x786, v12;
	[tilespmem:$0x1F7F0] =	vst v26;
	v26 =	vimm.s32 $0xC07;
	v32 =	vsel vm2, $0xE80, v32  }
0x7c: {  	v42 =	vsel vm2, $0x1380, v42;
	v57 =	vsel vm2, $0x1B00, v57;
	v0 =	vsel vm2, $0x1F00, v0  }
0x7d: {  	v3 =	vld [tilespmem:$0x1F7C0];
	v17 =	vsel vm6, $0x781, v17;
	v18 =	vsel vm6, $0x701, v18;
	v0 =	vsel vm6, $0x1F81, v0  }
0x7e: {  	v2 =	vsel vm6, $0x1E01, v2;
	v1 =	vsel vm6, $0x1F01, v1;
	v16 =	vsel vm5, $0x782, v16;
	[tilespmem:$0x1F830] =	vst v0;
	v0 =	vld [tilespmem:$0x1F7F0]  }
0x7f: {  	v19 =	vsel vm5, $0x902, v19;
	v27 =	vsel vm5, $0xD02, v27;
	v15 =	vsel vm8, $0x783, v15  }
0x80: {  	v24 =	vsel vm9, $0x884, v24;
	v45 =	vsel vm8, $0x1483, v45;
	v54 =	vsel vm9, $0x1B84, v54  }
0x81: {  	v36 =	vsel vm7, $0x1205, v36;
	[tilespmem:$0x1F750] =	vst v33;
	v26 =	vsel vm2, $0xB80, v26;
	v33 =	vimm.s32 $0x887  }
0x82: {  	[tilespmem:$0x1F7B0] =	vst v43;
	v43 =	vimm.s32 $0x1387;
	v32 =	vsel vm6, $0xE01, v32;
	v3 =	vand.u32 $0xF, v3  }
0x83: {  	v42 =	vsel vm6, $0x1301, v42;
	v57 =	vsel vm6, $0x1B81, v57;
	[tilespmem:$0x1F7D0] =	vst v3;
	v3 =	vld [tilespmem:$0x1F7E0];
	v0 =	vand.u32 $0xF, v0  }
0x84: {  	v17 =	vsel vm5, $0x602, v17;
	v18 =	vsel vm5, $0x682, v18;
	v2 =	vsel vm5, $0x1F82, v2;
	[tilespmem:$0x1F800] =	vst v0;
	v0 =	vld [tilespmem:$0x1F810]  }
0x85: {  	v1 =	vsel vm5, $0x1E82, v1;
	v15 =	vsel vm9, $0x404, v15;
	v27 =	vsel vm8, $0xD83, v27  }
0x86: {  	v45 =	vsel vm9, $0x1704, v45;
	v24 =	vsel vm7, $0x805, v24;
	v54 =	vsel vm7, $0x1B05, v54  }
0x87: {  	v36 =	vsel vm3, $0x1386, v36;
	v33 =	vsel vm2, $0xF00, v33;
	v43 =	vsel vm2, $0x1400, v43  }
0x88: {  	vm2 =	vcmask $0x2724;
	v26 =	vsel vm6, $0xB01, v26;
	v32 =	vsel vm5, $0xF82, v32  }
0x89: {  	v42 =	vsel vm5, $0x1282, v42;
	v3 =	vsel vm2, $0x481, v3;
	v0 =	vand.u32 $0xF, v0  }
0x8a: {  	v57 =	vsel vm5, $0x1A02, v57;
	v18 =	vsel vm8, $0x603, v18;
	[tilespmem:$0x1F820] =	vst v0;
	v0 =	vsel vm13, $0x502, v3  }
0x8b: {  	v27 =	vsel vm9, $0xE04, v27;
	v15 =	vsel vm7, $0x485, v15;
	v45 =	vsel vm7, $0x1785, v45;
	[tilespmem:$0x1F840] =	vst v0;
	v0 =	vld [tilespmem:$0x1F830]  }
0x8c: {  	v33 =	vsel vm6, $0xF81, v33;
	v43 =	vsel vm6, $0x1481, v43;
	v26 =	vsel vm5, $0xA82, v26  }
0x8d: {  	v18 =	vsel vm9, $0x584, v18;
	v42 =	vsel vm8, $0x1203, v42;
	v57 =	vsel vm8, $0x1A83, v57  }
0x8e: {  	v27 =	vsel vm7, $0xE85, v27;
	v33 =	vsel vm5, $0xE02, v33;
	v43 =	vsel vm5, $0x1502, v43  }
0x8f: {  	v42 =	vsel vm9, $0x1184, v42;
	v57 =	vsel vm9, $0x1904, v57;
	v18 =	vsel vm7, $0x505, v18  }
0x90: {  	v33 =	vsel vm8, $0xE83, v33;
	v3 =	vsel vm5, $0x1E02, v0;
	v0 =	vsel vm8, $0x83, v5  }
0x91: {  	v42 =	vsel vm7, $0x1105, v42;
	v33 =	vsel vm9, $0xD04, v33;
	v0 =	vsel vm9, $0x304, v0  }
0x92: {  	v57 =	vsel vm7, $0x1985, v57;
	v33 =	vsel vm7, $0xD85, v33;
	[tilespmem:$0x1F850] =	vst v0;
	v0 =	vsel vm8, $0x3, v6  }
0x93: {  	v6 =	vsel vm9, $0x384, v0;
	v0 =	vsel vm8, $0x383, v7;
	v7 =	vsel vm8, $0x303, v8  }
0x94: {  	v5 =	vsel vm9, $0x284, v4;
	v8 =	vsel vm9, $0x4, v0;
	v7 =	vsel vm9, $0x84, v7  }
0x95: {  	v0 =	vsel vm8, $0x203, v10;
	v10 =	vsel vm8, $0x583, v11;
	v6 =	vsel vm7, $0x305, v6  }
0x96: {  	v11 =	vsel vm9, $0x184, v0;
	v10 =	vsel vm9, $0x604, v10;
	v0 =	vsel vm8, $0x483, v13  }
0x97: {  	v13 =	vsel vm8, $0x403, v14;
	v8 =	vsel vm7, $0x85, v8;
	v7 =	vsel vm7, $0x5, v7  }
0x98: {  	v14 =	vsel vm9, $0x704, v0;
	v13 =	vsel vm9, $0x784, v13;
	v0 =	vsel vm8, $0x703, v16  }
0x99: {  	v16 =	vsel vm8, $0x683, v17;
	v11 =	vsel vm7, $0x105, v11;
	v10 =	vsel vm7, $0x685, v10  }
0x9a: {  	v7 =	vsel vm3, $0x186, v7;
	v17 =	vsel vm9, $0x484, v0;
	v16 =	vsel vm9, $0x504, v16  }
0x9b: {  	v0 =	vsel vm8, $0x983, v19;
	v19 =	vsel vm8, $0x903, v20;
	v14 =	vsel vm7, $0x785, v14  }
0x9c: {  	v13 =	vsel vm7, $0x705, v13;
	v7 =	vsel vm4, $0x107, v7;
	v10 =	vsel vm3, $0x706, v10  }
0x9d: {  	v20 =	vsel vm9, $0xA04, v0;
	v19 =	vsel vm9, $0xA84, v19;
	v0 =	vsel vm8, $0x883, v21  }
0x9e: {  	v17 =	vsel vm7, $0x405, v17;
	v16 =	vsel vm7, $0x585, v16;
	v10 =	vsel vm4, $0x787, v10  }
0x9f: {  	v13 =	vsel vm3, $0x686, v13;
	v7 =	vsel vm1, $0x680, v7;
	v21 =	vsel vm9, $0xB04, v0  }
0xa0: {  	v0 =	vsel vm8, $0x803, v22;
	v22 =	vsel vm8, $0xB83, v23;
	v20 =	vsel vm7, $0xA85, v20  }
0xa1: {  	v19 =	vsel vm7, $0xA05, v19;
	v13 =	vsel vm4, $0x607, v13;
	v16 =	vsel vm3, $0x406, v16  }
0xa2: {  	v10 =	vsel vm1, $0x0, v10;
	v7 =	vsel vm2, $0x601, v7;
	v23 =	vsel vm9, $0xB84, v0  }
0xa3: {  	v22 =	vsel vm9, $0x804, v22;
	v0 =	vsel vm8, $0xA83, v25;
	v25 =	vsel vm8, $0xA03, v26  }
0xa4: {  	v21 =	vsel vm7, $0xB85, v21;
	v16 =	vsel vm4, $0x487, v16;
	v19 =	vsel vm3, $0xB86, v19  }
0xa5: {  	v13 =	vsel vm1, $0x180, v13;
	v7 =	vsel vm13, $0x782, v7;
	v10 =	vsel vm2, $0x81, v10  }
0xa6: {  	v26 =	vsel vm9, $0x904, v0;
	v25 =	vsel vm9, $0x984, v25;
	v0 =	vsel vm8, $0xD03, v28  }
0xa7: {  	v28 =	vsel vm8, $0xC83, v29;
	v23 =	vsel vm7, $0xB05, v23;
	v22 =	vsel vm7, $0x885, v22  }
0xa8: {  	v19 =	vsel vm4, $0xB07, v19;
	v16 =	vsel vm1, $0x300, v16;
	v10 =	vsel vm13, $0x102, v10  }
0xa9: {  	v13 =	vsel vm2, $0x101, v13;
	v7 =	vsel vm14, $0x703, v7;
	v29 =	vsel vm9, $0xE84, v0  }
0xaa: {  	v28 =	vsel vm9, $0xF04, v28;
	v0 =	vsel vm8, $0xC03, v30;
	v26 =	vsel vm7, $0x985, v26  }
0xab: {  	v25 =	vsel vm7, $0x905, v25;
	v22 =	vsel vm3, $0x906, v22;
	v19 =	vsel vm1, $0xC80, v19  }
0xac: {  	v13 =	vsel vm13, $0x82, v13;
	v16 =	vsel vm2, $0x381, v16;
	v10 =	vsel vm14, $0x183, v10  }
0xad: {  	v7 =	vsel vm15, $0x484, v7;
	v30 =	vsel vm9, $0xF84, v0;
	v0 =	vsel vm8, $0xF83, v31  }
0xae: {  	v31 =	vsel vm8, $0xF03, v32;
	v29 =	vsel vm7, $0xE05, v29;
	v28 =	vsel vm7, $0xF85, v28  }
0xaf: {  	v22 =	vsel vm4, $0x987, v22;
	v25 =	vsel vm3, $0x886, v25;
	v16 =	vsel vm13, $0x202, v16  }
0xb0: {  	v19 =	vsel vm2, $0xC01, v19;
	v13 =	vsel vm14, $0x3, v13;
	v10 =	vsel vm15, $0x204, v10  }
0xb1: {  	v32 =	vsel vm9, $0xC04, v0;
	v31 =	vsel vm9, $0xC84, v31;
	v0 =	vsel vm8, $0xE03, v34  }
0xb2: {  	v34 =	vsel vm8, $0x1183, v35;
	v30 =	vsel vm7, $0xF05, v30;
	v25 =	vsel vm4, $0x807, v25  }
0xb3: {  	v28 =	vsel vm3, $0xE06, v28;
	v22 =	vsel vm1, $0xE00, v22;
	v19 =	vsel vm13, $0xD82, v19  }
0xb4: {  	v16 =	vsel vm14, $0x283, v16;
	v13 =	vsel vm15, $0x384, v13;
	v35 =	vsel vm9, $0xD84, v0  }
0xb5: {  	v34 =	vsel vm9, $0x1204, v34;
	v0 =	vsel vm8, $0x1083, v37;
	v37 =	vsel vm8, $0x1003, v38  }
0xb6: {  	v32 =	vsel vm7, $0xC85, v32;
	v31 =	vsel vm7, $0xC05, v31;
	v28 =	vsel vm4, $0xE87, v28  }
0xb7: {  	v25 =	vsel vm1, $0xF80, v25;
	v22 =	vsel vm2, $0xE81, v22;
	v19 =	vsel vm14, $0xD03, v19  }
0xb8: {  	v16 =	vsel vm15, $0x104, v16;
	v38 =	vsel vm9, $0x1304, v0;
	v37 =	vsel vm9, $0x1384, v37  }
0xb9: {  	v0 =	vsel vm8, $0x1303, v40;
	v40 =	vsel vm8, $0x1283, v41;
	v35 =	vsel vm7, $0xD05, v35  }
0xba: {  	v34 =	vsel vm7, $0x1285, v34;
	v31 =	vsel vm3, $0xD86, v31;
	v28 =	vsel vm1, $0x900, v28  }
0xbb: {  	v22 =	vsel vm13, $0xF02, v22;
	v25 =	vsel vm2, $0xF01, v25;
	v19 =	vsel vm15, $0xE84, v19  }
0xbc: {  	v41 =	vsel vm9, $0x1084, v0;
	v40 =	vsel vm9, $0x1104, v40;
	v0 =	vsel vm8, $0x1583, v43  }
0xbd: {  	v43 =	vsel vm8, $0x1503, v44;
	v38 =	vsel vm7, $0x1385, v38;
	v37 =	vsel vm7, $0x1305, v37  }
0xbe: {  	v31 =	vsel vm4, $0xD07, v31;
	v34 =	vsel vm3, $0x1306, v34;
	v25 =	vsel vm13, $0xE82, v25  }
0xbf: {  	v28 =	vsel vm2, $0x981, v28;
	v22 =	vsel vm14, $0xF83, v22;
	v44 =	vsel vm9, $0x1604, v0  }
0xc0: {  	v43 =	vsel vm9, $0x1684, v43;
	v0 =	vsel vm8, $0x1403, v46;
	v46 =	vsel vm8, $0x1783, v47  }
0xc1: {  	v41 =	vsel vm7, $0x1005, v41;
	v40 =	vsel vm7, $0x1185, v40;
	v34 =	vsel vm4, $0x1387, v34  }
0xc2: {  	v37 =	vsel vm3, $0x1286, v37;
	v31 =	vsel vm1, $0xA80, v31;
	v28 =	vsel vm13, $0x802, v28  }
0xc3: {  	v25 =	vsel vm14, $0xE03, v25;
	v22 =	vsel vm15, $0xC04, v22;
	v47 =	vsel vm9, $0x1784, v0  }
0xc4: {  	v46 =	vsel vm9, $0x1404, v46;
	v0 =	vsel vm8, $0x1683, v49;
	v49 =	vsel vm8, $0x1603, v50  }
0xc5: {  	v44 =	vsel vm7, $0x1685, v44;
	v43 =	vsel vm7, $0x1605, v43;
	v37 =	vsel vm4, $0x1207, v37  }
0xc6: {  	v40 =	vsel vm3, $0x1006, v40;
	v34 =	vsel vm1, $0x1400, v34;
	v31 =	vsel vm2, $0xA01, v31  }
0xc7: {  	v28 =	vsel vm14, $0x883, v28;
	v25 =	vsel vm15, $0xD84, v25;
	v50 =	vsel vm9, $0x1504, v0  }
0xc8: {  	v49 =	vsel vm9, $0x1584, v49;
	v0 =	vsel vm8, $0x1903, v52;
	v52 =	vsel vm8, $0x1883, v53  }
0xc9: {  	v47 =	vsel vm7, $0x1705, v47;
	v46 =	vsel vm7, $0x1485, v46;
	v40 =	vsel vm4, $0x1087, v40  }
0xca: {  	v43 =	vsel vm3, $0x1786, v43;
	v37 =	vsel vm1, $0x1580, v37;
	v31 =	vsel vm13, $0xB82, v31  }
0xcb: {  	v34 =	vsel vm2, $0x1481, v34;
	v28 =	vsel vm15, $0xB04, v28;
	v53 =	vsel vm9, $0x1A84, v0  }
0xcc: {  	v52 =	vsel vm9, $0x1B04, v52;
	v0 =	vsel vm8, $0x1B83, v55;
	v55 =	vsel vm8, $0x1B03, v56  }
0xcd: {  	v50 =	vsel vm7, $0x1585, v50;
	v49 =	vsel vm7, $0x1505, v49;
	v43 =	vsel vm4, $0x1707, v43  }
0xce: {  	v46 =	vsel vm3, $0x1506, v46;
	v40 =	vsel vm1, $0x1700, v40;
	v34 =	vsel vm13, $0x1502, v34  }
0xcf: {  	v37 =	vsel vm2, $0x1501, v37;
	v31 =	vsel vm14, $0xB03, v31;
	v56 =	vsel vm9, $0x1804, v0  }
0xd0: {  	v55 =	vsel vm9, $0x1884, v55;
	v0 =	vsel vm8, $0x1A03, v58;
	v58 =	vsel vm8, $0x1D83, v59  }
0xd1: {  	v53 =	vsel vm7, $0x1A05, v53;
	v52 =	vsel vm7, $0x1B85, v52;
	v46 =	vsel vm4, $0x1587, v46  }
0xd2: {  	v49 =	vsel vm3, $0x1486, v49;
	v43 =	vsel vm1, $0x1080, v43;
	v37 =	vsel vm13, $0x1482, v37  }
0xd3: {  	v40 =	vsel vm2, $0x1781, v40;
	v34 =	vsel vm14, $0x1583, v34;
	v31 =	vsel vm15, $0x884, v31  }
0xd4: {  	v59 =	vsel vm9, $0x1984, v0;
	v58 =	vsel vm9, $0x1E04, v58;
	v0 =	vsel vm8, $0x1C83, v61  }
0xd5: {  	v61 =	vsel vm8, $0x1C03, v62;
	v56 =	vsel vm7, $0x1885, v56;
	v55 =	vsel vm7, $0x1805, v55  }
0xd6: {  	v49 =	vsel vm4, $0x1407, v49;
	v52 =	vsel vm3, $0x1A06, v52;
	v46 =	vsel vm1, $0x1200, v46  }
0xd7: {  	v40 =	vsel vm13, $0x1602, v40;
	v43 =	vsel vm2, $0x1001, v43;
	v37 =	vsel vm14, $0x1403, v37  }
0xd8: {  	v34 =	vsel vm15, $0x1604, v34;
	v62 =	vsel vm9, $0x1F04, v0;
	v61 =	vsel vm9, $0x1F84, v61  }
0xd9: {  	v0 =	vsel vm8, $0x1F03, v2;
	v2 =	vsel vm8, $0x1E83, v3;
	v59 =	vsel vm7, $0x1905, v59  }
0xda: {  	v58 =	vsel vm7, $0x1E85, v58;
	v52 =	vsel vm4, $0x1A87, v52;
	v55 =	vsel vm3, $0x1986, v55  }
0xdb: {  	v49 =	vsel vm1, $0x1380, v49;
	v43 =	vsel vm13, $0x1182, v43;
	v46 =	vsel vm2, $0x1281, v46  }
0xdc: {  	v40 =	vsel vm14, $0x1683, v40;
	v37 =	vsel vm15, $0x1784, v37;
	v3 =	vsel vm9, $0x1C84, v0  }
0xdd: {  	v4 =	vsel vm9, $0x1D04, v2;
	v0 =	vsel vm8, $0x1E03, v1;
	v1 =	vimm.s32 $0x1C1D1E1F  }
0xde: {  	v62 =	vsel vm7, $0x1F85, v62;
	v61 =	vsel vm7, $0x1F05, v61;
	v55 =	vsel vm4, $0x1907, v55  }
0xdf: {  	v58 =	vsel vm3, $0x1F06, v58;
	v52 =	vsel vm1, $0x1D00, v52;
	v46 =	vsel vm13, $0x1302, v46  }
0xe0: {  	v49 =	vsel vm2, $0x1301, v49;
	v43 =	vsel vm14, $0x1103, v43;
	v40 =	vsel vm15, $0x1504, v40  }
0xe1: {  	v2 =	vsel vm9, $0x1D84, v0;
	v0 =	vimm.s32 $0x18191A1B;
	v3 =	vsel vm7, $0x1C05, v3  }
0xe2: {  	v4 =	vsel vm7, $0x1D85, v4;
	v58 =	vsel vm4, $0x1F87, v58;
	v61 =	vsel vm3, $0x1E86, v61  }
0xe3: {  	v55 =	vsel vm1, $0x1E80, v55;
	v49 =	vsel vm13, $0x1282, v49;
	v0 =	vunpack.c.0.s8.s32 v0  }
0xe4: {  	v52 =	vsel vm2, $0x1D81, v52;
	v46 =	vsel vm14, $0x1383, v46;
	v43 =	vsel vm15, $0x1284, v43  }
0xe5: {  	v61 =	vsel vm4, $0x1E07, v61;
	v3 =	vsel vm3, $0x1D86, v3;
	[tilespmem:$0x1FDC0] =	vst v0;
	v0 =	vunpack.c.0.s8.s32 v1  }
0xe6: {  	v4 =	vsel vm3, $0x1C06, v4;
	v58 =	vsel vm1, $0x1800, v58;
	v52 =	vsel vm13, $0x1C02, v52  }
0xe7: {  	v55 =	vsel vm2, $0x1E01, v55;
	v49 =	vsel vm14, $0x1203, v49;
	v46 =	vsel vm15, $0x1004, v46;
	[tilespmem:$0x1FDD0] =	vst v0;
	v0 =	vld [tilespmem:$0x1F840]  }
0xe8: {  	v3 =	vsel vm4, $0x1D07, v3;
	v4 =	vsel vm4, $0x1C87, v4;
	v61 =	vsel vm1, $0x1980, v61  }
0xe9: {  	v58 =	vsel vm2, $0x1881, v58;
	v52 =	vsel vm14, $0x1C83, v52;
	v1 =	vsel vm7, $0x205, v5  }
0xea: {  	v49 =	vsel vm15, $0x1184, v49;
	v3 =	vsel vm1, $0x1A80, v3;
	v1 =	vsel vm3, $0x386, v1  }
0xeb: {  	v4 =	vsel vm1, $0x1B00, v4;
	v58 =	vsel vm13, $0x1902, v58;
	v1 =	vsel vm4, $0x307, v1  }
0xec: {  	v61 =	vsel vm2, $0x1901, v61;
	v52 =	vsel vm15, $0x1F04, v52;
	[tilespmem:$0x1F870] =	vst v1;
	v0 =	vsel vm14, $0x583, v0  }
0xed: {  	v61 =	vsel vm13, $0x1882, v61;
	v1 =	vsel vm3, $0x86, v11;
	v11 =	vsel vm4, $0x707, v12;
	[tilespmem:$0x1F860] =	vst v0;
	v0 =	vld [tilespmem:$0x1F850]  }
0xee: {  	v3 =	vsel vm2, $0x1A01, v3;
	v4 =	vsel vm2, $0x1B81, v4;
	v11 =	vsel vm1, $0x80, v11  }
0xef: {  	v58 =	vsel vm14, $0x1983, v58;
	v3 =	vsel vm13, $0x1B82, v3;
	v11 =	vsel vm2, $0x1, v11  }
0xf0: {  	v61 =	vsel vm14, $0x1803, v61;
	v58 =	vsel vm15, $0x1A04, v58;
	v11 =	vsel vm13, $0x182, v11  }
0xf1: {  	v3 =	vsel vm14, $0x1B03, v3;
	v61 =	vsel vm15, $0x1B84, v61;
	v11 =	vsel vm14, $0x103, v11  }
0xf2: {  	v3 =	vsel vm15, $0x1884, v3;
	v11 =	vsel vm15, $0x284, v11;
	v5 =	vsel vm7, $0x385, v0  }
0xf3: {  	v0 =	vsel vm7, $0x1D05, v2;
	v2 =	vsel vm3, $0x206, v5;
	v5 =	vsel vm3, $0x286, v6  }
0xf4: {  	v6 =	vsel vm3, $0x106, v8;
	v8 =	vsel vm3, $0x6, v9;
	v9 =	vsel vm4, $0x7, v1  }
0xf5: {  	v1 =	vsel vm3, $0x606, v14;
	v0 =	vsel vm3, $0x1C86, v0;
	v2 =	vsel vm4, $0x287, v2  }
0xf6: {  	v5 =	vsel vm4, $0x207, v5;
	v6 =	vsel vm4, $0x187, v6;
	v8 =	vsel vm4, $0x87, v8  }
0xf7: {  	v12 =	vsel vm4, $0x687, v1;
	v1 =	vsel vm3, $0x506, v15;
	v9 =	vsel vm1, $0x780, v9  }
0xf8: {  	v14 =	vsel vm4, $0x587, v1;
	v1 =	vsel vm3, $0x586, v17;
	v2 =	vsel vm1, $0x500, v2  }
0xf9: {  	v5 =	vsel vm1, $0x580, v5;
	v6 =	vsel vm1, $0x600, v6;
	v8 =	vsel vm1, $0x700, v8  }
0xfa: {  	v12 =	vsel vm1, $0x100, v12;
	v9 =	vsel vm2, $0x701, v9;
	v15 =	vsel vm4, $0x507, v1  }
0xfb: {  	v1 =	vsel vm3, $0x486, v18;
	v14 =	vsel vm1, $0x200, v14;
	v2 =	vsel vm2, $0x581, v2  }
0xfc: {  	v5 =	vsel vm2, $0x501, v5;
	v6 =	vsel vm2, $0x681, v6;
	v8 =	vsel vm2, $0x781, v8  }
0xfd: {  	v9 =	vsel vm13, $0x682, v9;
	v12 =	vsel vm2, $0x181, v12;
	v17 =	vsel vm4, $0x407, v1  }
0xfe: {  	v1 =	vsel vm3, $0xB06, v20;
	v20 =	vsel vm3, $0xA06, v21;
	v21 =	vsel vm3, $0xA86, v23  }
0xff: {  	v23 =	vsel vm3, $0x986, v24;
	v15 =	vsel vm1, $0x280, v15;
	v2 =	vsel vm13, $0x402, v2  }
0x100: {  	v5 =	vsel vm13, $0x482, v5;
	v6 =	vsel vm13, $0x702, v6;
	v8 =	vsel vm13, $0x602, v8  }
0x101: {  	v12 =	vsel vm13, $0x2, v12;
	v14 =	vsel vm2, $0x281, v14;
	v9 =	vsel vm14, $0x603, v9  }
0x102: {  	v18 =	vsel vm4, $0xB87, v1;
	v20 =	vsel vm4, $0xA87, v20;
	v21 =	vsel vm4, $0xA07, v21  }
0x103: {  	v23 =	vsel vm4, $0x907, v23;
	v1 =	vsel vm3, $0x806, v26;
	v17 =	vsel vm1, $0x380, v17  }
0x104: {  	v14 =	vsel vm13, $0x302, v14;
	v15 =	vsel vm2, $0x201, v15;
	v2 =	vsel vm14, $0x483, v2  }
0x105: {  	v5 =	vsel vm14, $0x403, v5;
	v6 =	vsel vm14, $0x783, v6;
	v8 =	vsel vm14, $0x683, v8  }
0x106: {  	v12 =	vsel vm14, $0x83, v12;
	v9 =	vsel vm15, $0x584, v9;
	v24 =	vsel vm4, $0x887, v1  }
0x107: {  	v1 =	vsel vm3, $0xF06, v27;
	v18 =	vsel vm1, $0xC00, v18;
	v20 =	vsel vm1, $0xD00, v20  }
0x108: {  	v21 =	vsel vm1, $0xD80, v21;
	v23 =	vsel vm1, $0xE80, v23;
	v15 =	vsel vm13, $0x382, v15  }
0x109: {  	v17 =	vsel vm2, $0x301, v17;
	v14 =	vsel vm14, $0x383, v14;
	v2 =	vsel vm15, $0x704, v2  }
0x10a: {  	v5 =	vsel vm15, $0x784, v5;
	v6 =	vsel vm15, $0x404, v6;
	v8 =	vsel vm15, $0x504, v8  }
0x10b: {  	v12 =	vsel vm15, $0x304, v12;
	v26 =	vsel vm4, $0xF87, v1;
	v1 =	vsel vm3, $0xF86, v29  }
0x10c: {  	v29 =	vsel vm3, $0xE86, v30;
	v30 =	vsel vm3, $0xD06, v32;
	v24 =	vsel vm1, $0xF00, v24  }
0x10d: {  	v17 =	vsel vm13, $0x282, v17;
	v18 =	vsel vm2, $0xC81, v18;
	v20 =	vsel vm2, $0xD81, v20  }
0x10e: {  	v21 =	vsel vm2, $0xD01, v21;
	v23 =	vsel vm2, $0xE01, v23;
	v15 =	vsel vm14, $0x303, v15  }
0x10f: {  	v14 =	vsel vm15, $0x4, v14;
	v27 =	vsel vm4, $0xF07, v1;
	v29 =	vsel vm4, $0xE07, v29  }
0x110: {  	v30 =	vsel vm4, $0xD87, v30;
	v1 =	vsel vm3, $0xC06, v33;
	v26 =	vsel vm1, $0x800, v26  }
0x111: {  	v18 =	vsel vm13, $0xD02, v18;
	v20 =	vsel vm13, $0xC02, v20;
	v21 =	vsel vm13, $0xC82, v21  }
0x112: {  	v23 =	vsel vm13, $0xF82, v23;
	v24 =	vsel vm2, $0xF81, v24;
	v17 =	vsel vm14, $0x203, v17  }
0x113: {  	v15 =	vsel vm15, $0x84, v15;
	v32 =	vsel vm4, $0xC87, v1;
	v1 =	vsel vm3, $0xC86, v35  }
0x114: {  	v35 =	vsel vm4, $0x1307, v36;
	v27 =	vsel vm1, $0x880, v27;
	v29 =	vsel vm1, $0x980, v29  }
0x115: {  	v30 =	vsel vm1, $0xA00, v30;
	v24 =	vsel vm13, $0xE02, v24;
	v26 =	vsel vm2, $0x881, v26  }
0x116: {  	v18 =	vsel vm14, $0xD83, v18;
	v20 =	vsel vm14, $0xC83, v20;
	v21 =	vsel vm14, $0xC03, v21  }
0x117: {  	v23 =	vsel vm14, $0xF03, v23;
	v17 =	vsel vm15, $0x184, v17;
	v33 =	vsel vm4, $0xC07, v1  }
0x118: {  	v1 =	vsel vm3, $0x1206, v38;
	v32 =	vsel vm1, $0xB00, v32;
	v35 =	vsel vm1, $0x1480, v35  }
0x119: {  	v26 =	vsel vm13, $0x902, v26;
	v27 =	vsel vm2, $0x801, v27;
	v29 =	vsel vm2, $0x901, v29  }
0x11a: {  	v30 =	vsel vm2, $0xA81, v30;
	v24 =	vsel vm14, $0xE83, v24;
	v18 =	vsel vm15, $0xE04, v18  }
0x11b: {  	v20 =	vsel vm15, $0xF04, v20;
	v21 =	vsel vm15, $0xF84, v21;
	v23 =	vsel vm15, $0xC84, v23  }
0x11c: {  	v36 =	vsel vm4, $0x1287, v1;
	v1 =	vsel vm3, $0x1106, v39;
	v33 =	vsel vm1, $0xB80, v33  }
0x11d: {  	v27 =	vsel vm13, $0x982, v27;
	v29 =	vsel vm13, $0x882, v29;
	v30 =	vsel vm13, $0xB02, v30  }
0x11e: {  	v32 =	vsel vm2, $0xB81, v32;
	v35 =	vsel vm2, $0x1401, v35;
	v26 =	vsel vm14, $0x983, v26  }
0x11f: {  	v24 =	vsel vm15, $0xD04, v24;
	v38 =	vsel vm4, $0x1187, v1;
	v1 =	vsel vm3, $0x1186, v41  }
0x120: {  	v36 =	vsel vm1, $0x1500, v36;
	v32 =	vsel vm13, $0xA02, v32;
	v33 =	vsel vm2, $0xB01, v33  }
0x121: {  	v35 =	vsel vm13, $0x1582, v35;
	v27 =	vsel vm14, $0x903, v27;
	v29 =	vsel vm14, $0x803, v29  }
0x122: {  	v30 =	vsel vm14, $0xB83, v30;
	v26 =	vsel vm15, $0xA04, v26;
	v39 =	vsel vm4, $0x1107, v1  }
0x123: {  	v1 =	vsel vm3, $0x1086, v42;
	v38 =	vsel vm1, $0x1600, v38;
	v33 =	vsel vm13, $0xA82, v33  }
0x124: {  	v36 =	vsel vm2, $0x1581, v36;
	v32 =	vsel vm14, $0xA83, v32;
	v35 =	vsel vm14, $0x1503, v35  }
0x125: {  	v27 =	vsel vm15, $0xA84, v27;
	v29 =	vsel vm15, $0xB84, v29;
	v30 =	vsel vm15, $0x804, v30  }
0x126: {  	v41 =	vsel vm4, $0x1007, v1;
	v1 =	vsel vm3, $0x1706, v44;
	v39 =	vsel vm1, $0x1680, v39  }
0x127: {  	v36 =	vsel vm13, $0x1402, v36;
	v38 =	vsel vm2, $0x1681, v38;
	v33 =	vsel vm14, $0xA03, v33  }
0x128: {  	v32 =	vsel vm15, $0x904, v32;
	v35 =	vsel vm15, $0x1684, v35;
	v42 =	vsel vm4, $0x1787, v1  }
0x129: {  	v1 =	vsel vm3, $0x1606, v45;
	v41 =	vsel vm1, $0x1780, v41;
	v38 =	vsel vm13, $0x1702, v38  }
0x12a: {  	v39 =	vsel vm2, $0x1601, v39;
	v36 =	vsel vm14, $0x1483, v36;
	v33 =	vsel vm15, $0x984, v33  }
0x12b: {  	v44 =	vsel vm4, $0x1687, v1;
	v1 =	vsel vm3, $0x1686, v47;
	v47 =	vsel vm4, $0x1507, v48  }
0x12c: {  	v42 =	vsel vm1, $0x1000, v42;
	v45 =	vsel vm4, $0x1607, v1;
	v1 =	vsel vm3, $0x1406, v50  }
0x12d: {  	v39 =	vsel vm13, $0x1782, v39;
	v48 =	vsel vm4, $0x1487, v1;
	v1 =	vsel vm3, $0x1B06, v51  }
0x12e: {  	v41 =	vsel vm2, $0x1701, v41;
	v50 =	vsel vm4, $0x1B87, v1;
	v1 =	vsel vm3, $0x1B86, v53  }
0x12f: {  	v38 =	vsel vm14, $0x1783, v38;
	v51 =	vsel vm4, $0x1B07, v1;
	v1 =	vsel vm3, $0x1A86, v54  }
0x130: {  	v36 =	vsel vm15, $0x1704, v36;
	v53 =	vsel vm4, $0x1A07, v1;
	v1 =	vsel vm3, $0x1906, v56  }
0x131: {  	v44 =	vsel vm1, $0x1100, v44;
	v54 =	vsel vm4, $0x1987, v1;
	v1 =	vsel vm3, $0x1806, v57  }
0x132: {  	v47 =	vsel vm1, $0x1280, v47;
	v56 =	vsel vm4, $0x1887, v1;
	v1 =	vsel vm3, $0x1886, v59  }
0x133: {  	v41 =	vsel vm13, $0x1682, v41;
	v57 =	vsel vm4, $0x1807, v1;
	v1 =	vsel vm3, $0x1E06, v62  }
0x134: {  	v42 =	vsel vm2, $0x1081, v42;
	v59 =	vsel vm4, $0x1F07, v60;
	v60 =	vsel vm4, $0x1E87, v1  }
0x135: {  	v1 =	vsel vm3, $0x1D06, v63;
	v63 =	vsel vm4, $0x1C07, v0;
	v0 =	vimm.s32 $0x10111213  }
0x136: {  	v39 =	vsel vm14, $0x1703, v39;
	v38 =	vsel vm15, $0x1404, v38;
	v0 =	vunpack.c.0.s8.s32 v0  }
0x137: {  	v45 =	vsel vm1, $0x1180, v45;
	v62 =	vsel vm4, $0x1D87, v1;
	v1 =	vimm.s32 $0x14151617  }
0x138: {  	v42 =	vsel vm13, $0x1102, v42;
	v44 =	vsel vm2, $0x1181, v44;
	[tilespmem:$0x1FDE0] =	vst v0;
	v0 =	vunpack.c.0.s8.s32 v1  }
0x139: {  	v47 =	vsel vm2, $0x1201, v47;
	v41 =	vsel vm14, $0x1603, v41;
	v39 =	vsel vm15, $0x1484, v39  }
0x13a: {  	v48 =	vsel vm1, $0x1300, v48;
	v44 =	vsel vm13, $0x1002, v44;
	v45 =	vsel vm2, $0x1101, v45;
	[tilespmem:$0x1FDF0] =	vst v0;
	v0 =	vld [tilespmem:$0x1F860]  }
0x13b: {  	v47 =	vsel vm13, $0x1382, v47;
	v42 =	vsel vm14, $0x1183, v42;
	v41 =	vsel vm15, $0x1584, v41  }
0x13c: {  	v50 =	vsel vm1, $0x1C00, v50;
	v45 =	vsel vm13, $0x1082, v45;
	v48 =	vsel vm2, $0x1381, v48  }
0x13d: {  	v44 =	vsel vm14, $0x1083, v44;
	v47 =	vsel vm14, $0x1303, v47;
	v42 =	vsel vm15, $0x1204, v42  }
0x13e: {  	v51 =	vsel vm1, $0x1C80, v51;
	v48 =	vsel vm13, $0x1202, v48;
	v50 =	vsel vm2, $0x1C81, v50  }
0x13f: {  	v45 =	vsel vm14, $0x1003, v45;
	v44 =	vsel vm15, $0x1304, v44;
	v0 =	vsel vm15, $0x604, v0  }
0x140: {  	v47 =	vsel vm15, $0x1084, v47;
	v53 =	vsel vm1, $0x1D80, v53;
	v51 =	vsel vm2, $0x1C01, v51;
	[tilespmem:$0x1F880] =	vst v0;
	v0 =	vld [tilespmem:$0x1F870]  }
0x141: {  	v54 =	vsel vm1, $0x1E00, v54;
	v53 =	vsel vm2, $0x1D01, v53;
	v56 =	vsel vm1, $0x1F00, v56  }
0x142: {  	v59 =	vsel vm1, $0x1880, v59;
	v54 =	vsel vm2, $0x1E81, v54;
	v57 =	vsel vm1, $0x1F80, v57  }
0x143: {  	v56 =	vsel vm2, $0x1F81, v56;
	v59 =	vsel vm2, $0x1801, v59;
	v60 =	vsel vm1, $0x1900, v60  }
0x144: {  	v63 =	vsel vm1, $0x1B80, v63;
	v57 =	vsel vm2, $0x1F01, v57;
	v62 =	vsel vm1, $0x1A00, v62  }
0x145: {  	v60 =	vsel vm2, $0x1981, v60;
	v63 =	vsel vm2, $0x1B01, v63;
	v1 =	vsel vm1, $0x480, v0  }
0x146: {  	v62 =	vsel vm2, $0x1A81, v62;
	vm1 =	vcmask $0x3734;
	v1 =	vsel vm2, $0x401, v1  }
0x147: {  	vm2 =	vcmask $0x3B38;
	v9 =	vsel vm1, $0x505, v9;
	v0 =	vsel vm13, $0x582, v1  }
0x148: {  	v50 =	vsel vm13, $0x1D02, v50;
	v10 =	vsel vm1, $0x285, v10;
	v9 =	vsel vm2, $0x486, v9;
	[tilespmem:$0x1F890] =	vst v0  }
0x149: {  	v48 =	vsel vm14, $0x1283, v48;
	v11 =	vsel vm1, $0x205, v11;
	v10 =	vsel vm2, $0x306, v10;
	[tilespmem:$0x1F940] =	vst v9  }
0x14a: {  	v45 =	vsel vm15, $0x1384, v45;
	v12 =	vsel vm1, $0x385, v12;
	v11 =	vsel vm2, $0x386, v11;
	[tilespmem:$0x1F950] =	vst v10  }
0x14b: {  	v51 =	vsel vm13, $0x1D82, v51;
	v13 =	vsel vm1, $0x305, v13;
	v12 =	vsel vm2, $0x206, v12;
	[tilespmem:$0x1F960] =	vst v11  }
0x14c: {  	v50 =	vsel vm14, $0x1D83, v50;
	v14 =	vsel vm1, $0x85, v14;
	v13 =	vsel vm2, $0x286, v13;
	[tilespmem:$0x1F970] =	vst v12  }
0x14d: {  	v48 =	vsel vm15, $0x1104, v48;
	v15 =	vsel vm1, $0x5, v15;
	v14 =	vsel vm2, $0x106, v14;
	[tilespmem:$0x1F980] =	vst v13  }
0x14e: {  	v53 =	vsel vm13, $0x1C82, v53;
	v16 =	vsel vm1, $0x185, v16;
	v15 =	vsel vm2, $0x186, v15;
	[tilespmem:$0x1F990] =	vst v14  }
0x14f: {  	v51 =	vsel vm14, $0x1D03, v51;
	v32 =	vsel vm1, $0x985, v32;
	v16 =	vsel vm2, $0x6, v16;
	[tilespmem:$0x1F9A0] =	vst v15  }
0x150: {  	v50 =	vsel vm15, $0x1E04, v50;
	v33 =	vsel vm1, $0x905, v33;
	v32 =	vsel vm2, $0x806, v32;
	[tilespmem:$0x1F9B0] =	vst v16  }
0x151: {  	v54 =	vsel vm13, $0x1F02, v54;
	v34 =	vsel vm1, $0x1685, v34;
	v33 =	vsel vm2, $0x886, v33;
	[tilespmem:$0x1FAB0] =	vst v32  }
0x152: {  	v53 =	vsel vm14, $0x1C03, v53;
	v35 =	vsel vm1, $0x1605, v35;
	v34 =	vsel vm2, $0x1706, v34;
	[tilespmem:$0x1FAC0] =	vst v33  }
0x153: {  	v51 =	vsel vm15, $0x1E84, v51;
	v36 =	vsel vm1, $0x1785, v36;
	v35 =	vsel vm2, $0x1786, v35;
	[tilespmem:$0x1FAD0] =	vst v34  }
0x154: {  	v56 =	vsel vm13, $0x1E02, v56;
	v37 =	vsel vm1, $0x1705, v37;
	v36 =	vsel vm2, $0x1606, v36;
	[tilespmem:$0x1FAE0] =	vst v35  }
0x155: {  	v59 =	vsel vm13, $0x1982, v59;
	v38 =	vsel vm1, $0x1485, v38;
	v37 =	vsel vm2, $0x1686, v37;
	[tilespmem:$0x1FAF0] =	vst v36  }
0x156: {  	v54 =	vsel vm14, $0x1F83, v54;
	v39 =	vsel vm1, $0x1405, v39;
	v38 =	vsel vm2, $0x1506, v38;
	[tilespmem:$0x1FB00] =	vst v37  }
0x157: {  	v53 =	vsel vm15, $0x1F84, v53;
	v40 =	vsel vm1, $0x1585, v40;
	v39 =	vsel vm2, $0x1586, v39;
	[tilespmem:$0x1FB10] =	vst v38  }
0x158: {  	v57 =	vsel vm13, $0x1E82, v57;
	v41 =	vsel vm1, $0x1505, v41;
	v40 =	vsel vm2, $0x1406, v40;
	[tilespmem:$0x1FB20] =	vst v39  }
0x159: {  	v56 =	vsel vm14, $0x1E83, v56;
	v42 =	vsel vm1, $0x1285, v42;
	v41 =	vsel vm2, $0x1486, v41;
	[tilespmem:$0x1FB30] =	vst v40  }
0x15a: {  	v43 =	vsel vm1, $0x1205, v43;
	v42 =	vsel vm2, $0x1306, v42;
	v0 =	vimm.s32 $0x1F1E1D1C;
	[tilespmem:$0x1FB40] =	vst v41  }
0x15b: {  	v59 =	vsel vm14, $0x1903, v59;
	v43 =	vsel vm2, $0x1386, v43;
	[tilespmem:$0x1FB50] =	vst v42;
	v0 =	vunpack.c.0.s8.s32 v0  }
0x15c: {  	v54 =	vsel vm15, $0x1C04, v54;
	v45 =	vsel vm1, $0x1305, v45;
	v1 =	vimm.s32 $0x1B1A1918;
	[tilespmem:$0x1FB60] =	vst v43  }
0x15d: {  	v63 =	vsel vm13, $0x1A82, v63;
	v45 =	vsel vm2, $0x1286, v45;
	[tilespmem:$0x1FE00] =	vst v0;
	v0 =	vunpack.c.0.s8.s32 v1  }
0x15e: {  	v57 =	vsel vm14, $0x1E03, v57;
	v56 =	vsel vm15, $0x1D04, v56;
	v17 =	vsel vm1, $0x105, v17;
	[tilespmem:$0x1FB70] =	vst v45  }
0x15f: {  	v59 =	vsel vm15, $0x1A84, v59;
	v18 =	vsel vm1, $0xE85, v18;
	v9 =	vsel vm2, $0x86, v17;
	[tilespmem:$0x1FE10] =	vst v0;
	v0 =	vld [tilespmem:$0x1F880]  }
0x160: {  	v62 =	vsel vm13, $0x1B02, v62;
	v19 =	vsel vm1, $0xE05, v19;
	v10 =	vsel vm2, $0xF06, v18;
	[tilespmem:$0x1F9C0] =	vst v9  }
0x161: {  	v63 =	vsel vm14, $0x1A03, v63;
	v20 =	vsel vm1, $0xF85, v20;
	v11 =	vsel vm2, $0xF86, v19;
	[tilespmem:$0x1F9D0] =	vst v10  }
0x162: {  	v57 =	vsel vm15, $0x1D84, v57;
	v21 =	vsel vm1, $0xF05, v21;
	v12 =	vsel vm2, $0xE06, v20;
	[tilespmem:$0x1F9E0] =	vst v11  }
0x163: {  	v62 =	vsel vm14, $0x1B83, v62;
	v63 =	vsel vm15, $0x1984, v63;
	v13 =	vsel vm2, $0xE86, v21;
	[tilespmem:$0x1F9F0] =	vst v12  }
0x164: {  	v62 =	vsel vm15, $0x1804, v62;
	v22 =	vsel vm1, $0xC85, v22;
	[tilespmem:$0x1FA00] =	vst v13;
	v0 =	vsel vm1, $0x685, v0  }
0x165: {  	v5 =	vsel vm1, $0x705, v5;
	v23 =	vsel vm1, $0xC05, v23;
	v14 =	vsel vm2, $0xD06, v22;
	[tilespmem:$0x1F8A0] =	vst v0;
	v0 =	vld [tilespmem:$0x1F890]  }
0x166: {  	v6 =	vsel vm1, $0x485, v6;
	v24 =	vsel vm1, $0xD85, v24;
	v15 =	vsel vm2, $0xD86, v23;
	[tilespmem:$0x1FA10] =	vst v14  }
0x167: {  	v7 =	vsel vm1, $0x405, v7;
	v25 =	vsel vm1, $0xD05, v25;
	v16 =	vsel vm2, $0xC06, v24;
	[tilespmem:$0x1FA20] =	vst v15  }
0x168: {  	v26 =	vsel vm1, $0xA85, v26;
	v27 =	vsel vm1, $0xA05, v27;
	v17 =	vsel vm2, $0xC86, v25;
	[tilespmem:$0x1FA30] =	vst v16  }
0x169: {  	v28 =	vsel vm1, $0xB85, v28;
	v29 =	vsel vm1, $0xB05, v29;
	v18 =	vsel vm2, $0xB06, v26;
	[tilespmem:$0x1FA40] =	vst v17  }
0x16a: {  	v30 =	vsel vm1, $0x885, v30;
	v19 =	vsel vm2, $0xB86, v27;
	[tilespmem:$0x1FA50] =	vst v18;
	v1 =	vsel vm14, $0x503, v0  }
0x16b: {  	v31 =	vsel vm1, $0x805, v31;
	v24 =	vsel vm2, $0xA06, v28;
	[tilespmem:$0x1FA60] =	vst v19;
	v1 =	vsel vm15, $0x684, v1  }
0x16c: {  	v62 =	vsel vm1, $0x1885, v62;
	v63 =	vsel vm1, $0x1905, v63;
	[tilespmem:$0x1FA70] =	vst v24;
	v0 =	vsel vm1, $0x605, v1  }
0x16d: {  	v25 =	vsel vm2, $0xA86, v29;
	v26 =	vsel vm2, $0x906, v30;
	[tilespmem:$0x1F8C0] =	vst v0;
	v0 =	vsel vm1, $0x785, v2;
	v2 =	vld [tilespmem:$0x1F8A0]  }
0x16e: {  	v27 =	vsel vm2, $0x986, v31;
	v39 =	vsel vm2, $0x1906, v62;
	v62 =	vimm.s32 $0x2E2F2C2D;
	[tilespmem:$0x1FA80] =	vst v25  }
0x16f: {  	v37 =	vsel vm2, $0x1886, v63;
	v63 =	vimm.s32 $0x22232021;
	[tilespmem:$0x1FA90] =	vst v26;
	v12 =	vunpack.c.0.s8.s32 v62  }
0x170: {  	v8 =	vsel vm1, $0x585, v8;
	v44 =	vsel vm1, $0x1385, v44;
	[tilespmem:$0x1FAA0] =	vst v27;
	v13 =	vunpack.c.0.s8.s32 v63  }
0x171: {  	v46 =	vsel vm1, $0x1085, v46;
	v47 =	vsel vm1, $0x1005, v47;
	v43 =	vimm.s32 $0x20212223;
	[tilespmem:$0x1FB90] =	vst v12  }
0x172: {  	v48 =	vsel vm1, $0x1185, v48;
	v45 =	vunpack.c.0.s8.s32 v43;
	[tilespmem:$0x1FBA0] =	vst v13;
	v2 =	vsel vm2, $0x706, v2  }
0x173: {  	v49 =	vsel vm1, $0x1105, v49;
	v61 =	vsel vm1, $0x1B05, v61;
	v15 =	vimm.s32 $0x29282B2A;
	[tilespmem:$0x1F8B0] =	vst v2;
	v2 =	vld [tilespmem:$0x1F8C0]  }
0x174: {  	v30 =	vsel vm2, $0x1A86, v61;
	v16 =	vimm.s32 $0x2D2C2F2E;
	v17 =	vunpack.c.0.s8.s32 v15;
	[tilespmem:$0x1FC20] =	vst v45  }
0x175: {  	v61 =	vimm.s32 $0x2A2B2829;
	v18 =	vunpack.c.0.s8.s32 v16;
	[tilespmem:$0x1F8E0] =	vst v0;
	v0 =	vsel vm1, $0x1805, v3  }
0x176: {  	v50 =	vsel vm1, $0x1E85, v50;
	[tilespmem:$0x1FBC0] =	vst v17;
	v40 =	vsel vm2, $0x1986, v0;
	v0 =	vunpack.c.0.s8.s32 v61  }
0x177: {  	v51 =	vsel vm1, $0x1E05, v51;
	v52 =	vsel vm1, $0x1F85, v52;
	v14 =	vimm.s32 $0x26272425;
	[tilespmem:$0x1FBD0] =	vst v18  }
0x178: {  	v25 =	vimm.s32 $0x25242726;
	[tilespmem:$0x1FB80] =	vst v0;
	v0 =	vunpack.c.0.s8.s32 v14;
	v2 =	vsel vm2, $0x786, v2  }
0x179: {  	v53 =	vsel vm1, $0x1F05, v53;
	v24 =	vimm.s32 $0x21202322;
	v27 =	vunpack.c.0.s8.s32 v25;
	[tilespmem:$0x1F8D0] =	vst v2;
	v2 =	vld [tilespmem:$0x1F8E0]  }
0x17a: {  	v54 =	vsel vm1, $0x1C85, v54;
	v26 =	vimm.s32 $0x28292A2B;
	[tilespmem:$0x1FBB0] =	vst v0;
	v0 =	vunpack.c.0.s8.s32 v24  }
0x17b: {  	v56 =	vsel vm1, $0x1D85, v56;
	v42 =	vimm.s32 $0x2C2D2E2F;
	v38 =	vunpack.c.0.s8.s32 v26;
	[tilespmem:$0x1FBF0] =	vst v27  }
0x17c: {  	v57 =	vsel vm1, $0x1D05, v57;
	v58 =	vsel vm1, $0x1A85, v58;
	[tilespmem:$0x1FBE0] =	vst v0;
	v0 =	vunpack.c.0.s8.s32 v42  }
0x17d: {  	v59 =	vsel vm1, $0x1A05, v59;
	v20 =	vsel vm2, $0x1F06, v50;
	v50 =	vsel vm2, $0x1E06, v52;
	[tilespmem:$0x1FC00] =	vst v38  }
0x17e: {  	v32 =	vsel vm2, $0x1E86, v53;
	v31 =	vsel vm2, $0x1C06, v56;
	[tilespmem:$0x1FC10] =	vst v0;
	v2 =	vsel vm2, $0x606, v2  }
0x17f: {  	v33 =	vsel vm2, $0x1C86, v57;
	v52 =	vimm.s32 $0x27262524;
	[tilespmem:$0x1F8F0] =	vst v2;
	v2 =	vsel vm2, $0x686, v5  }
0x180: {  	v9 =	vsel vm2, $0x1186, v47;
	v47 =	vimm.s32 $0x2F2E2D2C;
	[tilespmem:$0x1F900] =	vst v2;
	v2 =	vsel vm2, $0x506, v6  }
0x181: {  	[tilespmem:$0x1F910] =	vst v2;
	v2 =	vsel vm2, $0x586, v7;
	v7 =	vsel vm2, $0x1206, v44;
	v44 =	vimm.s32 $0x24252627  }
0x182: {  	[tilespmem:$0x1F920] =	vst v2;
	v2 =	vsel vm2, $0x406, v8;
	v8 =	vsel vm2, $0x1106, v46;
	v46 =	vunpack.c.0.s8.s32 v44  }
0x183: {  	s2 =	rddreg [dreg:$0x0];
	s4 =	simm.s32 $0x0;
	v10 =	vsel vm2, $0x1006, v48;
	v48 =	vimm.s32 $0x2B2A2928;
	v0 =	vunpack.c.0.s8.s32 v47;
	[tilespmem:$0x1F930] =	vst v2  }
0x184: {  	s1 =	stileid.u32;
	[smem:$0x7FF] =	sst s4;
	v56 =	vimm.s32 $0x3A3B3839;
	v19 =	vsel vm2, $0x1086, v49;
	v53 =	vunpack.c.0.s8.s32 v48;
	[tilespmem:$0x1FC30] =	vst v46  }
0x185: {  	s3 =	sshll.u32 s1, $0x1;
	s1 =	rddreg [dreg:$0x1];
	v49 =	vsel vm2, $0x1F86, v51;
	v51 =	vsel vm2, $0x1D06, v54;
	v54 =	vunpack.c.0.s8.s32 v52;
	_ =	strace $0x80000047;
	[tilespmem:$0x1FC40] =	vst v0  }
0x186: {  	v34 =	vsel vm2, $0x1B06, v58;
	v57 =	vimm.s32 $0x3E3F3C3D;
	v58 =	vunpack.c.0.s8.s32 v56;
	[tilespmem:$0x1FC50] =	vst v53  }
0x187: {  	v36 =	vsel vm2, $0x1B86, v59;
	v59 =	vunpack.c.0.s8.s32 v57;
	v61 =	vimm.s32 $0x36373435;
	[tilespmem:$0x1FC60] =	vst v54  }
0x188: {  	v62 =	vimm.s32 $0x39383B3A;
	v63 =	vunpack.c.0.s8.s32 v61;
	[tilespmem:$0x1FC80] =	vst v58  }
0x189: {  	v12 =	vunpack.c.0.s8.s32 v62;
	v14 =	vimm.s32 $0x31303332;
	[tilespmem:$0x1FC90] =	vst v59  }
0x18a: {  	v15 =	vimm.s32 $0x35343736;
	v16 =	vunpack.c.0.s8.s32 v14;
	[tilespmem:$0x1FCB0] =	vst v63  }
0x18b: {  	v17 =	vunpack.c.0.s8.s32 v15;
	v24 =	vimm.s32 $0x3C3D3E3F;
	[tilespmem:$0x1FCC0] =	vst v12  }
0x18c: {  	v25 =	vimm.s32 $0x30313233;
	v26 =	vunpack.c.0.s8.s32 v24;
	[tilespmem:$0x1FCE0] =	vst v16  }
0x18d: {  	v27 =	vunpack.c.0.s8.s32 v25;
	v42 =	vimm.s32 $0x3F3E3D3C;
	[tilespmem:$0x1FCF0] =	vst v17  }
0x18e: {  	v4 =	vsel vm13, $0x1A02, v4;
	v43 =	vimm.s32 $0x3B3A3938;
	v44 =	vunpack.c.0.s8.s32 v42;
	[tilespmem:$0x1FD10] =	vst v26  }
0x18f: {  	v4 =	vsel vm14, $0x1A83, v4;
	v45 =	vunpack.c.0.s8.s32 v43;
	v47 =	vimm.s32 $0x33323130;
	[tilespmem:$0x1FD20] =	vst v27  }
0x190: {  	v4 =	vsel vm15, $0x1904, v4;
	v3 =	vimm.s32 $0x17161514;
	v48 =	vunpack.c.0.s8.s32 v47;
	[tilespmem:$0x1FD40] =	vst v44  }
0x191: {  	v1 =	vsel vm1, $0x1985, v4;
	v4 =	vimm.s32 $0x13121110;
	v3 =	vunpack.c.0.s8.s32 v3;
	[tilespmem:$0x1FD50] =	vst v45  }
0x192: {  	v4 =	vunpack.c.0.s8.s32 v4;
	[tilespmem:$0x1FD70] =	vst v48  }
0x193: {  	[tilespmem:$0x1FE20] =	vst v3  }
0x194: {  	[tilespmem:$0x1FE30] =	vst v4  }
0x195: {  	[tilespmem:$0x1FED0] =	vst v49  }
0x196: {  	[tilespmem:$0x1FEE0] =	vst v50  }
0x197: {  	[tilespmem:$0x1FEF0] =	vst v51  }
0x198: {  	v55 =	vsel vm13, $0x1F82, v55;
	[tilespmem:$0x1FF00] =	vst v8  }
0x199: {  	v55 =	vsel vm14, $0x1F03, v55;
	[tilespmem:$0x1FF10] =	vst v9  }
0x19a: {  	v55 =	vsel vm15, $0x1C84, v55;
	v60 =	vsel vm13, $0x1802, v60;
	[tilespmem:$0x1FF20] =	vst v39;
	v53 =	vld [tilespmem:$0x1FD80]  }
0x19b: {  	v60 =	vsel vm14, $0x1883, v60;
	v55 =	vsel vm1, $0x1C05, v55;
	v41 =	vsel vm2, $0x1806, v1;
	[tilespmem:$0x1FF30] =	vst v40;
	v54 =	vld [tilespmem:$0x1FD90]  }
0x19c: {  	v60 =	vsel vm15, $0x1B04, v60;
	v21 =	vsel vm2, $0x1D86, v55;
	v55 =	vimm.s32 $0x23222120;
	[tilespmem:$0x1FF40] =	vst v41;
	v57 =	vld [tilespmem:$0x1FDC0]  }
0x19d: {  	v60 =	vsel vm1, $0x1B85, v60;
	v0 =	vunpack.c.0.s8.s32 v55;
	[tilespmem:$0x1FFD0] =	vst v10;
	v58 =	vld [tilespmem:$0x1FDD0]  }
0x19e: {  	v35 =	vsel vm2, $0x1A06, v60;
	v60 =	vimm.s32 $0x32333031;
	[tilespmem:$0x1FFE0] =	vst v19;
	v59 =	vld [tilespmem:$0x1FDE0]  }
0x19f: {  	v5 =	vld [tilespmem:$0x1FDF0];
	[tilespmem:$0x1FC70] =	vst v0;
	v0 =	vunpack.c.0.s8.s32 v60  }
0x1a0: {  	v13 =	vimm.s32 $0x3D3C3F3E;
	[tilespmem:$0x1FFF0] =	vst v20;
	v55 =	vld [tilespmem:$0x1FDA0]  }
0x1a1: {  	v3 =	vsel vm0, v4, v3;
	v56 =	vld [tilespmem:$0x1FDB0];
	[tilespmem:$0x1FCA0] =	vst v0;
	v0 =	vunpack.c.0.s8.s32 v13  }
0x1a2: {  	[tilespmem:$0x1FE80] =	vst v3;
	v61 =	vld [tilespmem:$0x1FEA0]  }
0x1a3: {  	v18 =	vimm.s32 $0x38393A3B;
	v60 =	vld [tilespmem:$0x1FE90];
	[tilespmem:$0x1FCD0] =	vst v0;
	v1 =	vsel vm0, v58, v57  }
0x1a4: {  	v0 =	vunpack.c.0.s8.s32 v18;
	v2 =	vsel vm0, v5, v59;
	[tilespmem:$0x1FE50] =	vst v1  }
0x1a5: {  	v42 =	vcombine.low v54, v53;
	[tilespmem:$0x1FE60] =	vst v2  }
0x1a6: {  	v43 =	vcombine.low v56, v55;
	[tilespmem:$0x1FD00] =	vst v0  }
0x1a7: {  	s12 =	simm.s32 $0x6400;
	s13 =	simm.s32 $0x8400;
	s14 =	simm.s32 $0xA400;
	v6 =	vld [tilespmem:$0x1FE10];
	v45 =	vcombine.low v2, v1;
	[tilespmem:$0x1FF50] =	vst v42  }
0x1a8: {  	s0 =	srdreg.scid;
	s19 =	simm.s32 $0xC400;
	s21 =	simm.s32 $0xE400;
	v38 =	vimm.s32 $0x34353637;
	v62 =	vld [tilespmem:$0x1FEB0];
	v48 =	vcombine.low v61, v60;
	[tilespmem:$0x1FF60] =	vst v43  }
0x1a9: {  	s22 =	simm.s32 $0x1;
	s23 =	simm.s32 $0x10400;
	s28 =	simm.s32 $0x12400;
	v5 =	vld [tilespmem:$0x1FE00];
	v0 =	vunpack.c.0.s8.s32 v38;
	[tilespmem:$0x1FF80] =	vst v45  }
0x1aa: {  	s29 =	simm.s32 $0x3;
	s30 =	simm.s32 $0x14400;
	s31 =	simm.s32 $0x4;
	v63 =	vld [tilespmem:$0x1FEC0];
	v38 =	vlaneseq.u32;
	[tilespmem:$0x1FFB0] =	vst v48  }
0x1ab: {  	s15 =	simm.s32 $0x18400;
	s11 =	simm.s32 $0x0;
	s0 =	sand.u32 $0x1, s0;
	v46 =	vimm.s32 $0x37363534;
	v52 =	vmul.u32 $0xFFFFFFFF, v38;
	v47 =	vor.u32 $0x10, v38;
	[tilespmem:$0x1FD30] =	vst v0  }
0x1ac: {  	s4 =	sadd.s32 $0x19800, s2;
	s3 =	sor.u32 s0, s3;
	s0 =	ssub.s32 $0x2, s0;
	v0 =	vunpack.c.0.s8.s32 v46;
	[tilespmem:$0x1FFA0] =	vst v47  }
0x1ad: {  	s24 =	smul.u32 $0xC80, s3;
	s6 =	sshll.u32 s3, $0xA;
	s26 =	sshrl.u32 s0, $0x1;
	[tilespmem:$0x1FE40] =	vst v52  }
0x1ae: {  	s3 =	simm.s32 $0x16400;
	s7 =	sor.u32 $0x40000, s6;
	s8 =	sor.u32 $0x80000, s6;
	v5 =	vsel vm0, v6, v5;
	[tilespmem:$0x1FD60] =	vst v0  }
0x1af: {  	s9 =	sor.u32 $0xC0000, s6;
	s10 =	sor.u32 $0x100000, s6;
	s5 =	sadd.s32 s24, s2;
	v44 =	vadd.s32 $0xF, v52;
	v52 =	vcombine.low v63, v62;
	[tilespmem:$0x1FE70] =	vst v5  }
0x1b0: {  	s0 =	ssub.s32 s0, s26;
	s26 =	simm.s32 $0x2;
	s25 =	sadd.s32 $0x800, s5;
	v46 =	vcombine.low v3, v5;
	[tilespmem:$0x1FF70] =	vst v44  }
0x1b1: {  	s0 =	smax.u32 s0, $0x1;
	s24 =	simm.s32 $0x400;
	[dreg:$0x3] =	wrdreg s25;
	[tilespmem:$0x1FFC0] =	vst v52  }
0x1b2: {  	[dreg:$0x4] =	wrdreg s0;
	s25 =	simm.s32 $0x8000;
	s0 =	simm.s32 $0x5;
	[tilespmem:$0x1FF90] =	vst v46  }
.LBB2_1:
0x1b3: {  	s2 =	simm.s32 $0x0;
	s5 =	rddreg [dreg:$0x3];
	s20 =	simm.s32 $0xB  }
0x1b4: {  	[tilespmem:s2], [sflag:$0xB] =	stream.linear.gather [hbm4b:s5+s2], $0x6400, $0x38;
	[tilespmem:$0x1A400] =	vst v63  }
0x1b5: {  	_ =	swait.ge [sflag:s20], $0x6400  }
0x1b6: {  	[sflag:s20] =	ssyncset.done $0x0  }
0x1b7: {  	s16 =	simm.s32 $0x80;
	[sflag:s20] =	ssyncadd.s32 $0xFFFF9C00  }
0x1b8: {  	[tilespmem:s12], [sflag:$0x1] =	stream.indirect.gather [hbm4b:s4+s16], $0x40, s2, s16, $0xb8;
	[tilespmem:$0x1A400] =	vst v63  }
0x1b9: {  	_ = 	snop  }
0x1ba: {  	[tilespmem:s13], [sflag:$0x2] =	stream.indirect.gather [hbm4b:s4+s16], $0x40, s16, s16, $0xb8;
	[tilespmem:$0x1A400] =	vst v63  }
0x1bb: {  	s17 =	simm.s32 $0x100  }
0x1bc: {  	[tilespmem:s14], [sflag:$0x3] =	stream.indirect.gather [hbm4b:s4+s16], $0x40, s17, s16, $0xb8;
	[tilespmem:$0x1A400] =	vst v63  }
0x1bd: {  	s18 =	simm.s32 $0x180  }
0x1be: {  	[tilespmem:s19], [sflag:$0x4] =	stream.indirect.gather [hbm4b:s4+s16], $0x40, s18, s16, $0xb8;
	[tilespmem:$0x1A400] =	vst v63  }
0x1bf: {  	s20 =	simm.s32 $0x200;
	s18 =	simm.s32 $0x0  }
0x1c0: {  	[tilespmem:s21], [sflag:$0x5] =	stream.indirect.gather [hbm4b:s4+s16], $0x40, s20, s16, $0xb8;
	[tilespmem:$0x1A400] =	vst v63  }
.LBB2_2:
0x1c1: {  	_ =	swait.ge [sflag:s22], $0x2000  }
0x1c2: {  	p0 =	seq.s32 s18, $0x0;
	[sflag:s22] =	ssyncset.done $0x0  }
0x1c3: {  	s2 =	simm.s32 @!p0 $0x6;
	[sflag:s22] =	ssyncadd.s32 $0xFFFFE000  }
0x1c4: {  	_ =	swait.ge @!p0 [sflag:s2], $0x2000  }
0x1c5: {  	v2 =	vld [tilespmem:$0x1F710]  }
0x1c6: {  	v4 =	vld [tilespmem:$0x1F720]  }
0x1c7: {  	v5 =	vld [tilespmem:$0x1F730]  }
0x1c8: {  	v6 =	vld [tilespmem:$0x1F740]  }
0x1c9: {  	[sflag:s2] =	ssyncset.done @!p0 $0x0;
	v53 =	vld [tilespmem:$0x1F750]  }
0x1ca: {  	v58 =	vmov v7;
	v54 =	vld [tilespmem:$0x1F760];
	[sflag:s2] =	ssyncadd.s32 @!p0 $0xFFFFE000;
	s2 =	simm.s32 $0x0  }
.LBB2_3:
0x1cb: {  	v1 =	vor.u32 s2, v38  }
0x1cc: {  	v0 =	vshll.u32 v1, $0x6  }
0x1cd: {  	v12 =	vor.u32 v2, v0;
	v2 =	vld [tilespmem:$0x1F7D0];
	_ =	sdelay $0x4  }
0x1ce: {  	v16 =	vor.u32 v2, v0;
	v2 =	vld [tilespmem:$0x1F800];
	_ =	sdelay $0x4  }
0x1cf: {  	v17 =	vor.u32 v2, v0;
	v2 =	vld [tilespmem:$0x1F820];
	_ =	sdelay $0x4  }
0x1d0: {  	v18 =	vor.u32 v2, v0;
	v2 =	vld [tilespmem:$0x1F770];
	_ =	sdelay $0x4  }
0x1d1: {  	v24 =	vor.u32 v2, v0;
	v2 =	vld [tilespmem:$0x1F780];
	_ =	sdelay $0x4  }
0x1d2: {  	v25 =	vor.u32 v2, v0;
	v2 =	vld [tilespmem:$0x1F790];
	_ =	sdelay $0x4  }
0x1d3: {  	v26 =	vor.u32 v2, v0;
	v2 =	vld [tilespmem:$0x1F7A0];
	_ =	sdelay $0x4  }
0x1d4: {  	v27 =	vor.u32 v2, v0;
	v2 =	vld [tilespmem:$0x1F7B0];
	_ =	sdelay $0x3  }
0x1d5: {  	v3 =	vld [tilespmem:$0x1FDD0]  }
0x1d6: {  	v28 =	vor.u32 v2, v0;
	v2 =	vld [tilespmem:$0x1FDC0];
	_ =	sdelay $0x3  }
0x1d7: {  	v19 =	vld [tilespmem:$0x1FE40]  }
0x1d8: {  	v11 =	vor.u32 v38, v0;
	v61 =	vsel vm0, v2, v3;
	v2 =	vld [tilespmem:$0x1FDE0]  }
0x1d9: {  	v3 =	vld [tilespmem:$0x1FDF0]  }
0x1da: {  	v13 =	vor.u32 v4, v0;
	v4 =	vld [tilespmem:$0x1FE30]  }
0x1db: {  	v14 =	vor.u32 v5, v0;
	v5 =	vld [tilespmem:$0x1F900]  }
0x1dc: {  	v15 =	vor.u32 v6, v0;
	v6 =	vld [tilespmem:$0x1F910]  }
0x1dd: {  	v11 =	vld.idx.msk [tilespmem:v11+s12+$0x0], $0xffff  }
0x1de: {  	v62 =	vsel vm0, v2, v3;
	v3 =	vld [tilespmem:$0x1FE20]  }
0x1df: {  	v12 =	vld.idx.msk [tilespmem:v12+s12+$0x0], $0xffff  }
0x1e0: {  	v22 =	vor.u32 v53, v0;
	v13 =	vld.idx.msk [tilespmem:v13+s12+$0x0], $0xffff  }
0x1e1: {  	v39 =	vor.u32 v47, v0;
	v14 =	vld.idx.msk [tilespmem:v14+s12+$0x0], $0xffff  }
0x1e2: {  	v41 =	vor.u32 v43, v0;
	v15 =	vld.idx.msk [tilespmem:v15+s12+$0x0], $0xffff  }
0x1e3: {  	v63 =	vsel vm0, v3, v4;
	v3 =	vld [tilespmem:$0x1FE00]  }
0x1e4: {  	v4 =	vld [tilespmem:$0x1FE10]  }
0x1e5: {  	v23 =	vor.u32 v54, v0;
	v22 =	vld.idx.msk [tilespmem:v22+s12+$0x0], $0xffff  }
0x1e6: {  	v29 =	vor.u32 v44, v0;
	v60 =	vor.u32 v48, v0;
	v48 =	vld.idx.msk [tilespmem:v39+s12+$0x0], $0xffff;
	v2 =	vcombine.low v62, v61  }
0x1e7: {  	v40 =	vor.u32 v42, v0;
	v50 =	vld.idx.msk [tilespmem:v41+s12+$0x0], $0xffff  }
0x1e8: {  	[tilespmem:$0x1F550] =	vst v2;
	v41 =	vor.u32 v2, v0;
	v2 =	vld [tilespmem:$0x1FD80]  }
0x1e9: {  	v39 =	vsel vm0, v3, v4;
	v4 =	vld [tilespmem:$0x1FD90]  }
0x1ea: {  	v57 =	vor.u32 v45, v0;
	v23 =	vld.idx.msk [tilespmem:v23+s12+$0x0], $0xffff  }
0x1eb: {  	v59 =	vor.u32 v46, v0;
	v29 =	vld.idx.msk [tilespmem:v29+s12+$0x0], $0xffff;
	v3 =	vcombine.low v39, v63  }
0x1ec: {  	v49 =	vld.idx.msk [tilespmem:v40+s12+$0x0], $0xffff  }
0x1ed: {  	[tilespmem:$0x1F560] =	vst v3;
	v42 =	vor.u32 v3, v0;
	v3 =	vld [tilespmem:$0x1FDA0]  }
0x1ee: {  	v2 =	vcombine.low v2, v4;
	v4 =	vld [tilespmem:$0x1FDB0]  }
0x1ef: {  	v51 =	vld.idx.msk [tilespmem:v57+s12+$0x0], $0xffff  }
0x1f0: {  	v40 =	vor.u32 v52, v0;
	v43 =	vld.idx.msk [tilespmem:v59+s12+$0x0], $0xffff  }
0x1f1: {  	v55 =	vld.idx.msk [tilespmem:v60+s12+$0x0], $0xffff  }
0x1f2: {  	[tilespmem:$0x1F570] =	vst v2;
	v45 =	vor.u32 v2, v0;
	v2 =	vld [tilespmem:$0x1FE50]  }
0x1f3: {  	v3 =	vcombine.low v3, v4;
	v4 =	vld [tilespmem:$0x1FE60]  }
0x1f4: {  	v16 =	vld.idx.msk [tilespmem:v16+s12+$0x0], $0xffff  }
0x1f5: {  	v57 =	vld.idx.msk [tilespmem:v40+s12+$0x0], $0xffff  }
0x1f6: {  	v17 =	vld.idx.msk [tilespmem:v17+s12+$0x0], $0xffff  }
0x1f7: {  	[tilespmem:$0x1F580] =	vst v3;
	v56 =	vor.u32 v3, v0;
	v3 =	vld [tilespmem:$0x1FE70]  }
0x1f8: {  	v2 =	vcombine.low v2, v4;
	v4 =	vld [tilespmem:$0x1FE80]  }
0x1f9: {  	v18 =	vld.idx.msk [tilespmem:v18+s12+$0x0], $0xffff  }
0x1fa: {  	v24 =	vld.idx.msk [tilespmem:v24+s12+$0x0], $0xffff  }
0x1fb: {  	v25 =	vld.idx.msk [tilespmem:v25+s12+$0x0], $0xffff  }
0x1fc: {  	[tilespmem:$0x1F590] =	vst v2;
	v47 =	vor.u32 v2, v0;
	v2 =	vld [tilespmem:$0x1FE90]  }
0x1fd: {  	v3 =	vcombine.low v3, v4;
	v4 =	vld [tilespmem:$0x1FEA0]  }
0x1fe: {  	v26 =	vld.idx.msk [tilespmem:v26+s12+$0x0], $0xffff  }
0x1ff: {  	v27 =	vld.idx.msk [tilespmem:v27+s12+$0x0], $0xffff  }
0x200: {  	v28 =	vld.idx.msk [tilespmem:v28+s12+$0x0], $0xffff  }
0x201: {  	[tilespmem:$0x1F5A0] =	vst v3;
	v60 =	vor.u32 v3, v0;
	v3 =	vld [tilespmem:$0x1FEB0]  }
0x202: {  	v2 =	vcombine.low v2, v4;
	v4 =	vld [tilespmem:$0x1FEC0]  }
0x203: {  	v59 =	vld.idx.msk [tilespmem:v41+s12+$0x0], $0xffff  }
0x204: {  	v52 =	vld.idx.msk [tilespmem:v42+s12+$0x0], $0xffff;
	[tilespmem:$0x1F5B0] =	vst v2;
	v61 =	vor.u32 v2, v0;
	v2 =	vadd.s32 $0x1F, v19  }
0x205: {  	[tilespmem:$0x1F5D0] =	vst v2;
	v63 =	vor.u32 v2, v0;
	v2 =	vld [tilespmem:$0x1F8B0]  }
0x206: {  	v54 =	vld.idx.msk [tilespmem:v45+s12+$0x0], $0xffff  }
0x207: {  	v56 =	vld.idx.msk [tilespmem:v56+s12+$0x0], $0xffff;
	v3 =	vcombine.low v3, v4  }
0x208: {  	v7 =	vmov v58;
	v58 =	vld.idx.msk [tilespmem:v47+s12+$0x0], $0xffff  }
0x209: {  	v1 =	vand.u32 $0x78, v1;
	v60 =	vld.idx.msk [tilespmem:v60+s12+$0x0], $0xffff;
	v62 =	vor.u32 v3, v0  }
0x20a: {  	v4 =	vld [tilespmem:$0x1F8F0];
	v2 =	vor.u32 v2, v1  }
0x20b: {  	[tilespmem:$0x1F5C0] =	vst v3;
	v3 =	vld [tilespmem:$0x1F8D0]  }
0x20c: {  	v61 =	vld.idx.msk [tilespmem:v61+s12+$0x0], $0xffff  }
0x20d: {  	v63 =	vld.idx.msk [tilespmem:v63+s12+$0x0], $0xffff  }
0x20e: {  	v62 =	vld.idx.msk [tilespmem:v62+s12+$0x0], $0xffff  }
0x20f: {  	[tilespmem:v2+s23+$0x0] =	vst.idx.msk $0xffff, v11;
	v2 =	vld [tilespmem:$0x1F920]  }
0x210: {  	v3 =	vor.u32 v3, v1  }
0x211: {  	v4 =	vor.u32 v4, v1  }
0x212: {  	v5 =	vor.u32 v5, v1  }
0x213: {  	v6 =	vor.u32 v6, v1  }
0x214: {  	v2 =	vor.u32 v2, v1  }
0x215: {  	[tilespmem:v3+s23+$0x0] =	vst.idx.msk $0xffff, v12;
	v3 =	vld [tilespmem:$0x1F930]  }
0x216: {  	[tilespmem:v4+s23+$0x0] =	vst.idx.msk $0xffff, v13;
	v4 =	vld [tilespmem:$0x1F940]  }
0x217: {  	[tilespmem:v5+s23+$0x0] =	vst.idx.msk $0xffff, v14;
	v5 =	vld [tilespmem:$0x1F950]  }
0x218: {  	[tilespmem:v6+s23+$0x0] =	vst.idx.msk $0xffff, v15;
	v6 =	vld [tilespmem:$0x1F960]  }
0x219: {  	[tilespmem:v2+s23+$0x0] =	vst.idx.msk $0xffff, v16;
	v2 =	vld [tilespmem:$0x1F970]  }
0x21a: {  	v3 =	vor.u32 v3, v1  }
0x21b: {  	v4 =	vor.u32 v4, v1  }
0x21c: {  	v5 =	vor.u32 v5, v1  }
0x21d: {  	v6 =	vor.u32 v6, v1  }
0x21e: {  	v2 =	vor.u32 v2, v1  }
0x21f: {  	[tilespmem:v3+s23+$0x0] =	vst.idx.msk $0xffff, v17;
	v3 =	vld [tilespmem:$0x1F980]  }
0x220: {  	[tilespmem:v4+s23+$0x0] =	vst.idx.msk $0xffff, v18;
	v4 =	vld [tilespmem:$0x1F990]  }
0x221: {  	[tilespmem:v5+s23+$0x0] =	vst.idx.msk $0xffff, v22;
	v5 =	vld [tilespmem:$0x1F9A0]  }
0x222: {  	[tilespmem:v6+s23+$0x0] =	vst.idx.msk $0xffff, v23;
	v6 =	vld [tilespmem:$0x1F9B0]  }
0x223: {  	[tilespmem:v2+s23+$0x0] =	vst.idx.msk $0xffff, v24;
	v2 =	vld [tilespmem:$0x1F9C0]  }
0x224: {  	v3 =	vor.u32 v3, v1  }
0x225: {  	v4 =	vor.u32 v4, v1  }
0x226: {  	v5 =	vor.u32 v5, v1  }
0x227: {  	v6 =	vor.u32 v6, v1  }
0x228: {  	v2 =	vor.u32 v2, v1  }
0x229: {  	[tilespmem:v3+s23+$0x0] =	vst.idx.msk $0xffff, v25;
	v3 =	vld [tilespmem:$0x1F9D0]  }
0x22a: {  	[tilespmem:v4+s23+$0x0] =	vst.idx.msk $0xffff, v26;
	v4 =	vld [tilespmem:$0x1F9E0]  }
0x22b: {  	[tilespmem:v5+s23+$0x0] =	vst.idx.msk $0xffff, v27;
	v5 =	vld [tilespmem:$0x1F9F0]  }
0x22c: {  	[tilespmem:v6+s23+$0x0] =	vst.idx.msk $0xffff, v28;
	v6 =	vld [tilespmem:$0x1FA00]  }
0x22d: {  	[tilespmem:v2+s23+$0x0] =	vst.idx.msk $0xffff, v29;
	v2 =	vld [tilespmem:$0x1FA10]  }
0x22e: {  	v3 =	vor.u32 v3, v1  }
0x22f: {  	v4 =	vor.u32 v4, v1  }
0x230: {  	v10 =	vld [tilespmem:$0x1FB80];
	v5 =	vor.u32 v5, v1  }
0x231: {  	v44 =	vld [tilespmem:$0x1FCD0];
	v6 =	vor.u32 v6, v1  }
0x232: {  	v46 =	vld [tilespmem:$0x1FCF0];
	v2 =	vor.u32 v2, v1  }
0x233: {  	[tilespmem:v3+s23+$0x0] =	vst.idx.msk $0xffff, v48;
	v3 =	vld [tilespmem:$0x1FA20]  }
0x234: {  	[tilespmem:v4+s23+$0x0] =	vst.idx.msk $0xffff, v49;
	v4 =	vld [tilespmem:$0x1FA30]  }
0x235: {  	[tilespmem:v5+s23+$0x0] =	vst.idx.msk $0xffff, v50;
	v5 =	vld [tilespmem:$0x1FA40]  }
0x236: {  	[tilespmem:v6+s23+$0x0] =	vst.idx.msk $0xffff, v51;
	v6 =	vld [tilespmem:$0x1FA50]  }
0x237: {  	[tilespmem:v2+s23+$0x0] =	vst.idx.msk $0xffff, v43;
	v2 =	vld [tilespmem:$0x1FA60]  }
0x238: {  	v16 =	vld [tilespmem:$0x1FB90];
	v3 =	vor.u32 v3, v1  }
0x239: {  	v17 =	vld [tilespmem:$0x1FBA0];
	v4 =	vor.u32 v4, v1  }
0x23a: {  	v18 =	vld [tilespmem:$0x1FBB0];
	v5 =	vor.u32 v5, v1  }
0x23b: {  	v25 =	vld [tilespmem:$0x1FBC0];
	v6 =	vor.u32 v6, v1  }
0x23c: {  	v26 =	vld [tilespmem:$0x1FBD0];
	v2 =	vor.u32 v2, v1  }
0x23d: {  	[tilespmem:v3+s23+$0x0] =	vst.idx.msk $0xffff, v55;
	v3 =	vld [tilespmem:$0x1FA70]  }
0x23e: {  	[tilespmem:v4+s23+$0x0] =	vst.idx.msk $0xffff, v57;
	v4 =	vld [tilespmem:$0x1FA80]  }
0x23f: {  	[tilespmem:v5+s23+$0x0] =	vst.idx.msk $0xffff, v59;
	v5 =	vld [tilespmem:$0x1FA90]  }
0x240: {  	[tilespmem:v6+s23+$0x0] =	vst.idx.msk $0xffff, v52;
	v6 =	vld [tilespmem:$0x1FAA0]  }
0x241: {  	[tilespmem:v2+s23+$0x0] =	vst.idx.msk $0xffff, v54;
	v2 =	vld [tilespmem:$0x1FAB0]  }
0x242: {  	v27 =	vld [tilespmem:$0x1FBE0];
	v3 =	vor.u32 v3, v1  }
0x243: {  	v28 =	vld [tilespmem:$0x1FBF0];
	v4 =	vor.u32 v4, v1  }
0x244: {  	v29 =	vld [tilespmem:$0x1FC00];
	v5 =	vor.u32 v5, v1  }
0x245: {  	v49 =	vld [tilespmem:$0x1FC40];
	v6 =	vor.u32 v6, v1  }
0x246: {  	v50 =	vld [tilespmem:$0x1FC50];
	v2 =	vor.u32 v2, v1  }
0x247: {  	v51 =	vld [tilespmem:$0x1FC60];
	[tilespmem:v3+s23+$0x0] =	vst.idx.msk $0xffff, v56  }
0x248: {  	v52 =	vld [tilespmem:$0x1FC70];
	[tilespmem:v4+s23+$0x0] =	vst.idx.msk $0xffff, v58  }
0x249: {  	v48 =	vld [tilespmem:$0x1FC30];
	[tilespmem:v5+s23+$0x0] =	vst.idx.msk $0xffff, v60  }
0x24a: {  	[tilespmem:v6+s23+$0x0] =	vst.idx.msk $0xffff, v61;
	v61 =	vld [tilespmem:$0x1FC10]  }
0x24b: {  	[tilespmem:v2+s23+$0x0] =	vst.idx.msk $0xffff, v62;
	v2 =	vld [tilespmem:$0x1FAC0]  }
0x24c: {  	v62 =	vld [tilespmem:$0x1FC20]  }
0x24d: {  	v40 =	vld [tilespmem:$0x1FC90];
	v11 =	vsel vm0, v28, v27;
	v14 =	vsel vm0, v50, v49;
	v15 =	vsel vm0, v52, v51  }
0x24e: {  	v41 =	vld [tilespmem:$0x1FCA0];
	v23 =	vcombine.low v15, v14;
	v4 =	vsel vm0, v16, v10;
	v5 =	vsel vm0, v18, v17  }
0x24f: {  	v39 =	vld [tilespmem:$0x1FC80];
	v14 =	vcombine.low v14, v15;
	v58 =	vmovc v7;
	v7 =	vcombine.low v5, v4;
	v6 =	vsel vm0, v26, v25  }
0x250: {  	v42 =	vld [tilespmem:$0x1FCB0];
	[tilespmem:$0x1F610] =	vst v23;
	v25 =	vsel vm0, v25, v26;
	v26 =	vsel vm0, v27, v28;
	v8 =	vcombine.low v11, v6  }
0x251: {  	v45 =	vld [tilespmem:$0x1FCE0];
	[tilespmem:$0x1F690] =	vst v14;
	v12 =	vsel vm0, v61, v29;
	v2 =	vor.u32 v2, v1;
	v13 =	vsel vm0, v48, v62  }
0x252: {  	v47 =	vld [tilespmem:$0x1FD00];
	[tilespmem:$0x1F5E0] =	vst v7;
	v27 =	vsel vm0, v29, v61;
	v28 =	vsel vm0, v62, v48;
	v9 =	vcombine.low v13, v12  }
0x253: {  	v43 =	vld [tilespmem:$0x1FCC0];
	v17 =	vsel vm0, v17, v18;
	[tilespmem:$0x1F5F0] =	vst v8;
	v18 =	vor.u32 v8, v0;
	v8 =	vcombine.low v28, v27  }
0x254: {  	v59 =	vld [tilespmem:$0x1FD70];
	v16 =	vsel vm0, v10, v16;
	v23 =	vor.u32 v23, v0;
	v28 =	vsel vm0, v49, v50;
	[tilespmem:$0x1F600] =	vst v9  }
0x255: {  	v48 =	vld [tilespmem:$0x1FD10];
	v22 =	vor.u32 v9, v0;
	v9 =	vcombine.low v4, v5;
	[tilespmem:$0x1F640] =	vst v8;
	v5 =	vor.u32 v8, v0  }
0x256: {  	v49 =	vld [tilespmem:$0x1FD20];
	v8 =	vcombine.low v6, v11;
	v11 =	vcombine.low v12, v13;
	[tilespmem:v2+s23+$0x0] =	vst.idx.msk $0xffff, v63  }
0x257: {  	v50 =	vld [tilespmem:$0x1FD30];
	v2 =	vor.u32 v7, v0;
	v7 =	vcombine.low v17, v16;
	[tilespmem:$0x1F660] =	vst v9;
	v13 =	vor.u32 v9, v0  }
0x258: {  	v55 =	vor.u32 $0x20, v38;
	v27 =	vsel vm0, v51, v52;
	[tilespmem:$0x1F670] =	vst v8;
	v4 =	vld.idx.msk [tilespmem:v18+s12+$0x0], $0xffff;
	v18 =	vcombine.low v16, v17  }
0x259: {  	v51 =	vld [tilespmem:$0x1FD40];
	v16 =	vor.u32 v11, v0;
	[tilespmem:$0x1F620] =	vst v7;
	v24 =	vor.u32 v7, v0;
	v7 =	vcombine.low v26, v25  }
0x25a: {  	v3 =	vor.u32 v55, v0;
	v52 =	vld [tilespmem:$0x1FD50];
	[tilespmem:$0x1F680] =	vst v11;
	v17 =	vor.u32 v14, v0  }
0x25b: {  	v11 =	vadd.s32 $0x2F, v19;
	v6 =	vld.idx.msk [tilespmem:v22+s12+$0x0], $0xffff;
	[tilespmem:$0x1F630] =	vst v7;
	v29 =	vor.u32 v7, v0;
	v7 =	vcombine.low v28, v27  }
0x25c: {  	v57 =	vmov v36;
	v15 =	vor.u32 v8, v0;
	[tilespmem:$0x1F6C0] =	vst v11;
	v22 =	vcombine.low v25, v26;
	v60 =	vld.idx.msk [tilespmem:v13+s12+$0x0], $0xffff  }
0x25d: {  	v61 =	vmov v32;
	v25 =	vsel vm0, v44, v43;
	[tilespmem:$0x1F650] =	vst v7;
	v12 =	vor.u32 v7, v0;
	v7 =	vld.idx.msk [tilespmem:v23+s12+$0x0], $0xffff  }
0x25e: {  	v26 =	vsel vm0, v46, v45;
	v27 =	vsel vm0, v48, v47;
	v28 =	vsel vm0, v50, v49;
	v32 =	vld.idx.msk [tilespmem:v16+s12+$0x0], $0xffff  }
0x25f: {  	v56 =	vmov v34;
	[tilespmem:$0x1F6A0] =	vst v18;
	v13 =	vcombine.low v26, v25;
	v53 =	vcombine.low v28, v27;
	v36 =	vld.idx.msk [tilespmem:v17+s12+$0x0], $0xffff  }
0x260: {  	v62 =	vmov v21;
	v18 =	vor.u32 v18, v0;
	[tilespmem:$0x1F6B0] =	vst v22;
	v22 =	vor.u32 v22, v0;
	v8 =	vld.idx.msk [tilespmem:v24+s12+$0x0], $0xffff  }
0x261: {  	v23 =	vsel vm0, v40, v39;
	v24 =	vsel vm0, v42, v41;
	[tilespmem:$0x1F700] =	vst v53;
	v34 =	vor.u32 v53, v0;
	v53 =	vld [tilespmem:$0x1FD60]  }
0x262: {  	v17 =	vsel vm0, v47, v48;
	v14 =	vcombine.low v24, v23;
	v9 =	vld.idx.msk [tilespmem:v29+s12+$0x0], $0xffff;
	v29 =	vor.u32 v11, v0  }
0x263: {  	[tilespmem:$0x1F6F0] =	vst v13;
	v11 =	vmovc v33;
	v33 =	vor.u32 v13, v0;
	v13 =	vmov v30;
	v10 =	vld.idx.msk [tilespmem:v12+s12+$0x0], $0xffff;
	v12 =	vor.u32 $0x30, v38  }
0x264: {  	v30 =	vsel vm0, v41, v42;
	v42 =	vsel vm0, v45, v46;
	[tilespmem:$0x1F6E0] =	vst v14;
	v38 =	vsel vm0, v39, v40  }
0x265: {  	v63 =	vmov v31;
	v41 =	vld.idx.msk [tilespmem:v22+s12+$0x0], $0xffff;
	[tilespmem:$0x1F6D0] =	vst v12;
	v21 =	vor.u32 v12, v0;
	v16 =	vcombine.low v30, v38  }
0x266: {  	v22 =	vsel vm0, v53, v59;
	v12 =	vmovc v35;
	v35 =	vsel vm0, v52, v51;
	v51 =	vsel vm0, v51, v52  }
0x267: {  	v31 =	vor.u32 v14, v0;
	v39 =	vld.idx.msk [tilespmem:v18+s12+$0x0], $0xffff;
	v40 =	vsel vm0, v43, v44;
	v22 =	vcombine.low v51, v22  }
0x268: {  	v18 =	vsel vm0, v49, v50;
	v14 =	vmovc v37;
	v37 =	vsel vm0, v59, v53;
	v44 =	vor.u32 v16, v0  }
0x269: {  	v3 =	vld.idx.msk [tilespmem:v3+s12+$0x0], $0xffff;
	v17 =	vcombine.low v18, v17;
	v18 =	vcombine.low v42, v40;
	v59 =	vor.u32 v22, v0  }
0x26a: {  	v5 =	vld.idx.msk [tilespmem:v5+s12+$0x0], $0xffff  }
0x26b: {  	v2 =	vld.idx.msk [tilespmem:v2+s12+$0x0], $0xffff;
	v23 =	vcombine.low v23, v24;
	v24 =	vcombine.low v25, v26;
	v52 =	vor.u32 v18, v0  }
0x26c: {  	v20 =	vld.idx.msk [tilespmem:v15+s12+$0x0], $0xffff;
	v25 =	vcombine.low v27, v28;
	v27 =	vcombine.low v38, v30;
	v53 =	vor.u32 v17, v0  }
0x26d: {  	v15 =	vcombine.low v37, v35;
	v26 =	vcombine.low v35, v37;
	v51 =	vor.u32 v24, v0;
	v35 =	vld.idx.msk [tilespmem:v44+s12+$0x0], $0xffff  }
0x26e: {  	v44 =	vld.idx.msk [tilespmem:v59+s12+$0x0], $0xffff;
	v59 =	vor.u32 v27, v0  }
0x26f: {  	v43 =	vld.idx.msk [tilespmem:v29+s12+$0x0], $0xffff  }
0x270: {  	v29 =	vor.u32 v15, v0;
	v30 =	vld.idx.msk [tilespmem:v52+s12+$0x0], $0xffff  }
0x271: {  	v28 =	vcombine.low v40, v42;
	v52 =	vor.u32 v25, v0;
	v40 =	vld.idx.msk [tilespmem:v53+s12+$0x0], $0xffff  }
0x272: {  	v37 =	vld.idx.msk [tilespmem:v51+s12+$0x0], $0xffff  }
0x273: {  	v53 =	vor.u32 v26, v0;
	v45 =	vld.idx.msk [tilespmem:v59+s12+$0x0], $0xffff  }
0x274: {  	v59 =	vld [tilespmem:$0x1FAF0]  }
0x275: {  	v48 =	vld.idx.msk [tilespmem:v29+s12+$0x0], $0xffff  }
0x276: {  	v38 =	vld.idx.msk [tilespmem:v52+s12+$0x0], $0xffff  }
0x277: {  	v29 =	vor.u32 v23, v0;
	v52 =	vld [tilespmem:$0x1FAD0]  }
0x278: {  	v42 =	vld.idx.msk [tilespmem:v53+s12+$0x0], $0xffff  }
0x279: {  	v51 =	vor.u32 v59, v1;
	v59 =	vld [tilespmem:$0x1FB00]  }
0x27a: {  	v53 =	vld [tilespmem:$0x1FAE0]  }
0x27b: {  	v34 =	vld.idx.msk [tilespmem:v34+s12+$0x0], $0xffff  }
0x27c: {  	v47 =	vor.u32 v28, v0;
	v46 =	vld.idx.msk [tilespmem:v29+s12+$0x0], $0xffff;
	v29 =	vadd.s32 $0x3F, v19  }
0x27d: {  	v33 =	vld.idx.msk [tilespmem:v33+s12+$0x0], $0xffff;
	v0 =	vor.u32 v29, v0  }
0x27e: {  	v49 =	vor.u32 v52, v1;
	v52 =	vor.u32 v59, v1;
	v59 =	vld [tilespmem:$0x1FB10]  }
0x27f: {  	v31 =	vld.idx.msk [tilespmem:v31+s12+$0x0], $0xffff;
	v50 =	vor.u32 v53, v1  }
0x280: {  	v21 =	vld.idx.msk [tilespmem:v21+s12+$0x0], $0xffff  }
0x281: {  	v47 =	vld.idx.msk [tilespmem:v47+s12+$0x0], $0xffff  }
0x282: {  	v0 =	vld.idx.msk [tilespmem:v0+s12+$0x0], $0xffff  }
0x283: {  	[tilespmem:v49+s23+$0x0] =	vst.idx.msk $0xffff, v3;
	v3 =	vld [tilespmem:$0x1FB20];
	v53 =	vor.u32 v59, v1  }
0x284: {  	[tilespmem:v50+s23+$0x0] =	vst.idx.msk $0xffff, v2;
	v2 =	vld [tilespmem:$0x1FB30];
	_ =	sdelay $0x1  }
0x285: {  	[tilespmem:v51+s23+$0x0] =	vst.idx.msk $0xffff, v4;
	v4 =	vld [tilespmem:$0x1FB40]  }
0x286: {  	[tilespmem:v52+s23+$0x0] =	vst.idx.msk $0xffff, v6;
	v6 =	vld [tilespmem:$0x1FB50]  }
0x287: {  	v3 =	vor.u32 v3, v1;
	[tilespmem:v53+s23+$0x0] =	vst.idx.msk $0xffff, v7;
	v7 =	vld [tilespmem:$0x1FB60]  }
0x288: {  	v2 =	vor.u32 v2, v1;
	_ =	sdelay $0x1  }
0x289: {  	v4 =	vor.u32 v4, v1  }
0x28a: {  	v6 =	vor.u32 v6, v1  }
0x28b: {  	[tilespmem:v3+s23+$0x0] =	vst.idx.msk $0xffff, v8;
	v7 =	vor.u32 v7, v1  }
0x28c: {  	v3 =	vor.u32 v58, v1;
	[tilespmem:v2+s23+$0x0] =	vst.idx.msk $0xffff, v9;
	v2 =	vld [tilespmem:$0x1FB70]  }
0x28d: {  	v8 =	vld [tilespmem:$0x1FF00]  }
0x28e: {  	v9 =	vld [tilespmem:$0x1FF10];
	[tilespmem:v4+s23+$0x0] =	vst.idx.msk $0xffff, v5  }
0x28f: {  	[tilespmem:v6+s23+$0x0] =	vst.idx.msk $0xffff, v10;
	v10 =	vld [tilespmem:$0x1FFD0]  }
0x290: {  	v19 =	vld [tilespmem:$0x1FFE0];
	[tilespmem:v7+s23+$0x0] =	vst.idx.msk $0xffff, v60  }
0x291: {  	v2 =	vor.u32 v2, v1;
	[tilespmem:v3+s23+$0x0] =	vst.idx.msk $0xffff, v20;
	v20 =	vld [tilespmem:$0x1FFF0]  }
0x292: {  	v49 =	vld [tilespmem:$0x1FED0];
	v4 =	vor.u32 v8, v1  }
0x293: {  	v59 =	vld [tilespmem:$0x1FEE0];
	v5 =	vor.u32 v9, v1  }
0x294: {  	v6 =	vor.u32 v10, v1  }
0x295: {  	v51 =	vld [tilespmem:$0x1FEF0];
	v3 =	vor.u32 v19, v1  }
0x296: {  	[tilespmem:v2+s23+$0x0] =	vst.idx.msk $0xffff, v32;
	v2 =	vor.u32 v20, v1  }
0x297: {  	[tilespmem:v4+s23+$0x0] =	vst.idx.msk $0xffff, v36;
	v4 =	vor.u32 v49, v1  }
0x298: {  	[tilespmem:v5+s23+$0x0] =	vst.idx.msk $0xffff, v39;
	v5 =	vor.u32 v59, v1  }
0x299: {  	[tilespmem:v6+s23+$0x0] =	vst.idx.msk $0xffff, v41;
	v6 =	vor.u32 v61, v1  }
0x29a: {  	[tilespmem:v3+s23+$0x0] =	vst.idx.msk $0xffff, v43;
	v3 =	vor.u32 v51, v1  }
0x29b: {  	v54 =	vld [tilespmem:$0x1F760];
	[tilespmem:v2+s23+$0x0] =	vst.idx.msk $0xffff, v21;
	v2 =	vor.u32 v62, v1  }
0x29c: {  	v52 =	vld [tilespmem:$0x1FFC0];
	[tilespmem:v4+s23+$0x0] =	vst.idx.msk $0xffff, v31;
	v4 =	vor.u32 v63, v1  }
0x29d: {  	v39 =	vld [tilespmem:$0x1FF20];
	[tilespmem:v5+s23+$0x0] =	vst.idx.msk $0xffff, v33;
	v5 =	vor.u32 v11, v1  }
0x29e: {  	v53 =	vld [tilespmem:$0x1F750];
	[tilespmem:v6+s23+$0x0] =	vst.idx.msk $0xffff, v34;
	v6 =	vor.u32 v56, v1  }
0x29f: {  	v60 =	vld [tilespmem:$0x1FF30];
	[tilespmem:v3+s23+$0x0] =	vst.idx.msk $0xffff, v48;
	v3 =	vor.u32 v57, v1  }
0x2a0: {  	v59 =	vld [tilespmem:$0x1FF40];
	[tilespmem:v2+s23+$0x0] =	vst.idx.msk $0xffff, v35;
	v2 =	vor.u32 v12, v1  }
0x2a1: {  	v43 =	vld [tilespmem:$0x1FF60];
	[tilespmem:v4+s23+$0x0] =	vst.idx.msk $0xffff, v30;
	v4 =	vor.u32 v13, v1  }
0x2a2: {  	v48 =	vld [tilespmem:$0x1FFB0];
	[tilespmem:v5+s23+$0x0] =	vst.idx.msk $0xffff, v40;
	v5 =	vor.u32 v39, v1  }
0x2a3: {  	[tilespmem:v6+s23+$0x0] =	vst.idx.msk $0xffff, v44;
	v44 =	vld [tilespmem:$0x1FF70]  }
0x2a4: {  	v6 =	vor.u32 v60, v1;
	[tilespmem:v3+s23+$0x0] =	vst.idx.msk $0xffff, v46;
	v46 =	vld [tilespmem:$0x1FF90]  }
0x2a5: {  	v3 =	vor.u32 v59, v1;
	[tilespmem:v2+s23+$0x0] =	vst.idx.msk $0xffff, v37;
	v2 =	vld [tilespmem:$0x1F710]  }
0x2a6: {  	p1 =	sne.s32 s2, $0x70;
	v1 =	vor.u32 v14, v1;
	[tilespmem:v4+s23+$0x0] =	vst.idx.msk $0xffff, v38;
	v4 =	vld [tilespmem:$0x1F720]  }
.Ltmp0:
0x2a7: {  	[tilespmem:v5+s23+$0x0] =	vst.idx.msk $0xffff, v42;
	v5 =	vld [tilespmem:$0x1F730];
	(pc) =	sbr.rel @p1 .LBB2_3-.Ltmp0, $4  }
0x2a8: {  	v42 =	vld [tilespmem:$0x1FF50]  }
0x2a9: {  	[tilespmem:v6+s23+$0x0] =	vst.idx.msk $0xffff, v45;
	v6 =	vld [tilespmem:$0x1F740]  }
0x2aa: {  	v32 =	vmovc v61;
	v36 =	vmovc v57;
	v21 =	vmov v62;
	v31 =	vmov v63;
	v33 =	vmov v11;
	v45 =	vld [tilespmem:$0x1FF80];
	[tilespmem:v3+s23+$0x0] =	vst.idx.msk $0xffff, v47  }
0x2ab: {  	s2 =	sadd.s32 $0x10, s2;
	v34 =	vmovc v56;
	v35 =	vmovc v12;
	v30 =	vmov v13;
	v37 =	vmov v14;
	v38 =	vlaneseq.u32;
	v47 =	vld [tilespmem:$0x1FFA0];
	[tilespmem:v1+s23+$0x0] =	vst.idx.msk $0xffff, v0  }
0x2ac: {  	p1 =	seq.s32 s18, $0x27  }
0x2ad: {  	s2 =	smul.u32 @!p1 $0xA00, s18;
	_ =	sdelay $0x1  }
0x2ae: {  	s20 =	smul.u32 $0x140000, s18;
	s2 =	sshra.s32 @!p1 s2, $0x2  }
0x2af: {  	s16 =	simm.s32 @!p1 $0x80;
	s17 =	simm.s32 @!p1 $0x6400;
	s5 =	sadd.s32 @!p1 $0x280, s2  }
0x2b0: {  	[tilespmem:s17], [sflag:$0x1] =	stream.indirect.gather @!p1 [hbm4b:s4+s16], $0x40, s5, s16, $0xb8;
	[tilespmem:$0x1A400] =	vst v63  }
0x2b1: {  	s17 =	sor.u32 s6, s20  }
0x2b2: {  	s5 =	sshrl.u32 s17, $0x3  }
0x2b3: {  	s5 =	sadd.s32 s1, s5  }
0x2b4: {  	[hbm4b:s5+s24] =	stream.strided.scatter [tilespmem:s23], [sflag:$0x6], $0x2000, s25, s24, $0x38;
	[tilespmem:$0x1A400] =	vst v63  }
0x2b5: {  	_ =	swait.ge [sflag:s26], $0x2000  }
0x2b6: {  	[sflag:s26] =	ssyncset.done $0x0  }
0x2b7: {  	s5 =	simm.s32 @!p0 $0x7;
	[sflag:s26] =	ssyncadd.s32 $0xFFFFE000  }
0x2b8: {  	_ =	swait.ge @!p0 [sflag:s5], $0x2000  }
0x2b9: {  	[sflag:s5] =	ssyncset.done @!p0 $0x0  }
0x2ba: {  	[tilespmem:$0x1F540] =	vst v55;
	v55 =	vld [tilespmem:$0x1FB70];
	[sflag:s5] =	ssyncadd.s32 @!p0 $0xFFFFE000;
	s5 =	simm.s32 $0x0  }
.LBB2_5:
0x2bb: {  	v3 =	vld [tilespmem:$0x1F710]  }
0x2bc: {  	v4 =	vld [tilespmem:$0x1F720]  }
0x2bd: {  	v5 =	vld [tilespmem:$0x1F730]  }
0x2be: {  	v6 =	vld [tilespmem:$0x1F740]  }
0x2bf: {  	v7 =	vld [tilespmem:$0x1F7D0]  }
0x2c0: {  	v8 =	vld [tilespmem:$0x1F800]  }
0x2c1: {  	v9 =	vld [tilespmem:$0x1F820]  }
0x2c2: {  	v20 =	vld [tilespmem:$0x1F770]  }
0x2c3: {  	v21 =	vld [tilespmem:$0x1F780]  }
0x2c4: {  	v30 =	vld [tilespmem:$0x1F790]  }
0x2c5: {  	v31 =	vld [tilespmem:$0x1F7A0]  }
0x2c6: {  	v32 =	vld [tilespmem:$0x1F7B0]  }
0x2c7: {  	v41 =	vld [tilespmem:$0x1F550]  }
0x2c8: {  	v49 =	vld [tilespmem:$0x1F560]  }
0x2c9: {  	v50 =	vld [tilespmem:$0x1F570]  }
0x2ca: {  	v51 =	vld [tilespmem:$0x1F580]  }
0x2cb: {  	v0 =	vor.u32 s5, v38;
	v59 =	vld [tilespmem:$0x1F5C0]  }
0x2cc: {  	v60 =	vld [tilespmem:$0x1F8F0];
	v1 =	vshll.u32 v0, $0x6  }
0x2cd: {  	v40 =	vor.u32 v52, v1;
	v52 =	vld [tilespmem:$0x1F590]  }
0x2ce: {  	v10 =	vor.u32 v53, v1;
	v53 =	vld [tilespmem:$0x1F5A0]  }
0x2cf: {  	v2 =	vor.u32 v38, v1;
	v19 =	vor.u32 v54, v1;
	v54 =	vld [tilespmem:$0x1F5B0]  }
0x2d0: {  	v35 =	vor.u32 v42, v1;
	v42 =	vor.u32 v49, v1;
	v49 =	vld [tilespmem:$0x1F5D0]  }
0x2d1: {  	v36 =	vor.u32 v43, v1;
	v43 =	vor.u32 v50, v1;
	v50 =	vld [tilespmem:$0x1F8B0]  }
0x2d2: {  	v33 =	vor.u32 v44, v1;
	v44 =	vor.u32 v51, v1;
	v51 =	vld [tilespmem:$0x1F8D0]  }
0x2d3: {  	v34 =	vor.u32 v47, v1;
	v39 =	vor.u32 v48, v1;
	v48 =	vor.u32 v59, v1;
	v59 =	vld [tilespmem:$0x1F900]  }
0x2d4: {  	v2 =	vld.idx.msk [tilespmem:v2+s13+$0x0], $0xffff  }
0x2d5: {  	v10 =	vld.idx.msk [tilespmem:v10+s13+$0x0], $0xffff  }
0x2d6: {  	v37 =	vor.u32 v45, v1;
	v19 =	vld.idx.msk [tilespmem:v19+s13+$0x0], $0xffff  }
0x2d7: {  	v47 =	vor.u32 v46, v1;
	v33 =	vld.idx.msk [tilespmem:v33+s13+$0x0], $0xffff  }
0x2d8: {  	v34 =	vld.idx.msk [tilespmem:v34+s13+$0x0], $0xffff  }
0x2d9: {  	v35 =	vld.idx.msk [tilespmem:v35+s13+$0x0], $0xffff  }
0x2da: {  	v36 =	vld.idx.msk [tilespmem:v36+s13+$0x0], $0xffff  }
0x2db: {  	v3 =	vor.u32 v3, v1;
	v37 =	vld.idx.msk [tilespmem:v37+s13+$0x0], $0xffff  }
0x2dc: {  	v4 =	vor.u32 v4, v1;
	v38 =	vld.idx.msk [tilespmem:v47+s13+$0x0], $0xffff  }
0x2dd: {  	v5 =	vor.u32 v5, v1;
	v39 =	vld.idx.msk [tilespmem:v39+s13+$0x0], $0xffff  }
0x2de: {  	v0 =	vand.u32 $0x78, v0;
	v6 =	vor.u32 v6, v1;
	v40 =	vld.idx.msk [tilespmem:v40+s13+$0x0], $0xffff  }
0x2df: {  	v7 =	vor.u32 v7, v1;
	v45 =	vor.u32 v52, v1;
	v52 =	vor.u32 v60, v0;
	v60 =	vld [tilespmem:$0x1F910]  }
0x2e0: {  	v8 =	vor.u32 v8, v1;
	v3 =	vld.idx.msk [tilespmem:v3+s13+$0x0], $0xffff  }
0x2e1: {  	v9 =	vor.u32 v9, v1;
	v4 =	vld.idx.msk [tilespmem:v4+s13+$0x0], $0xffff  }
0x2e2: {  	v20 =	vor.u32 v20, v1;
	v5 =	vld.idx.msk [tilespmem:v5+s13+$0x0], $0xffff  }
0x2e3: {  	v21 =	vor.u32 v21, v1;
	v6 =	vld.idx.msk [tilespmem:v6+s13+$0x0], $0xffff  }
0x2e4: {  	v30 =	vor.u32 v30, v1;
	v7 =	vld.idx.msk [tilespmem:v7+s13+$0x0], $0xffff  }
0x2e5: {  	v31 =	vor.u32 v31, v1;
	v8 =	vld.idx.msk [tilespmem:v8+s13+$0x0], $0xffff  }
0x2e6: {  	v32 =	vor.u32 v32, v1;
	v9 =	vld.idx.msk [tilespmem:v9+s13+$0x0], $0xffff  }
0x2e7: {  	v41 =	vor.u32 v41, v1;
	v20 =	vld.idx.msk [tilespmem:v20+s13+$0x0], $0xffff  }
0x2e8: {  	v21 =	vld.idx.msk [tilespmem:v21+s13+$0x0], $0xffff  }
0x2e9: {  	v30 =	vld.idx.msk [tilespmem:v30+s13+$0x0], $0xffff  }
0x2ea: {  	v31 =	vld.idx.msk [tilespmem:v31+s13+$0x0], $0xffff  }
0x2eb: {  	v32 =	vld.idx.msk [tilespmem:v32+s13+$0x0], $0xffff  }
0x2ec: {  	v41 =	vld.idx.msk [tilespmem:v41+s13+$0x0], $0xffff  }
0x2ed: {  	v42 =	vld.idx.msk [tilespmem:v42+s13+$0x0], $0xffff  }
0x2ee: {  	v46 =	vor.u32 v53, v1;
	v43 =	vld.idx.msk [tilespmem:v43+s13+$0x0], $0xffff  }
0x2ef: {  	v47 =	vor.u32 v54, v1;
	v44 =	vld.idx.msk [tilespmem:v44+s13+$0x0], $0xffff  }
0x2f0: {  	v48 =	vld.idx.msk [tilespmem:v48+s13+$0x0], $0xffff  }
0x2f1: {  	v49 =	vor.u32 v49, v1;
	v53 =	vor.u32 v59, v0;
	v59 =	vld [tilespmem:$0x1F920]  }
0x2f2: {  	v50 =	vor.u32 v50, v0;
	v45 =	vld.idx.msk [tilespmem:v45+s13+$0x0], $0xffff  }
0x2f3: {  	v46 =	vld.idx.msk [tilespmem:v46+s13+$0x0], $0xffff  }
0x2f4: {  	v51 =	vor.u32 v51, v0;
	v47 =	vld.idx.msk [tilespmem:v47+s13+$0x0], $0xffff  }
0x2f5: {  	v54 =	vor.u32 v60, v0;
	v60 =	vld [tilespmem:$0x1F930]  }
0x2f6: {  	v49 =	vld.idx.msk [tilespmem:v49+s13+$0x0], $0xffff  }
0x2f7: {  	[tilespmem:v50+s28+$0x0] =	vst.idx.msk $0xffff, v2;
	v50 =	vld [tilespmem:$0x1F940]  }
0x2f8: {  	v2 =	vor.u32 v59, v0;
	v59 =	vld [tilespmem:$0x1F980]  }
0x2f9: {  	[tilespmem:v51+s28+$0x0] =	vst.idx.msk $0xffff, v3;
	v51 =	vld [tilespmem:$0x1F950]  }
0x2fa: {  	[tilespmem:v52+s28+$0x0] =	vst.idx.msk $0xffff, v4;
	v52 =	vld [tilespmem:$0x1F960]  }
0x2fb: {  	[tilespmem:v53+s28+$0x0] =	vst.idx.msk $0xffff, v5;
	v53 =	vld [tilespmem:$0x1F970]  }
0x2fc: {  	v3 =	vor.u32 v60, v0;
	v60 =	vld [tilespmem:$0x1F990]  }
0x2fd: {  	v4 =	vor.u32 v50, v0;
	v50 =	vld [tilespmem:$0x1F9A0]  }
0x2fe: {  	v5 =	vor.u32 v51, v0;
	v51 =	vld [tilespmem:$0x1F9B0]  }
0x2ff: {  	[tilespmem:v54+s28+$0x0] =	vst.idx.msk $0xffff, v6;
	v6 =	vor.u32 v52, v0;
	v52 =	vld [tilespmem:$0x1F9C0]  }
0x300: {  	[tilespmem:v2+s28+$0x0] =	vst.idx.msk $0xffff, v7;
	v2 =	vor.u32 v53, v0;
	v53 =	vld [tilespmem:$0x1F9D0]  }
0x301: {  	[tilespmem:v3+s28+$0x0] =	vst.idx.msk $0xffff, v8;
	v3 =	vor.u32 v59, v0;
	v59 =	vld [tilespmem:$0x1F9E0]  }
0x302: {  	v8 =	vld [tilespmem:$0x1F630]  }
0x303: {  	[tilespmem:v4+s28+$0x0] =	vst.idx.msk $0xffff, v9;
	v4 =	vor.u32 v60, v0;
	v60 =	vld [tilespmem:$0x1F9F0]  }
0x304: {  	v9 =	vld [tilespmem:$0x1F640]  }
0x305: {  	[tilespmem:v5+s28+$0x0] =	vst.idx.msk $0xffff, v10;
	v5 =	vor.u32 v50, v0;
	v50 =	vld [tilespmem:$0x1FA50]  }
0x306: {  	v10 =	vld [tilespmem:$0x1F650]  }
0x307: {  	[tilespmem:v6+s28+$0x0] =	vst.idx.msk $0xffff, v19;
	v6 =	vor.u32 v51, v0;
	v51 =	vld [tilespmem:$0x1FA60]  }
0x308: {  	v19 =	vld [tilespmem:$0x1F660]  }
0x309: {  	[tilespmem:v2+s28+$0x0] =	vst.idx.msk $0xffff, v20;
	v2 =	vor.u32 v52, v0;
	v52 =	vld [tilespmem:$0x1FA70]  }
0x30a: {  	v20 =	vld [tilespmem:$0x1F670];
	[tilespmem:v3+s28+$0x0] =	vst.idx.msk $0xffff, v21;
	v3 =	vor.u32 v53, v0  }
0x30b: {  	v53 =	vld [tilespmem:$0x1FA80];
	[tilespmem:v4+s28+$0x0] =	vst.idx.msk $0xffff, v30;
	v4 =	vor.u32 v59, v0  }
0x30c: {  	v21 =	vld [tilespmem:$0x1F680];
	[tilespmem:v5+s28+$0x0] =	vst.idx.msk $0xffff, v31;
	v5 =	vor.u32 v60, v0  }
0x30d: {  	[tilespmem:v6+s28+$0x0] =	vst.idx.msk $0xffff, v32;
	v32 =	vld [tilespmem:$0x1FA00]  }
0x30e: {  	[tilespmem:v2+s28+$0x0] =	vst.idx.msk $0xffff, v33;
	v33 =	vld [tilespmem:$0x1FA10]  }
0x30f: {  	[tilespmem:v3+s28+$0x0] =	vst.idx.msk $0xffff, v34;
	v34 =	vld [tilespmem:$0x1FA20]  }
0x310: {  	[tilespmem:v4+s28+$0x0] =	vst.idx.msk $0xffff, v35;
	v35 =	vld [tilespmem:$0x1FA30]  }
0x311: {  	[tilespmem:v5+s28+$0x0] =	vst.idx.msk $0xffff, v36;
	v36 =	vld [tilespmem:$0x1FA40]  }
0x312: {  	v59 =	vld [tilespmem:$0x1FA90];
	v6 =	vor.u32 v32, v0  }
0x313: {  	v30 =	vld [tilespmem:$0x1F690];
	v2 =	vor.u32 v33, v0  }
0x314: {  	v60 =	vld [tilespmem:$0x1FAA0];
	v3 =	vor.u32 v34, v0  }
0x315: {  	v31 =	vld [tilespmem:$0x1F6A0];
	v4 =	vor.u32 v35, v0  }
0x316: {  	v32 =	vld [tilespmem:$0x1FAB0];
	v5 =	vor.u32 v36, v0  }
0x317: {  	v33 =	vld [tilespmem:$0x1FAC0];
	[tilespmem:v6+s28+$0x0] =	vst.idx.msk $0xffff, v37;
	v6 =	vor.u32 v50, v0  }
0x318: {  	v34 =	vld [tilespmem:$0x1F540];
	[tilespmem:v2+s28+$0x0] =	vst.idx.msk $0xffff, v38;
	v2 =	vor.u32 v51, v0  }
0x319: {  	v35 =	vld [tilespmem:$0x1F5E0];
	[tilespmem:v3+s28+$0x0] =	vst.idx.msk $0xffff, v39;
	v3 =	vor.u32 v52, v0  }
0x31a: {  	v36 =	vld [tilespmem:$0x1F5F0];
	[tilespmem:v4+s28+$0x0] =	vst.idx.msk $0xffff, v40;
	v4 =	vor.u32 v53, v0  }
0x31b: {  	v39 =	vld [tilespmem:$0x1F620];
	[tilespmem:v5+s28+$0x0] =	vst.idx.msk $0xffff, v41;
	v5 =	vor.u32 v59, v0  }
0x31c: {  	v37 =	vld [tilespmem:$0x1F600];
	[tilespmem:v6+s28+$0x0] =	vst.idx.msk $0xffff, v42;
	v6 =	vor.u32 v60, v0  }
0x31d: {  	v38 =	vld [tilespmem:$0x1F610];
	[tilespmem:v2+s28+$0x0] =	vst.idx.msk $0xffff, v43;
	v2 =	vor.u32 v32, v0  }
0x31e: {  	v40 =	vld [tilespmem:$0x1F6B0];
	[tilespmem:v3+s28+$0x0] =	vst.idx.msk $0xffff, v44;
	v3 =	vor.u32 v33, v0  }
0x31f: {  	v41 =	vld [tilespmem:$0x1F6C0];
	[tilespmem:v4+s28+$0x0] =	vst.idx.msk $0xffff, v45;
	v4 =	vor.u32 v34, v1  }
0x320: {  	v42 =	vld [tilespmem:$0x1F6D0];
	v7 =	vor.u32 v39, v1;
	[tilespmem:v5+s28+$0x0] =	vst.idx.msk $0xffff, v46  }
0x321: {  	v8 =	vor.u32 v8, v1;
	v43 =	vld [tilespmem:$0x1F6E0];
	[tilespmem:v6+s28+$0x0] =	vst.idx.msk $0xffff, v47  }
0x322: {  	v9 =	vor.u32 v9, v1;
	v44 =	vld [tilespmem:$0x1F6F0];
	[tilespmem:v2+s28+$0x0] =	vst.idx.msk $0xffff, v48  }
0x323: {  	v10 =	vor.u32 v10, v1;
	v45 =	vld [tilespmem:$0x1F700];
	[tilespmem:v3+s28+$0x0] =	vst.idx.msk $0xffff, v49  }
0x324: {  	v19 =	vor.u32 v19, v1;
	v4 =	vld.idx.msk [tilespmem:v4+s13+$0x0], $0xffff  }
0x325: {  	v20 =	vor.u32 v20, v1;
	v7 =	vld.idx.msk [tilespmem:v7+s13+$0x0], $0xffff  }
0x326: {  	v21 =	vor.u32 v21, v1;
	v8 =	vld.idx.msk [tilespmem:v8+s13+$0x0], $0xffff  }
0x327: {  	v30 =	vor.u32 v30, v1;
	v9 =	vld.idx.msk [tilespmem:v9+s13+$0x0], $0xffff  }
0x328: {  	v31 =	vor.u32 v31, v1;
	v10 =	vld.idx.msk [tilespmem:v10+s13+$0x0], $0xffff  }
0x329: {  	v32 =	vor.u32 v40, v1;
	v19 =	vld.idx.msk [tilespmem:v19+s13+$0x0], $0xffff  }
0x32a: {  	v50 =	vor.u32 v22, v1;
	v20 =	vld.idx.msk [tilespmem:v20+s13+$0x0], $0xffff  }
0x32b: {  	v51 =	vor.u32 v23, v1;
	v21 =	vld.idx.msk [tilespmem:v21+s13+$0x0], $0xffff  }
0x32c: {  	v52 =	vor.u32 v25, v1;
	v30 =	vld.idx.msk [tilespmem:v30+s13+$0x0], $0xffff  }
0x32d: {  	v31 =	vld.idx.msk [tilespmem:v31+s13+$0x0], $0xffff  }
0x32e: {  	v5 =	vor.u32 v35, v1;
	v32 =	vld.idx.msk [tilespmem:v32+s13+$0x0], $0xffff  }
0x32f: {  	v33 =	vor.u32 v41, v1;
	v34 =	vor.u32 v42, v1;
	v42 =	vld.idx.msk [tilespmem:v50+s13+$0x0], $0xffff  }
0x330: {  	v46 =	vor.u32 v15, v1;
	v35 =	vor.u32 v43, v1;
	v43 =	vld.idx.msk [tilespmem:v51+s13+$0x0], $0xffff  }
0x331: {  	v53 =	vor.u32 v26, v1;
	v2 =	vor.u32 v37, v1;
	v37 =	vor.u32 v45, v1;
	v45 =	vld.idx.msk [tilespmem:v52+s13+$0x0], $0xffff  }
0x332: {  	v52 =	vld [tilespmem:$0x1FAD0]  }
0x333: {  	v6 =	vor.u32 v36, v1;
	v5 =	vld.idx.msk [tilespmem:v5+s13+$0x0], $0xffff  }
0x334: {  	v33 =	vld.idx.msk [tilespmem:v33+s13+$0x0], $0xffff  }
0x335: {  	v47 =	vor.u32 v16, v1;
	v3 =	vor.u32 v38, v1;
	v38 =	vld.idx.msk [tilespmem:v46+s13+$0x0], $0xffff  }
0x336: {  	v59 =	vor.u32 v27, v1;
	v46 =	vld.idx.msk [tilespmem:v53+s13+$0x0], $0xffff  }
0x337: {  	v53 =	vld [tilespmem:$0x1FAE0]  }
0x338: {  	v6 =	vld.idx.msk [tilespmem:v6+s13+$0x0], $0xffff  }
0x339: {  	v34 =	vld.idx.msk [tilespmem:v34+s13+$0x0], $0xffff  }
0x33a: {  	v48 =	vor.u32 v18, v1;
	v39 =	vld.idx.msk [tilespmem:v47+s13+$0x0], $0xffff  }
0x33b: {  	v60 =	vor.u32 v28, v1;
	v47 =	vld.idx.msk [tilespmem:v59+s13+$0x0], $0xffff  }
0x33c: {  	v59 =	vld [tilespmem:$0x1FAF0]  }
0x33d: {  	v2 =	vld.idx.msk [tilespmem:v2+s13+$0x0], $0xffff  }
0x33e: {  	v36 =	vor.u32 v44, v1;
	v35 =	vld.idx.msk [tilespmem:v35+s13+$0x0], $0xffff  }
0x33f: {  	v49 =	vor.u32 v17, v1;
	v40 =	vld.idx.msk [tilespmem:v48+s13+$0x0], $0xffff  }
0x340: {  	v44 =	vor.u32 v24, v1;
	v48 =	vld.idx.msk [tilespmem:v60+s13+$0x0], $0xffff  }
0x341: {  	v60 =	vld [tilespmem:$0x1FB00]  }
0x342: {  	v1 =	vor.u32 v29, v1;
	v3 =	vld.idx.msk [tilespmem:v3+s13+$0x0], $0xffff  }
0x343: {  	v36 =	vld.idx.msk [tilespmem:v36+s13+$0x0], $0xffff  }
0x344: {  	v41 =	vld.idx.msk [tilespmem:v49+s13+$0x0], $0xffff  }
0x345: {  	v44 =	vld.idx.msk [tilespmem:v44+s13+$0x0], $0xffff;
	v49 =	vor.u32 v52, v0  }
0x346: {  	v37 =	vld.idx.msk [tilespmem:v37+s13+$0x0], $0xffff;
	v50 =	vor.u32 v53, v0  }
0x347: {  	v1 =	vld.idx.msk [tilespmem:v1+s13+$0x0], $0xffff;
	v51 =	vor.u32 v59, v0  }
0x348: {  	v59 =	vld [tilespmem:$0x1FB10]  }
0x349: {  	v52 =	vor.u32 v60, v0;
	v60 =	vld [tilespmem:$0x1FB20]  }
0x34a: {  	[tilespmem:v49+s28+$0x0] =	vst.idx.msk $0xffff, v4;
	v49 =	vld [tilespmem:$0x1FB30]  }
0x34b: {  	[tilespmem:v50+s28+$0x0] =	vst.idx.msk $0xffff, v5;
	v50 =	vld [tilespmem:$0x1FB40]  }
0x34c: {  	[tilespmem:v51+s28+$0x0] =	vst.idx.msk $0xffff, v6;
	v51 =	vld [tilespmem:$0x1FB50]  }
0x34d: {  	v53 =	vor.u32 v59, v0;
	v59 =	vld [tilespmem:$0x1FB60]  }
0x34e: {  	v4 =	vor.u32 v60, v0  }
0x34f: {  	v5 =	vor.u32 v49, v0  }
0x350: {  	v6 =	vor.u32 v50, v0  }
0x351: {  	[tilespmem:v52+s28+$0x0] =	vst.idx.msk $0xffff, v2;
	v2 =	vor.u32 v51, v0  }
0x352: {  	[tilespmem:v53+s28+$0x0] =	vst.idx.msk $0xffff, v3;
	v3 =	vor.u32 v59, v0  }
0x353: {  	v60 =	vor.u32 v58, v0;
	[tilespmem:v4+s28+$0x0] =	vst.idx.msk $0xffff, v7  }
0x354: {  	v49 =	vor.u32 v55, v0;
	[tilespmem:v5+s28+$0x0] =	vst.idx.msk $0xffff, v8  }
0x355: {  	v50 =	vld [tilespmem:$0x1FF00];
	[tilespmem:v6+s28+$0x0] =	vst.idx.msk $0xffff, v9  }
0x356: {  	v51 =	vld [tilespmem:$0x1FF10];
	[tilespmem:v2+s28+$0x0] =	vst.idx.msk $0xffff, v10  }
0x357: {  	v59 =	vld [tilespmem:$0x1FFD0];
	[tilespmem:v3+s28+$0x0] =	vst.idx.msk $0xffff, v19  }
0x358: {  	[tilespmem:v60+s28+$0x0] =	vst.idx.msk $0xffff, v20;
	v60 =	vld [tilespmem:$0x1FFE0]  }
0x359: {  	[tilespmem:v49+s28+$0x0] =	vst.idx.msk $0xffff, v21;
	v49 =	vld [tilespmem:$0x1FFF0]  }
0x35a: {  	v6 =	vor.u32 v50, v0;
	v50 =	vld [tilespmem:$0x1FED0]  }
0x35b: {  	v2 =	vor.u32 v51, v0;
	v51 =	vld [tilespmem:$0x1FEE0]  }
0x35c: {  	v3 =	vor.u32 v59, v0  }
0x35d: {  	v4 =	vor.u32 v60, v0;
	v60 =	vld [tilespmem:$0x1FEF0]  }
0x35e: {  	v5 =	vor.u32 v49, v0  }
0x35f: {  	[tilespmem:v6+s28+$0x0] =	vst.idx.msk $0xffff, v30;
	v6 =	vor.u32 v50, v0  }
0x360: {  	[tilespmem:v2+s28+$0x0] =	vst.idx.msk $0xffff, v31;
	v2 =	vor.u32 v51, v0  }
0x361: {  	v59 =	vor.u32 v61, v0;
	[tilespmem:v3+s28+$0x0] =	vst.idx.msk $0xffff, v32  }
0x362: {  	[tilespmem:v4+s28+$0x0] =	vst.idx.msk $0xffff, v33;
	v4 =	vor.u32 v60, v0  }
0x363: {  	v32 =	vor.u32 v62, v0;
	[tilespmem:v5+s28+$0x0] =	vst.idx.msk $0xffff, v34  }
0x364: {  	v33 =	vor.u32 v63, v0;
	[tilespmem:v6+s28+$0x0] =	vst.idx.msk $0xffff, v35  }
0x365: {  	v51 =	vld [tilespmem:$0x1FF20];
	v34 =	vor.u32 v11, v0;
	[tilespmem:v2+s28+$0x0] =	vst.idx.msk $0xffff, v36  }
0x366: {  	v35 =	vor.u32 v56, v0;
	[tilespmem:v59+s28+$0x0] =	vst.idx.msk $0xffff, v37;
	v59 =	vld [tilespmem:$0x1FF30]  }
0x367: {  	v60 =	vld [tilespmem:$0x1FF40];
	v37 =	vor.u32 v57, v0;
	[tilespmem:v4+s28+$0x0] =	vst.idx.msk $0xffff, v38  }
0x368: {  	v49 =	vor.u32 v12, v0;
	[tilespmem:v32+s28+$0x0] =	vst.idx.msk $0xffff, v39  }
0x369: {  	v54 =	vld [tilespmem:$0x1F760];
	v50 =	vor.u32 v13, v0;
	[tilespmem:v33+s28+$0x0] =	vst.idx.msk $0xffff, v40  }
0x36a: {  	v52 =	vld [tilespmem:$0x1FFC0];
	v2 =	vor.u32 v51, v0;
	[tilespmem:v34+s28+$0x0] =	vst.idx.msk $0xffff, v41  }
0x36b: {  	v53 =	vld [tilespmem:$0x1F750];
	[tilespmem:v35+s28+$0x0] =	vst.idx.msk $0xffff, v42;
	v3 =	vor.u32 v59, v0  }
0x36c: {  	v4 =	vor.u32 v60, v0;
	v42 =	vld [tilespmem:$0x1FF50];
	[tilespmem:v37+s28+$0x0] =	vst.idx.msk $0xffff, v43  }
0x36d: {  	p2 =	sne.s32 s5, $0x70;
	v0 =	vor.u32 v14, v0;
	v43 =	vld [tilespmem:$0x1FF60];
	[tilespmem:v49+s28+$0x0] =	vst.idx.msk $0xffff, v44  }
.Ltmp1:
0x36e: {  	v44 =	vld [tilespmem:$0x1FF70];
	[tilespmem:v50+s28+$0x0] =	vst.idx.msk $0xffff, v45;
	(pc) =	sbr.rel @p2 .LBB2_5-.Ltmp1, $4  }
0x36f: {  	v45 =	vld [tilespmem:$0x1FF80];
	[tilespmem:v2+s28+$0x0] =	vst.idx.msk $0xffff, v46  }
0x370: {  	v46 =	vld [tilespmem:$0x1FF90];
	[tilespmem:v3+s28+$0x0] =	vst.idx.msk $0xffff, v47  }
0x371: {  	v47 =	vld [tilespmem:$0x1FFA0];
	[tilespmem:v4+s28+$0x0] =	vst.idx.msk $0xffff, v48  }
0x372: {  	s5 =	sadd.s32 $0x10, s5;
	v38 =	vlaneseq.u32;
	v48 =	vld [tilespmem:$0x1FFB0];
	[tilespmem:v0+s28+$0x0] =	vst.idx.msk $0xffff, v1  }
0x373: {  	s5 =	sadd.s32 @!p1 $0x300, s2;
	s16 =	simm.s32 @!p1 $0x80;
	s17 =	simm.s32 @!p1 $0x8400  }
0x374: {  	[tilespmem:s17], [sflag:$0x2] =	stream.indirect.gather @!p1 [hbm4b:s4+s16], $0x40, s5, s16, $0xb8;
	[tilespmem:$0x1A400] =	vst v63  }
0x375: {  	s17 =	sadd.s32 s7, s20  }
0x376: {  	s5 =	sshrl.u32 s17, $0x3  }
0x377: {  	s5 =	sadd.s32 s1, s5  }
0x378: {  	[hbm4b:s5+s24] =	stream.strided.scatter [tilespmem:s28], [sflag:$0x7], $0x2000, s25, s24, $0x38;
	[tilespmem:$0x1A400] =	vst v63  }
0x379: {  	_ =	swait.ge [sflag:s29], $0x2000  }
0x37a: {  	[sflag:s29] =	ssyncset.done $0x0  }
0x37b: {  	s5 =	simm.s32 @!p0 $0x8;
	[sflag:s29] =	ssyncadd.s32 $0xFFFFE000  }
0x37c: {  	_ =	swait.ge @!p0 [sflag:s5], $0x2000  }
0x37d: {  	[sflag:s5] =	ssyncset.done @!p0 $0x0  }
0x37e: {  	v7 =	vmov v58;
	v58 =	vmov v55;
	[sflag:s5] =	ssyncadd.s32 @!p0 $0xFFFFE000;
	s5 =	simm.s32 $0x0  }
.LBB2_7:
0x37f: {  	v3 =	vld [tilespmem:$0x1F710]  }
0x380: {  	v4 =	vld [tilespmem:$0x1F720]  }
0x381: {  	v5 =	vld [tilespmem:$0x1F730]  }
0x382: {  	v6 =	vld [tilespmem:$0x1F740]  }
0x383: {  	v55 =	vmov v7;
	v7 =	vld [tilespmem:$0x1F7D0]  }
0x384: {  	v8 =	vld [tilespmem:$0x1F800]  }
0x385: {  	v9 =	vld [tilespmem:$0x1F820]  }
0x386: {  	v20 =	vld [tilespmem:$0x1F770]  }
0x387: {  	v21 =	vld [tilespmem:$0x1F780]  }
0x388: {  	v30 =	vld [tilespmem:$0x1F790]  }
0x389: {  	v31 =	vld [tilespmem:$0x1F7A0]  }
0x38a: {  	v32 =	vld [tilespmem:$0x1F7B0]  }
0x38b: {  	v41 =	vld [tilespmem:$0x1F550]  }
0x38c: {  	v49 =	vld [tilespmem:$0x1F560]  }
0x38d: {  	v50 =	vld [tilespmem:$0x1F570]  }
0x38e: {  	v51 =	vld [tilespmem:$0x1F580]  }
0x38f: {  	v0 =	vor.u32 s5, v38;
	v59 =	vld [tilespmem:$0x1F5C0]  }
0x390: {  	v60 =	vld [tilespmem:$0x1F8F0];
	v1 =	vshll.u32 v0, $0x6  }
0x391: {  	v40 =	vor.u32 v52, v1;
	v52 =	vld [tilespmem:$0x1F590]  }
0x392: {  	v10 =	vor.u32 v53, v1;
	v53 =	vld [tilespmem:$0x1F5A0]  }
0x393: {  	v2 =	vor.u32 v38, v1;
	v19 =	vor.u32 v54, v1;
	v54 =	vld [tilespmem:$0x1F5B0]  }
0x394: {  	v35 =	vor.u32 v42, v1;
	v42 =	vor.u32 v49, v1;
	v49 =	vld [tilespmem:$0x1F5D0]  }
0x395: {  	v36 =	vor.u32 v43, v1;
	v43 =	vor.u32 v50, v1;
	v50 =	vld [tilespmem:$0x1F8B0]  }
0x396: {  	v33 =	vor.u32 v44, v1;
	v44 =	vor.u32 v51, v1;
	v51 =	vld [tilespmem:$0x1F8D0]  }
0x397: {  	v34 =	vor.u32 v47, v1;
	v39 =	vor.u32 v48, v1;
	v48 =	vor.u32 v59, v1;
	v59 =	vld [tilespmem:$0x1F900]  }
0x398: {  	v2 =	vld.idx.msk [tilespmem:v2+s14+$0x0], $0xffff  }
0x399: {  	v10 =	vld.idx.msk [tilespmem:v10+s14+$0x0], $0xffff  }
0x39a: {  	v37 =	vor.u32 v45, v1;
	v19 =	vld.idx.msk [tilespmem:v19+s14+$0x0], $0xffff  }
0x39b: {  	v47 =	vor.u32 v46, v1;
	v33 =	vld.idx.msk [tilespmem:v33+s14+$0x0], $0xffff  }
0x39c: {  	v34 =	vld.idx.msk [tilespmem:v34+s14+$0x0], $0xffff  }
0x39d: {  	v35 =	vld.idx.msk [tilespmem:v35+s14+$0x0], $0xffff  }
0x39e: {  	v36 =	vld.idx.msk [tilespmem:v36+s14+$0x0], $0xffff  }
0x39f: {  	v3 =	vor.u32 v3, v1;
	v37 =	vld.idx.msk [tilespmem:v37+s14+$0x0], $0xffff  }
0x3a0: {  	v4 =	vor.u32 v4, v1;
	v38 =	vld.idx.msk [tilespmem:v47+s14+$0x0], $0xffff  }
0x3a1: {  	v5 =	vor.u32 v5, v1;
	v39 =	vld.idx.msk [tilespmem:v39+s14+$0x0], $0xffff  }
0x3a2: {  	v0 =	vand.u32 $0x78, v0;
	v6 =	vor.u32 v6, v1;
	v40 =	vld.idx.msk [tilespmem:v40+s14+$0x0], $0xffff  }
0x3a3: {  	v7 =	vor.u32 v7, v1;
	v45 =	vor.u32 v52, v1;
	v52 =	vor.u32 v60, v0;
	v60 =	vld [tilespmem:$0x1F910]  }
0x3a4: {  	v8 =	vor.u32 v8, v1;
	v3 =	vld.idx.msk [tilespmem:v3+s14+$0x0], $0xffff  }
0x3a5: {  	v9 =	vor.u32 v9, v1;
	v4 =	vld.idx.msk [tilespmem:v4+s14+$0x0], $0xffff  }
0x3a6: {  	v20 =	vor.u32 v20, v1;
	v5 =	vld.idx.msk [tilespmem:v5+s14+$0x0], $0xffff  }
0x3a7: {  	v21 =	vor.u32 v21, v1;
	v6 =	vld.idx.msk [tilespmem:v6+s14+$0x0], $0xffff  }
0x3a8: {  	v30 =	vor.u32 v30, v1;
	v7 =	vld.idx.msk [tilespmem:v7+s14+$0x0], $0xffff  }
0x3a9: {  	v31 =	vor.u32 v31, v1;
	v8 =	vld.idx.msk [tilespmem:v8+s14+$0x0], $0xffff  }
0x3aa: {  	v32 =	vor.u32 v32, v1;
	v9 =	vld.idx.msk [tilespmem:v9+s14+$0x0], $0xffff  }
0x3ab: {  	v41 =	vor.u32 v41, v1;
	v20 =	vld.idx.msk [tilespmem:v20+s14+$0x0], $0xffff  }
0x3ac: {  	v21 =	vld.idx.msk [tilespmem:v21+s14+$0x0], $0xffff  }
0x3ad: {  	v30 =	vld.idx.msk [tilespmem:v30+s14+$0x0], $0xffff  }
0x3ae: {  	v31 =	vld.idx.msk [tilespmem:v31+s14+$0x0], $0xffff  }
0x3af: {  	v32 =	vld.idx.msk [tilespmem:v32+s14+$0x0], $0xffff  }
0x3b0: {  	v41 =	vld.idx.msk [tilespmem:v41+s14+$0x0], $0xffff  }
0x3b1: {  	v46 =	vor.u32 v53, v1;
	v42 =	vld.idx.msk [tilespmem:v42+s14+$0x0], $0xffff  }
0x3b2: {  	v47 =	vor.u32 v54, v1;
	v43 =	vld.idx.msk [tilespmem:v43+s14+$0x0], $0xffff  }
0x3b3: {  	v44 =	vld.idx.msk [tilespmem:v44+s14+$0x0], $0xffff;
	v49 =	vor.u32 v49, v1  }
0x3b4: {  	v50 =	vor.u32 v50, v0;
	v48 =	vld.idx.msk [tilespmem:v48+s14+$0x0], $0xffff  }
0x3b5: {  	v51 =	vor.u32 v51, v0;
	v45 =	vld.idx.msk [tilespmem:v45+s14+$0x0], $0xffff  }
0x3b6: {  	v46 =	vld.idx.msk [tilespmem:v46+s14+$0x0], $0xffff  }
0x3b7: {  	v53 =	vor.u32 v59, v0;
	v47 =	vld.idx.msk [tilespmem:v47+s14+$0x0], $0xffff  }
0x3b8: {  	v54 =	vor.u32 v60, v0;
	v49 =	vld.idx.msk [tilespmem:v49+s14+$0x0], $0xffff  }
0x3b9: {  	[tilespmem:v50+s30+$0x0] =	vst.idx.msk $0xffff, v2;
	v50 =	vld [tilespmem:$0x1F920]  }
0x3ba: {  	[tilespmem:v51+s30+$0x0] =	vst.idx.msk $0xffff, v3;
	v51 =	vld [tilespmem:$0x1F930]  }
0x3bb: {  	[tilespmem:v52+s30+$0x0] =	vst.idx.msk $0xffff, v4;
	v4 =	vld [tilespmem:$0x1F940]  }
0x3bc: {  	[tilespmem:v53+s30+$0x0] =	vst.idx.msk $0xffff, v5;
	v5 =	vld [tilespmem:$0x1F950]  }
0x3bd: {  	[tilespmem:v54+s30+$0x0] =	vst.idx.msk $0xffff, v6;
	v6 =	vld [tilespmem:$0x1F960]  }
0x3be: {  	v2 =	vor.u32 v50, v0  }
0x3bf: {  	v3 =	vor.u32 v51, v0  }
0x3c0: {  	v4 =	vor.u32 v4, v0  }
0x3c1: {  	v5 =	vor.u32 v5, v0  }
0x3c2: {  	v6 =	vor.u32 v6, v0  }
0x3c3: {  	v52 =	vld [tilespmem:$0x1F970];
	[tilespmem:v2+s30+$0x0] =	vst.idx.msk $0xffff, v7  }
0x3c4: {  	v53 =	vld [tilespmem:$0x1F980];
	[tilespmem:v3+s30+$0x0] =	vst.idx.msk $0xffff, v8  }
0x3c5: {  	[tilespmem:v4+s30+$0x0] =	vst.idx.msk $0xffff, v9;
	v4 =	vld [tilespmem:$0x1F990]  }
0x3c6: {  	[tilespmem:v5+s30+$0x0] =	vst.idx.msk $0xffff, v10;
	v5 =	vld [tilespmem:$0x1F9A0]  }
0x3c7: {  	[tilespmem:v6+s30+$0x0] =	vst.idx.msk $0xffff, v19;
	v6 =	vld [tilespmem:$0x1F9B0]  }
0x3c8: {  	v2 =	vor.u32 v52, v0  }
0x3c9: {  	v3 =	vor.u32 v53, v0  }
0x3ca: {  	v4 =	vor.u32 v4, v0  }
0x3cb: {  	v5 =	vor.u32 v5, v0  }
0x3cc: {  	v6 =	vor.u32 v6, v0  }
0x3cd: {  	v59 =	vld [tilespmem:$0x1F9C0];
	[tilespmem:v2+s30+$0x0] =	vst.idx.msk $0xffff, v20  }
0x3ce: {  	v60 =	vld [tilespmem:$0x1F9D0];
	[tilespmem:v3+s30+$0x0] =	vst.idx.msk $0xffff, v21  }
0x3cf: {  	[tilespmem:v4+s30+$0x0] =	vst.idx.msk $0xffff, v30;
	v4 =	vld [tilespmem:$0x1F9E0]  }
0x3d0: {  	[tilespmem:v5+s30+$0x0] =	vst.idx.msk $0xffff, v31;
	v5 =	vld [tilespmem:$0x1F9F0]  }
0x3d1: {  	[tilespmem:v6+s30+$0x0] =	vst.idx.msk $0xffff, v32;
	v6 =	vld [tilespmem:$0x1FA00]  }
0x3d2: {  	v7 =	vld [tilespmem:$0x1F620];
	v2 =	vor.u32 v59, v0  }
0x3d3: {  	v8 =	vld [tilespmem:$0x1F630];
	v3 =	vor.u32 v60, v0  }
0x3d4: {  	v9 =	vld [tilespmem:$0x1F640];
	v4 =	vor.u32 v4, v0  }
0x3d5: {  	v10 =	vld [tilespmem:$0x1F650];
	v5 =	vor.u32 v5, v0  }
0x3d6: {  	v19 =	vld [tilespmem:$0x1F660];
	v6 =	vor.u32 v6, v0  }
0x3d7: {  	v32 =	vld [tilespmem:$0x1FA10];
	[tilespmem:v2+s30+$0x0] =	vst.idx.msk $0xffff, v33  }
0x3d8: {  	v33 =	vld [tilespmem:$0x1FA20];
	[tilespmem:v3+s30+$0x0] =	vst.idx.msk $0xffff, v34  }
0x3d9: {  	[tilespmem:v4+s30+$0x0] =	vst.idx.msk $0xffff, v35;
	v4 =	vld [tilespmem:$0x1FA30]  }
0x3da: {  	[tilespmem:v5+s30+$0x0] =	vst.idx.msk $0xffff, v36;
	v5 =	vld [tilespmem:$0x1FA40]  }
0x3db: {  	[tilespmem:v6+s30+$0x0] =	vst.idx.msk $0xffff, v37;
	v6 =	vld [tilespmem:$0x1FA50]  }
0x3dc: {  	v20 =	vld [tilespmem:$0x1F670];
	v2 =	vor.u32 v32, v0  }
0x3dd: {  	v21 =	vld [tilespmem:$0x1F680];
	v3 =	vor.u32 v33, v0  }
0x3de: {  	v30 =	vld [tilespmem:$0x1F690];
	v4 =	vor.u32 v4, v0  }
0x3df: {  	v31 =	vld [tilespmem:$0x1F6A0];
	v5 =	vor.u32 v5, v0  }
0x3e0: {  	v34 =	vld [tilespmem:$0x1FA60];
	v6 =	vor.u32 v6, v0  }
0x3e1: {  	v35 =	vld [tilespmem:$0x1FA70];
	[tilespmem:v2+s30+$0x0] =	vst.idx.msk $0xffff, v38  }
0x3e2: {  	v36 =	vld [tilespmem:$0x1FAB0];
	[tilespmem:v3+s30+$0x0] =	vst.idx.msk $0xffff, v39  }
0x3e3: {  	[tilespmem:v4+s30+$0x0] =	vst.idx.msk $0xffff, v40;
	v4 =	vld [tilespmem:$0x1FA80]  }
0x3e4: {  	[tilespmem:v5+s30+$0x0] =	vst.idx.msk $0xffff, v41;
	v5 =	vld [tilespmem:$0x1FA90]  }
0x3e5: {  	[tilespmem:v6+s30+$0x0] =	vst.idx.msk $0xffff, v42;
	v6 =	vld [tilespmem:$0x1FAA0]  }
0x3e6: {  	v37 =	vld [tilespmem:$0x1FAC0];
	v2 =	vor.u32 v34, v0  }
0x3e7: {  	v38 =	vld [tilespmem:$0x1F600];
	v3 =	vor.u32 v35, v0  }
0x3e8: {  	v39 =	vld [tilespmem:$0x1F610];
	v4 =	vor.u32 v4, v0  }
0x3e9: {  	v40 =	vld [tilespmem:$0x1F6B0];
	v5 =	vor.u32 v5, v0  }
0x3ea: {  	v41 =	vld [tilespmem:$0x1F6C0];
	v6 =	vor.u32 v6, v0  }
0x3eb: {  	v42 =	vld [tilespmem:$0x1F6D0];
	[tilespmem:v2+s30+$0x0] =	vst.idx.msk $0xffff, v43;
	v2 =	vor.u32 v36, v0  }
0x3ec: {  	v43 =	vld [tilespmem:$0x1F6E0];
	[tilespmem:v3+s30+$0x0] =	vst.idx.msk $0xffff, v44;
	v3 =	vor.u32 v37, v0  }
0x3ed: {  	v7 =	vor.u32 v7, v1;
	v44 =	vld [tilespmem:$0x1F6F0];
	[tilespmem:v4+s30+$0x0] =	vst.idx.msk $0xffff, v45  }
0x3ee: {  	v8 =	vor.u32 v8, v1;
	v4 =	vld [tilespmem:$0x1F540];
	[tilespmem:v5+s30+$0x0] =	vst.idx.msk $0xffff, v46  }
0x3ef: {  	v9 =	vor.u32 v9, v1;
	v45 =	vld [tilespmem:$0x1F700];
	[tilespmem:v6+s30+$0x0] =	vst.idx.msk $0xffff, v47  }
0x3f0: {  	v10 =	vor.u32 v10, v1;
	v5 =	vld [tilespmem:$0x1F5E0];
	[tilespmem:v2+s30+$0x0] =	vst.idx.msk $0xffff, v48  }
0x3f1: {  	v19 =	vor.u32 v19, v1;
	v6 =	vld [tilespmem:$0x1F5F0];
	[tilespmem:v3+s30+$0x0] =	vst.idx.msk $0xffff, v49  }
0x3f2: {  	v20 =	vor.u32 v20, v1;
	v7 =	vld.idx.msk [tilespmem:v7+s14+$0x0], $0xffff  }
0x3f3: {  	v21 =	vor.u32 v21, v1;
	v8 =	vld.idx.msk [tilespmem:v8+s14+$0x0], $0xffff  }
0x3f4: {  	v30 =	vor.u32 v30, v1;
	v9 =	vld.idx.msk [tilespmem:v9+s14+$0x0], $0xffff  }
0x3f5: {  	v31 =	vor.u32 v31, v1;
	v10 =	vld.idx.msk [tilespmem:v10+s14+$0x0], $0xffff  }
0x3f6: {  	v32 =	vor.u32 v40, v1;
	v19 =	vld.idx.msk [tilespmem:v19+s14+$0x0], $0xffff  }
0x3f7: {  	v33 =	vor.u32 v41, v1;
	v20 =	vld.idx.msk [tilespmem:v20+s14+$0x0], $0xffff  }
0x3f8: {  	v34 =	vor.u32 v42, v1;
	v21 =	vld.idx.msk [tilespmem:v21+s14+$0x0], $0xffff  }
0x3f9: {  	v35 =	vor.u32 v43, v1;
	v30 =	vld.idx.msk [tilespmem:v30+s14+$0x0], $0xffff  }
0x3fa: {  	v36 =	vor.u32 v44, v1;
	v31 =	vld.idx.msk [tilespmem:v31+s14+$0x0], $0xffff  }
0x3fb: {  	v50 =	vor.u32 v22, v1;
	v32 =	vld.idx.msk [tilespmem:v32+s14+$0x0], $0xffff  }
0x3fc: {  	v51 =	vor.u32 v23, v1;
	v33 =	vld.idx.msk [tilespmem:v33+s14+$0x0], $0xffff  }
0x3fd: {  	v53 =	vor.u32 v24, v1;
	v34 =	vld.idx.msk [tilespmem:v34+s14+$0x0], $0xffff  }
0x3fe: {  	v59 =	vor.u32 v25, v1;
	v35 =	vld.idx.msk [tilespmem:v35+s14+$0x0], $0xffff  }
0x3ff: {  	v36 =	vld.idx.msk [tilespmem:v36+s14+$0x0], $0xffff  }
0x400: {  	v42 =	vld.idx.msk [tilespmem:v50+s14+$0x0], $0xffff  }
0x401: {  	v46 =	vor.u32 v15, v1;
	v43 =	vld.idx.msk [tilespmem:v51+s14+$0x0], $0xffff  }
0x402: {  	v60 =	vor.u32 v26, v1;
	v44 =	vld.idx.msk [tilespmem:v53+s14+$0x0], $0xffff  }
0x403: {  	v37 =	vor.u32 v45, v1;
	v45 =	vld.idx.msk [tilespmem:v59+s14+$0x0], $0xffff  }
0x404: {  	v47 =	vor.u32 v16, v1;
	v53 =	vld [tilespmem:$0x1FAD0]  }
0x405: {  	v52 =	vor.u32 v27, v1;
	v59 =	vld [tilespmem:$0x1FAE0]  }
0x406: {  	v2 =	vor.u32 v38, v1;
	v38 =	vld.idx.msk [tilespmem:v46+s14+$0x0], $0xffff  }
0x407: {  	v48 =	vor.u32 v18, v1;
	v46 =	vld.idx.msk [tilespmem:v60+s14+$0x0], $0xffff  }
0x408: {  	v3 =	vor.u32 v39, v1;
	v60 =	vld [tilespmem:$0x1FAF0]  }
0x409: {  	v49 =	vor.u32 v17, v1;
	v39 =	vld.idx.msk [tilespmem:v47+s14+$0x0], $0xffff  }
0x40a: {  	v4 =	vor.u32 v4, v1;
	v47 =	vld.idx.msk [tilespmem:v52+s14+$0x0], $0xffff  }
0x40b: {  	v2 =	vld.idx.msk [tilespmem:v2+s14+$0x0], $0xffff  }
0x40c: {  	v40 =	vld.idx.msk [tilespmem:v48+s14+$0x0], $0xffff  }
0x40d: {  	v5 =	vor.u32 v5, v1;
	v3 =	vld.idx.msk [tilespmem:v3+s14+$0x0], $0xffff  }
0x40e: {  	v41 =	vld.idx.msk [tilespmem:v49+s14+$0x0], $0xffff  }
0x40f: {  	v6 =	vor.u32 v6, v1;
	v4 =	vld.idx.msk [tilespmem:v4+s14+$0x0], $0xffff  }
0x410: {  	v48 =	vor.u32 v28, v1;
	v37 =	vld.idx.msk [tilespmem:v37+s14+$0x0], $0xffff  }
0x411: {  	v1 =	vor.u32 v29, v1;
	v50 =	vor.u32 v59, v0;
	v59 =	vld [tilespmem:$0x1FB00]  }
0x412: {  	v49 =	vor.u32 v53, v0;
	v5 =	vld.idx.msk [tilespmem:v5+s14+$0x0], $0xffff  }
0x413: {  	v51 =	vor.u32 v60, v0;
	v60 =	vld [tilespmem:$0x1FB10]  }
0x414: {  	v6 =	vld.idx.msk [tilespmem:v6+s14+$0x0], $0xffff  }
0x415: {  	v48 =	vld.idx.msk [tilespmem:v48+s14+$0x0], $0xffff  }
0x416: {  	v1 =	vld.idx.msk [tilespmem:v1+s14+$0x0], $0xffff  }
0x417: {  	[tilespmem:v49+s30+$0x0] =	vst.idx.msk $0xffff, v4;
	v4 =	vld [tilespmem:$0x1FB20]  }
0x418: {  	[tilespmem:v50+s30+$0x0] =	vst.idx.msk $0xffff, v5;
	v5 =	vld [tilespmem:$0x1FB30]  }
0x419: {  	[tilespmem:v51+s30+$0x0] =	vst.idx.msk $0xffff, v6;
	v6 =	vld [tilespmem:$0x1FB40]  }
0x41a: {  	v52 =	vor.u32 v59, v0;
	v49 =	vld [tilespmem:$0x1FB50]  }
0x41b: {  	v53 =	vor.u32 v60, v0;
	v50 =	vld [tilespmem:$0x1FB60]  }
0x41c: {  	v4 =	vor.u32 v4, v0  }
0x41d: {  	v5 =	vor.u32 v5, v0  }
0x41e: {  	v6 =	vor.u32 v6, v0  }
0x41f: {  	[tilespmem:v52+s30+$0x0] =	vst.idx.msk $0xffff, v2;
	v2 =	vor.u32 v49, v0  }
0x420: {  	[tilespmem:v53+s30+$0x0] =	vst.idx.msk $0xffff, v3;
	v3 =	vor.u32 v50, v0  }
0x421: {  	[tilespmem:v4+s30+$0x0] =	vst.idx.msk $0xffff, v7;
	v4 =	vor.u32 v55, v0  }
0x422: {  	[tilespmem:v5+s30+$0x0] =	vst.idx.msk $0xffff, v8  }
0x423: {  	[tilespmem:v6+s30+$0x0] =	vst.idx.msk $0xffff, v9;
	v6 =	vld [tilespmem:$0x1FF00]  }
0x424: {  	v51 =	vld [tilespmem:$0x1FF10];
	[tilespmem:v2+s30+$0x0] =	vst.idx.msk $0xffff, v10  }
0x425: {  	v59 =	vld [tilespmem:$0x1FFD0];
	[tilespmem:v3+s30+$0x0] =	vst.idx.msk $0xffff, v19  }
0x426: {  	[tilespmem:v4+s30+$0x0] =	vst.idx.msk $0xffff, v20;
	v4 =	vld [tilespmem:$0x1FFE0]  }
0x427: {  	v5 =	vor.u32 v58, v0  }
0x428: {  	v6 =	vor.u32 v6, v0  }
0x429: {  	v2 =	vor.u32 v51, v0  }
0x42a: {  	v3 =	vor.u32 v59, v0  }
0x42b: {  	v4 =	vor.u32 v4, v0  }
0x42c: {  	[tilespmem:v5+s30+$0x0] =	vst.idx.msk $0xffff, v21;
	v5 =	vld [tilespmem:$0x1FFF0]  }
0x42d: {  	[tilespmem:v6+s30+$0x0] =	vst.idx.msk $0xffff, v30;
	v6 =	vld [tilespmem:$0x1FED0]  }
0x42e: {  	v60 =	vld [tilespmem:$0x1FEE0];
	[tilespmem:v2+s30+$0x0] =	vst.idx.msk $0xffff, v31  }
0x42f: {  	[tilespmem:v3+s30+$0x0] =	vst.idx.msk $0xffff, v32  }
0x430: {  	[tilespmem:v4+s30+$0x0] =	vst.idx.msk $0xffff, v33;
	v4 =	vld [tilespmem:$0x1FEF0]  }
0x431: {  	v5 =	vor.u32 v5, v0  }
0x432: {  	v6 =	vor.u32 v6, v0  }
0x433: {  	v2 =	vor.u32 v60, v0  }
0x434: {  	v49 =	vor.u32 v61, v0  }
0x435: {  	v4 =	vor.u32 v4, v0  }
0x436: {  	[tilespmem:v5+s30+$0x0] =	vst.idx.msk $0xffff, v34;
	v5 =	vor.u32 v62, v0  }
0x437: {  	[tilespmem:v6+s30+$0x0] =	vst.idx.msk $0xffff, v35;
	v6 =	vor.u32 v63, v0  }
0x438: {  	v50 =	vor.u32 v11, v0;
	[tilespmem:v2+s30+$0x0] =	vst.idx.msk $0xffff, v36  }
0x439: {  	v51 =	vor.u32 v56, v0;
	[tilespmem:v49+s30+$0x0] =	vst.idx.msk $0xffff, v37  }
0x43a: {  	[tilespmem:v4+s30+$0x0] =	vst.idx.msk $0xffff, v38;
	v4 =	vor.u32 v57, v0  }
0x43b: {  	[tilespmem:v5+s30+$0x0] =	vst.idx.msk $0xffff, v39  }
0x43c: {  	[tilespmem:v6+s30+$0x0] =	vst.idx.msk $0xffff, v40  }
0x43d: {  	v59 =	vld [tilespmem:$0x1FF20];
	[tilespmem:v50+s30+$0x0] =	vst.idx.msk $0xffff, v41  }
0x43e: {  	v60 =	vld [tilespmem:$0x1FF30];
	[tilespmem:v51+s30+$0x0] =	vst.idx.msk $0xffff, v42  }
0x43f: {  	[tilespmem:v4+s30+$0x0] =	vst.idx.msk $0xffff, v43;
	v4 =	vld [tilespmem:$0x1FF40]  }
0x440: {  	v5 =	vor.u32 v12, v0  }
0x441: {  	v54 =	vld [tilespmem:$0x1F760];
	v6 =	vor.u32 v13, v0  }
0x442: {  	v52 =	vld [tilespmem:$0x1FFC0];
	v2 =	vor.u32 v59, v0  }
0x443: {  	v53 =	vld [tilespmem:$0x1F750];
	v3 =	vor.u32 v60, v0  }
0x444: {  	v42 =	vld [tilespmem:$0x1FF50];
	v4 =	vor.u32 v4, v0  }
0x445: {  	p2 =	sne.s32 s5, $0x70;
	v43 =	vld [tilespmem:$0x1FF60];
	[tilespmem:v5+s30+$0x0] =	vst.idx.msk $0xffff, v44;
	v0 =	vor.u32 v14, v0  }
.Ltmp2:
0x446: {  	v44 =	vld [tilespmem:$0x1FF70];
	[tilespmem:v6+s30+$0x0] =	vst.idx.msk $0xffff, v45;
	(pc) =	sbr.rel @p2 .LBB2_7-.Ltmp2, $4  }
0x447: {  	v45 =	vld [tilespmem:$0x1FF80];
	[tilespmem:v2+s30+$0x0] =	vst.idx.msk $0xffff, v46  }
0x448: {  	v46 =	vld [tilespmem:$0x1FF90];
	[tilespmem:v3+s30+$0x0] =	vst.idx.msk $0xffff, v47  }
0x449: {  	v47 =	vld [tilespmem:$0x1FFA0];
	[tilespmem:v4+s30+$0x0] =	vst.idx.msk $0xffff, v48  }
0x44a: {  	s5 =	sadd.s32 $0x10, s5;
	v7 =	vmov v55;
	v38 =	vlaneseq.u32;
	v48 =	vld [tilespmem:$0x1FFB0];
	[tilespmem:v0+s30+$0x0] =	vst.idx.msk $0xffff, v1  }
0x44b: {  	s5 =	sadd.s32 @!p1 $0x380, s2;
	s16 =	simm.s32 @!p1 $0x80;
	s17 =	simm.s32 @!p1 $0xA400  }
0x44c: {  	[tilespmem:s17], [sflag:$0x3] =	stream.indirect.gather @!p1 [hbm4b:s4+s16], $0x40, s5, s16, $0xb8;
	[tilespmem:$0x1A400] =	vst v63  }
0x44d: {  	s17 =	sadd.s32 s8, s20  }
0x44e: {  	s5 =	sshrl.u32 s17, $0x3  }
0x44f: {  	s5 =	sadd.s32 s1, s5  }
0x450: {  	[hbm4b:s5+s24] =	stream.strided.scatter [tilespmem:s30], [sflag:$0x8], $0x2000, s25, s24, $0x38;
	[tilespmem:$0x1A400] =	vst v63  }
0x451: {  	_ =	swait.ge [sflag:s31], $0x2000  }
0x452: {  	[sflag:s31] =	ssyncset.done $0x0  }
0x453: {  	s5 =	simm.s32 @!p0 $0x9;
	[sflag:s31] =	ssyncadd.s32 $0xFFFFE000  }
0x454: {  	_ =	swait.ge @!p0 [sflag:s5], $0x2000  }
0x455: {  	[sflag:s5] =	ssyncset.done @!p0 $0x0  }
0x456: {  	[sflag:s5] =	ssyncadd.s32 @!p0 $0xFFFFE000;
	s5 =	simm.s32 $0x0  }
.LBB2_9:
0x457: {  	v3 =	vld [tilespmem:$0x1F710]  }
0x458: {  	v4 =	vld [tilespmem:$0x1F720]  }
0x459: {  	v5 =	vld [tilespmem:$0x1F730]  }
0x45a: {  	v6 =	vld [tilespmem:$0x1F740]  }
0x45b: {  	v7 =	vld [tilespmem:$0x1F7D0]  }
0x45c: {  	v8 =	vld [tilespmem:$0x1F800]  }
0x45d: {  	v9 =	vld [tilespmem:$0x1F820]  }
0x45e: {  	v20 =	vld [tilespmem:$0x1F770]  }
0x45f: {  	v21 =	vld [tilespmem:$0x1F780]  }
0x460: {  	v30 =	vld [tilespmem:$0x1F790]  }
0x461: {  	v31 =	vld [tilespmem:$0x1F7A0]  }
0x462: {  	v32 =	vld [tilespmem:$0x1F7B0]  }
0x463: {  	v41 =	vld [tilespmem:$0x1F550]  }
0x464: {  	v49 =	vld [tilespmem:$0x1F560]  }
0x465: {  	v50 =	vld [tilespmem:$0x1F570]  }
0x466: {  	v51 =	vld [tilespmem:$0x1F580]  }
0x467: {  	v0 =	vor.u32 s5, v38;
	v59 =	vld [tilespmem:$0x1F5C0]  }
0x468: {  	v60 =	vld [tilespmem:$0x1F8F0];
	v1 =	vshll.u32 v0, $0x6  }
0x469: {  	v40 =	vor.u32 v52, v1;
	v52 =	vld [tilespmem:$0x1F590]  }
0x46a: {  	v10 =	vor.u32 v53, v1;
	v53 =	vld [tilespmem:$0x1F5A0]  }
0x46b: {  	v2 =	vor.u32 v38, v1;
	v19 =	vor.u32 v54, v1;
	v54 =	vld [tilespmem:$0x1F5B0]  }
0x46c: {  	v35 =	vor.u32 v42, v1;
	v42 =	vor.u32 v49, v1;
	v49 =	vld [tilespmem:$0x1F5D0]  }
0x46d: {  	v36 =	vor.u32 v43, v1;
	v43 =	vor.u32 v50, v1;
	v50 =	vld [tilespmem:$0x1F8B0]  }
0x46e: {  	v33 =	vor.u32 v44, v1;
	v44 =	vor.u32 v51, v1;
	v51 =	vld [tilespmem:$0x1F8D0]  }
0x46f: {  	v34 =	vor.u32 v47, v1;
	v39 =	vor.u32 v48, v1;
	v48 =	vor.u32 v59, v1;
	v59 =	vld [tilespmem:$0x1F900]  }
0x470: {  	v2 =	vld.idx.msk [tilespmem:v2+s19+$0x0], $0xffff  }
0x471: {  	v10 =	vld.idx.msk [tilespmem:v10+s19+$0x0], $0xffff  }
0x472: {  	v37 =	vor.u32 v45, v1;
	v19 =	vld.idx.msk [tilespmem:v19+s19+$0x0], $0xffff  }
0x473: {  	v47 =	vor.u32 v46, v1;
	v33 =	vld.idx.msk [tilespmem:v33+s19+$0x0], $0xffff  }
0x474: {  	v34 =	vld.idx.msk [tilespmem:v34+s19+$0x0], $0xffff  }
0x475: {  	v35 =	vld.idx.msk [tilespmem:v35+s19+$0x0], $0xffff  }
0x476: {  	v36 =	vld.idx.msk [tilespmem:v36+s19+$0x0], $0xffff  }
0x477: {  	v3 =	vor.u32 v3, v1;
	v37 =	vld.idx.msk [tilespmem:v37+s19+$0x0], $0xffff  }
0x478: {  	v4 =	vor.u32 v4, v1;
	v38 =	vld.idx.msk [tilespmem:v47+s19+$0x0], $0xffff  }
0x479: {  	v5 =	vor.u32 v5, v1;
	v39 =	vld.idx.msk [tilespmem:v39+s19+$0x0], $0xffff  }
0x47a: {  	v0 =	vand.u32 $0x78, v0;
	v6 =	vor.u32 v6, v1;
	v40 =	vld.idx.msk [tilespmem:v40+s19+$0x0], $0xffff  }
0x47b: {  	v7 =	vor.u32 v7, v1;
	v45 =	vor.u32 v52, v1;
	v52 =	vor.u32 v60, v0;
	v60 =	vld [tilespmem:$0x1F910]  }
0x47c: {  	v8 =	vor.u32 v8, v1;
	v3 =	vld.idx.msk [tilespmem:v3+s19+$0x0], $0xffff  }
0x47d: {  	v9 =	vor.u32 v9, v1;
	v4 =	vld.idx.msk [tilespmem:v4+s19+$0x0], $0xffff  }
0x47e: {  	v20 =	vor.u32 v20, v1;
	v5 =	vld.idx.msk [tilespmem:v5+s19+$0x0], $0xffff  }
0x47f: {  	v21 =	vor.u32 v21, v1;
	v6 =	vld.idx.msk [tilespmem:v6+s19+$0x0], $0xffff  }
0x480: {  	v30 =	vor.u32 v30, v1;
	v7 =	vld.idx.msk [tilespmem:v7+s19+$0x0], $0xffff  }
0x481: {  	v31 =	vor.u32 v31, v1;
	v8 =	vld.idx.msk [tilespmem:v8+s19+$0x0], $0xffff  }
0x482: {  	v32 =	vor.u32 v32, v1;
	v9 =	vld.idx.msk [tilespmem:v9+s19+$0x0], $0xffff  }
0x483: {  	v41 =	vor.u32 v41, v1;
	v20 =	vld.idx.msk [tilespmem:v20+s19+$0x0], $0xffff  }
0x484: {  	v21 =	vld.idx.msk [tilespmem:v21+s19+$0x0], $0xffff  }
0x485: {  	v30 =	vld.idx.msk [tilespmem:v30+s19+$0x0], $0xffff  }
0x486: {  	v31 =	vld.idx.msk [tilespmem:v31+s19+$0x0], $0xffff  }
0x487: {  	v32 =	vld.idx.msk [tilespmem:v32+s19+$0x0], $0xffff  }
0x488: {  	v41 =	vld.idx.msk [tilespmem:v41+s19+$0x0], $0xffff  }
0x489: {  	v42 =	vld.idx.msk [tilespmem:v42+s19+$0x0], $0xffff  }
0x48a: {  	v46 =	vor.u32 v53, v1;
	v43 =	vld.idx.msk [tilespmem:v43+s19+$0x0], $0xffff  }
0x48b: {  	v47 =	vor.u32 v54, v1;
	v44 =	vld.idx.msk [tilespmem:v44+s19+$0x0], $0xffff  }
0x48c: {  	v48 =	vld.idx.msk [tilespmem:v48+s19+$0x0], $0xffff  }
0x48d: {  	v49 =	vor.u32 v49, v1;
	v53 =	vor.u32 v59, v0;
	v59 =	vld [tilespmem:$0x1F920]  }
0x48e: {  	v50 =	vor.u32 v50, v0;
	v45 =	vld.idx.msk [tilespmem:v45+s19+$0x0], $0xffff  }
0x48f: {  	v46 =	vld.idx.msk [tilespmem:v46+s19+$0x0], $0xffff  }
0x490: {  	v51 =	vor.u32 v51, v0;
	v47 =	vld.idx.msk [tilespmem:v47+s19+$0x0], $0xffff  }
0x491: {  	v54 =	vor.u32 v60, v0;
	v60 =	vld [tilespmem:$0x1F930]  }
0x492: {  	v49 =	vld.idx.msk [tilespmem:v49+s19+$0x0], $0xffff  }
0x493: {  	[tilespmem:v50+s3+$0x0] =	vst.idx.msk $0xffff, v2;
	v50 =	vld [tilespmem:$0x1F940]  }
0x494: {  	v2 =	vor.u32 v59, v0;
	v59 =	vld [tilespmem:$0x1F980]  }
0x495: {  	[tilespmem:v51+s3+$0x0] =	vst.idx.msk $0xffff, v3;
	v51 =	vld [tilespmem:$0x1F950]  }
0x496: {  	[tilespmem:v52+s3+$0x0] =	vst.idx.msk $0xffff, v4;
	v52 =	vld [tilespmem:$0x1F960]  }
0x497: {  	[tilespmem:v53+s3+$0x0] =	vst.idx.msk $0xffff, v5;
	v53 =	vld [tilespmem:$0x1F970]  }
0x498: {  	v3 =	vor.u32 v60, v0;
	v60 =	vld [tilespmem:$0x1F990]  }
0x499: {  	v4 =	vor.u32 v50, v0;
	v50 =	vld [tilespmem:$0x1F9A0]  }
0x49a: {  	v5 =	vor.u32 v51, v0;
	v51 =	vld [tilespmem:$0x1F9B0]  }
0x49b: {  	[tilespmem:v54+s3+$0x0] =	vst.idx.msk $0xffff, v6;
	v6 =	vor.u32 v52, v0;
	v52 =	vld [tilespmem:$0x1F9C0]  }
0x49c: {  	[tilespmem:v2+s3+$0x0] =	vst.idx.msk $0xffff, v7;
	v2 =	vor.u32 v53, v0;
	v53 =	vld [tilespmem:$0x1F9D0]  }
0x49d: {  	[tilespmem:v3+s3+$0x0] =	vst.idx.msk $0xffff, v8;
	v3 =	vor.u32 v59, v0;
	v59 =	vld [tilespmem:$0x1F9E0]  }
0x49e: {  	v8 =	vld [tilespmem:$0x1F630]  }
0x49f: {  	[tilespmem:v4+s3+$0x0] =	vst.idx.msk $0xffff, v9;
	v4 =	vor.u32 v60, v0;
	v60 =	vld [tilespmem:$0x1F9F0]  }
0x4a0: {  	v9 =	vld [tilespmem:$0x1F640]  }
0x4a1: {  	[tilespmem:v5+s3+$0x0] =	vst.idx.msk $0xffff, v10;
	v5 =	vor.u32 v50, v0;
	v50 =	vld [tilespmem:$0x1FA50]  }
0x4a2: {  	v10 =	vld [tilespmem:$0x1F650]  }
0x4a3: {  	[tilespmem:v6+s3+$0x0] =	vst.idx.msk $0xffff, v19;
	v6 =	vor.u32 v51, v0;
	v51 =	vld [tilespmem:$0x1FA60]  }
0x4a4: {  	v19 =	vld [tilespmem:$0x1F660]  }
0x4a5: {  	[tilespmem:v2+s3+$0x0] =	vst.idx.msk $0xffff, v20;
	v2 =	vor.u32 v52, v0;
	v52 =	vld [tilespmem:$0x1FA70]  }
0x4a6: {  	v20 =	vld [tilespmem:$0x1F670];
	[tilespmem:v3+s3+$0x0] =	vst.idx.msk $0xffff, v21;
	v3 =	vor.u32 v53, v0  }
0x4a7: {  	v53 =	vld [tilespmem:$0x1FA80];
	[tilespmem:v4+s3+$0x0] =	vst.idx.msk $0xffff, v30;
	v4 =	vor.u32 v59, v0  }
0x4a8: {  	v21 =	vld [tilespmem:$0x1F680];
	[tilespmem:v5+s3+$0x0] =	vst.idx.msk $0xffff, v31;
	v5 =	vor.u32 v60, v0  }
0x4a9: {  	[tilespmem:v6+s3+$0x0] =	vst.idx.msk $0xffff, v32;
	v32 =	vld [tilespmem:$0x1FA00]  }
0x4aa: {  	[tilespmem:v2+s3+$0x0] =	vst.idx.msk $0xffff, v33;
	v33 =	vld [tilespmem:$0x1FA10]  }
0x4ab: {  	[tilespmem:v3+s3+$0x0] =	vst.idx.msk $0xffff, v34;
	v34 =	vld [tilespmem:$0x1FA20]  }
0x4ac: {  	[tilespmem:v4+s3+$0x0] =	vst.idx.msk $0xffff, v35;
	v35 =	vld [tilespmem:$0x1FA30]  }
0x4ad: {  	[tilespmem:v5+s3+$0x0] =	vst.idx.msk $0xffff, v36;
	v36 =	vld [tilespmem:$0x1FA40]  }
0x4ae: {  	v59 =	vld [tilespmem:$0x1FA90];
	v6 =	vor.u32 v32, v0  }
0x4af: {  	v30 =	vld [tilespmem:$0x1F690];
	v2 =	vor.u32 v33, v0  }
0x4b0: {  	v60 =	vld [tilespmem:$0x1FAA0];
	v3 =	vor.u32 v34, v0  }
0x4b1: {  	v31 =	vld [tilespmem:$0x1F6A0];
	v4 =	vor.u32 v35, v0  }
0x4b2: {  	v32 =	vld [tilespmem:$0x1FAB0];
	v5 =	vor.u32 v36, v0  }
0x4b3: {  	v33 =	vld [tilespmem:$0x1FAC0];
	[tilespmem:v6+s3+$0x0] =	vst.idx.msk $0xffff, v37;
	v6 =	vor.u32 v50, v0  }
0x4b4: {  	v34 =	vld [tilespmem:$0x1F540];
	[tilespmem:v2+s3+$0x0] =	vst.idx.msk $0xffff, v38;
	v2 =	vor.u32 v51, v0  }
0x4b5: {  	v35 =	vld [tilespmem:$0x1F5E0];
	[tilespmem:v3+s3+$0x0] =	vst.idx.msk $0xffff, v39;
	v3 =	vor.u32 v52, v0  }
0x4b6: {  	v36 =	vld [tilespmem:$0x1F5F0];
	[tilespmem:v4+s3+$0x0] =	vst.idx.msk $0xffff, v40;
	v4 =	vor.u32 v53, v0  }
0x4b7: {  	v39 =	vld [tilespmem:$0x1F620];
	[tilespmem:v5+s3+$0x0] =	vst.idx.msk $0xffff, v41;
	v5 =	vor.u32 v59, v0  }
0x4b8: {  	v37 =	vld [tilespmem:$0x1F600];
	[tilespmem:v6+s3+$0x0] =	vst.idx.msk $0xffff, v42;
	v6 =	vor.u32 v60, v0  }
0x4b9: {  	v38 =	vld [tilespmem:$0x1F610];
	[tilespmem:v2+s3+$0x0] =	vst.idx.msk $0xffff, v43;
	v2 =	vor.u32 v32, v0  }
0x4ba: {  	v40 =	vld [tilespmem:$0x1F6B0];
	[tilespmem:v3+s3+$0x0] =	vst.idx.msk $0xffff, v44;
	v3 =	vor.u32 v33, v0  }
0x4bb: {  	v41 =	vld [tilespmem:$0x1F6C0];
	[tilespmem:v4+s3+$0x0] =	vst.idx.msk $0xffff, v45;
	v4 =	vor.u32 v34, v1  }
0x4bc: {  	v42 =	vld [tilespmem:$0x1F6D0];
	v7 =	vor.u32 v39, v1;
	[tilespmem:v5+s3+$0x0] =	vst.idx.msk $0xffff, v46  }
0x4bd: {  	v8 =	vor.u32 v8, v1;
	v43 =	vld [tilespmem:$0x1F6E0];
	[tilespmem:v6+s3+$0x0] =	vst.idx.msk $0xffff, v47  }
0x4be: {  	v9 =	vor.u32 v9, v1;
	v44 =	vld [tilespmem:$0x1F6F0];
	[tilespmem:v2+s3+$0x0] =	vst.idx.msk $0xffff, v48  }
0x4bf: {  	v10 =	vor.u32 v10, v1;
	v45 =	vld [tilespmem:$0x1F700];
	[tilespmem:v3+s3+$0x0] =	vst.idx.msk $0xffff, v49  }
0x4c0: {  	v19 =	vor.u32 v19, v1;
	v4 =	vld.idx.msk [tilespmem:v4+s19+$0x0], $0xffff  }
0x4c1: {  	v20 =	vor.u32 v20, v1;
	v7 =	vld.idx.msk [tilespmem:v7+s19+$0x0], $0xffff  }
0x4c2: {  	v21 =	vor.u32 v21, v1;
	v8 =	vld.idx.msk [tilespmem:v8+s19+$0x0], $0xffff  }
0x4c3: {  	v30 =	vor.u32 v30, v1;
	v9 =	vld.idx.msk [tilespmem:v9+s19+$0x0], $0xffff  }
0x4c4: {  	v31 =	vor.u32 v31, v1;
	v10 =	vld.idx.msk [tilespmem:v10+s19+$0x0], $0xffff  }
0x4c5: {  	v32 =	vor.u32 v40, v1;
	v19 =	vld.idx.msk [tilespmem:v19+s19+$0x0], $0xffff  }
0x4c6: {  	v50 =	vor.u32 v22, v1;
	v20 =	vld.idx.msk [tilespmem:v20+s19+$0x0], $0xffff  }
0x4c7: {  	v51 =	vor.u32 v23, v1;
	v21 =	vld.idx.msk [tilespmem:v21+s19+$0x0], $0xffff  }
0x4c8: {  	v52 =	vor.u32 v25, v1;
	v30 =	vld.idx.msk [tilespmem:v30+s19+$0x0], $0xffff  }
0x4c9: {  	v31 =	vld.idx.msk [tilespmem:v31+s19+$0x0], $0xffff  }
0x4ca: {  	v5 =	vor.u32 v35, v1;
	v32 =	vld.idx.msk [tilespmem:v32+s19+$0x0], $0xffff  }
0x4cb: {  	v33 =	vor.u32 v41, v1;
	v34 =	vor.u32 v42, v1;
	v42 =	vld.idx.msk [tilespmem:v50+s19+$0x0], $0xffff  }
0x4cc: {  	v46 =	vor.u32 v15, v1;
	v35 =	vor.u32 v43, v1;
	v43 =	vld.idx.msk [tilespmem:v51+s19+$0x0], $0xffff  }
0x4cd: {  	v53 =	vor.u32 v26, v1;
	v2 =	vor.u32 v37, v1;
	v37 =	vor.u32 v45, v1;
	v45 =	vld.idx.msk [tilespmem:v52+s19+$0x0], $0xffff  }
0x4ce: {  	v52 =	vld [tilespmem:$0x1FAD0]  }
0x4cf: {  	v6 =	vor.u32 v36, v1;
	v5 =	vld.idx.msk [tilespmem:v5+s19+$0x0], $0xffff  }
0x4d0: {  	v33 =	vld.idx.msk [tilespmem:v33+s19+$0x0], $0xffff  }
0x4d1: {  	v47 =	vor.u32 v16, v1;
	v3 =	vor.u32 v38, v1;
	v38 =	vld.idx.msk [tilespmem:v46+s19+$0x0], $0xffff  }
0x4d2: {  	v59 =	vor.u32 v27, v1;
	v46 =	vld.idx.msk [tilespmem:v53+s19+$0x0], $0xffff  }
0x4d3: {  	v53 =	vld [tilespmem:$0x1FAE0]  }
0x4d4: {  	v6 =	vld.idx.msk [tilespmem:v6+s19+$0x0], $0xffff  }
0x4d5: {  	v34 =	vld.idx.msk [tilespmem:v34+s19+$0x0], $0xffff  }
0x4d6: {  	v48 =	vor.u32 v18, v1;
	v39 =	vld.idx.msk [tilespmem:v47+s19+$0x0], $0xffff  }
0x4d7: {  	v60 =	vor.u32 v28, v1;
	v47 =	vld.idx.msk [tilespmem:v59+s19+$0x0], $0xffff  }
0x4d8: {  	v59 =	vld [tilespmem:$0x1FAF0]  }
0x4d9: {  	v2 =	vld.idx.msk [tilespmem:v2+s19+$0x0], $0xffff  }
0x4da: {  	v36 =	vor.u32 v44, v1;
	v35 =	vld.idx.msk [tilespmem:v35+s19+$0x0], $0xffff  }
0x4db: {  	v49 =	vor.u32 v17, v1;
	v40 =	vld.idx.msk [tilespmem:v48+s19+$0x0], $0xffff  }
0x4dc: {  	v44 =	vor.u32 v24, v1;
	v48 =	vld.idx.msk [tilespmem:v60+s19+$0x0], $0xffff  }
0x4dd: {  	v60 =	vld [tilespmem:$0x1FB00]  }
0x4de: {  	v1 =	vor.u32 v29, v1;
	v3 =	vld.idx.msk [tilespmem:v3+s19+$0x0], $0xffff  }
0x4df: {  	v36 =	vld.idx.msk [tilespmem:v36+s19+$0x0], $0xffff  }
0x4e0: {  	v41 =	vld.idx.msk [tilespmem:v49+s19+$0x0], $0xffff  }
0x4e1: {  	v44 =	vld.idx.msk [tilespmem:v44+s19+$0x0], $0xffff;
	v49 =	vor.u32 v52, v0  }
0x4e2: {  	v37 =	vld.idx.msk [tilespmem:v37+s19+$0x0], $0xffff;
	v50 =	vor.u32 v53, v0  }
0x4e3: {  	v1 =	vld.idx.msk [tilespmem:v1+s19+$0x0], $0xffff;
	v51 =	vor.u32 v59, v0  }
0x4e4: {  	v59 =	vld [tilespmem:$0x1FB10]  }
0x4e5: {  	v52 =	vor.u32 v60, v0;
	v60 =	vld [tilespmem:$0x1FB20]  }
0x4e6: {  	[tilespmem:v49+s3+$0x0] =	vst.idx.msk $0xffff, v4;
	v49 =	vld [tilespmem:$0x1FB30]  }
0x4e7: {  	[tilespmem:v50+s3+$0x0] =	vst.idx.msk $0xffff, v5;
	v50 =	vld [tilespmem:$0x1FB40]  }
0x4e8: {  	[tilespmem:v51+s3+$0x0] =	vst.idx.msk $0xffff, v6;
	v51 =	vld [tilespmem:$0x1FB50]  }
0x4e9: {  	v53 =	vor.u32 v59, v0;
	v59 =	vld [tilespmem:$0x1FB60]  }
0x4ea: {  	v4 =	vor.u32 v60, v0  }
0x4eb: {  	v5 =	vor.u32 v49, v0  }
0x4ec: {  	v6 =	vor.u32 v50, v0  }
0x4ed: {  	[tilespmem:v52+s3+$0x0] =	vst.idx.msk $0xffff, v2;
	v2 =	vor.u32 v51, v0  }
0x4ee: {  	[tilespmem:v53+s3+$0x0] =	vst.idx.msk $0xffff, v3;
	v3 =	vor.u32 v59, v0  }
0x4ef: {  	v60 =	vor.u32 v55, v0;
	[tilespmem:v4+s3+$0x0] =	vst.idx.msk $0xffff, v7  }
0x4f0: {  	v49 =	vor.u32 v58, v0;
	[tilespmem:v5+s3+$0x0] =	vst.idx.msk $0xffff, v8  }
0x4f1: {  	v50 =	vld [tilespmem:$0x1FF00];
	[tilespmem:v6+s3+$0x0] =	vst.idx.msk $0xffff, v9  }
0x4f2: {  	v51 =	vld [tilespmem:$0x1FF10];
	[tilespmem:v2+s3+$0x0] =	vst.idx.msk $0xffff, v10  }
0x4f3: {  	v59 =	vld [tilespmem:$0x1FFD0];
	[tilespmem:v3+s3+$0x0] =	vst.idx.msk $0xffff, v19  }
0x4f4: {  	[tilespmem:v60+s3+$0x0] =	vst.idx.msk $0xffff, v20;
	v60 =	vld [tilespmem:$0x1FFE0]  }
0x4f5: {  	[tilespmem:v49+s3+$0x0] =	vst.idx.msk $0xffff, v21;
	v49 =	vld [tilespmem:$0x1FFF0]  }
0x4f6: {  	v6 =	vor.u32 v50, v0;
	v50 =	vld [tilespmem:$0x1FED0]  }
0x4f7: {  	v2 =	vor.u32 v51, v0;
	v51 =	vld [tilespmem:$0x1FEE0]  }
0x4f8: {  	v3 =	vor.u32 v59, v0  }
0x4f9: {  	v4 =	vor.u32 v60, v0;
	v60 =	vld [tilespmem:$0x1FEF0]  }
0x4fa: {  	v5 =	vor.u32 v49, v0  }
0x4fb: {  	[tilespmem:v6+s3+$0x0] =	vst.idx.msk $0xffff, v30;
	v6 =	vor.u32 v50, v0  }
0x4fc: {  	[tilespmem:v2+s3+$0x0] =	vst.idx.msk $0xffff, v31;
	v2 =	vor.u32 v51, v0  }
0x4fd: {  	v59 =	vor.u32 v61, v0;
	[tilespmem:v3+s3+$0x0] =	vst.idx.msk $0xffff, v32  }
0x4fe: {  	[tilespmem:v4+s3+$0x0] =	vst.idx.msk $0xffff, v33;
	v4 =	vor.u32 v60, v0  }
0x4ff: {  	v32 =	vor.u32 v62, v0;
	[tilespmem:v5+s3+$0x0] =	vst.idx.msk $0xffff, v34  }
0x500: {  	v33 =	vor.u32 v63, v0;
	[tilespmem:v6+s3+$0x0] =	vst.idx.msk $0xffff, v35  }
0x501: {  	v51 =	vld [tilespmem:$0x1FF20];
	v34 =	vor.u32 v11, v0;
	[tilespmem:v2+s3+$0x0] =	vst.idx.msk $0xffff, v36  }
0x502: {  	v35 =	vor.u32 v56, v0;
	[tilespmem:v59+s3+$0x0] =	vst.idx.msk $0xffff, v37;
	v59 =	vld [tilespmem:$0x1FF30]  }
0x503: {  	v60 =	vld [tilespmem:$0x1FF40];
	v37 =	vor.u32 v57, v0;
	[tilespmem:v4+s3+$0x0] =	vst.idx.msk $0xffff, v38  }
0x504: {  	v49 =	vor.u32 v12, v0;
	[tilespmem:v32+s3+$0x0] =	vst.idx.msk $0xffff, v39  }
0x505: {  	v54 =	vld [tilespmem:$0x1F760];
	v50 =	vor.u32 v13, v0;
	[tilespmem:v33+s3+$0x0] =	vst.idx.msk $0xffff, v40  }
0x506: {  	v52 =	vld [tilespmem:$0x1FFC0];
	v2 =	vor.u32 v51, v0;
	[tilespmem:v34+s3+$0x0] =	vst.idx.msk $0xffff, v41  }
0x507: {  	v53 =	vld [tilespmem:$0x1F750];
	[tilespmem:v35+s3+$0x0] =	vst.idx.msk $0xffff, v42;
	v3 =	vor.u32 v59, v0  }
0x508: {  	v4 =	vor.u32 v60, v0;
	v42 =	vld [tilespmem:$0x1FF50];
	[tilespmem:v37+s3+$0x0] =	vst.idx.msk $0xffff, v43  }
0x509: {  	p2 =	sne.s32 s5, $0x70;
	v0 =	vor.u32 v14, v0;
	v43 =	vld [tilespmem:$0x1FF60];
	[tilespmem:v49+s3+$0x0] =	vst.idx.msk $0xffff, v44  }
.Ltmp3:
0x50a: {  	v44 =	vld [tilespmem:$0x1FF70];
	[tilespmem:v50+s3+$0x0] =	vst.idx.msk $0xffff, v45;
	(pc) =	sbr.rel @p2 .LBB2_9-.Ltmp3, $4  }
0x50b: {  	v45 =	vld [tilespmem:$0x1FF80];
	[tilespmem:v2+s3+$0x0] =	vst.idx.msk $0xffff, v46  }
0x50c: {  	v46 =	vld [tilespmem:$0x1FF90];
	[tilespmem:v3+s3+$0x0] =	vst.idx.msk $0xffff, v47  }
0x50d: {  	v47 =	vld [tilespmem:$0x1FFA0];
	[tilespmem:v4+s3+$0x0] =	vst.idx.msk $0xffff, v48  }
0x50e: {  	s5 =	sadd.s32 $0x10, s5;
	v38 =	vlaneseq.u32;
	v48 =	vld [tilespmem:$0x1FFB0];
	[tilespmem:v0+s3+$0x0] =	vst.idx.msk $0xffff, v1  }
0x50f: {  	s5 =	sadd.s32 @!p1 $0x400, s2;
	s16 =	simm.s32 @!p1 $0x80;
	s17 =	simm.s32 @!p1 $0xC400  }
0x510: {  	[tilespmem:s17], [sflag:$0x4] =	stream.indirect.gather @!p1 [hbm4b:s4+s16], $0x40, s5, s16, $0xb8;
	[tilespmem:$0x1A400] =	vst v63  }
0x511: {  	s17 =	sadd.s32 s9, s20  }
0x512: {  	s5 =	sshrl.u32 s17, $0x3  }
0x513: {  	s5 =	sadd.s32 s1, s5  }
0x514: {  	[hbm4b:s5+s24] =	stream.strided.scatter [tilespmem:s3], [sflag:$0x9], $0x2000, s25, s24, $0x38;
	[tilespmem:$0x1A400] =	vst v63  }
0x515: {  	_ =	swait.ge [sflag:s0], $0x2000  }
0x516: {  	[sflag:s0] =	ssyncset.done $0x0  }
0x517: {  	s5 =	simm.s32 @!p0 $0xA;
	[sflag:s0] =	ssyncadd.s32 $0xFFFFE000  }
0x518: {  	_ =	swait.ge @!p0 [sflag:s5], $0x2000  }
0x519: {  	[sflag:s5] =	ssyncset.done @!p0 $0x0  }
0x51a: {  	[sflag:s5] =	ssyncadd.s32 @!p0 $0xFFFFE000;
	s5 =	simm.s32 $0x0  }
.LBB2_11:
0x51b: {  	v3 =	vld [tilespmem:$0x1F710]  }
0x51c: {  	v4 =	vld [tilespmem:$0x1F720]  }
0x51d: {  	v5 =	vld [tilespmem:$0x1F730]  }
0x51e: {  	v6 =	vld [tilespmem:$0x1F740]  }
0x51f: {  	v7 =	vld [tilespmem:$0x1F7D0]  }
0x520: {  	v8 =	vld [tilespmem:$0x1F800]  }
0x521: {  	v9 =	vld [tilespmem:$0x1F820]  }
0x522: {  	v20 =	vld [tilespmem:$0x1F770]  }
0x523: {  	v21 =	vld [tilespmem:$0x1F780]  }
0x524: {  	v30 =	vld [tilespmem:$0x1F790]  }
0x525: {  	v31 =	vld [tilespmem:$0x1F7A0]  }
0x526: {  	v32 =	vld [tilespmem:$0x1F7B0]  }
0x527: {  	v41 =	vld [tilespmem:$0x1F550]  }
0x528: {  	v49 =	vld [tilespmem:$0x1F560]  }
0x529: {  	v50 =	vld [tilespmem:$0x1F570]  }
0x52a: {  	v51 =	vld [tilespmem:$0x1F580]  }
0x52b: {  	v0 =	vor.u32 s5, v38;
	v59 =	vld [tilespmem:$0x1F5C0]  }
0x52c: {  	v60 =	vld [tilespmem:$0x1F8F0];
	v1 =	vshll.u32 v0, $0x6  }
0x52d: {  	v40 =	vor.u32 v52, v1;
	v52 =	vld [tilespmem:$0x1F590]  }
0x52e: {  	v10 =	vor.u32 v53, v1;
	v53 =	vld [tilespmem:$0x1F5A0]  }
0x52f: {  	v2 =	vor.u32 v38, v1;
	v19 =	vor.u32 v54, v1;
	v54 =	vld [tilespmem:$0x1F5B0]  }
0x530: {  	v35 =	vor.u32 v42, v1;
	v42 =	vor.u32 v49, v1;
	v49 =	vld [tilespmem:$0x1F5D0]  }
0x531: {  	v36 =	vor.u32 v43, v1;
	v43 =	vor.u32 v50, v1;
	v50 =	vld [tilespmem:$0x1F8B0]  }
0x532: {  	v33 =	vor.u32 v44, v1;
	v44 =	vor.u32 v51, v1;
	v51 =	vld [tilespmem:$0x1F8D0]  }
0x533: {  	v34 =	vor.u32 v47, v1;
	v39 =	vor.u32 v48, v1;
	v48 =	vor.u32 v59, v1;
	v59 =	vld [tilespmem:$0x1F900]  }
0x534: {  	v2 =	vld.idx.msk [tilespmem:v2+s21+$0x0], $0xffff  }
0x535: {  	v10 =	vld.idx.msk [tilespmem:v10+s21+$0x0], $0xffff  }
0x536: {  	v37 =	vor.u32 v45, v1;
	v19 =	vld.idx.msk [tilespmem:v19+s21+$0x0], $0xffff  }
0x537: {  	v47 =	vor.u32 v46, v1;
	v33 =	vld.idx.msk [tilespmem:v33+s21+$0x0], $0xffff  }
0x538: {  	v34 =	vld.idx.msk [tilespmem:v34+s21+$0x0], $0xffff  }
0x539: {  	v35 =	vld.idx.msk [tilespmem:v35+s21+$0x0], $0xffff  }
0x53a: {  	v36 =	vld.idx.msk [tilespmem:v36+s21+$0x0], $0xffff  }
0x53b: {  	v3 =	vor.u32 v3, v1;
	v37 =	vld.idx.msk [tilespmem:v37+s21+$0x0], $0xffff  }
0x53c: {  	v4 =	vor.u32 v4, v1;
	v38 =	vld.idx.msk [tilespmem:v47+s21+$0x0], $0xffff  }
0x53d: {  	v5 =	vor.u32 v5, v1;
	v39 =	vld.idx.msk [tilespmem:v39+s21+$0x0], $0xffff  }
0x53e: {  	v0 =	vand.u32 $0x78, v0;
	v6 =	vor.u32 v6, v1;
	v40 =	vld.idx.msk [tilespmem:v40+s21+$0x0], $0xffff  }
0x53f: {  	v7 =	vor.u32 v7, v1;
	v45 =	vor.u32 v52, v1;
	v52 =	vor.u32 v60, v0;
	v60 =	vld [tilespmem:$0x1F910]  }
0x540: {  	v8 =	vor.u32 v8, v1;
	v3 =	vld.idx.msk [tilespmem:v3+s21+$0x0], $0xffff  }
0x541: {  	v9 =	vor.u32 v9, v1;
	v4 =	vld.idx.msk [tilespmem:v4+s21+$0x0], $0xffff  }
0x542: {  	v20 =	vor.u32 v20, v1;
	v5 =	vld.idx.msk [tilespmem:v5+s21+$0x0], $0xffff  }
0x543: {  	v21 =	vor.u32 v21, v1;
	v6 =	vld.idx.msk [tilespmem:v6+s21+$0x0], $0xffff  }
0x544: {  	v30 =	vor.u32 v30, v1;
	v7 =	vld.idx.msk [tilespmem:v7+s21+$0x0], $0xffff  }
0x545: {  	v31 =	vor.u32 v31, v1;
	v8 =	vld.idx.msk [tilespmem:v8+s21+$0x0], $0xffff  }
0x546: {  	v32 =	vor.u32 v32, v1;
	v9 =	vld.idx.msk [tilespmem:v9+s21+$0x0], $0xffff  }
0x547: {  	v41 =	vor.u32 v41, v1;
	v20 =	vld.idx.msk [tilespmem:v20+s21+$0x0], $0xffff  }
0x548: {  	v21 =	vld.idx.msk [tilespmem:v21+s21+$0x0], $0xffff  }
0x549: {  	v30 =	vld.idx.msk [tilespmem:v30+s21+$0x0], $0xffff  }
0x54a: {  	v31 =	vld.idx.msk [tilespmem:v31+s21+$0x0], $0xffff  }
0x54b: {  	v32 =	vld.idx.msk [tilespmem:v32+s21+$0x0], $0xffff  }
0x54c: {  	v41 =	vld.idx.msk [tilespmem:v41+s21+$0x0], $0xffff  }
0x54d: {  	v42 =	vld.idx.msk [tilespmem:v42+s21+$0x0], $0xffff  }
0x54e: {  	v46 =	vor.u32 v53, v1;
	v43 =	vld.idx.msk [tilespmem:v43+s21+$0x0], $0xffff  }
0x54f: {  	v47 =	vor.u32 v54, v1;
	v44 =	vld.idx.msk [tilespmem:v44+s21+$0x0], $0xffff  }
0x550: {  	v48 =	vld.idx.msk [tilespmem:v48+s21+$0x0], $0xffff  }
0x551: {  	v49 =	vor.u32 v49, v1;
	v53 =	vor.u32 v59, v0;
	v59 =	vld [tilespmem:$0x1F920]  }
0x552: {  	v50 =	vor.u32 v50, v0;
	v45 =	vld.idx.msk [tilespmem:v45+s21+$0x0], $0xffff  }
0x553: {  	v46 =	vld.idx.msk [tilespmem:v46+s21+$0x0], $0xffff  }
0x554: {  	v51 =	vor.u32 v51, v0;
	v47 =	vld.idx.msk [tilespmem:v47+s21+$0x0], $0xffff  }
0x555: {  	v54 =	vor.u32 v60, v0;
	v60 =	vld [tilespmem:$0x1F930]  }
0x556: {  	v49 =	vld.idx.msk [tilespmem:v49+s21+$0x0], $0xffff  }
0x557: {  	[tilespmem:v50+s15+$0x0] =	vst.idx.msk $0xffff, v2;
	v50 =	vld [tilespmem:$0x1F940]  }
0x558: {  	v2 =	vor.u32 v59, v0;
	v59 =	vld [tilespmem:$0x1F980]  }
0x559: {  	[tilespmem:v51+s15+$0x0] =	vst.idx.msk $0xffff, v3;
	v51 =	vld [tilespmem:$0x1F950]  }
0x55a: {  	[tilespmem:v52+s15+$0x0] =	vst.idx.msk $0xffff, v4;
	v52 =	vld [tilespmem:$0x1F960]  }
0x55b: {  	[tilespmem:v53+s15+$0x0] =	vst.idx.msk $0xffff, v5;
	v53 =	vld [tilespmem:$0x1F970]  }
0x55c: {  	v3 =	vor.u32 v60, v0;
	v60 =	vld [tilespmem:$0x1F990]  }
0x55d: {  	v4 =	vor.u32 v50, v0;
	v50 =	vld [tilespmem:$0x1F9A0]  }
0x55e: {  	v5 =	vor.u32 v51, v0;
	v51 =	vld [tilespmem:$0x1F9B0]  }
0x55f: {  	[tilespmem:v54+s15+$0x0] =	vst.idx.msk $0xffff, v6;
	v6 =	vor.u32 v52, v0;
	v52 =	vld [tilespmem:$0x1F9C0]  }
0x560: {  	[tilespmem:v2+s15+$0x0] =	vst.idx.msk $0xffff, v7;
	v2 =	vor.u32 v53, v0;
	v53 =	vld [tilespmem:$0x1F9D0]  }
0x561: {  	[tilespmem:v3+s15+$0x0] =	vst.idx.msk $0xffff, v8;
	v3 =	vor.u32 v59, v0;
	v59 =	vld [tilespmem:$0x1F9E0]  }
0x562: {  	v8 =	vld [tilespmem:$0x1F630]  }
0x563: {  	[tilespmem:v4+s15+$0x0] =	vst.idx.msk $0xffff, v9;
	v4 =	vor.u32 v60, v0;
	v60 =	vld [tilespmem:$0x1F9F0]  }
0x564: {  	v9 =	vld [tilespmem:$0x1F640]  }
0x565: {  	[tilespmem:v5+s15+$0x0] =	vst.idx.msk $0xffff, v10;
	v5 =	vor.u32 v50, v0;
	v50 =	vld [tilespmem:$0x1FA50]  }
0x566: {  	v10 =	vld [tilespmem:$0x1F650]  }
0x567: {  	[tilespmem:v6+s15+$0x0] =	vst.idx.msk $0xffff, v19;
	v6 =	vor.u32 v51, v0;
	v51 =	vld [tilespmem:$0x1FA60]  }
0x568: {  	v19 =	vld [tilespmem:$0x1F660]  }
0x569: {  	[tilespmem:v2+s15+$0x0] =	vst.idx.msk $0xffff, v20;
	v2 =	vor.u32 v52, v0;
	v52 =	vld [tilespmem:$0x1FA70]  }
0x56a: {  	v20 =	vld [tilespmem:$0x1F670];
	[tilespmem:v3+s15+$0x0] =	vst.idx.msk $0xffff, v21;
	v3 =	vor.u32 v53, v0  }
0x56b: {  	v53 =	vld [tilespmem:$0x1FA80];
	[tilespmem:v4+s15+$0x0] =	vst.idx.msk $0xffff, v30;
	v4 =	vor.u32 v59, v0  }
0x56c: {  	v21 =	vld [tilespmem:$0x1F680];
	[tilespmem:v5+s15+$0x0] =	vst.idx.msk $0xffff, v31;
	v5 =	vor.u32 v60, v0  }
0x56d: {  	[tilespmem:v6+s15+$0x0] =	vst.idx.msk $0xffff, v32;
	v32 =	vld [tilespmem:$0x1FA00]  }
0x56e: {  	[tilespmem:v2+s15+$0x0] =	vst.idx.msk $0xffff, v33;
	v33 =	vld [tilespmem:$0x1FA10]  }
0x56f: {  	[tilespmem:v3+s15+$0x0] =	vst.idx.msk $0xffff, v34;
	v34 =	vld [tilespmem:$0x1FA20]  }
0x570: {  	[tilespmem:v4+s15+$0x0] =	vst.idx.msk $0xffff, v35;
	v35 =	vld [tilespmem:$0x1FA30]  }
0x571: {  	[tilespmem:v5+s15+$0x0] =	vst.idx.msk $0xffff, v36;
	v36 =	vld [tilespmem:$0x1FA40]  }
0x572: {  	v59 =	vld [tilespmem:$0x1FA90];
	v6 =	vor.u32 v32, v0  }
0x573: {  	v30 =	vld [tilespmem:$0x1F690];
	v2 =	vor.u32 v33, v0  }
0x574: {  	v60 =	vld [tilespmem:$0x1FAA0];
	v3 =	vor.u32 v34, v0  }
0x575: {  	v31 =	vld [tilespmem:$0x1F6A0];
	v4 =	vor.u32 v35, v0  }
0x576: {  	v32 =	vld [tilespmem:$0x1FAB0];
	v5 =	vor.u32 v36, v0  }
0x577: {  	v33 =	vld [tilespmem:$0x1FAC0];
	[tilespmem:v6+s15+$0x0] =	vst.idx.msk $0xffff, v37;
	v6 =	vor.u32 v50, v0  }
0x578: {  	v34 =	vld [tilespmem:$0x1F540];
	[tilespmem:v2+s15+$0x0] =	vst.idx.msk $0xffff, v38;
	v2 =	vor.u32 v51, v0  }
0x579: {  	v35 =	vld [tilespmem:$0x1F5E0];
	[tilespmem:v3+s15+$0x0] =	vst.idx.msk $0xffff, v39;
	v3 =	vor.u32 v52, v0  }
0x57a: {  	v36 =	vld [tilespmem:$0x1F5F0];
	[tilespmem:v4+s15+$0x0] =	vst.idx.msk $0xffff, v40;
	v4 =	vor.u32 v53, v0  }
0x57b: {  	v39 =	vld [tilespmem:$0x1F620];
	[tilespmem:v5+s15+$0x0] =	vst.idx.msk $0xffff, v41;
	v5 =	vor.u32 v59, v0  }
0x57c: {  	v37 =	vld [tilespmem:$0x1F600];
	[tilespmem:v6+s15+$0x0] =	vst.idx.msk $0xffff, v42;
	v6 =	vor.u32 v60, v0  }
0x57d: {  	v38 =	vld [tilespmem:$0x1F610];
	[tilespmem:v2+s15+$0x0] =	vst.idx.msk $0xffff, v43;
	v2 =	vor.u32 v32, v0  }
0x57e: {  	v40 =	vld [tilespmem:$0x1F6B0];
	[tilespmem:v3+s15+$0x0] =	vst.idx.msk $0xffff, v44;
	v3 =	vor.u32 v33, v0  }
0x57f: {  	v41 =	vld [tilespmem:$0x1F6C0];
	[tilespmem:v4+s15+$0x0] =	vst.idx.msk $0xffff, v45;
	v4 =	vor.u32 v34, v1  }
0x580: {  	v42 =	vld [tilespmem:$0x1F6D0];
	v7 =	vor.u32 v39, v1;
	[tilespmem:v5+s15+$0x0] =	vst.idx.msk $0xffff, v46  }
0x581: {  	v8 =	vor.u32 v8, v1;
	v43 =	vld [tilespmem:$0x1F6E0];
	[tilespmem:v6+s15+$0x0] =	vst.idx.msk $0xffff, v47  }
0x582: {  	v9 =	vor.u32 v9, v1;
	v44 =	vld [tilespmem:$0x1F6F0];
	[tilespmem:v2+s15+$0x0] =	vst.idx.msk $0xffff, v48  }
0x583: {  	v10 =	vor.u32 v10, v1;
	v45 =	vld [tilespmem:$0x1F700];
	[tilespmem:v3+s15+$0x0] =	vst.idx.msk $0xffff, v49  }
0x584: {  	v19 =	vor.u32 v19, v1;
	v4 =	vld.idx.msk [tilespmem:v4+s21+$0x0], $0xffff  }
0x585: {  	v20 =	vor.u32 v20, v1;
	v7 =	vld.idx.msk [tilespmem:v7+s21+$0x0], $0xffff  }
0x586: {  	v21 =	vor.u32 v21, v1;
	v8 =	vld.idx.msk [tilespmem:v8+s21+$0x0], $0xffff  }
0x587: {  	v30 =	vor.u32 v30, v1;
	v9 =	vld.idx.msk [tilespmem:v9+s21+$0x0], $0xffff  }
0x588: {  	v31 =	vor.u32 v31, v1;
	v10 =	vld.idx.msk [tilespmem:v10+s21+$0x0], $0xffff  }
0x589: {  	v32 =	vor.u32 v40, v1;
	v19 =	vld.idx.msk [tilespmem:v19+s21+$0x0], $0xffff  }
0x58a: {  	v50 =	vor.u32 v22, v1;
	v20 =	vld.idx.msk [tilespmem:v20+s21+$0x0], $0xffff  }
0x58b: {  	v51 =	vor.u32 v23, v1;
	v21 =	vld.idx.msk [tilespmem:v21+s21+$0x0], $0xffff  }
0x58c: {  	v52 =	vor.u32 v25, v1;
	v30 =	vld.idx.msk [tilespmem:v30+s21+$0x0], $0xffff  }
0x58d: {  	v31 =	vld.idx.msk [tilespmem:v31+s21+$0x0], $0xffff  }
0x58e: {  	v5 =	vor.u32 v35, v1;
	v32 =	vld.idx.msk [tilespmem:v32+s21+$0x0], $0xffff  }
0x58f: {  	v33 =	vor.u32 v41, v1;
	v34 =	vor.u32 v42, v1;
	v42 =	vld.idx.msk [tilespmem:v50+s21+$0x0], $0xffff  }
0x590: {  	v46 =	vor.u32 v15, v1;
	v35 =	vor.u32 v43, v1;
	v43 =	vld.idx.msk [tilespmem:v51+s21+$0x0], $0xffff  }
0x591: {  	v53 =	vor.u32 v26, v1;
	v2 =	vor.u32 v37, v1;
	v37 =	vor.u32 v45, v1;
	v45 =	vld.idx.msk [tilespmem:v52+s21+$0x0], $0xffff  }
0x592: {  	v52 =	vld [tilespmem:$0x1FAD0]  }
0x593: {  	v6 =	vor.u32 v36, v1;
	v5 =	vld.idx.msk [tilespmem:v5+s21+$0x0], $0xffff  }
0x594: {  	v33 =	vld.idx.msk [tilespmem:v33+s21+$0x0], $0xffff  }
0x595: {  	v47 =	vor.u32 v16, v1;
	v3 =	vor.u32 v38, v1;
	v38 =	vld.idx.msk [tilespmem:v46+s21+$0x0], $0xffff  }
0x596: {  	v59 =	vor.u32 v27, v1;
	v46 =	vld.idx.msk [tilespmem:v53+s21+$0x0], $0xffff  }
0x597: {  	v53 =	vld [tilespmem:$0x1FAE0]  }
0x598: {  	v6 =	vld.idx.msk [tilespmem:v6+s21+$0x0], $0xffff  }
0x599: {  	v34 =	vld.idx.msk [tilespmem:v34+s21+$0x0], $0xffff  }
0x59a: {  	v48 =	vor.u32 v18, v1;
	v39 =	vld.idx.msk [tilespmem:v47+s21+$0x0], $0xffff  }
0x59b: {  	v60 =	vor.u32 v28, v1;
	v47 =	vld.idx.msk [tilespmem:v59+s21+$0x0], $0xffff  }
0x59c: {  	v59 =	vld [tilespmem:$0x1FAF0]  }
0x59d: {  	v2 =	vld.idx.msk [tilespmem:v2+s21+$0x0], $0xffff  }
0x59e: {  	v36 =	vor.u32 v44, v1;
	v35 =	vld.idx.msk [tilespmem:v35+s21+$0x0], $0xffff  }
0x59f: {  	v49 =	vor.u32 v17, v1;
	v40 =	vld.idx.msk [tilespmem:v48+s21+$0x0], $0xffff  }
0x5a0: {  	v48 =	vld.idx.msk [tilespmem:v60+s21+$0x0], $0xffff  }
0x5a1: {  	v60 =	vld [tilespmem:$0x1FB00]  }
0x5a2: {  	v44 =	vor.u32 v24, v1;
	v3 =	vld.idx.msk [tilespmem:v3+s21+$0x0], $0xffff  }
0x5a3: {  	v36 =	vld.idx.msk [tilespmem:v36+s21+$0x0], $0xffff  }
0x5a4: {  	v1 =	vor.u32 v29, v1;
	v41 =	vld.idx.msk [tilespmem:v49+s21+$0x0], $0xffff  }
0x5a5: {  	v51 =	vor.u32 v59, v0;
	v59 =	vld [tilespmem:$0x1FB10]  }
0x5a6: {  	v49 =	vor.u32 v52, v0;
	v52 =	vor.u32 v60, v0;
	v60 =	vld [tilespmem:$0x1FB20]  }
0x5a7: {  	v44 =	vld.idx.msk [tilespmem:v44+s21+$0x0], $0xffff  }
0x5a8: {  	v37 =	vld.idx.msk [tilespmem:v37+s21+$0x0], $0xffff  }
0x5a9: {  	v1 =	vld.idx.msk [tilespmem:v1+s21+$0x0], $0xffff  }
0x5aa: {  	v50 =	vor.u32 v53, v0;
	v53 =	vor.u32 v59, v0;
	v59 =	vld [tilespmem:$0x1FB30]  }
0x5ab: {  	[tilespmem:v49+s15+$0x0] =	vst.idx.msk $0xffff, v4;
	v4 =	vor.u32 v60, v0;
	v60 =	vld [tilespmem:$0x1FB40];
	_ =	sdelay $0x3  }
0x5ac: {  	[tilespmem:v50+s15+$0x0] =	vst.idx.msk $0xffff, v5;
	v5 =	vor.u32 v59, v0;
	v59 =	vld [tilespmem:$0x1FB50]  }
0x5ad: {  	[tilespmem:v51+s15+$0x0] =	vst.idx.msk $0xffff, v6;
	v6 =	vor.u32 v60, v0;
	v60 =	vld [tilespmem:$0x1FB60];
	_ =	sdelay $0x3  }
0x5ae: {  	[tilespmem:v52+s15+$0x0] =	vst.idx.msk $0xffff, v2;
	v2 =	vor.u32 v59, v0  }
0x5af: {  	[tilespmem:v53+s15+$0x0] =	vst.idx.msk $0xffff, v3;
	v3 =	vor.u32 v60, v0  }
0x5b0: {  	[tilespmem:v4+s15+$0x0] =	vst.idx.msk $0xffff, v7;
	v4 =	vor.u32 v55, v0  }
0x5b1: {  	[tilespmem:v5+s15+$0x0] =	vst.idx.msk $0xffff, v8;
	v8 =	vld [tilespmem:$0x1FF00]  }
0x5b2: {  	[tilespmem:v6+s15+$0x0] =	vst.idx.msk $0xffff, v9;
	v9 =	vld [tilespmem:$0x1FF10]  }
0x5b3: {  	[tilespmem:v2+s15+$0x0] =	vst.idx.msk $0xffff, v10;
	v10 =	vld [tilespmem:$0x1FFD0]  }
0x5b4: {  	[tilespmem:v3+s15+$0x0] =	vst.idx.msk $0xffff, v19;
	v19 =	vld [tilespmem:$0x1FFE0]  }
0x5b5: {  	v59 =	vor.u32 v58, v0;
	[tilespmem:v4+s15+$0x0] =	vst.idx.msk $0xffff, v20;
	v20 =	vld [tilespmem:$0x1FFF0]  }
0x5b6: {  	v49 =	vld [tilespmem:$0x1FED0];
	v60 =	vor.u32 v8, v0  }
0x5b7: {  	v50 =	vld [tilespmem:$0x1FEE0];
	v2 =	vor.u32 v9, v0  }
0x5b8: {  	v3 =	vor.u32 v10, v0  }
0x5b9: {  	v51 =	vld [tilespmem:$0x1FEF0];
	v4 =	vor.u32 v19, v0  }
0x5ba: {  	[tilespmem:v59+s15+$0x0] =	vst.idx.msk $0xffff, v21;
	v59 =	vor.u32 v20, v0  }
0x5bb: {  	[tilespmem:v60+s15+$0x0] =	vst.idx.msk $0xffff, v30;
	v60 =	vor.u32 v49, v0  }
0x5bc: {  	v49 =	vor.u32 v50, v0;
	[tilespmem:v2+s15+$0x0] =	vst.idx.msk $0xffff, v31  }
0x5bd: {  	v50 =	vor.u32 v61, v0;
	[tilespmem:v3+s15+$0x0] =	vst.idx.msk $0xffff, v32  }
0x5be: {  	v51 =	vor.u32 v51, v0;
	[tilespmem:v4+s15+$0x0] =	vst.idx.msk $0xffff, v33  }
0x5bf: {  	[tilespmem:v59+s15+$0x0] =	vst.idx.msk $0xffff, v34;
	v59 =	vor.u32 v62, v0  }
0x5c0: {  	[tilespmem:v60+s15+$0x0] =	vst.idx.msk $0xffff, v35;
	v60 =	vor.u32 v63, v0  }
0x5c1: {  	v32 =	vor.u32 v11, v0;
	v35 =	vld [tilespmem:$0x1FF20];
	[tilespmem:v49+s15+$0x0] =	vst.idx.msk $0xffff, v36  }
0x5c2: {  	v33 =	vor.u32 v56, v0;
	[tilespmem:v50+s15+$0x0] =	vst.idx.msk $0xffff, v37;
	v37 =	vld [tilespmem:$0x1FF30]  }
0x5c3: {  	v34 =	vor.u32 v57, v0;
	v50 =	vld [tilespmem:$0x1FF40];
	[tilespmem:v51+s15+$0x0] =	vst.idx.msk $0xffff, v38  }
0x5c4: {  	v36 =	vor.u32 v12, v0;
	[tilespmem:v59+s15+$0x0] =	vst.idx.msk $0xffff, v39  }
0x5c5: {  	v54 =	vld [tilespmem:$0x1F760];
	v49 =	vor.u32 v13, v0;
	[tilespmem:v60+s15+$0x0] =	vst.idx.msk $0xffff, v40  }
0x5c6: {  	v52 =	vld [tilespmem:$0x1FFC0];
	v51 =	vor.u32 v35, v0;
	[tilespmem:v32+s15+$0x0] =	vst.idx.msk $0xffff, v41  }
0x5c7: {  	v53 =	vld [tilespmem:$0x1F750];
	[tilespmem:v33+s15+$0x0] =	vst.idx.msk $0xffff, v42;
	v59 =	vor.u32 v37, v0  }
0x5c8: {  	v42 =	vld [tilespmem:$0x1FF50];
	v60 =	vor.u32 v50, v0;
	[tilespmem:v34+s15+$0x0] =	vst.idx.msk $0xffff, v43  }
0x5c9: {  	p0 =	sne.s32 s5, $0x70;
	v0 =	vor.u32 v14, v0;
	v43 =	vld [tilespmem:$0x1FF60];
	[tilespmem:v36+s15+$0x0] =	vst.idx.msk $0xffff, v44  }
.Ltmp4:
0x5ca: {  	v44 =	vld [tilespmem:$0x1FF70];
	[tilespmem:v49+s15+$0x0] =	vst.idx.msk $0xffff, v45;
	(pc) =	sbr.rel @p0 .LBB2_11-.Ltmp4, $4  }
0x5cb: {  	v45 =	vld [tilespmem:$0x1FF80];
	[tilespmem:v51+s15+$0x0] =	vst.idx.msk $0xffff, v46  }
0x5cc: {  	v46 =	vld [tilespmem:$0x1FF90];
	[tilespmem:v59+s15+$0x0] =	vst.idx.msk $0xffff, v47  }
0x5cd: {  	v47 =	vld [tilespmem:$0x1FFA0];
	[tilespmem:v60+s15+$0x0] =	vst.idx.msk $0xffff, v48  }
0x5ce: {  	s5 =	sadd.s32 $0x10, s5;
	v38 =	vlaneseq.u32;
	v48 =	vld [tilespmem:$0x1FFB0];
	[tilespmem:v0+s15+$0x0] =	vst.idx.msk $0xffff, v1  }
0x5cf: {  	s18 =	sadd.s32 $0x1, s18  }
0x5d0: {  	s2 =	sadd.s32 @!p1 $0x480, s2;
	s5 =	simm.s32 @!p1 $0x80;
	p0 =	sne.s32 s18, $0x28  }
.Ltmp5:
0x5d1: {  	s16 =	simm.s32 @!p1 $0xE400;
	s20 =	sadd.s32 s10, s20;
	(pc) =	sbr.rel @p0 .LBB2_2-.Ltmp5, $4  }
0x5d2: {  	[tilespmem:s16], [sflag:$0x5] =	stream.indirect.gather @!p1 [hbm4b:s4+s5], $0x40, s2, s5, $0xb8;
	[tilespmem:$0x1A400] =	vst v63  }
0x5d3: {  	s2 =	sshrl.u32 s20, $0x3  }
0x5d4: {  	v7 =	vmovc v55;
	v21 =	vmovc v62;
	v30 =	vmov v13;
	v31 =	vmov v63;
	v32 =	vmov v61;
	s2 =	sadd.s32 s1, s2  }
0x5d5: {  	v33 =	vmovc v11;
	v34 =	vmovc v56;
	v35 =	vmov v12;
	v36 =	vmov v57;
	v37 =	vmov v14;
	[hbm4b:s2+s24] =	stream.strided.scatter [tilespmem:s15], [sflag:$0xA], $0x2000, s25, s24, $0x38;
	[tilespmem:$0x1A400] =	vst v63  }
0x5d6: {  	s2 =	simm.s32 $0x6  }
0x5d7: {  	_ =	swait.ge [sflag:s2], $0x2000  }
0x5d8: {  	[sflag:s2] =	ssyncset.done $0x0  }
0x5d9: {  	s16 =	simm.s32 $0x7;
	[sflag:s2] =	ssyncadd.s32 $0xFFFFE000  }
0x5da: {  	_ =	swait.ge [sflag:s16], $0x2000  }
0x5db: {  	[sflag:s16] =	ssyncset.done $0x0  }
0x5dc: {  	s17 =	simm.s32 $0x8;
	[sflag:s16] =	ssyncadd.s32 $0xFFFFE000  }
0x5dd: {  	_ =	swait.ge [sflag:s17], $0x2000  }
0x5de: {  	[sflag:s17] =	ssyncset.done $0x0  }
0x5df: {  	s18 =	simm.s32 $0x9;
	[sflag:s17] =	ssyncadd.s32 $0xFFFFE000  }
0x5e0: {  	_ =	swait.ge [sflag:s18], $0x2000  }
0x5e1: {  	[sflag:s18] =	ssyncset.done $0x0  }
0x5e2: {  	s5 =	simm.s32 $0xA;
	[sflag:s18] =	ssyncadd.s32 $0xFFFFE000  }
0x5e3: {  	_ =	swait.ge [sflag:s5], $0x2000  }
0x5e4: {  	s11 =	sadd.s32 $0x1, s11;
	s20 =	rddreg [dreg:$0x4]  }
0x5e5: {  	p0 =	sne.s32 s11, s20  }
.Ltmp6:
0x5e6: {  	_ = 	snop;
	(pc) =	sbr.rel @p0 .LBB2_1-.Ltmp6, $3  }
0x5e7: {  	_ =	sdelay $0x1  }
0x5e8: {  	[sflag:s5] =	ssyncset.done $0x0  }
0x5e9: {  	[sflag:s5] =	ssyncadd.s32 $0xFFFFE000  }
0x5ea: {  	_ =	sfence.sel $0x180000  }
0x5eb: {  	[bflag:$0x0] =	sbarrier.arrive $0xFFFF  }
0x5ec: {  	_ =	strace $0x90000047  }
0x5ed: {  	s0 =	stileid.u32;
	[bflag:$0x2] =	sbarrier.arrive $0xFFFF  }
0x5ee: {  	p0 =	sne.s32 s0, $0x0;
	s0 =	rddreg [dreg:$0x2]  }
0x5ef: {  	s0 =	sadd.s32 @!p0 $0x100000, s0  }
0x5f0: {  	[sflag:s0] =	ssyncadd.tile.s32 @!p0 $0x1;
	_ =	shalt  }
.Lfunc_end2:
_tile_overlayer_lowered:
.L_overlay_start_2:
0x5f1: {  	(tag) =	ssettag $0x2  }
0x5f2: {  	s0 =	rddreg [dreg:$0x0];
	s2 =	stileid.u32  }
0x5f3: {  	s1 =	rddreg [dreg:$0x1];
	p0 =	sne.s32 s2, $0x0  }
0x5f4: {  	s3 =	rddreg [dreg:$0x2];
	[bflag:$0x3] =	sbarrier.arrive $0xFFFF;
	s2 =	simm.s32 @!p0 $0x1C0B  }
0x5f5: {  	[timem:s3], [sflag:s2] =	dma.local @!p0 [hbm:s0], s1  }
0x5f6: {  	s0 =	simm.s32 @!p0 $0xB  }
0x5f7: {  	_ =	swait.ge @!p0 [sflag:s0], s1  }
0x5f8: {  	s1 =	ssub.s32 @!p0 $0x0, s1;
	[sflag:s0] =	ssyncset.done @!p0 $0x0  }
0x5f9: {  	[sflag:s0] =	ssyncadd.s32 @!p0 s1  }
0x5fa: {  	[bflag:$0x3] =	sbarrier.arrive $0xFFFF  }
0x5fb: {  	_ =	shalt  }

</sc_bundles>
